<compile_context>
chip_gen: v7x
topology: tpu7x:2x2x1
jax: 0.10.2.dev20260603
libtpu: 0.0.44.dev20260713+nightly
codegen_flags: <defaults>
</compile_context>

<pallas_src>
import functools

import jax
import jax.numpy as jnp
from jax import lax
from jax.experimental import pallas as pl
from jax.experimental.pallas import tpu as pltpu
from jax.experimental.pallas import tpu_sc as plsc

N = 10000
D = 128
G = 64
E = 320000

NC = 2
NS = 16
NW = NC * NS

NPAD = 10240
BLK = 5120
NB = NPAD // BLK
CHUNK = 128
CPW = 80
EPAD = NW * CPW * CHUNK
KI = 40
RPS = NPAD // NS


def _sc_degree_body(col_hbm, out_hbm, idx_v, ones_v, z_v, deg_sh):
    c = lax.axis_index("c")
    s = lax.axis_index("s")
    wid = c * NS + s
    one16 = jnp.ones((16,), jnp.float32)
    zero16 = jnp.zeros((16,), jnp.float32)
    for i in range(CHUNK // 16):
        ones_v[pl.ds(i * 16, 16)] = one16
    for i in range(RPS // 16):
        z_v[pl.ds(i * 16, 16)] = zero16
    pltpu.sync_copy(z_v, deg_sh.at[pl.ds(s * RPS, RPS)])
    pltpu.sync_copy(col_hbm.at[wid], idx_v)
    plsc.subcore_barrier()

    def step(j, carry):
        pltpu.sync_copy(ones_v, deg_sh.at[idx_v.at[j]], add=True)
        return carry

    lax.fori_loop(0, CPW, step, 0)
    plsc.subcore_barrier()
    pltpu.sync_copy(deg_sh.at[pl.ds(s * RPS, RPS)],
                    out_hbm.at[c, pl.ds(s * RPS, RPS)])


def _sc_scatter_body(row_hbm, col_hbm, hp_hbm, out_hbm,
                     ridx_v, cidx_v, buf_v, s_sh, gsem):
    c = lax.axis_index("c")
    s = lax.axis_index("s")
    wid = c * NS + s

    @pl.when(c == 0)
    def _():
        off = pl.multiple_of(s * RPS, 8)
        pltpu.sync_copy(hp_hbm.at[pl.ds(off, RPS)], s_sh.at[pl.ds(off, RPS)])

    @pl.when(c != 0)
    def _():
        zero16 = jnp.zeros((16,), jnp.float32)

        def zrow(i, carry):
            for k in range(D // 16):
                buf_v[0, i, pl.ds(k * 16, 16)] = zero16
            return carry

        lax.fori_loop(0, CHUNK, zrow, 0)
        for r in range(RPS // CHUNK):
            off = pl.multiple_of(s * RPS + r * CHUNK, 8)
            pltpu.sync_copy(buf_v.at[0], s_sh.at[pl.ds(off, CHUNK)])

    plsc.subcore_barrier()

    def _gather(j, b):
        pltpu.async_copy(hp_hbm.at[ridx_v.at[j, pl.ds(0, CHUNK // 2)]],
                         buf_v.at[b, pl.ds(0, CHUNK // 2)], gsem.at[b])
        pltpu.async_copy(hp_hbm.at[ridx_v.at[j, pl.ds(CHUNK // 2, CHUNK // 2)]],
                         buf_v.at[b, pl.ds(CHUNK // 2, CHUNK // 2)],
                         gsem.at[b])

    def _gwait(b):
        pltpu.make_async_copy(hp_hbm.at[pl.ds(0, CHUNK)], buf_v.at[b],
                              gsem.at[b]).wait()

    def group(g, carry):
        goff = pl.multiple_of(g * KI, 8)
        pltpu.sync_copy(row_hbm.at[wid, pl.ds(goff, KI)], ridx_v)
        pltpu.sync_copy(col_hbm.at[wid, pl.ds(goff, KI)], cidx_v)
        _gather(0, 0)

        def step(h, carry2):
            j0 = 2 * h
            _gather(j0 + 1, 1)
            _gwait(0)
            pltpu.sync_copy(buf_v.at[0], s_sh.at[cidx_v.at[j0]], add=True)

            @pl.when(h < KI // 2 - 1)
            def _():
                _gather(j0 + 2, 0)

            _gwait(1)
            pltpu.sync_copy(buf_v.at[1], s_sh.at[cidx_v.at[j0 + 1]],
                            add=True)
            return carry2

        lax.fori_loop(0, KI // 2, step, 0)
        return carry

    lax.fori_loop(0, CPW // KI, group, 0)
    plsc.subcore_barrier()
    pltpu.sync_copy(s_sh.at[pl.ds(s * RPS, RPS)],
                    out_hbm.at[c, pl.ds(s * RPS, RPS)])


@functools.cache
def _sc_kernels():
    mesh = plsc.VectorSubcoreMesh(core_axis_name="c", subcore_axis_name="s",
                                  num_cores=NC, num_subcores=NS)
    deg = pl.kernel(
        _sc_degree_body,
        out_type=jax.ShapeDtypeStruct((NC, NPAD), jnp.float32),
        mesh=mesh,
        scratch_types=[
            pltpu.VMEM((CPW, CHUNK), jnp.int32),
            pltpu.VMEM((CHUNK,), jnp.float32),
            pltpu.VMEM((RPS,), jnp.float32),
            pltpu.VMEM_SHARED((NPAD,), jnp.float32),
        ],
    )
    scatter = pl.kernel(
        _sc_scatter_body,
        out_type=jax.ShapeDtypeStruct((NC, NPAD, D), jnp.float32),
        mesh=mesh,
        scratch_types=[
            pltpu.VMEM((KI, CHUNK), jnp.int32),
            pltpu.VMEM((KI, CHUNK), jnp.int32),
            pltpu.VMEM((2, CHUNK, D), jnp.float32),
            pltpu.VMEM_SHARED((NPAD, D), jnp.float32),
            pltpu.SemaphoreType.DMA((2,)),
        ],
    )
    return deg, scatter



def _dis(degp_ref):
    return lax.rsqrt(degp_ref[0] + degp_ref[1] + 1.0)


def _row_mask(j):
    rowid = j * BLK + lax.broadcasted_iota(jnp.int32, (BLK, 1), 0)
    return rowid < N


def _mm1_body(x_ref, w_ref, degp_ref, out_ref):
    h = jnp.dot(x_ref[...], w_ref[...], preferred_element_type=jnp.float32)
    out_ref[...] = jnp.where(_row_mask(pl.program_id(0)),
                             h * _dis(degp_ref), 0.0)


def _pool_block(batch_ref, xl):
    bb = batch_ref[0]
    gids = lax.broadcasted_iota(jnp.int32, (G, BLK), 0)
    mask = (gids == bb).astype(jnp.float32)
    return jnp.dot(mask, xl, preferred_element_type=jnp.float32)


def _layer_body(s_ref, degp_ref, b_ref, w_ref, batch_ref, hpn_ref, p_ref):
    j = pl.program_id(0)
    dis = _dis(degp_ref)
    xl = jnp.maximum((s_ref[0] + s_ref[1]) * dis + b_ref[...], 0.0)
    hpn_ref[...] = jnp.where(
        _row_mask(j),
        jnp.dot(xl, w_ref[...], preferred_element_type=jnp.float32) * dis,
        0.0)

    @pl.when(j == 0)
    def _():
        p_ref[...] = jnp.zeros_like(p_ref)

    p_ref[...] += _pool_block(batch_ref, xl)


def _final_body(s_ref, degp_ref, b_ref, batch_ref, p_ref):
    j = pl.program_id(0)
    dis = _dis(degp_ref)
    xl = jnp.maximum((s_ref[0] + s_ref[1]) * dis + b_ref[...], 0.0)

    @pl.when(j == 0)
    def _():
        p_ref[...] = jnp.zeros_like(p_ref)

    p_ref[...] += _pool_block(batch_ref, xl)


_x_spec = pl.BlockSpec((BLK, D), lambda j: (j, 0))
_w_spec = pl.BlockSpec((D, D), lambda j: (0, 0))
_deg_spec = pl.BlockSpec((NC, BLK, 1), lambda j: (0, j, 0))
_s_spec = pl.BlockSpec((NC, BLK, D), lambda j: (0, j, 0))
_b_spec = pl.BlockSpec((1, D), lambda j: (0, 0))
_batch_spec = pl.BlockSpec((1, 1, BLK), lambda j: (j, 0, 0))
_p_spec = pl.BlockSpec((G, D), lambda j: (0, 0))

_mm1 = pl.pallas_call(
    _mm1_body,
    grid=(NB,),
    in_specs=[pl.BlockSpec((BLK, D), lambda j: (j, 0)), _w_spec, _deg_spec],
    out_specs=_x_spec,
    out_shape=jax.ShapeDtypeStruct((NPAD, D), jnp.float32),
)

_layer = pl.pallas_call(
    _layer_body,
    grid=(NB,),
    in_specs=[_s_spec, _deg_spec, _b_spec, _w_spec, _batch_spec],
    out_specs=[_x_spec, _p_spec],
    out_shape=[jax.ShapeDtypeStruct((NPAD, D), jnp.float32),
               jax.ShapeDtypeStruct((G, D), jnp.float32)],
)

_final = pl.pallas_call(
    _final_body,
    grid=(NB,),
    in_specs=[_s_spec, _deg_spec, _b_spec, _batch_spec],
    out_specs=_p_spec,
    out_shape=jax.ShapeDtypeStruct((G, D), jnp.float32),
)



def kernel(x, edge_index, batch, W1, b1, W2, b2, W3, b3):
    row = edge_index[0].astype(jnp.int32)
    col = edge_index[1].astype(jnp.int32)
    pad = jnp.arange(EPAD - E, dtype=jnp.int32) % (NPAD - N) + N
    rowp = jnp.concatenate([row, pad]).reshape(NW, CPW, CHUNK)
    colp = jnp.concatenate([col, pad]).reshape(NW, CPW, CHUNK)
    batch_pad = jnp.concatenate(
        [batch.astype(jnp.int32), jnp.full((NPAD - N,), -1, jnp.int32)]
    ).reshape(NB, 1, BLK)

    _sc_degree, _sc_scatter = _sc_kernels()
    degp = _sc_degree(colp).reshape(NC, NPAD, 1)
    hp1 = _mm1(x, W1, degp)
    S1 = _sc_scatter(rowp, colp, hp1)
    hp2, p1 = _layer(S1, degp, b1.reshape(1, D), W2, batch_pad)
    S2 = _sc_scatter(rowp, colp, hp2)
    hp3, p2 = _layer(S2, degp, b2.reshape(1, D), W3, batch_pad)
    S3 = _sc_scatter(rowp, colp, hp3)
    p3 = _final(S3, degp, b3.reshape(1, D), batch_pad)
    return jnp.concatenate([p1, p2, p3], axis=1)

# --- scband reference (transcript-rebuilt; emitter-appended) ---
"""Pipeline reference for scband-gcl-model-41068477284987 (READ-ONLY COPY).

The authoritative reference and input builder live on the scoring server;
editing this copy changes nothing except your own understanding.
"""

import jax, jax.numpy as jnp
import numpy as np

N_NODES = 10000
N_EDGES = 320000
D_FEAT = 128
HIDDEN = 128
N_GRAPHS = 64


def setup_inputs(seed: int = 0) -> dict:
    key = jax.random.key(seed)
    ks = jax.random.split(key, 10)
    x = jax.random.normal(ks[0], (N_NODES, D_FEAT), dtype=jnp.float32)
    edge_index = jax.random.randint(ks[1], (2, N_EDGES), 0, N_NODES, dtype=jnp.int64 if jax.config.jax_enable_x64 else jnp.int32)
    batch = jnp.sort(jax.random.randint(ks[2], (N_NODES,), 0, N_GRAPHS, dtype=jnp.int32))
    def xavier(k, fan_in, fan_out):
        limit = jnp.sqrt(6.0 / (fan_in + fan_out))
        return jax.random.uniform(k, (fan_in, fan_out), dtype=jnp.float32, minval=-limit, maxval=limit)
    W1 = xavier(ks[3], D_FEAT, HIDDEN)
    W2 = xavier(ks[4], HIDDEN, HIDDEN)
    W3 = xavier(ks[5], HIDDEN, HIDDEN)
    b1 = jnp.zeros((HIDDEN,), dtype=jnp.float32)
    b2 = jnp.zeros((HIDDEN,), dtype=jnp.float32)
    b3 = jnp.zeros((HIDDEN,), dtype=jnp.float32)
    return {"x": x, "edge_index": edge_index, "batch": batch,
            "W1": W1, "b1": b1, "W2": W2, "b2": b2, "W3": W3, "b3": b3}


def _gcn_norm(edge_index, num_nodes):
    # add self loops (normalize=True, add_self_loops=True path of GCNConv)
    loop = jnp.arange(num_nodes, dtype=edge_index.dtype)
    ei = jnp.concatenate([edge_index, jnp.stack([loop, loop])], axis=1)
    row, col = ei[0], ei[1]
    w = jnp.ones((ei.shape[1],), dtype=jnp.float32)
    deg = jax.ops.segment_sum(w, col, num_segments=num_nodes)
    deg_inv_sqrt = jnp.where(deg > 0, jax.lax.rsqrt(jnp.maximum(deg, 1e-12)), 0.0)
    norm = deg_inv_sqrt[row] * w * deg_inv_sqrt[col]
    return row, col, norm


def _conv(x, W, b, row, col, norm, num_nodes):
    h = x @ W
    msg = h[row] * norm[:, None]
    agg = jax.ops.segment_sum(msg, col, num_segments=num_nodes)
    return agg + b


def reference(x, edge_index, batch, W1, b1, W2, b2, W3, b3):
    num_nodes = x.shape[0]
    row, col, norm = _gcn_norm(edge_index, num_nodes)
    x1 = jax.nn.relu(_conv(x, W1, b1, row, col, norm, num_nodes))
    x2 = jax.nn.relu(_conv(x1, W2, b2, row, col, norm, num_nodes))
    x3 = jax.nn.relu(_conv(x2, W3, b3, row, col, norm, num_nodes))
    # global_add_pool per layer, then concat (pool='sum')
    p1 = jax.ops.segment_sum(x1, batch, num_segments=N_GRAPHS)
    p2 = jax.ops.segment_sum(x2, batch, num_segments=N_GRAPHS)
    p3 = jax.ops.segment_sum(x3, batch, num_segments=N_GRAPHS)
    return jnp.concatenate([p1, p2, p3], axis=1)

if __name__ == "__main__":
    import jax
    _d = setup_inputs()
    print(jax.jit(kernel)(*tuple(_d.values())))

</pallas_src>

<mosaic_0001>
#map = affine_map<(d0, d1) -> (0, 0, 0)>
#map1 = affine_map<(d0, d1) -> (0, 0)>
module attributes {stable_mosaic.version = 14 : i64} {
  func.func @_sc_degree_body(%arg0: i32, %arg1: i32, %arg2: memref<32x80x128xi32, #tpu.memory_space<hbm>>, %arg3: memref<2x10240xf32, #tpu.memory_space<hbm>>, %arg4: memref<80x128xi32, #tpu.memory_space<vmem>>, %arg5: memref<128xf32, #tpu.memory_space<vmem>>, %arg6: memref<640xf32, #tpu.memory_space<vmem>>, %arg7: memref<10240xf32, #tpu.memory_space<vmem_shared>>) attributes {dimension_semantics = [#tpu.dimension_semantics<core_parallel>, #tpu.dimension_semantics<subcore_parallel>], iteration_bounds = array<i64: 2, 16>, scalar_prefetch = 0 : i64, scratch_operands = 4 : i64, tpu.core_type = #tpu.core_type<sc_vector_subcore>, window_params = [{transform_indices = #map}, {transform_indices = #map1}]} {
    %mul3A = arith.constant 16 : i32
    %mul3A_0 = arith.muli %arg0, %mul3A : i32
    %add3A = arith.addi %mul3A_0, %arg1 : i32
    %broadcast_in_dim3A = arith.constant 1.000000e+00 : f32
    %broadcast_in_dim3A_1 = vector.broadcast %broadcast_in_dim3A : f32 to vector<16xf32>
    %broadcast_in_dim3A_2 = arith.constant 0.000000e+00 : f32
    %broadcast_in_dim3A_3 = vector.broadcast %broadcast_in_dim3A_2 : f32 to vector<16xf32>
    %swap3A = arith.constant 0 : index
    %swap3A_4 = tpu.vector_load %arg5[%swap3A] {strides = array<i32>} : memref<128xf32, #tpu.memory_space<vmem>>, vector<16xf32>,
    %swap3A_5 = vector.shape_cast %swap3A_4 : vector<16xf32> to vector<16xf32>
    %swap3A_6 = vector.shape_cast %broadcast_in_dim3A_1 : vector<16xf32> to vector<16xf32>
    tpu.vector_store %arg5[%swap3A], %swap3A_6 {strides = array<i32>} : memref<128xf32, #tpu.memory_space<vmem>>, vector<16xf32>,
    %swap3A_7 = arith.constant 16 : index
    %swap3A_8 = tpu.vector_load %arg5[%swap3A_7] {strides = array<i32>} : memref<128xf32, #tpu.memory_space<vmem>>, vector<16xf32>,
    %swap3A_9 = vector.shape_cast %swap3A_8 : vector<16xf32> to vector<16xf32>
    %swap3A_10 = vector.shape_cast %broadcast_in_dim3A_1 : vector<16xf32> to vector<16xf32>
    tpu.vector_store %arg5[%swap3A_7], %swap3A_10 {strides = array<i32>} : memref<128xf32, #tpu.memory_space<vmem>>, vector<16xf32>,
    %swap3A_11 = arith.constant 32 : index
    %swap3A_12 = tpu.vector_load %arg5[%swap3A_11] {strides = array<i32>} : memref<128xf32, #tpu.memory_space<vmem>>, vector<16xf32>,
    %swap3A_13 = vector.shape_cast %swap3A_12 : vector<16xf32> to vector<16xf32>
    %swap3A_14 = vector.shape_cast %broadcast_in_dim3A_1 : vector<16xf32> to vector<16xf32>
    tpu.vector_store %arg5[%swap3A_11], %swap3A_14 {strides = array<i32>} : memref<128xf32, #tpu.memory_space<vmem>>, vector<16xf32>,
    %swap3A_15 = arith.constant 48 : index
    %swap3A_16 = tpu.vector_load %arg5[%swap3A_15] {strides = array<i32>} : memref<128xf32, #tpu.memory_space<vmem>>, vector<16xf32>,
    %swap3A_17 = vector.shape_cast %swap3A_16 : vector<16xf32> to vector<16xf32>
    %swap3A_18 = vector.shape_cast %broadcast_in_dim3A_1 : vector<16xf32> to vector<16xf32>
    tpu.vector_store %arg5[%swap3A_15], %swap3A_18 {strides = array<i32>} : memref<128xf32, #tpu.memory_space<vmem>>, vector<16xf32>,
    %swap3A_19 = arith.constant 64 : index
    %swap3A_20 = tpu.vector_load %arg5[%swap3A_19] {strides = array<i32>} : memref<128xf32, #tpu.memory_space<vmem>>, vector<16xf32>,
    %swap3A_21 = vector.shape_cast %swap3A_20 : vector<16xf32> to vector<16xf32>
    %swap3A_22 = vector.shape_cast %broadcast_in_dim3A_1 : vector<16xf32> to vector<16xf32>
    tpu.vector_store %arg5[%swap3A_19], %swap3A_22 {strides = array<i32>} : memref<128xf32, #tpu.memory_space<vmem>>, vector<16xf32>,
    %swap3A_23 = arith.constant 80 : index
    %swap3A_24 = tpu.vector_load %arg5[%swap3A_23] {strides = array<i32>} : memref<128xf32, #tpu.memory_space<vmem>>, vector<16xf32>,
    %swap3A_25 = vector.shape_cast %swap3A_24 : vector<16xf32> to vector<16xf32>
    %swap3A_26 = vector.shape_cast %broadcast_in_dim3A_1 : vector<16xf32> to vector<16xf32>
    tpu.vector_store %arg5[%swap3A_23], %swap3A_26 {strides = array<i32>} : memref<128xf32, #tpu.memory_space<vmem>>, vector<16xf32>,
    %swap3A_27 = arith.constant 96 : index
    %swap3A_28 = tpu.vector_load %arg5[%swap3A_27] {strides = array<i32>} : memref<128xf32, #tpu.memory_space<vmem>>, vector<16xf32>,
    %swap3A_29 = vector.shape_cast %swap3A_28 : vector<16xf32> to vector<16xf32>
    %swap3A_30 = vector.shape_cast %broadcast_in_dim3A_1 : vector<16xf32> to vector<16xf32>
    tpu.vector_store %arg5[%swap3A_27], %swap3A_30 {strides = array<i32>} : memref<128xf32, #tpu.memory_space<vmem>>, vector<16xf32>,
    %swap3A_31 = arith.constant 112 : index
    %swap3A_32 = tpu.vector_load %arg5[%swap3A_31] {strides = array<i32>} : memref<128xf32, #tpu.memory_space<vmem>>, vector<16xf32>,
    %swap3A_33 = vector.shape_cast %swap3A_32 : vector<16xf32> to vector<16xf32>
    %swap3A_34 = vector.shape_cast %broadcast_in_dim3A_1 : vector<16xf32> to vector<16xf32>
    tpu.vector_store %arg5[%swap3A_31], %swap3A_34 {strides = array<i32>} : memref<128xf32, #tpu.memory_space<vmem>>, vector<16xf32>,
    %swap3A_35 = arith.constant 0 : index
    %swap3A_36 = tpu.vector_load %arg6[%swap3A_35] {strides = array<i32>} : memref<640xf32, #tpu.memory_space<vmem>>, vector<16xf32>,
    %swap3A_37 = vector.shape_cast %swap3A_36 : vector<16xf32> to vector<16xf32>
    %swap3A_38 = vector.shape_cast %broadcast_in_dim3A_3 : vector<16xf32> to vector<16xf32>
    tpu.vector_store %arg6[%swap3A_35], %swap3A_38 {strides = array<i32>} : memref<640xf32, #tpu.memory_space<vmem>>, vector<16xf32>,
    %swap3A_39 = arith.constant 16 : index
    %swap3A_40 = tpu.vector_load %arg6[%swap3A_39] {strides = array<i32>} : memref<640xf32, #tpu.memory_space<vmem>>, vector<16xf32>,
    %swap3A_41 = vector.shape_cast %swap3A_40 : vector<16xf32> to vector<16xf32>
    %swap3A_42 = vector.shape_cast %broadcast_in_dim3A_3 : vector<16xf32> to vector<16xf32>
    tpu.vector_store %arg6[%swap3A_39], %swap3A_42 {strides = array<i32>} : memref<640xf32, #tpu.memory_space<vmem>>, vector<16xf32>,
    %swap3A_43 = arith.constant 32 : index
    %swap3A_44 = tpu.vector_load %arg6[%swap3A_43] {strides = array<i32>} : memref<640xf32, #tpu.memory_space<vmem>>, vector<16xf32>,
    %swap3A_45 = vector.shape_cast %swap3A_44 : vector<16xf32> to vector<16xf32>
    %swap3A_46 = vector.shape_cast %broadcast_in_dim3A_3 : vector<16xf32> to vector<16xf32>
    tpu.vector_store %arg6[%swap3A_43], %swap3A_46 {strides = array<i32>} : memref<640xf32, #tpu.memory_space<vmem>>, vector<16xf32>,
    %swap3A_47 = arith.constant 48 : index
    %swap3A_48 = tpu.vector_load %arg6[%swap3A_47] {strides = array<i32>} : memref<640xf32, #tpu.memory_space<vmem>>, vector<16xf32>,
    %swap3A_49 = vector.shape_cast %swap3A_48 : vector<16xf32> to vector<16xf32>
    %swap3A_50 = vector.shape_cast %broadcast_in_dim3A_3 : vector<16xf32> to vector<16xf32>
    tpu.vector_store %arg6[%swap3A_47], %swap3A_50 {strides = array<i32>} : memref<640xf32, #tpu.memory_space<vmem>>, vector<16xf32>,
    %swap3A_51 = arith.constant 64 : index
    %swap3A_52 = tpu.vector_load %arg6[%swap3A_51] {strides = array<i32>} : memref<640xf32, #tpu.memory_space<vmem>>, vector<16xf32>,
    %swap3A_53 = vector.shape_cast %swap3A_52 : vector<16xf32> to vector<16xf32>
    %swap3A_54 = vector.shape_cast %broadcast_in_dim3A_3 : vector<16xf32> to vector<16xf32>
    tpu.vector_store %arg6[%swap3A_51], %swap3A_54 {strides = array<i32>} : memref<640xf32, #tpu.memory_space<vmem>>, vector<16xf32>,
    %swap3A_55 = arith.constant 80 : index
    %swap3A_56 = tpu.vector_load %arg6[%swap3A_55] {strides = array<i32>} : memref<640xf32, #tpu.memory_space<vmem>>, vector<16xf32>,
    %swap3A_57 = vector.shape_cast %swap3A_56 : vector<16xf32> to vector<16xf32>
    %swap3A_58 = vector.shape_cast %broadcast_in_dim3A_3 : vector<16xf32> to vector<16xf32>
    tpu.vector_store %arg6[%swap3A_55], %swap3A_58 {strides = array<i32>} : memref<640xf32, #tpu.memory_space<vmem>>, vector<16xf32>,
    %swap3A_59 = arith.constant 96 : index
    %swap3A_60 = tpu.vector_load %arg6[%swap3A_59] {strides = array<i32>} : memref<640xf32, #tpu.memory_space<vmem>>, vector<16xf32>,
    %swap3A_61 = vector.shape_cast %swap3A_60 : vector<16xf32> to vector<16xf32>
    %swap3A_62 = vector.shape_cast %broadcast_in_dim3A_3 : vector<16xf32> to vector<16xf32>
    tpu.vector_store %arg6[%swap3A_59], %swap3A_62 {strides = array<i32>} : memref<640xf32, #tpu.memory_space<vmem>>, vector<16xf32>,
    %swap3A_63 = arith.constant 112 : index
    %swap3A_64 = tpu.vector_load %arg6[%swap3A_63] {strides = array<i32>} : memref<640xf32, #tpu.memory_space<vmem>>, vector<16xf32>,
    %swap3A_65 = vector.shape_cast %swap3A_64 : vector<16xf32> to vector<16xf32>
    %swap3A_66 = vector.shape_cast %broadcast_in_dim3A_3 : vector<16xf32> to vector<16xf32>
    tpu.vector_store %arg6[%swap3A_63], %swap3A_66 {strides = array<i32>} : memref<640xf32, #tpu.memory_space<vmem>>, vector<16xf32>,
    %swap3A_67 = arith.constant 128 : index
    %swap3A_68 = tpu.vector_load %arg6[%swap3A_67] {strides = array<i32>} : memref<640xf32, #tpu.memory_space<vmem>>, vector<16xf32>,
    %swap3A_69 = vector.shape_cast %swap3A_68 : vector<16xf32> to vector<16xf32>
    %swap3A_70 = vector.shape_cast %broadcast_in_dim3A_3 : vector<16xf32> to vector<16xf32>
    tpu.vector_store %arg6[%swap3A_67], %swap3A_70 {strides = array<i32>} : memref<640xf32, #tpu.memory_space<vmem>>, vector<16xf32>,
    %swap3A_71 = arith.constant 144 : index
    %swap3A_72 = tpu.vector_load %arg6[%swap3A_71] {strides = array<i32>} : memref<640xf32, #tpu.memory_space<vmem>>, vector<16xf32>,
    %swap3A_73 = vector.shape_cast %swap3A_72 : vector<16xf32> to vector<16xf32>
    %swap3A_74 = vector.shape_cast %broadcast_in_dim3A_3 : vector<16xf32> to vector<16xf32>
    tpu.vector_store %arg6[%swap3A_71], %swap3A_74 {strides = array<i32>} : memref<640xf32, #tpu.memory_space<vmem>>, vector<16xf32>,
    %swap3A_75 = arith.constant 160 : index
    %swap3A_76 = tpu.vector_load %arg6[%swap3A_75] {strides = array<i32>} : memref<640xf32, #tpu.memory_space<vmem>>, vector<16xf32>,
    %swap3A_77 = vector.shape_cast %swap3A_76 : vector<16xf32> to vector<16xf32>
    %swap3A_78 = vector.shape_cast %broadcast_in_dim3A_3 : vector<16xf32> to vector<16xf32>
    tpu.vector_store %arg6[%swap3A_75], %swap3A_78 {strides = array<i32>} : memref<640xf32, #tpu.memory_space<vmem>>, vector<16xf32>,
    %swap3A_79 = arith.constant 176 : index
    %swap3A_80 = tpu.vector_load %arg6[%swap3A_79] {strides = array<i32>} : memref<640xf32, #tpu.memory_space<vmem>>, vector<16xf32>,
    %swap3A_81 = vector.shape_cast %swap3A_80 : vector<16xf32> to vector<16xf32>
    %swap3A_82 = vector.shape_cast %broadcast_in_dim3A_3 : vector<16xf32> to vector<16xf32>
    tpu.vector_store %arg6[%swap3A_79], %swap3A_82 {strides = array<i32>} : memref<640xf32, #tpu.memory_space<vmem>>, vector<16xf32>,
    %swap3A_83 = arith.constant 192 : index
    %swap3A_84 = tpu.vector_load %arg6[%swap3A_83] {strides = array<i32>} : memref<640xf32, #tpu.memory_space<vmem>>, vector<16xf32>,
    %swap3A_85 = vector.shape_cast %swap3A_84 : vector<16xf32> to vector<16xf32>
    %swap3A_86 = vector.shape_cast %broadcast_in_dim3A_3 : vector<16xf32> to vector<16xf32>
    tpu.vector_store %arg6[%swap3A_83], %swap3A_86 {strides = array<i32>} : memref<640xf32, #tpu.memory_space<vmem>>, vector<16xf32>,
    %swap3A_87 = arith.constant 208 : index
    %swap3A_88 = tpu.vector_load %arg6[%swap3A_87] {strides = array<i32>} : memref<640xf32, #tpu.memory_space<vmem>>, vector<16xf32>,
    %swap3A_89 = vector.shape_cast %swap3A_88 : vector<16xf32> to vector<16xf32>
    %swap3A_90 = vector.shape_cast %broadcast_in_dim3A_3 : vector<16xf32> to vector<16xf32>
    tpu.vector_store %arg6[%swap3A_87], %swap3A_90 {strides = array<i32>} : memref<640xf32, #tpu.memory_space<vmem>>, vector<16xf32>,
    %swap3A_91 = arith.constant 224 : index
    %swap3A_92 = tpu.vector_load %arg6[%swap3A_91] {strides = array<i32>} : memref<640xf32, #tpu.memory_space<vmem>>, vector<16xf32>,
    %swap3A_93 = vector.shape_cast %swap3A_92 : vector<16xf32> to vector<16xf32>
    %swap3A_94 = vector.shape_cast %broadcast_in_dim3A_3 : vector<16xf32> to vector<16xf32>
    tpu.vector_store %arg6[%swap3A_91], %swap3A_94 {strides = array<i32>} : memref<640xf32, #tpu.memory_space<vmem>>, vector<16xf32>,
    %swap3A_95 = arith.constant 240 : index
    %swap3A_96 = tpu.vector_load %arg6[%swap3A_95] {strides = array<i32>} : memref<640xf32, #tpu.memory_space<vmem>>, vector<16xf32>,
    %swap3A_97 = vector.shape_cast %swap3A_96 : vector<16xf32> to vector<16xf32>
    %swap3A_98 = vector.shape_cast %broadcast_in_dim3A_3 : vector<16xf32> to vector<16xf32>
    tpu.vector_store %arg6[%swap3A_95], %swap3A_98 {strides = array<i32>} : memref<640xf32, #tpu.memory_space<vmem>>, vector<16xf32>,
    %swap3A_99 = arith.constant 256 : index
    %swap3A_100 = tpu.vector_load %arg6[%swap3A_99] {strides = array<i32>} : memref<640xf32, #tpu.memory_space<vmem>>, vector<16xf32>,
    %swap3A_101 = vector.shape_cast %swap3A_100 : vector<16xf32> to vector<16xf32>
    %swap3A_102 = vector.shape_cast %broadcast_in_dim3A_3 : vector<16xf32> to vector<16xf32>
    tpu.vector_store %arg6[%swap3A_99], %swap3A_102 {strides = array<i32>} : memref<640xf32, #tpu.memory_space<vmem>>, vector<16xf32>,
    %swap3A_103 = arith.constant 272 : index
    %swap3A_104 = tpu.vector_load %arg6[%swap3A_103] {strides = array<i32>} : memref<640xf32, #tpu.memory_space<vmem>>, vector<16xf32>,
    %swap3A_105 = vector.shape_cast %swap3A_104 : vector<16xf32> to vector<16xf32>
    %swap3A_106 = vector.shape_cast %broadcast_in_dim3A_3 : vector<16xf32> to vector<16xf32>
    tpu.vector_store %arg6[%swap3A_103], %swap3A_106 {strides = array<i32>} : memref<640xf32, #tpu.memory_space<vmem>>, vector<16xf32>,
    %swap3A_107 = arith.constant 288 : index
    %swap3A_108 = tpu.vector_load %arg6[%swap3A_107] {strides = array<i32>} : memref<640xf32, #tpu.memory_space<vmem>>, vector<16xf32>,
    %swap3A_109 = vector.shape_cast %swap3A_108 : vector<16xf32> to vector<16xf32>
    %swap3A_110 = vector.shape_cast %broadcast_in_dim3A_3 : vector<16xf32> to vector<16xf32>
    tpu.vector_store %arg6[%swap3A_107], %swap3A_110 {strides = array<i32>} : memref<640xf32, #tpu.memory_space<vmem>>, vector<16xf32>,
    %swap3A_111 = arith.constant 304 : index
    %swap3A_112 = tpu.vector_load %arg6[%swap3A_111] {strides = array<i32>} : memref<640xf32, #tpu.memory_space<vmem>>, vector<16xf32>,
    %swap3A_113 = vector.shape_cast %swap3A_112 : vector<16xf32> to vector<16xf32>
    %swap3A_114 = vector.shape_cast %broadcast_in_dim3A_3 : vector<16xf32> to vector<16xf32>
    tpu.vector_store %arg6[%swap3A_111], %swap3A_114 {strides = array<i32>} : memref<640xf32, #tpu.memory_space<vmem>>, vector<16xf32>,
    %swap3A_115 = arith.constant 320 : index
    %swap3A_116 = tpu.vector_load %arg6[%swap3A_115] {strides = array<i32>} : memref<640xf32, #tpu.memory_space<vmem>>, vector<16xf32>,
    %swap3A_117 = vector.shape_cast %swap3A_116 : vector<16xf32> to vector<16xf32>
    %swap3A_118 = vector.shape_cast %broadcast_in_dim3A_3 : vector<16xf32> to vector<16xf32>
    tpu.vector_store %arg6[%swap3A_115], %swap3A_118 {strides = array<i32>} : memref<640xf32, #tpu.memory_space<vmem>>, vector<16xf32>,
    %swap3A_119 = arith.constant 336 : index
    %swap3A_120 = tpu.vector_load %arg6[%swap3A_119] {strides = array<i32>} : memref<640xf32, #tpu.memory_space<vmem>>, vector<16xf32>,
    %swap3A_121 = vector.shape_cast %swap3A_120 : vector<16xf32> to vector<16xf32>
    %swap3A_122 = vector.shape_cast %broadcast_in_dim3A_3 : vector<16xf32> to vector<16xf32>
    tpu.vector_store %arg6[%swap3A_119], %swap3A_122 {strides = array<i32>} : memref<640xf32, #tpu.memory_space<vmem>>, vector<16xf32>,
    %swap3A_123 = arith.constant 352 : index
    %swap3A_124 = tpu.vector_load %arg6[%swap3A_123] {strides = array<i32>} : memref<640xf32, #tpu.memory_space<vmem>>, vector<16xf32>,
    %swap3A_125 = vector.shape_cast %swap3A_124 : vector<16xf32> to vector<16xf32>
    %swap3A_126 = vector.shape_cast %broadcast_in_dim3A_3 : vector<16xf32> to vector<16xf32>
    tpu.vector_store %arg6[%swap3A_123], %swap3A_126 {strides = array<i32>} : memref<640xf32, #tpu.memory_space<vmem>>, vector<16xf32>,
    %swap3A_127 = arith.constant 368 : index
    %swap3A_128 = tpu.vector_load %arg6[%swap3A_127] {strides = array<i32>} : memref<640xf32, #tpu.memory_space<vmem>>, vector<16xf32>,
    %swap3A_129 = vector.shape_cast %swap3A_128 : vector<16xf32> to vector<16xf32>
    %swap3A_130 = vector.shape_cast %broadcast_in_dim3A_3 : vector<16xf32> to vector<16xf32>
    tpu.vector_store %arg6[%swap3A_127], %swap3A_130 {strides = array<i32>} : memref<640xf32, #tpu.memory_space<vmem>>, vector<16xf32>,
    %swap3A_131 = arith.constant 384 : index
    %swap3A_132 = tpu.vector_load %arg6[%swap3A_131] {strides = array<i32>} : memref<640xf32, #tpu.memory_space<vmem>>, vector<16xf32>,
    %swap3A_133 = vector.shape_cast %swap3A_132 : vector<16xf32> to vector<16xf32>
    %swap3A_134 = vector.shape_cast %broadcast_in_dim3A_3 : vector<16xf32> to vector<16xf32>
    tpu.vector_store %arg6[%swap3A_131], %swap3A_134 {strides = array<i32>} : memref<640xf32, #tpu.memory_space<vmem>>, vector<16xf32>,
    %swap3A_135 = arith.constant 400 : index
    %swap3A_136 = tpu.vector_load %arg6[%swap3A_135] {strides = array<i32>} : memref<640xf32, #tpu.memory_space<vmem>>, vector<16xf32>,
    %swap3A_137 = vector.shape_cast %swap3A_136 : vector<16xf32> to vector<16xf32>
    %swap3A_138 = vector.shape_cast %broadcast_in_dim3A_3 : vector<16xf32> to vector<16xf32>
    tpu.vector_store %arg6[%swap3A_135], %swap3A_138 {strides = array<i32>} : memref<640xf32, #tpu.memory_space<vmem>>, vector<16xf32>,
    %swap3A_139 = arith.constant 416 : index
    %swap3A_140 = tpu.vector_load %arg6[%swap3A_139] {strides = array<i32>} : memref<640xf32, #tpu.memory_space<vmem>>, vector<16xf32>,
    %swap3A_141 = vector.shape_cast %swap3A_140 : vector<16xf32> to vector<16xf32>
    %swap3A_142 = vector.shape_cast %broadcast_in_dim3A_3 : vector<16xf32> to vector<16xf32>
    tpu.vector_store %arg6[%swap3A_139], %swap3A_142 {strides = array<i32>} : memref<640xf32, #tpu.memory_space<vmem>>, vector<16xf32>,
    %swap3A_143 = arith.constant 432 : index
    %swap3A_144 = tpu.vector_load %arg6[%swap3A_143] {strides = array<i32>} : memref<640xf32, #tpu.memory_space<vmem>>, vector<16xf32>,
    %swap3A_145 = vector.shape_cast %swap3A_144 : vector<16xf32> to vector<16xf32>
    %swap3A_146 = vector.shape_cast %broadcast_in_dim3A_3 : vector<16xf32> to vector<16xf32>
    tpu.vector_store %arg6[%swap3A_143], %swap3A_146 {strides = array<i32>} : memref<640xf32, #tpu.memory_space<vmem>>, vector<16xf32>,
    %swap3A_147 = arith.constant 448 : index
    %swap3A_148 = tpu.vector_load %arg6[%swap3A_147] {strides = array<i32>} : memref<640xf32, #tpu.memory_space<vmem>>, vector<16xf32>,
    %swap3A_149 = vector.shape_cast %swap3A_148 : vector<16xf32> to vector<16xf32>
    %swap3A_150 = vector.shape_cast %broadcast_in_dim3A_3 : vector<16xf32> to vector<16xf32>
    tpu.vector_store %arg6[%swap3A_147], %swap3A_150 {strides = array<i32>} : memref<640xf32, #tpu.memory_space<vmem>>, vector<16xf32>,
    %swap3A_151 = arith.constant 464 : index
    %swap3A_152 = tpu.vector_load %arg6[%swap3A_151] {strides = array<i32>} : memref<640xf32, #tpu.memory_space<vmem>>, vector<16xf32>,
    %swap3A_153 = vector.shape_cast %swap3A_152 : vector<16xf32> to vector<16xf32>
    %swap3A_154 = vector.shape_cast %broadcast_in_dim3A_3 : vector<16xf32> to vector<16xf32>
    tpu.vector_store %arg6[%swap3A_151], %swap3A_154 {strides = array<i32>} : memref<640xf32, #tpu.memory_space<vmem>>, vector<16xf32>,
    %swap3A_155 = arith.constant 480 : index
    %swap3A_156 = tpu.vector_load %arg6[%swap3A_155] {strides = array<i32>} : memref<640xf32, #tpu.memory_space<vmem>>, vector<16xf32>,
    %swap3A_157 = vector.shape_cast %swap3A_156 : vector<16xf32> to vector<16xf32>
    %swap3A_158 = vector.shape_cast %broadcast_in_dim3A_3 : vector<16xf32> to vector<16xf32>
    tpu.vector_store %arg6[%swap3A_155], %swap3A_158 {strides = array<i32>} : memref<640xf32, #tpu.memory_space<vmem>>, vector<16xf32>,
    %swap3A_159 = arith.constant 496 : index
    %swap3A_160 = tpu.vector_load %arg6[%swap3A_159] {strides = array<i32>} : memref<640xf32, #tpu.memory_space<vmem>>, vector<16xf32>,
    %swap3A_161 = vector.shape_cast %swap3A_160 : vector<16xf32> to vector<16xf32>
    %swap3A_162 = vector.shape_cast %broadcast_in_dim3A_3 : vector<16xf32> to vector<16xf32>
    tpu.vector_store %arg6[%swap3A_159], %swap3A_162 {strides = array<i32>} : memref<640xf32, #tpu.memory_space<vmem>>, vector<16xf32>,
    %swap3A_163 = arith.constant 512 : index
    %swap3A_164 = tpu.vector_load %arg6[%swap3A_163] {strides = array<i32>} : memref<640xf32, #tpu.memory_space<vmem>>, vector<16xf32>,
    %swap3A_165 = vector.shape_cast %swap3A_164 : vector<16xf32> to vector<16xf32>
    %swap3A_166 = vector.shape_cast %broadcast_in_dim3A_3 : vector<16xf32> to vector<16xf32>
    tpu.vector_store %arg6[%swap3A_163], %swap3A_166 {strides = array<i32>} : memref<640xf32, #tpu.memory_space<vmem>>, vector<16xf32>,
    %swap3A_167 = arith.constant 528 : index
    %swap3A_168 = tpu.vector_load %arg6[%swap3A_167] {strides = array<i32>} : memref<640xf32, #tpu.memory_space<vmem>>, vector<16xf32>,
    %swap3A_169 = vector.shape_cast %swap3A_168 : vector<16xf32> to vector<16xf32>
    %swap3A_170 = vector.shape_cast %broadcast_in_dim3A_3 : vector<16xf32> to vector<16xf32>
    tpu.vector_store %arg6[%swap3A_167], %swap3A_170 {strides = array<i32>} : memref<640xf32, #tpu.memory_space<vmem>>, vector<16xf32>,
    %swap3A_171 = arith.constant 544 : index
    %swap3A_172 = tpu.vector_load %arg6[%swap3A_171] {strides = array<i32>} : memref<640xf32, #tpu.memory_space<vmem>>, vector<16xf32>,
    %swap3A_173 = vector.shape_cast %swap3A_172 : vector<16xf32> to vector<16xf32>
    %swap3A_174 = vector.shape_cast %broadcast_in_dim3A_3 : vector<16xf32> to vector<16xf32>
    tpu.vector_store %arg6[%swap3A_171], %swap3A_174 {strides = array<i32>} : memref<640xf32, #tpu.memory_space<vmem>>, vector<16xf32>,
    %swap3A_175 = arith.constant 560 : index
    %swap3A_176 = tpu.vector_load %arg6[%swap3A_175] {strides = array<i32>} : memref<640xf32, #tpu.memory_space<vmem>>, vector<16xf32>,
    %swap3A_177 = vector.shape_cast %swap3A_176 : vector<16xf32> to vector<16xf32>
    %swap3A_178 = vector.shape_cast %broadcast_in_dim3A_3 : vector<16xf32> to vector<16xf32>
    tpu.vector_store %arg6[%swap3A_175], %swap3A_178 {strides = array<i32>} : memref<640xf32, #tpu.memory_space<vmem>>, vector<16xf32>,
    %swap3A_179 = arith.constant 576 : index
    %swap3A_180 = tpu.vector_load %arg6[%swap3A_179] {strides = array<i32>} : memref<640xf32, #tpu.memory_space<vmem>>, vector<16xf32>,
    %swap3A_181 = vector.shape_cast %swap3A_180 : vector<16xf32> to vector<16xf32>
    %swap3A_182 = vector.shape_cast %broadcast_in_dim3A_3 : vector<16xf32> to vector<16xf32>
    tpu.vector_store %arg6[%swap3A_179], %swap3A_182 {strides = array<i32>} : memref<640xf32, #tpu.memory_space<vmem>>, vector<16xf32>,
    %swap3A_183 = arith.constant 592 : index
    %swap3A_184 = tpu.vector_load %arg6[%swap3A_183] {strides = array<i32>} : memref<640xf32, #tpu.memory_space<vmem>>, vector<16xf32>,
    %swap3A_185 = vector.shape_cast %swap3A_184 : vector<16xf32> to vector<16xf32>
    %swap3A_186 = vector.shape_cast %broadcast_in_dim3A_3 : vector<16xf32> to vector<16xf32>
    tpu.vector_store %arg6[%swap3A_183], %swap3A_186 {strides = array<i32>} : memref<640xf32, #tpu.memory_space<vmem>>, vector<16xf32>,
    %swap3A_187 = arith.constant 608 : index
    %swap3A_188 = tpu.vector_load %arg6[%swap3A_187] {strides = array<i32>} : memref<640xf32, #tpu.memory_space<vmem>>, vector<16xf32>,
    %swap3A_189 = vector.shape_cast %swap3A_188 : vector<16xf32> to vector<16xf32>
    %swap3A_190 = vector.shape_cast %broadcast_in_dim3A_3 : vector<16xf32> to vector<16xf32>
    tpu.vector_store %arg6[%swap3A_187], %swap3A_190 {strides = array<i32>} : memref<640xf32, #tpu.memory_space<vmem>>, vector<16xf32>,
    %swap3A_191 = arith.constant 624 : index
    %swap3A_192 = tpu.vector_load %arg6[%swap3A_191] {strides = array<i32>} : memref<640xf32, #tpu.memory_space<vmem>>, vector<16xf32>,
    %swap3A_193 = vector.shape_cast %swap3A_192 : vector<16xf32> to vector<16xf32>
    %swap3A_194 = vector.shape_cast %broadcast_in_dim3A_3 : vector<16xf32> to vector<16xf32>
    tpu.vector_store %arg6[%swap3A_191], %swap3A_194 {strides = array<i32>} : memref<640xf32, #tpu.memory_space<vmem>>, vector<16xf32>,
    %mul3A_195 = arith.constant 640 : i32
    %mul3A_196 = arith.muli %arg1, %mul3A_195 : i32
    "tpu.region"() ({
      %run_scoped3A = tpu.sem_alloc : memref<!tpu.dma_semaphore, #tpu.memory_space<semaphore_mem>>
      %dma_start3A = tpu.memref_slice %arg7[%mul3A_196] : memref<10240xf32, #tpu.memory_space<vmem_shared>> -> memref<640xf32, #tpu.memory_space<vmem_shared>>
      %dma_start3A_207 = tpu.memref_slice %arg7[%mul3A_196] : memref<10240xf32, #tpu.memory_space<vmem_shared>> -> memref<640xf32, #tpu.memory_space<vmem_shared>>
      tpu.enqueue_dma source(%arg6 : memref<640xf32, #tpu.memory_space<vmem>>) target(%dma_start3A_207 : memref<640xf32, #tpu.memory_space<vmem_shared>>) target_semaphore(%run_scoped3A : memref<!tpu.dma_semaphore, #tpu.memory_space<semaphore_mem>>)
      %dma_wait3A = tpu.memref_slice %arg7[%mul3A_196] : memref<10240xf32, #tpu.memory_space<vmem_shared>> -> memref<640xf32, #tpu.memory_space<vmem_shared>>
      %dma_wait3A_208 = tpu.memref_slice %arg7[%mul3A_196] : memref<10240xf32, #tpu.memory_space<vmem_shared>> -> memref<640xf32, #tpu.memory_space<vmem_shared>>
      tpu.wait_dma2 semaphore(%run_scoped3A : memref<!tpu.dma_semaphore, #tpu.memory_space<semaphore_mem>>) src(%arg6 : memref<640xf32, #tpu.memory_space<vmem>>) dst(%dma_wait3A_208 : memref<640xf32, #tpu.memory_space<vmem_shared>>)
      tpu.yield
    }) : () -> ()
    "tpu.region"() ({
      %run_scoped3A = tpu.sem_alloc : memref<!tpu.dma_semaphore, #tpu.memory_space<semaphore_mem>>
      %dma_start3A = arith.constant 0 : i32
      %dma_start3A_207 = arith.constant 0 : i32
      %dma_start3A_208 = tpu.memref_slice %arg2[%add3A, %dma_start3A, %dma_start3A_207] : memref<32x80x128xi32, #tpu.memory_space<hbm>> -> memref<1x80x128xi32, #tpu.memory_space<hbm>>
      %dma_start3A_209 = tpu.memref_squeeze %dma_start3A_208 : memref<1x80x128xi32, #tpu.memory_space<hbm>> -> memref<80x128xi32, #tpu.memory_space<hbm>>
      %dma_start3A_210 = arith.constant 0 : i32
      %dma_start3A_211 = arith.constant 0 : i32
      %dma_start3A_212 = tpu.memref_slice %arg2[%add3A, %dma_start3A_210, %dma_start3A_211] : memref<32x80x128xi32, #tpu.memory_space<hbm>> -> memref<1x80x128xi32, #tpu.memory_space<hbm>>
      %dma_start3A_213 = tpu.memref_squeeze %dma_start3A_212 : memref<1x80x128xi32, #tpu.memory_space<hbm>> -> memref<80x128xi32, #tpu.memory_space<hbm>>
      tpu.enqueue_dma source(%dma_start3A_213 : memref<80x128xi32, #tpu.memory_space<hbm>>) target(%arg4 : memref<80x128xi32, #tpu.memory_space<vmem>>) target_semaphore(%run_scoped3A : memref<!tpu.dma_semaphore, #tpu.memory_space<semaphore_mem>>)
      %dma_wait3A = arith.constant 0 : i32
      %dma_wait3A_214 = arith.constant 0 : i32
      %dma_wait3A_215 = tpu.memref_slice %arg2[%add3A, %dma_wait3A, %dma_wait3A_214] : memref<32x80x128xi32, #tpu.memory_space<hbm>> -> memref<1x80x128xi32, #tpu.memory_space<hbm>>
      %dma_wait3A_216 = tpu.memref_squeeze %dma_wait3A_215 : memref<1x80x128xi32, #tpu.memory_space<hbm>> -> memref<80x128xi32, #tpu.memory_space<hbm>>
      %dma_wait3A_217 = arith.constant 0 : i32
      %dma_wait3A_218 = arith.constant 0 : i32
      %dma_wait3A_219 = tpu.memref_slice %arg2[%add3A, %dma_wait3A_217, %dma_wait3A_218] : memref<32x80x128xi32, #tpu.memory_space<hbm>> -> memref<1x80x128xi32, #tpu.memory_space<hbm>>
      %dma_wait3A_220 = tpu.memref_squeeze %dma_wait3A_219 : memref<1x80x128xi32, #tpu.memory_space<hbm>> -> memref<80x128xi32, #tpu.memory_space<hbm>>
      tpu.wait_dma2 semaphore(%run_scoped3A : memref<!tpu.dma_semaphore, #tpu.memory_space<semaphore_mem>>) src(%dma_wait3A_220 : memref<80x128xi32, #tpu.memory_space<hbm>>) dst(%arg4 : memref<80x128xi32, #tpu.memory_space<vmem>>)
      tpu.yield
    }) : () -> ()
    %barrier3A = arith.constant 0 : index
    tpu.barrier barrier_id(%barrier3A)
    %scan3A = arith.constant 0 : i32
    %scan3A_197 = arith.constant 0 : i32
    %scan3A_198 = arith.constant 80 : i32
    %scan3A_199 = arith.addi %scan3A_197, %scan3A_198 : i32
    %scan3A_200 = arith.constant 1 : i32
    scf.for %scan3A_207 = %scan3A_197 to %scan3A_199 step %scan3A_200  : i32 {
      "tpu.region"() ({
        %run_scoped3A = tpu.sem_alloc : memref<!tpu.dma_semaphore, #tpu.memory_space<semaphore_mem>>
        %dma_start3A = arith.constant 0 : i32
        %dma_start3A_208 = tpu.memref_slice %arg4[%scan3A_207, %dma_start3A] : memref<80x128xi32, #tpu.memory_space<vmem>> -> memref<1x128xi32, #tpu.memory_space<vmem>>
        %dma_start3A_209 = tpu.memref_squeeze %dma_start3A_208 : memref<1x128xi32, #tpu.memory_space<vmem>> -> memref<128xi32, #tpu.memory_space<vmem>>
        %dma_start3A_210 = arith.constant 0 : i32
        %dma_start3A_211 = tpu.memref_slice %arg7[%dma_start3A_210] : memref<10240xf32, #tpu.memory_space<vmem_shared>> -> memref<10240xf32, #tpu.memory_space<vmem_shared>>
        tpu.enqueue_indirect_dma source(%arg5 : memref<128xf32, #tpu.memory_space<vmem>>) target(%dma_start3A_211 : memref<10240xf32, #tpu.memory_space<vmem_shared>>) offsets(%dma_start3A_209 : memref<128xi32, #tpu.memory_space<vmem>>) semaphore(%run_scoped3A : memref<!tpu.dma_semaphore, #tpu.memory_space<semaphore_mem>>) {add = true}
        %dma_wait3A = arith.constant 0 : i32
        %dma_wait3A_212 = tpu.memref_slice %arg4[%scan3A_207, %dma_wait3A] : memref<80x128xi32, #tpu.memory_space<vmem>> -> memref<1x128xi32, #tpu.memory_space<vmem>>
        %dma_wait3A_213 = tpu.memref_squeeze %dma_wait3A_212 : memref<1x128xi32, #tpu.memory_space<vmem>> -> memref<128xi32, #tpu.memory_space<vmem>>
        %dma_wait3A_214 = arith.constant 0 : i32
        %dma_wait3A_215 = tpu.memref_slice %arg7[%dma_wait3A_214] : memref<10240xf32, #tpu.memory_space<vmem_shared>> -> memref<10240xf32, #tpu.memory_space<vmem_shared>>
        tpu.wait_indirect_dma semaphore(%run_scoped3A : memref<!tpu.dma_semaphore, #tpu.memory_space<semaphore_mem>>) src(%arg5 : memref<128xf32, #tpu.memory_space<vmem>>) dst(%dma_wait3A_215 : memref<10240xf32, #tpu.memory_space<vmem_shared>>)
        tpu.yield
      }) : () -> ()
    }
    %scan3A_201 = arith.constant 80 : i32
    %barrier3A_202 = arith.constant 0 : index
    tpu.barrier barrier_id(%barrier3A_202)
    %mul3A_203 = arith.constant 640 : i32
    %mul3A_204 = arith.muli %arg1, %mul3A_203 : i32
    %mul3A_205 = arith.constant 640 : i32
    %mul3A_206 = arith.muli %arg1, %mul3A_205 : i32
    "tpu.region"() ({
      %run_scoped3A = tpu.sem_alloc : memref<!tpu.dma_semaphore, #tpu.memory_space<semaphore_mem>>
      %dma_start3A = tpu.memref_slice %arg3[%arg0, %mul3A_206] : memref<2x10240xf32, #tpu.memory_space<hbm>> -> memref<1x640xf32, #tpu.memory_space<hbm>>
      %dma_start3A_207 = tpu.memref_squeeze %dma_start3A : memref<1x640xf32, #tpu.memory_space<hbm>> -> memref<640xf32, #tpu.memory_space<hbm>>
      %dma_start3A_208 = tpu.memref_slice %arg7[%mul3A_204] : memref<10240xf32, #tpu.memory_space<vmem_shared>> -> memref<640xf32, #tpu.memory_space<vmem_shared>>
      tpu.enqueue_dma source(%dma_start3A_208 : memref<640xf32, #tpu.memory_space<vmem_shared>>) target(%dma_start3A_207 : memref<640xf32, #tpu.memory_space<hbm>>) target_semaphore(%run_scoped3A : memref<!tpu.dma_semaphore, #tpu.memory_space<semaphore_mem>>)
      %dma_wait3A = tpu.memref_slice %arg3[%arg0, %mul3A_206] : memref<2x10240xf32, #tpu.memory_space<hbm>> -> memref<1x640xf32, #tpu.memory_space<hbm>>
      %dma_wait3A_209 = tpu.memref_squeeze %dma_wait3A : memref<1x640xf32, #tpu.memory_space<hbm>> -> memref<640xf32, #tpu.memory_space<hbm>>
      %dma_wait3A_210 = tpu.memref_slice %arg7[%mul3A_204] : memref<10240xf32, #tpu.memory_space<vmem_shared>> -> memref<640xf32, #tpu.memory_space<vmem_shared>>
      tpu.wait_dma2 semaphore(%run_scoped3A : memref<!tpu.dma_semaphore, #tpu.memory_space<semaphore_mem>>) src(%dma_wait3A_210 : memref<640xf32, #tpu.memory_space<vmem_shared>>) dst(%dma_wait3A_209 : memref<640xf32, #tpu.memory_space<hbm>>)
      tpu.yield
    }) : () -> ()
    return
  }
}

#map = affine_map<(d0, d1) -> (0, 0, 0)>
#map1 = affine_map<(d0, d1) -> (0, 0)>
module attributes {stable_mosaic.version = 14 : i64} {
  func.func @_sc_scatter_body(%arg0: i32, %arg1: i32, %arg2: memref<32x80x128xi32, #tpu.memory_space<hbm>>, %arg3: memref<32x80x128xi32, #tpu.memory_space<hbm>>, %arg4: memref<10240x128xf32, #tpu.memory_space<hbm>>, %arg5: memref<2x10240x128xf32, #tpu.memory_space<hbm>>, %arg6: memref<40x128xi32, #tpu.memory_space<vmem>>, %arg7: memref<40x128xi32, #tpu.memory_space<vmem>>, %arg8: memref<2x128x128xf32, #tpu.memory_space<vmem>>, %arg9: memref<10240x128xf32, #tpu.memory_space<vmem_shared>>, %arg10: memref<2x!tpu.dma_semaphore, #tpu.memory_space<semaphore_mem>>) attributes {dimension_semantics = [#tpu.dimension_semantics<core_parallel>, #tpu.dimension_semantics<subcore_parallel>], iteration_bounds = array<i64: 2, 16>, scalar_prefetch = 0 : i64, scratch_operands = 5 : i64, tpu.core_type = #tpu.core_type<sc_vector_subcore>, window_params = [{transform_indices = #map}, {transform_indices = #map}, {transform_indices = #map1}, {transform_indices = #map}]} {
    %mul3A = arith.constant 16 : i32
    %mul3A_0 = arith.muli %arg0, %mul3A : i32
    %add3A = arith.addi %mul3A_0, %arg1 : i32
    %eq3A = arith.constant 0 : i32
    %eq3A_1 = arith.cmpi eq, %arg0, %eq3A : i32
    %convert_element_type3A = arith.extui %eq3A_1 : i1 to i32
    %cond3A = arith.constant 0 : i32
    %cond3A_2 = arith.cmpi ne, %convert_element_type3A, %cond3A : i32
    scf.if %cond3A_2 {
      %mul3A_17 = arith.constant 640 : i32
      %mul3A_18 = arith.muli %arg1, %mul3A_17 : i32
      %multiple_of3A = tpu.assume_multiple %mul3A_18, 8 : i32
      "tpu.region"() ({
        %run_scoped3A = tpu.sem_alloc : memref<!tpu.dma_semaphore, #tpu.memory_space<semaphore_mem>>
        %dma_start3A = arith.constant 0 : i32
        %dma_start3A_19 = tpu.memref_slice %arg9[%multiple_of3A, %dma_start3A] : memref<10240x128xf32, #tpu.memory_space<vmem_shared>> -> memref<640x128xf32, #tpu.memory_space<vmem_shared>>
        %dma_start3A_20 = arith.constant 0 : i32
        %dma_start3A_21 = tpu.memref_slice %arg4[%multiple_of3A, %dma_start3A_20] : memref<10240x128xf32, #tpu.memory_space<hbm>> -> memref<640x128xf32, #tpu.memory_space<hbm>>
        tpu.enqueue_dma source(%dma_start3A_21 : memref<640x128xf32, #tpu.memory_space<hbm>>) target(%dma_start3A_19 : memref<640x128xf32, #tpu.memory_space<vmem_shared>>) target_semaphore(%run_scoped3A : memref<!tpu.dma_semaphore, #tpu.memory_space<semaphore_mem>>)
        %dma_wait3A = arith.constant 0 : i32
        %dma_wait3A_22 = tpu.memref_slice %arg9[%multiple_of3A, %dma_wait3A] : memref<10240x128xf32, #tpu.memory_space<vmem_shared>> -> memref<640x128xf32, #tpu.memory_space<vmem_shared>>
        %dma_wait3A_23 = arith.constant 0 : i32
        %dma_wait3A_24 = tpu.memref_slice %arg4[%multiple_of3A, %dma_wait3A_23] : memref<10240x128xf32, #tpu.memory_space<hbm>> -> memref<640x128xf32, #tpu.memory_space<hbm>>
        tpu.wait_dma2 semaphore(%run_scoped3A : memref<!tpu.dma_semaphore, #tpu.memory_space<semaphore_mem>>) src(%dma_wait3A_24 : memref<640x128xf32, #tpu.memory_space<hbm>>) dst(%dma_wait3A_22 : memref<640x128xf32, #tpu.memory_space<vmem_shared>>)
        tpu.yield
      }) : () -> ()
    } else {
    }
    %ne3A = arith.constant 0 : i32
    %ne3A_3 = arith.cmpi ne, %arg0, %ne3A : i32
    %convert_element_type3A_4 = arith.extui %ne3A_3 : i1 to i32
    %cond3A_5 = arith.constant 0 : i32
    %cond3A_6 = arith.cmpi ne, %convert_element_type3A_4, %cond3A_5 : i32
    scf.if %cond3A_6 {
      %broadcast_in_dim3A = arith.constant 0.000000e+00 : f32
      %broadcast_in_dim3A_17 = vector.broadcast %broadcast_in_dim3A : f32 to vector<16xf32>
      %scan3A_18 = arith.constant 0 : i32
      %scan3A_19 = arith.constant 0 : i32
      %scan3A_20 = arith.constant 128 : i32
      %scan3A_21 = arith.addi %scan3A_19, %scan3A_20 : i32
      %scan3A_22 = arith.constant 1 : i32
      scf.for %scan3A_52 = %scan3A_19 to %scan3A_21 step %scan3A_22  : i32 {
        %swap3A = arith.constant 0 : i32
        %swap3A_53 = arith.index_cast %swap3A : i32 to index
        %swap3A_54 = arith.index_cast %scan3A_52 : i32 to index
        %swap3A_55 = arith.constant 0 : index
        %swap3A_56 = tpu.vector_load %arg8[%swap3A_53, %swap3A_54, %swap3A_55] {strides = array<i32>} : memref<2x128x128xf32, #tpu.memory_space<vmem>>, vector<1x1x16xf32>,
        %swap3A_57 = vector.shape_cast %swap3A_56 : vector<1x1x16xf32> to vector<16xf32>
        %swap3A_58 = vector.shape_cast %broadcast_in_dim3A_17 : vector<16xf32> to vector<1x1x16xf32>
        tpu.vector_store %arg8[%swap3A_53, %swap3A_54, %swap3A_55], %swap3A_58 {strides = array<i32>} : memref<2x128x128xf32, #tpu.memory_space<vmem>>, vector<1x1x16xf32>,
        %swap3A_59 = arith.constant 0 : i32
        %swap3A_60 = arith.index_cast %swap3A_59 : i32 to index
        %swap3A_61 = arith.index_cast %scan3A_52 : i32 to index
        %swap3A_62 = arith.constant 16 : index
        %swap3A_63 = tpu.vector_load %arg8[%swap3A_60, %swap3A_61, %swap3A_62] {strides = array<i32>} : memref<2x128x128xf32, #tpu.memory_space<vmem>>, vector<1x1x16xf32>,
        %swap3A_64 = vector.shape_cast %swap3A_63 : vector<1x1x16xf32> to vector<16xf32>
        %swap3A_65 = vector.shape_cast %broadcast_in_dim3A_17 : vector<16xf32> to vector<1x1x16xf32>
        tpu.vector_store %arg8[%swap3A_60, %swap3A_61, %swap3A_62], %swap3A_65 {strides = array<i32>} : memref<2x128x128xf32, #tpu.memory_space<vmem>>, vector<1x1x16xf32>,
        %swap3A_66 = arith.constant 0 : i32
        %swap3A_67 = arith.index_cast %swap3A_66 : i32 to index
        %swap3A_68 = arith.index_cast %scan3A_52 : i32 to index
        %swap3A_69 = arith.constant 32 : index
        %swap3A_70 = tpu.vector_load %arg8[%swap3A_67, %swap3A_68, %swap3A_69] {strides = array<i32>} : memref<2x128x128xf32, #tpu.memory_space<vmem>>, vector<1x1x16xf32>,
        %swap3A_71 = vector.shape_cast %swap3A_70 : vector<1x1x16xf32> to vector<16xf32>
        %swap3A_72 = vector.shape_cast %broadcast_in_dim3A_17 : vector<16xf32> to vector<1x1x16xf32>
        tpu.vector_store %arg8[%swap3A_67, %swap3A_68, %swap3A_69], %swap3A_72 {strides = array<i32>} : memref<2x128x128xf32, #tpu.memory_space<vmem>>, vector<1x1x16xf32>,
        %swap3A_73 = arith.constant 0 : i32
        %swap3A_74 = arith.index_cast %swap3A_73 : i32 to index
        %swap3A_75 = arith.index_cast %scan3A_52 : i32 to index
        %swap3A_76 = arith.constant 48 : index
        %swap3A_77 = tpu.vector_load %arg8[%swap3A_74, %swap3A_75, %swap3A_76] {strides = array<i32>} : memref<2x128x128xf32, #tpu.memory_space<vmem>>, vector<1x1x16xf32>,
        %swap3A_78 = vector.shape_cast %swap3A_77 : vector<1x1x16xf32> to vector<16xf32>
        %swap3A_79 = vector.shape_cast %broadcast_in_dim3A_17 : vector<16xf32> to vector<1x1x16xf32>
        tpu.vector_store %arg8[%swap3A_74, %swap3A_75, %swap3A_76], %swap3A_79 {strides = array<i32>} : memref<2x128x128xf32, #tpu.memory_space<vmem>>, vector<1x1x16xf32>,
        %swap3A_80 = arith.constant 0 : i32
        %swap3A_81 = arith.index_cast %swap3A_80 : i32 to index
        %swap3A_82 = arith.index_cast %scan3A_52 : i32 to index
        %swap3A_83 = arith.constant 64 : index
        %swap3A_84 = tpu.vector_load %arg8[%swap3A_81, %swap3A_82, %swap3A_83] {strides = array<i32>} : memref<2x128x128xf32, #tpu.memory_space<vmem>>, vector<1x1x16xf32>,
        %swap3A_85 = vector.shape_cast %swap3A_84 : vector<1x1x16xf32> to vector<16xf32>
        %swap3A_86 = vector.shape_cast %broadcast_in_dim3A_17 : vector<16xf32> to vector<1x1x16xf32>
        tpu.vector_store %arg8[%swap3A_81, %swap3A_82, %swap3A_83], %swap3A_86 {strides = array<i32>} : memref<2x128x128xf32, #tpu.memory_space<vmem>>, vector<1x1x16xf32>,
        %swap3A_87 = arith.constant 0 : i32
        %swap3A_88 = arith.index_cast %swap3A_87 : i32 to index
        %swap3A_89 = arith.index_cast %scan3A_52 : i32 to index
        %swap3A_90 = arith.constant 80 : index
        %swap3A_91 = tpu.vector_load %arg8[%swap3A_88, %swap3A_89, %swap3A_90] {strides = array<i32>} : memref<2x128x128xf32, #tpu.memory_space<vmem>>, vector<1x1x16xf32>,
        %swap3A_92 = vector.shape_cast %swap3A_91 : vector<1x1x16xf32> to vector<16xf32>
        %swap3A_93 = vector.shape_cast %broadcast_in_dim3A_17 : vector<16xf32> to vector<1x1x16xf32>
        tpu.vector_store %arg8[%swap3A_88, %swap3A_89, %swap3A_90], %swap3A_93 {strides = array<i32>} : memref<2x128x128xf32, #tpu.memory_space<vmem>>, vector<1x1x16xf32>,
        %swap3A_94 = arith.constant 0 : i32
        %swap3A_95 = arith.index_cast %swap3A_94 : i32 to index
        %swap3A_96 = arith.index_cast %scan3A_52 : i32 to index
        %swap3A_97 = arith.constant 96 : index
        %swap3A_98 = tpu.vector_load %arg8[%swap3A_95, %swap3A_96, %swap3A_97] {strides = array<i32>} : memref<2x128x128xf32, #tpu.memory_space<vmem>>, vector<1x1x16xf32>,
        %swap3A_99 = vector.shape_cast %swap3A_98 : vector<1x1x16xf32> to vector<16xf32>
        %swap3A_100 = vector.shape_cast %broadcast_in_dim3A_17 : vector<16xf32> to vector<1x1x16xf32>
        tpu.vector_store %arg8[%swap3A_95, %swap3A_96, %swap3A_97], %swap3A_100 {strides = array<i32>} : memref<2x128x128xf32, #tpu.memory_space<vmem>>, vector<1x1x16xf32>,
        %swap3A_101 = arith.constant 0 : i32
        %swap3A_102 = arith.index_cast %swap3A_101 : i32 to index
        %swap3A_103 = arith.index_cast %scan3A_52 : i32 to index
        %swap3A_104 = arith.constant 112 : index
        %swap3A_105 = tpu.vector_load %arg8[%swap3A_102, %swap3A_103, %swap3A_104] {strides = array<i32>} : memref<2x128x128xf32, #tpu.memory_space<vmem>>, vector<1x1x16xf32>,
        %swap3A_106 = vector.shape_cast %swap3A_105 : vector<1x1x16xf32> to vector<16xf32>
        %swap3A_107 = vector.shape_cast %broadcast_in_dim3A_17 : vector<16xf32> to vector<1x1x16xf32>
        tpu.vector_store %arg8[%swap3A_102, %swap3A_103, %swap3A_104], %swap3A_107 {strides = array<i32>} : memref<2x128x128xf32, #tpu.memory_space<vmem>>, vector<1x1x16xf32>,
      }
      %scan3A_23 = arith.constant 128 : i32
      %mul3A_24 = arith.constant 640 : i32
      %mul3A_25 = arith.muli %arg1, %mul3A_24 : i32
      %add3A_26 = arith.constant 0 : i32
      %add3A_27 = arith.addi %mul3A_25, %add3A_26 : i32
      %multiple_of3A = tpu.assume_multiple %add3A_27, 8 : i32
      %run_scoped3A = arith.constant 0 : i32
      "tpu.region"() ({
        %run_scoped3A_52 = tpu.sem_alloc : memref<!tpu.dma_semaphore, #tpu.memory_space<semaphore_mem>>
        %dma_start3A = arith.constant 0 : i32
        %dma_start3A_53 = arith.constant 0 : i32
        %dma_start3A_54 = tpu.memref_slice %arg8[%run_scoped3A, %dma_start3A, %dma_start3A_53] : memref<2x128x128xf32, #tpu.memory_space<vmem>> -> memref<1x128x128xf32, #tpu.memory_space<vmem>>
        %dma_start3A_55 = tpu.memref_squeeze %dma_start3A_54 : memref<1x128x128xf32, #tpu.memory_space<vmem>> -> memref<128x128xf32, #tpu.memory_space<vmem>>
        %dma_start3A_56 = arith.constant 0 : i32
        %dma_start3A_57 = tpu.memref_slice %arg9[%multiple_of3A, %dma_start3A_56] : memref<10240x128xf32, #tpu.memory_space<vmem_shared>> -> memref<128x128xf32, #tpu.memory_space<vmem_shared>>
        %dma_start3A_58 = arith.constant 0 : i32
        %dma_start3A_59 = tpu.memref_slice %arg9[%multiple_of3A, %dma_start3A_58] : memref<10240x128xf32, #tpu.memory_space<vmem_shared>> -> memref<128x128xf32, #tpu.memory_space<vmem_shared>>
        %dma_start3A_60 = arith.constant 0 : i32
        %dma_start3A_61 = arith.constant 0 : i32
        %dma_start3A_62 = tpu.memref_slice %arg8[%run_scoped3A, %dma_start3A_60, %dma_start3A_61] : memref<2x128x128xf32, #tpu.memory_space<vmem>> -> memref<1x128x128xf32, #tpu.memory_space<vmem>>
        %dma_start3A_63 = tpu.memref_squeeze %dma_start3A_62 : memref<1x128x128xf32, #tpu.memory_space<vmem>> -> memref<128x128xf32, #tpu.memory_space<vmem>>
        tpu.enqueue_dma source(%dma_start3A_63 : memref<128x128xf32, #tpu.memory_space<vmem>>) target(%dma_start3A_59 : memref<128x128xf32, #tpu.memory_space<vmem_shared>>) target_semaphore(%run_scoped3A_52 : memref<!tpu.dma_semaphore, #tpu.memory_space<semaphore_mem>>)
        %dma_wait3A = arith.constant 0 : i32
        %dma_wait3A_64 = arith.constant 0 : i32
        %dma_wait3A_65 = tpu.memref_slice %arg8[%run_scoped3A, %dma_wait3A, %dma_wait3A_64] : memref<2x128x128xf32, #tpu.memory_space<vmem>> -> memref<1x128x128xf32, #tpu.memory_space<vmem>>
        %dma_wait3A_66 = tpu.memref_squeeze %dma_wait3A_65 : memref<1x128x128xf32, #tpu.memory_space<vmem>> -> memref<128x128xf32, #tpu.memory_space<vmem>>
        %dma_wait3A_67 = arith.constant 0 : i32
        %dma_wait3A_68 = tpu.memref_slice %arg9[%multiple_of3A, %dma_wait3A_67] : memref<10240x128xf32, #tpu.memory_space<vmem_shared>> -> memref<128x128xf32, #tpu.memory_space<vmem_shared>>
        %dma_wait3A_69 = arith.constant 0 : i32
        %dma_wait3A_70 = tpu.memref_slice %arg9[%multiple_of3A, %dma_wait3A_69] : memref<10240x128xf32, #tpu.memory_space<vmem_shared>> -> memref<128x128xf32, #tpu.memory_space<vmem_shared>>
        %dma_wait3A_71 = arith.constant 0 : i32
        %dma_wait3A_72 = arith.constant 0 : i32
        %dma_wait3A_73 = tpu.memref_slice %arg8[%run_scoped3A, %dma_wait3A_71, %dma_wait3A_72] : memref<2x128x128xf32, #tpu.memory_space<vmem>> -> memref<1x128x128xf32, #tpu.memory_space<vmem>>
        %dma_wait3A_74 = tpu.memref_squeeze %dma_wait3A_73 : memref<1x128x128xf32, #tpu.memory_space<vmem>> -> memref<128x128xf32, #tpu.memory_space<vmem>>
        tpu.wait_dma2 semaphore(%run_scoped3A_52 : memref<!tpu.dma_semaphore, #tpu.memory_space<semaphore_mem>>) src(%dma_wait3A_74 : memref<128x128xf32, #tpu.memory_space<vmem>>) dst(%dma_wait3A_70 : memref<128x128xf32, #tpu.memory_space<vmem_shared>>)
        tpu.yield
      }) : () -> ()
      %mul3A_28 = arith.constant 640 : i32
      %mul3A_29 = arith.muli %arg1, %mul3A_28 : i32
      %add3A_30 = arith.constant 128 : i32
      %add3A_31 = arith.addi %mul3A_29, %add3A_30 : i32
      %multiple_of3A_32 = tpu.assume_multiple %add3A_31, 8 : i32
      %run_scoped3A_33 = arith.constant 0 : i32
      "tpu.region"() ({
        %run_scoped3A_52 = tpu.sem_alloc : memref<!tpu.dma_semaphore, #tpu.memory_space<semaphore_mem>>
        %dma_start3A = arith.constant 0 : i32
        %dma_start3A_53 = arith.constant 0 : i32
        %dma_start3A_54 = tpu.memref_slice %arg8[%run_scoped3A_33, %dma_start3A, %dma_start3A_53] : memref<2x128x128xf32, #tpu.memory_space<vmem>> -> memref<1x128x128xf32, #tpu.memory_space<vmem>>
        %dma_start3A_55 = tpu.memref_squeeze %dma_start3A_54 : memref<1x128x128xf32, #tpu.memory_space<vmem>> -> memref<128x128xf32, #tpu.memory_space<vmem>>
        %dma_start3A_56 = arith.constant 0 : i32
        %dma_start3A_57 = tpu.memref_slice %arg9[%multiple_of3A_32, %dma_start3A_56] : memref<10240x128xf32, #tpu.memory_space<vmem_shared>> -> memref<128x128xf32, #tpu.memory_space<vmem_shared>>
        %dma_start3A_58 = arith.constant 0 : i32
        %dma_start3A_59 = tpu.memref_slice %arg9[%multiple_of3A_32, %dma_start3A_58] : memref<10240x128xf32, #tpu.memory_space<vmem_shared>> -> memref<128x128xf32, #tpu.memory_space<vmem_shared>>
        %dma_start3A_60 = arith.constant 0 : i32
        %dma_start3A_61 = arith.constant 0 : i32
        %dma_start3A_62 = tpu.memref_slice %arg8[%run_scoped3A_33, %dma_start3A_60, %dma_start3A_61] : memref<2x128x128xf32, #tpu.memory_space<vmem>> -> memref<1x128x128xf32, #tpu.memory_space<vmem>>
        %dma_start3A_63 = tpu.memref_squeeze %dma_start3A_62 : memref<1x128x128xf32, #tpu.memory_space<vmem>> -> memref<128x128xf32, #tpu.memory_space<vmem>>
        tpu.enqueue_dma source(%dma_start3A_63 : memref<128x128xf32, #tpu.memory_space<vmem>>) target(%dma_start3A_59 : memref<128x128xf32, #tpu.memory_space<vmem_shared>>) target_semaphore(%run_scoped3A_52 : memref<!tpu.dma_semaphore, #tpu.memory_space<semaphore_mem>>)
        %dma_wait3A = arith.constant 0 : i32
        %dma_wait3A_64 = arith.constant 0 : i32
        %dma_wait3A_65 = tpu.memref_slice %arg8[%run_scoped3A_33, %dma_wait3A, %dma_wait3A_64] : memref<2x128x128xf32, #tpu.memory_space<vmem>> -> memref<1x128x128xf32, #tpu.memory_space<vmem>>
        %dma_wait3A_66 = tpu.memref_squeeze %dma_wait3A_65 : memref<1x128x128xf32, #tpu.memory_space<vmem>> -> memref<128x128xf32, #tpu.memory_space<vmem>>
        %dma_wait3A_67 = arith.constant 0 : i32
        %dma_wait3A_68 = tpu.memref_slice %arg9[%multiple_of3A_32, %dma_wait3A_67] : memref<10240x128xf32, #tpu.memory_space<vmem_shared>> -> memref<128x128xf32, #tpu.memory_space<vmem_shared>>
        %dma_wait3A_69 = arith.constant 0 : i32
        %dma_wait3A_70 = tpu.memref_slice %arg9[%multiple_of3A_32, %dma_wait3A_69] : memref<10240x128xf32, #tpu.memory_space<vmem_shared>> -> memref<128x128xf32, #tpu.memory_space<vmem_shared>>
        %dma_wait3A_71 = arith.constant 0 : i32
        %dma_wait3A_72 = arith.constant 0 : i32
        %dma_wait3A_73 = tpu.memref_slice %arg8[%run_scoped3A_33, %dma_wait3A_71, %dma_wait3A_72] : memref<2x128x128xf32, #tpu.memory_space<vmem>> -> memref<1x128x128xf32, #tpu.memory_space<vmem>>
        %dma_wait3A_74 = tpu.memref_squeeze %dma_wait3A_73 : memref<1x128x128xf32, #tpu.memory_space<vmem>> -> memref<128x128xf32, #tpu.memory_space<vmem>>
        tpu.wait_dma2 semaphore(%run_scoped3A_52 : memref<!tpu.dma_semaphore, #tpu.memory_space<semaphore_mem>>) src(%dma_wait3A_74 : memref<128x128xf32, #tpu.memory_space<vmem>>) dst(%dma_wait3A_70 : memref<128x128xf32, #tpu.memory_space<vmem_shared>>)
        tpu.yield
      }) : () -> ()
      %mul3A_34 = arith.constant 640 : i32
      %mul3A_35 = arith.muli %arg1, %mul3A_34 : i32
      %add3A_36 = arith.constant 256 : i32
      %add3A_37 = arith.addi %mul3A_35, %add3A_36 : i32
      %multiple_of3A_38 = tpu.assume_multiple %add3A_37, 8 : i32
      %run_scoped3A_39 = arith.constant 0 : i32
      "tpu.region"() ({
        %run_scoped3A_52 = tpu.sem_alloc : memref<!tpu.dma_semaphore, #tpu.memory_space<semaphore_mem>>
        %dma_start3A = arith.constant 0 : i32
        %dma_start3A_53 = arith.constant 0 : i32
        %dma_start3A_54 = tpu.memref_slice %arg8[%run_scoped3A_39, %dma_start3A, %dma_start3A_53] : memref<2x128x128xf32, #tpu.memory_space<vmem>> -> memref<1x128x128xf32, #tpu.memory_space<vmem>>
        %dma_start3A_55 = tpu.memref_squeeze %dma_start3A_54 : memref<1x128x128xf32, #tpu.memory_space<vmem>> -> memref<128x128xf32, #tpu.memory_space<vmem>>
        %dma_start3A_56 = arith.constant 0 : i32
        %dma_start3A_57 = tpu.memref_slice %arg9[%multiple_of3A_38, %dma_start3A_56] : memref<10240x128xf32, #tpu.memory_space<vmem_shared>> -> memref<128x128xf32, #tpu.memory_space<vmem_shared>>
        %dma_start3A_58 = arith.constant 0 : i32
        %dma_start3A_59 = tpu.memref_slice %arg9[%multiple_of3A_38, %dma_start3A_58] : memref<10240x128xf32, #tpu.memory_space<vmem_shared>> -> memref<128x128xf32, #tpu.memory_space<vmem_shared>>
        %dma_start3A_60 = arith.constant 0 : i32
        %dma_start3A_61 = arith.constant 0 : i32
        %dma_start3A_62 = tpu.memref_slice %arg8[%run_scoped3A_39, %dma_start3A_60, %dma_start3A_61] : memref<2x128x128xf32, #tpu.memory_space<vmem>> -> memref<1x128x128xf32, #tpu.memory_space<vmem>>
        %dma_start3A_63 = tpu.memref_squeeze %dma_start3A_62 : memref<1x128x128xf32, #tpu.memory_space<vmem>> -> memref<128x128xf32, #tpu.memory_space<vmem>>
        tpu.enqueue_dma source(%dma_start3A_63 : memref<128x128xf32, #tpu.memory_space<vmem>>) target(%dma_start3A_59 : memref<128x128xf32, #tpu.memory_space<vmem_shared>>) target_semaphore(%run_scoped3A_52 : memref<!tpu.dma_semaphore, #tpu.memory_space<semaphore_mem>>)
        %dma_wait3A = arith.constant 0 : i32
        %dma_wait3A_64 = arith.constant 0 : i32
        %dma_wait3A_65 = tpu.memref_slice %arg8[%run_scoped3A_39, %dma_wait3A, %dma_wait3A_64] : memref<2x128x128xf32, #tpu.memory_space<vmem>> -> memref<1x128x128xf32, #tpu.memory_space<vmem>>
        %dma_wait3A_66 = tpu.memref_squeeze %dma_wait3A_65 : memref<1x128x128xf32, #tpu.memory_space<vmem>> -> memref<128x128xf32, #tpu.memory_space<vmem>>
        %dma_wait3A_67 = arith.constant 0 : i32
        %dma_wait3A_68 = tpu.memref_slice %arg9[%multiple_of3A_38, %dma_wait3A_67] : memref<10240x128xf32, #tpu.memory_space<vmem_shared>> -> memref<128x128xf32, #tpu.memory_space<vmem_shared>>
        %dma_wait3A_69 = arith.constant 0 : i32
        %dma_wait3A_70 = tpu.memref_slice %arg9[%multiple_of3A_38, %dma_wait3A_69] : memref<10240x128xf32, #tpu.memory_space<vmem_shared>> -> memref<128x128xf32, #tpu.memory_space<vmem_shared>>
        %dma_wait3A_71 = arith.constant 0 : i32
        %dma_wait3A_72 = arith.constant 0 : i32
        %dma_wait3A_73 = tpu.memref_slice %arg8[%run_scoped3A_39, %dma_wait3A_71, %dma_wait3A_72] : memref<2x128x128xf32, #tpu.memory_space<vmem>> -> memref<1x128x128xf32, #tpu.memory_space<vmem>>
        %dma_wait3A_74 = tpu.memref_squeeze %dma_wait3A_73 : memref<1x128x128xf32, #tpu.memory_space<vmem>> -> memref<128x128xf32, #tpu.memory_space<vmem>>
        tpu.wait_dma2 semaphore(%run_scoped3A_52 : memref<!tpu.dma_semaphore, #tpu.memory_space<semaphore_mem>>) src(%dma_wait3A_74 : memref<128x128xf32, #tpu.memory_space<vmem>>) dst(%dma_wait3A_70 : memref<128x128xf32, #tpu.memory_space<vmem_shared>>)
        tpu.yield
      }) : () -> ()
      %mul3A_40 = arith.constant 640 : i32
      %mul3A_41 = arith.muli %arg1, %mul3A_40 : i32
      %add3A_42 = arith.constant 384 : i32
      %add3A_43 = arith.addi %mul3A_41, %add3A_42 : i32
      %multiple_of3A_44 = tpu.assume_multiple %add3A_43, 8 : i32
      %run_scoped3A_45 = arith.constant 0 : i32
      "tpu.region"() ({
        %run_scoped3A_52 = tpu.sem_alloc : memref<!tpu.dma_semaphore, #tpu.memory_space<semaphore_mem>>
        %dma_start3A = arith.constant 0 : i32
        %dma_start3A_53 = arith.constant 0 : i32
        %dma_start3A_54 = tpu.memref_slice %arg8[%run_scoped3A_45, %dma_start3A, %dma_start3A_53] : memref<2x128x128xf32, #tpu.memory_space<vmem>> -> memref<1x128x128xf32, #tpu.memory_space<vmem>>
        %dma_start3A_55 = tpu.memref_squeeze %dma_start3A_54 : memref<1x128x128xf32, #tpu.memory_space<vmem>> -> memref<128x128xf32, #tpu.memory_space<vmem>>
        %dma_start3A_56 = arith.constant 0 : i32
        %dma_start3A_57 = tpu.memref_slice %arg9[%multiple_of3A_44, %dma_start3A_56] : memref<10240x128xf32, #tpu.memory_space<vmem_shared>> -> memref<128x128xf32, #tpu.memory_space<vmem_shared>>
        %dma_start3A_58 = arith.constant 0 : i32
        %dma_start3A_59 = tpu.memref_slice %arg9[%multiple_of3A_44, %dma_start3A_58] : memref<10240x128xf32, #tpu.memory_space<vmem_shared>> -> memref<128x128xf32, #tpu.memory_space<vmem_shared>>
        %dma_start3A_60 = arith.constant 0 : i32
        %dma_start3A_61 = arith.constant 0 : i32
        %dma_start3A_62 = tpu.memref_slice %arg8[%run_scoped3A_45, %dma_start3A_60, %dma_start3A_61] : memref<2x128x128xf32, #tpu.memory_space<vmem>> -> memref<1x128x128xf32, #tpu.memory_space<vmem>>
        %dma_start3A_63 = tpu.memref_squeeze %dma_start3A_62 : memref<1x128x128xf32, #tpu.memory_space<vmem>> -> memref<128x128xf32, #tpu.memory_space<vmem>>
        tpu.enqueue_dma source(%dma_start3A_63 : memref<128x128xf32, #tpu.memory_space<vmem>>) target(%dma_start3A_59 : memref<128x128xf32, #tpu.memory_space<vmem_shared>>) target_semaphore(%run_scoped3A_52 : memref<!tpu.dma_semaphore, #tpu.memory_space<semaphore_mem>>)
        %dma_wait3A = arith.constant 0 : i32
        %dma_wait3A_64 = arith.constant 0 : i32
        %dma_wait3A_65 = tpu.memref_slice %arg8[%run_scoped3A_45, %dma_wait3A, %dma_wait3A_64] : memref<2x128x128xf32, #tpu.memory_space<vmem>> -> memref<1x128x128xf32, #tpu.memory_space<vmem>>
        %dma_wait3A_66 = tpu.memref_squeeze %dma_wait3A_65 : memref<1x128x128xf32, #tpu.memory_space<vmem>> -> memref<128x128xf32, #tpu.memory_space<vmem>>
        %dma_wait3A_67 = arith.constant 0 : i32
        %dma_wait3A_68 = tpu.memref_slice %arg9[%multiple_of3A_44, %dma_wait3A_67] : memref<10240x128xf32, #tpu.memory_space<vmem_shared>> -> memref<128x128xf32, #tpu.memory_space<vmem_shared>>
        %dma_wait3A_69 = arith.constant 0 : i32
        %dma_wait3A_70 = tpu.memref_slice %arg9[%multiple_of3A_44, %dma_wait3A_69] : memref<10240x128xf32, #tpu.memory_space<vmem_shared>> -> memref<128x128xf32, #tpu.memory_space<vmem_shared>>
        %dma_wait3A_71 = arith.constant 0 : i32
        %dma_wait3A_72 = arith.constant 0 : i32
        %dma_wait3A_73 = tpu.memref_slice %arg8[%run_scoped3A_45, %dma_wait3A_71, %dma_wait3A_72] : memref<2x128x128xf32, #tpu.memory_space<vmem>> -> memref<1x128x128xf32, #tpu.memory_space<vmem>>
        %dma_wait3A_74 = tpu.memref_squeeze %dma_wait3A_73 : memref<1x128x128xf32, #tpu.memory_space<vmem>> -> memref<128x128xf32, #tpu.memory_space<vmem>>
        tpu.wait_dma2 semaphore(%run_scoped3A_52 : memref<!tpu.dma_semaphore, #tpu.memory_space<semaphore_mem>>) src(%dma_wait3A_74 : memref<128x128xf32, #tpu.memory_space<vmem>>) dst(%dma_wait3A_70 : memref<128x128xf32, #tpu.memory_space<vmem_shared>>)
        tpu.yield
      }) : () -> ()
      %mul3A_46 = arith.constant 640 : i32
      %mul3A_47 = arith.muli %arg1, %mul3A_46 : i32
      %add3A_48 = arith.constant 512 : i32
      %add3A_49 = arith.addi %mul3A_47, %add3A_48 : i32
      %multiple_of3A_50 = tpu.assume_multiple %add3A_49, 8 : i32
      %run_scoped3A_51 = arith.constant 0 : i32
      "tpu.region"() ({
        %run_scoped3A_52 = tpu.sem_alloc : memref<!tpu.dma_semaphore, #tpu.memory_space<semaphore_mem>>
        %dma_start3A = arith.constant 0 : i32
        %dma_start3A_53 = arith.constant 0 : i32
        %dma_start3A_54 = tpu.memref_slice %arg8[%run_scoped3A_51, %dma_start3A, %dma_start3A_53] : memref<2x128x128xf32, #tpu.memory_space<vmem>> -> memref<1x128x128xf32, #tpu.memory_space<vmem>>
        %dma_start3A_55 = tpu.memref_squeeze %dma_start3A_54 : memref<1x128x128xf32, #tpu.memory_space<vmem>> -> memref<128x128xf32, #tpu.memory_space<vmem>>
        %dma_start3A_56 = arith.constant 0 : i32
        %dma_start3A_57 = tpu.memref_slice %arg9[%multiple_of3A_50, %dma_start3A_56] : memref<10240x128xf32, #tpu.memory_space<vmem_shared>> -> memref<128x128xf32, #tpu.memory_space<vmem_shared>>
        %dma_start3A_58 = arith.constant 0 : i32
        %dma_start3A_59 = tpu.memref_slice %arg9[%multiple_of3A_50, %dma_start3A_58] : memref<10240x128xf32, #tpu.memory_space<vmem_shared>> -> memref<128x128xf32, #tpu.memory_space<vmem_shared>>
        %dma_start3A_60 = arith.constant 0 : i32
        %dma_start3A_61 = arith.constant 0 : i32
        %dma_start3A_62 = tpu.memref_slice %arg8[%run_scoped3A_51, %dma_start3A_60, %dma_start3A_61] : memref<2x128x128xf32, #tpu.memory_space<vmem>> -> memref<1x128x128xf32, #tpu.memory_space<vmem>>
        %dma_start3A_63 = tpu.memref_squeeze %dma_start3A_62 : memref<1x128x128xf32, #tpu.memory_space<vmem>> -> memref<128x128xf32, #tpu.memory_space<vmem>>
        tpu.enqueue_dma source(%dma_start3A_63 : memref<128x128xf32, #tpu.memory_space<vmem>>) target(%dma_start3A_59 : memref<128x128xf32, #tpu.memory_space<vmem_shared>>) target_semaphore(%run_scoped3A_52 : memref<!tpu.dma_semaphore, #tpu.memory_space<semaphore_mem>>)
        %dma_wait3A = arith.constant 0 : i32
        %dma_wait3A_64 = arith.constant 0 : i32
        %dma_wait3A_65 = tpu.memref_slice %arg8[%run_scoped3A_51, %dma_wait3A, %dma_wait3A_64] : memref<2x128x128xf32, #tpu.memory_space<vmem>> -> memref<1x128x128xf32, #tpu.memory_space<vmem>>
        %dma_wait3A_66 = tpu.memref_squeeze %dma_wait3A_65 : memref<1x128x128xf32, #tpu.memory_space<vmem>> -> memref<128x128xf32, #tpu.memory_space<vmem>>
        %dma_wait3A_67 = arith.constant 0 : i32
        %dma_wait3A_68 = tpu.memref_slice %arg9[%multiple_of3A_50, %dma_wait3A_67] : memref<10240x128xf32, #tpu.memory_space<vmem_shared>> -> memref<128x128xf32, #tpu.memory_space<vmem_shared>>
        %dma_wait3A_69 = arith.constant 0 : i32
        %dma_wait3A_70 = tpu.memref_slice %arg9[%multiple_of3A_50, %dma_wait3A_69] : memref<10240x128xf32, #tpu.memory_space<vmem_shared>> -> memref<128x128xf32, #tpu.memory_space<vmem_shared>>
        %dma_wait3A_71 = arith.constant 0 : i32
        %dma_wait3A_72 = arith.constant 0 : i32
        %dma_wait3A_73 = tpu.memref_slice %arg8[%run_scoped3A_51, %dma_wait3A_71, %dma_wait3A_72] : memref<2x128x128xf32, #tpu.memory_space<vmem>> -> memref<1x128x128xf32, #tpu.memory_space<vmem>>
        %dma_wait3A_74 = tpu.memref_squeeze %dma_wait3A_73 : memref<1x128x128xf32, #tpu.memory_space<vmem>> -> memref<128x128xf32, #tpu.memory_space<vmem>>
        tpu.wait_dma2 semaphore(%run_scoped3A_52 : memref<!tpu.dma_semaphore, #tpu.memory_space<semaphore_mem>>) src(%dma_wait3A_74 : memref<128x128xf32, #tpu.memory_space<vmem>>) dst(%dma_wait3A_70 : memref<128x128xf32, #tpu.memory_space<vmem_shared>>)
        tpu.yield
      }) : () -> ()
    } else {
    }
    %barrier3A = arith.constant 0 : index
    tpu.barrier barrier_id(%barrier3A)
    %scan3A = arith.constant 0 : i32
    %scan3A_7 = arith.constant 0 : i32
    %scan3A_8 = arith.constant 2 : i32
    %scan3A_9 = arith.addi %scan3A_7, %scan3A_8 : i32
    %scan3A_10 = arith.constant 1 : i32
    scf.for %scan3A_17 = %scan3A_7 to %scan3A_9 step %scan3A_10  : i32 {
      %mul3A_18 = arith.constant 40 : i32
      %mul3A_19 = arith.muli %scan3A_17, %mul3A_18 : i32
      %multiple_of3A = tpu.assume_multiple %mul3A_19, 8 : i32
      "tpu.region"() ({
        %run_scoped3A = tpu.sem_alloc : memref<!tpu.dma_semaphore, #tpu.memory_space<semaphore_mem>>
        %dma_start3A_55 = arith.constant 0 : i32
        %dma_start3A_56 = tpu.memref_slice %arg2[%add3A, %multiple_of3A, %dma_start3A_55] : memref<32x80x128xi32, #tpu.memory_space<hbm>> -> memref<1x40x128xi32, #tpu.memory_space<hbm>>
        %dma_start3A_57 = tpu.memref_squeeze %dma_start3A_56 : memref<1x40x128xi32, #tpu.memory_space<hbm>> -> memref<40x128xi32, #tpu.memory_space<hbm>>
        %dma_start3A_58 = arith.constant 0 : i32
        %dma_start3A_59 = tpu.memref_slice %arg2[%add3A, %multiple_of3A, %dma_start3A_58] : memref<32x80x128xi32, #tpu.memory_space<hbm>> -> memref<1x40x128xi32, #tpu.memory_space<hbm>>
        %dma_start3A_60 = tpu.memref_squeeze %dma_start3A_59 : memref<1x40x128xi32, #tpu.memory_space<hbm>> -> memref<40x128xi32, #tpu.memory_space<hbm>>
        tpu.enqueue_dma source(%dma_start3A_60 : memref<40x128xi32, #tpu.memory_space<hbm>>) target(%arg6 : memref<40x128xi32, #tpu.memory_space<vmem>>) target_semaphore(%run_scoped3A : memref<!tpu.dma_semaphore, #tpu.memory_space<semaphore_mem>>)
        %dma_wait3A = arith.constant 0 : i32
        %dma_wait3A_61 = tpu.memref_slice %arg2[%add3A, %multiple_of3A, %dma_wait3A] : memref<32x80x128xi32, #tpu.memory_space<hbm>> -> memref<1x40x128xi32, #tpu.memory_space<hbm>>
        %dma_wait3A_62 = tpu.memref_squeeze %dma_wait3A_61 : memref<1x40x128xi32, #tpu.memory_space<hbm>> -> memref<40x128xi32, #tpu.memory_space<hbm>>
        %dma_wait3A_63 = arith.constant 0 : i32
        %dma_wait3A_64 = tpu.memref_slice %arg2[%add3A, %multiple_of3A, %dma_wait3A_63] : memref<32x80x128xi32, #tpu.memory_space<hbm>> -> memref<1x40x128xi32, #tpu.memory_space<hbm>>
        %dma_wait3A_65 = tpu.memref_squeeze %dma_wait3A_64 : memref<1x40x128xi32, #tpu.memory_space<hbm>> -> memref<40x128xi32, #tpu.memory_space<hbm>>
        tpu.wait_dma2 semaphore(%run_scoped3A : memref<!tpu.dma_semaphore, #tpu.memory_space<semaphore_mem>>) src(%dma_wait3A_65 : memref<40x128xi32, #tpu.memory_space<hbm>>) dst(%arg6 : memref<40x128xi32, #tpu.memory_space<vmem>>)
        tpu.yield
      }) : () -> ()
      "tpu.region"() ({
        %run_scoped3A = tpu.sem_alloc : memref<!tpu.dma_semaphore, #tpu.memory_space<semaphore_mem>>
        %dma_start3A_55 = arith.constant 0 : i32
        %dma_start3A_56 = tpu.memref_slice %arg3[%add3A, %multiple_of3A, %dma_start3A_55] : memref<32x80x128xi32, #tpu.memory_space<hbm>> -> memref<1x40x128xi32, #tpu.memory_space<hbm>>
        %dma_start3A_57 = tpu.memref_squeeze %dma_start3A_56 : memref<1x40x128xi32, #tpu.memory_space<hbm>> -> memref<40x128xi32, #tpu.memory_space<hbm>>
        %dma_start3A_58 = arith.constant 0 : i32
        %dma_start3A_59 = tpu.memref_slice %arg3[%add3A, %multiple_of3A, %dma_start3A_58] : memref<32x80x128xi32, #tpu.memory_space<hbm>> -> memref<1x40x128xi32, #tpu.memory_space<hbm>>
        %dma_start3A_60 = tpu.memref_squeeze %dma_start3A_59 : memref<1x40x128xi32, #tpu.memory_space<hbm>> -> memref<40x128xi32, #tpu.memory_space<hbm>>
        tpu.enqueue_dma source(%dma_start3A_60 : memref<40x128xi32, #tpu.memory_space<hbm>>) target(%arg7 : memref<40x128xi32, #tpu.memory_space<vmem>>) target_semaphore(%run_scoped3A : memref<!tpu.dma_semaphore, #tpu.memory_space<semaphore_mem>>)
        %dma_wait3A = arith.constant 0 : i32
        %dma_wait3A_61 = tpu.memref_slice %arg3[%add3A, %multiple_of3A, %dma_wait3A] : memref<32x80x128xi32, #tpu.memory_space<hbm>> -> memref<1x40x128xi32, #tpu.memory_space<hbm>>
        %dma_wait3A_62 = tpu.memref_squeeze %dma_wait3A_61 : memref<1x40x128xi32, #tpu.memory_space<hbm>> -> memref<40x128xi32, #tpu.memory_space<hbm>>
        %dma_wait3A_63 = arith.constant 0 : i32
        %dma_wait3A_64 = tpu.memref_slice %arg3[%add3A, %multiple_of3A, %dma_wait3A_63] : memref<32x80x128xi32, #tpu.memory_space<hbm>> -> memref<1x40x128xi32, #tpu.memory_space<hbm>>
        %dma_wait3A_65 = tpu.memref_squeeze %dma_wait3A_64 : memref<1x40x128xi32, #tpu.memory_space<hbm>> -> memref<40x128xi32, #tpu.memory_space<hbm>>
        tpu.wait_dma2 semaphore(%run_scoped3A : memref<!tpu.dma_semaphore, #tpu.memory_space<semaphore_mem>>) src(%dma_wait3A_65 : memref<40x128xi32, #tpu.memory_space<hbm>>) dst(%arg7 : memref<40x128xi32, #tpu.memory_space<vmem>>)
        tpu.yield
      }) : () -> ()
      %dma_start3A = arith.constant 0 : i32
      %dma_start3A_20 = arith.constant 0 : i32
      %dma_start3A_21 = arith.constant 0 : i32
      %dma_start3A_22 = arith.constant 0 : i32
      %dma_start3A_23 = arith.constant 0 : i32
      %dma_start3A_24 = tpu.memref_slice %arg8[%dma_start3A_20, %dma_start3A_22, %dma_start3A_23] : memref<2x128x128xf32, #tpu.memory_space<vmem>> -> memref<1x64x128xf32, #tpu.memory_space<vmem>>
      %dma_start3A_25 = tpu.memref_squeeze %dma_start3A_24 : memref<1x64x128xf32, #tpu.memory_space<vmem>> -> memref<64x128xf32, #tpu.memory_space<vmem>>
      %dma_start3A_26 = arith.constant 0 : i32
      %dma_start3A_27 = tpu.memref_slice %arg6[%dma_start3A, %dma_start3A_26] : memref<40x128xi32, #tpu.memory_space<vmem>> -> memref<1x64xi32, #tpu.memory_space<vmem>>
      %dma_start3A_28 = tpu.memref_squeeze %dma_start3A_27 : memref<1x64xi32, #tpu.memory_space<vmem>> -> memref<64xi32, #tpu.memory_space<vmem>>
      %dma_start3A_29 = arith.constant 0 : i32
      %dma_start3A_30 = arith.constant 0 : i32
      %dma_start3A_31 = tpu.memref_slice %arg4[%dma_start3A_29, %dma_start3A_30] : memref<10240x128xf32, #tpu.memory_space<hbm>> -> memref<10240x128xf32, #tpu.memory_space<hbm>>
      %dma_start3A_32 = tpu.memref_slice %arg10[%dma_start3A_21] : memref<2x!tpu.dma_semaphore, #tpu.memory_space<semaphore_mem>> -> memref<1x!tpu.dma_semaphore, #tpu.memory_space<semaphore_mem>>
      %dma_start3A_33 = tpu.memref_squeeze %dma_start3A_32 : memref<1x!tpu.dma_semaphore, #tpu.memory_space<semaphore_mem>> -> memref<!tpu.dma_semaphore, #tpu.memory_space<semaphore_mem>>
      tpu.enqueue_indirect_dma source(%dma_start3A_31 : memref<10240x128xf32, #tpu.memory_space<hbm>>) target(%dma_start3A_25 : memref<64x128xf32, #tpu.memory_space<vmem>>) offsets(%dma_start3A_28 : memref<64xi32, #tpu.memory_space<vmem>>) semaphore(%dma_start3A_33 : memref<!tpu.dma_semaphore, #tpu.memory_space<semaphore_mem>>)
      %dma_start3A_34 = arith.constant 0 : i32
      %dma_start3A_35 = arith.constant 0 : i32
      %dma_start3A_36 = arith.constant 0 : i32
      %dma_start3A_37 = arith.constant 64 : i32
      %dma_start3A_38 = arith.constant 0 : i32
      %dma_start3A_39 = tpu.memref_slice %arg8[%dma_start3A_35, %dma_start3A_37, %dma_start3A_38] : memref<2x128x128xf32, #tpu.memory_space<vmem>> -> memref<1x64x128xf32, #tpu.memory_space<vmem>>
      %dma_start3A_40 = tpu.memref_squeeze %dma_start3A_39 : memref<1x64x128xf32, #tpu.memory_space<vmem>> -> memref<64x128xf32, #tpu.memory_space<vmem>>
      %dma_start3A_41 = arith.constant 64 : i32
      %dma_start3A_42 = tpu.memref_slice %arg6[%dma_start3A_34, %dma_start3A_41] : memref<40x128xi32, #tpu.memory_space<vmem>> -> memref<1x64xi32, #tpu.memory_space<vmem>>
      %dma_start3A_43 = tpu.memref_squeeze %dma_start3A_42 : memref<1x64xi32, #tpu.memory_space<vmem>> -> memref<64xi32, #tpu.memory_space<vmem>>
      %dma_start3A_44 = arith.constant 0 : i32
      %dma_start3A_45 = arith.constant 0 : i32
      %dma_start3A_46 = tpu.memref_slice %arg4[%dma_start3A_44, %dma_start3A_45] : memref<10240x128xf32, #tpu.memory_space<hbm>> -> memref<10240x128xf32, #tpu.memory_space<hbm>>
      %dma_start3A_47 = tpu.memref_slice %arg10[%dma_start3A_36] : memref<2x!tpu.dma_semaphore, #tpu.memory_space<semaphore_mem>> -> memref<1x!tpu.dma_semaphore, #tpu.memory_space<semaphore_mem>>
      %dma_start3A_48 = tpu.memref_squeeze %dma_start3A_47 : memref<1x!tpu.dma_semaphore, #tpu.memory_space<semaphore_mem>> -> memref<!tpu.dma_semaphore, #tpu.memory_space<semaphore_mem>>
      tpu.enqueue_indirect_dma source(%dma_start3A_46 : memref<10240x128xf32, #tpu.memory_space<hbm>>) target(%dma_start3A_40 : memref<64x128xf32, #tpu.memory_space<vmem>>) offsets(%dma_start3A_43 : memref<64xi32, #tpu.memory_space<vmem>>) semaphore(%dma_start3A_48 : memref<!tpu.dma_semaphore, #tpu.memory_space<semaphore_mem>>)
      %scan3A_49 = arith.constant 0 : i32
      %scan3A_50 = arith.constant 0 : i32
      %scan3A_51 = arith.constant 20 : i32
      %scan3A_52 = arith.addi %scan3A_50, %scan3A_51 : i32
      %scan3A_53 = arith.constant 1 : i32
      scf.for %scan3A_55 = %scan3A_50 to %scan3A_52 step %scan3A_53  : i32 {
        %mul3A_56 = arith.constant 2 : i32
        %mul3A_57 = arith.muli %mul3A_56, %scan3A_55 : i32
        %add3A_58 = arith.constant 1 : i32
        %add3A_59 = arith.addi %mul3A_57, %add3A_58 : i32
        %dma_start3A_60 = arith.constant 1 : i32
        %dma_start3A_61 = arith.constant 1 : i32
        %dma_start3A_62 = arith.constant 0 : i32
        %dma_start3A_63 = arith.constant 0 : i32
        %dma_start3A_64 = tpu.memref_slice %arg8[%dma_start3A_60, %dma_start3A_62, %dma_start3A_63] : memref<2x128x128xf32, #tpu.memory_space<vmem>> -> memref<1x64x128xf32, #tpu.memory_space<vmem>>
        %dma_start3A_65 = tpu.memref_squeeze %dma_start3A_64 : memref<1x64x128xf32, #tpu.memory_space<vmem>> -> memref<64x128xf32, #tpu.memory_space<vmem>>
        %dma_start3A_66 = arith.constant 0 : i32
        %dma_start3A_67 = tpu.memref_slice %arg6[%add3A_59, %dma_start3A_66] : memref<40x128xi32, #tpu.memory_space<vmem>> -> memref<1x64xi32, #tpu.memory_space<vmem>>
        %dma_start3A_68 = tpu.memref_squeeze %dma_start3A_67 : memref<1x64xi32, #tpu.memory_space<vmem>> -> memref<64xi32, #tpu.memory_space<vmem>>
        %dma_start3A_69 = arith.constant 0 : i32
        %dma_start3A_70 = arith.constant 0 : i32
        %dma_start3A_71 = tpu.memref_slice %arg4[%dma_start3A_69, %dma_start3A_70] : memref<10240x128xf32, #tpu.memory_space<hbm>> -> memref<10240x128xf32, #tpu.memory_space<hbm>>
        %dma_start3A_72 = tpu.memref_slice %arg10[%dma_start3A_61] : memref<2x!tpu.dma_semaphore, #tpu.memory_space<semaphore_mem>> -> memref<1x!tpu.dma_semaphore, #tpu.memory_space<semaphore_mem>>
        %dma_start3A_73 = tpu.memref_squeeze %dma_start3A_72 : memref<1x!tpu.dma_semaphore, #tpu.memory_space<semaphore_mem>> -> memref<!tpu.dma_semaphore, #tpu.memory_space<semaphore_mem>>
        tpu.enqueue_indirect_dma source(%dma_start3A_71 : memref<10240x128xf32, #tpu.memory_space<hbm>>) target(%dma_start3A_65 : memref<64x128xf32, #tpu.memory_space<vmem>>) offsets(%dma_start3A_68 : memref<64xi32, #tpu.memory_space<vmem>>) semaphore(%dma_start3A_73 : memref<!tpu.dma_semaphore, #tpu.memory_space<semaphore_mem>>)
        %dma_start3A_74 = arith.constant 1 : i32
        %dma_start3A_75 = arith.constant 1 : i32
        %dma_start3A_76 = arith.constant 64 : i32
        %dma_start3A_77 = arith.constant 0 : i32
        %dma_start3A_78 = tpu.memref_slice %arg8[%dma_start3A_74, %dma_start3A_76, %dma_start3A_77] : memref<2x128x128xf32, #tpu.memory_space<vmem>> -> memref<1x64x128xf32, #tpu.memory_space<vmem>>
        %dma_start3A_79 = tpu.memref_squeeze %dma_start3A_78 : memref<1x64x128xf32, #tpu.memory_space<vmem>> -> memref<64x128xf32, #tpu.memory_space<vmem>>
        %dma_start3A_80 = arith.constant 64 : i32
        %dma_start3A_81 = tpu.memref_slice %arg6[%add3A_59, %dma_start3A_80] : memref<40x128xi32, #tpu.memory_space<vmem>> -> memref<1x64xi32, #tpu.memory_space<vmem>>
        %dma_start3A_82 = tpu.memref_squeeze %dma_start3A_81 : memref<1x64xi32, #tpu.memory_space<vmem>> -> memref<64xi32, #tpu.memory_space<vmem>>
        %dma_start3A_83 = arith.constant 0 : i32
        %dma_start3A_84 = arith.constant 0 : i32
        %dma_start3A_85 = tpu.memref_slice %arg4[%dma_start3A_83, %dma_start3A_84] : memref<10240x128xf32, #tpu.memory_space<hbm>> -> memref<10240x128xf32, #tpu.memory_space<hbm>>
        %dma_start3A_86 = tpu.memref_slice %arg10[%dma_start3A_75] : memref<2x!tpu.dma_semaphore, #tpu.memory_space<semaphore_mem>> -> memref<1x!tpu.dma_semaphore, #tpu.memory_space<semaphore_mem>>
        %dma_start3A_87 = tpu.memref_squeeze %dma_start3A_86 : memref<1x!tpu.dma_semaphore, #tpu.memory_space<semaphore_mem>> -> memref<!tpu.dma_semaphore, #tpu.memory_space<semaphore_mem>>
        tpu.enqueue_indirect_dma source(%dma_start3A_85 : memref<10240x128xf32, #tpu.memory_space<hbm>>) target(%dma_start3A_79 : memref<64x128xf32, #tpu.memory_space<vmem>>) offsets(%dma_start3A_82 : memref<64xi32, #tpu.memory_space<vmem>>) semaphore(%dma_start3A_87 : memref<!tpu.dma_semaphore, #tpu.memory_space<semaphore_mem>>)
        %dma_wait3A = arith.constant 0 : i32
        %dma_wait3A_88 = arith.constant 0 : i32
        %dma_wait3A_89 = arith.constant 0 : i32
        %dma_wait3A_90 = arith.constant 0 : i32
        %dma_wait3A_91 = tpu.memref_slice %arg8[%dma_wait3A, %dma_wait3A_89, %dma_wait3A_90] : memref<2x128x128xf32, #tpu.memory_space<vmem>> -> memref<1x128x128xf32, #tpu.memory_space<vmem>>
        %dma_wait3A_92 = tpu.memref_squeeze %dma_wait3A_91 : memref<1x128x128xf32, #tpu.memory_space<vmem>> -> memref<128x128xf32, #tpu.memory_space<vmem>>
        %dma_wait3A_93 = arith.constant 0 : i32
        %dma_wait3A_94 = arith.constant 0 : i32
        %dma_wait3A_95 = tpu.memref_slice %arg4[%dma_wait3A_93, %dma_wait3A_94] : memref<10240x128xf32, #tpu.memory_space<hbm>> -> memref<128x128xf32, #tpu.memory_space<hbm>>
        %dma_wait3A_96 = tpu.memref_slice %arg10[%dma_wait3A_88] : memref<2x!tpu.dma_semaphore, #tpu.memory_space<semaphore_mem>> -> memref<1x!tpu.dma_semaphore, #tpu.memory_space<semaphore_mem>>
        %dma_wait3A_97 = tpu.memref_squeeze %dma_wait3A_96 : memref<1x!tpu.dma_semaphore, #tpu.memory_space<semaphore_mem>> -> memref<!tpu.dma_semaphore, #tpu.memory_space<semaphore_mem>>
        %dma_wait3A_98 = arith.constant 0 : i32
        %dma_wait3A_99 = arith.constant 0 : i32
        %dma_wait3A_100 = tpu.memref_slice %arg8[%dma_wait3A, %dma_wait3A_98, %dma_wait3A_99] : memref<2x128x128xf32, #tpu.memory_space<vmem>> -> memref<1x128x128xf32, #tpu.memory_space<vmem>>
        %dma_wait3A_101 = tpu.memref_squeeze %dma_wait3A_100 : memref<1x128x128xf32, #tpu.memory_space<vmem>> -> memref<128x128xf32, #tpu.memory_space<vmem>>
        %dma_wait3A_102 = arith.constant 0 : i32
        %dma_wait3A_103 = arith.constant 0 : i32
        %dma_wait3A_104 = tpu.memref_slice %arg4[%dma_wait3A_102, %dma_wait3A_103] : memref<10240x128xf32, #tpu.memory_space<hbm>> -> memref<128x128xf32, #tpu.memory_space<hbm>>
        tpu.wait_dma2 semaphore(%dma_wait3A_97 : memref<!tpu.dma_semaphore, #tpu.memory_space<semaphore_mem>>) src(%dma_wait3A_104 : memref<128x128xf32, #tpu.memory_space<hbm>>) dst(%dma_wait3A_101 : memref<128x128xf32, #tpu.memory_space<vmem>>)
        %run_scoped3A = arith.constant 0 : i32
        "tpu.region"() ({
          %run_scoped3A_130 = tpu.sem_alloc : memref<!tpu.dma_semaphore, #tpu.memory_space<semaphore_mem>>
          %dma_start3A_131 = arith.constant 0 : i32
          %dma_start3A_132 = arith.constant 0 : i32
          %dma_start3A_133 = tpu.memref_slice %arg8[%run_scoped3A, %dma_start3A_131, %dma_start3A_132] : memref<2x128x128xf32, #tpu.memory_space<vmem>> -> memref<1x128x128xf32, #tpu.memory_space<vmem>>
          %dma_start3A_134 = tpu.memref_squeeze %dma_start3A_133 : memref<1x128x128xf32, #tpu.memory_space<vmem>> -> memref<128x128xf32, #tpu.memory_space<vmem>>
          %dma_start3A_135 = arith.constant 0 : i32
          %dma_start3A_136 = tpu.memref_slice %arg7[%mul3A_57, %dma_start3A_135] : memref<40x128xi32, #tpu.memory_space<vmem>> -> memref<1x128xi32, #tpu.memory_space<vmem>>
          %dma_start3A_137 = tpu.memref_squeeze %dma_start3A_136 : memref<1x128xi32, #tpu.memory_space<vmem>> -> memref<128xi32, #tpu.memory_space<vmem>>
          %dma_start3A_138 = arith.constant 0 : i32
          %dma_start3A_139 = arith.constant 0 : i32
          %dma_start3A_140 = tpu.memref_slice %arg9[%dma_start3A_138, %dma_start3A_139] : memref<10240x128xf32, #tpu.memory_space<vmem_shared>> -> memref<10240x128xf32, #tpu.memory_space<vmem_shared>>
          tpu.enqueue_indirect_dma source(%dma_start3A_134 : memref<128x128xf32, #tpu.memory_space<vmem>>) target(%dma_start3A_140 : memref<10240x128xf32, #tpu.memory_space<vmem_shared>>) offsets(%dma_start3A_137 : memref<128xi32, #tpu.memory_space<vmem>>) semaphore(%run_scoped3A_130 : memref<!tpu.dma_semaphore, #tpu.memory_space<semaphore_mem>>) {add = true}
          %dma_wait3A_141 = arith.constant 0 : i32
          %dma_wait3A_142 = arith.constant 0 : i32
          %dma_wait3A_143 = tpu.memref_slice %arg8[%run_scoped3A, %dma_wait3A_141, %dma_wait3A_142] : memref<2x128x128xf32, #tpu.memory_space<vmem>> -> memref<1x128x128xf32, #tpu.memory_space<vmem>>
          %dma_wait3A_144 = tpu.memref_squeeze %dma_wait3A_143 : memref<1x128x128xf32, #tpu.memory_space<vmem>> -> memref<128x128xf32, #tpu.memory_space<vmem>>
          %dma_wait3A_145 = arith.constant 0 : i32
          %dma_wait3A_146 = tpu.memref_slice %arg7[%mul3A_57, %dma_wait3A_145] : memref<40x128xi32, #tpu.memory_space<vmem>> -> memref<1x128xi32, #tpu.memory_space<vmem>>
          %dma_wait3A_147 = tpu.memref_squeeze %dma_wait3A_146 : memref<1x128xi32, #tpu.memory_space<vmem>> -> memref<128xi32, #tpu.memory_space<vmem>>
          %dma_wait3A_148 = arith.constant 0 : i32
          %dma_wait3A_149 = arith.constant 0 : i32
          %dma_wait3A_150 = tpu.memref_slice %arg9[%dma_wait3A_148, %dma_wait3A_149] : memref<10240x128xf32, #tpu.memory_space<vmem_shared>> -> memref<10240x128xf32, #tpu.memory_space<vmem_shared>>
          tpu.wait_indirect_dma semaphore(%run_scoped3A_130 : memref<!tpu.dma_semaphore, #tpu.memory_space<semaphore_mem>>) src(%dma_wait3A_144 : memref<128x128xf32, #tpu.memory_space<vmem>>) dst(%dma_wait3A_150 : memref<10240x128xf32, #tpu.memory_space<vmem_shared>>)
          tpu.yield
        }) : () -> ()
        %lt3A = arith.constant 19 : i32
        %lt3A_105 = arith.cmpi slt, %scan3A_55, %lt3A : i32
        %convert_element_type3A_106 = arith.extui %lt3A_105 : i1 to i32
        %cond3A_107 = arith.constant 0 : i32
        %cond3A_108 = arith.cmpi ne, %convert_element_type3A_106, %cond3A_107 : i32
        scf.if %cond3A_108 {
          %add3A_130 = arith.constant 2 : i32
          %add3A_131 = arith.addi %mul3A_57, %add3A_130 : i32
          %dma_start3A_132 = arith.constant 0 : i32
          %dma_start3A_133 = arith.constant 0 : i32
          %dma_start3A_134 = arith.constant 0 : i32
          %dma_start3A_135 = arith.constant 0 : i32
          %dma_start3A_136 = tpu.memref_slice %arg8[%dma_start3A_132, %dma_start3A_134, %dma_start3A_135] : memref<2x128x128xf32, #tpu.memory_space<vmem>> -> memref<1x64x128xf32, #tpu.memory_space<vmem>>
          %dma_start3A_137 = tpu.memref_squeeze %dma_start3A_136 : memref<1x64x128xf32, #tpu.memory_space<vmem>> -> memref<64x128xf32, #tpu.memory_space<vmem>>
          %dma_start3A_138 = arith.constant 0 : i32
          %dma_start3A_139 = tpu.memref_slice %arg6[%add3A_131, %dma_start3A_138] : memref<40x128xi32, #tpu.memory_space<vmem>> -> memref<1x64xi32, #tpu.memory_space<vmem>>
          %dma_start3A_140 = tpu.memref_squeeze %dma_start3A_139 : memref<1x64xi32, #tpu.memory_space<vmem>> -> memref<64xi32, #tpu.memory_space<vmem>>
          %dma_start3A_141 = arith.constant 0 : i32
          %dma_start3A_142 = arith.constant 0 : i32
          %dma_start3A_143 = tpu.memref_slice %arg4[%dma_start3A_141, %dma_start3A_142] : memref<10240x128xf32, #tpu.memory_space<hbm>> -> memref<10240x128xf32, #tpu.memory_space<hbm>>
          %dma_start3A_144 = tpu.memref_slice %arg10[%dma_start3A_133] : memref<2x!tpu.dma_semaphore, #tpu.memory_space<semaphore_mem>> -> memref<1x!tpu.dma_semaphore, #tpu.memory_space<semaphore_mem>>
          %dma_start3A_145 = tpu.memref_squeeze %dma_start3A_144 : memref<1x!tpu.dma_semaphore, #tpu.memory_space<semaphore_mem>> -> memref<!tpu.dma_semaphore, #tpu.memory_space<semaphore_mem>>
          tpu.enqueue_indirect_dma source(%dma_start3A_143 : memref<10240x128xf32, #tpu.memory_space<hbm>>) target(%dma_start3A_137 : memref<64x128xf32, #tpu.memory_space<vmem>>) offsets(%dma_start3A_140 : memref<64xi32, #tpu.memory_space<vmem>>) semaphore(%dma_start3A_145 : memref<!tpu.dma_semaphore, #tpu.memory_space<semaphore_mem>>)
          %dma_start3A_146 = arith.constant 0 : i32
          %dma_start3A_147 = arith.constant 0 : i32
          %dma_start3A_148 = arith.constant 64 : i32
          %dma_start3A_149 = arith.constant 0 : i32
          %dma_start3A_150 = tpu.memref_slice %arg8[%dma_start3A_146, %dma_start3A_148, %dma_start3A_149] : memref<2x128x128xf32, #tpu.memory_space<vmem>> -> memref<1x64x128xf32, #tpu.memory_space<vmem>>
          %dma_start3A_151 = tpu.memref_squeeze %dma_start3A_150 : memref<1x64x128xf32, #tpu.memory_space<vmem>> -> memref<64x128xf32, #tpu.memory_space<vmem>>
          %dma_start3A_152 = arith.constant 64 : i32
          %dma_start3A_153 = tpu.memref_slice %arg6[%add3A_131, %dma_start3A_152] : memref<40x128xi32, #tpu.memory_space<vmem>> -> memref<1x64xi32, #tpu.memory_space<vmem>>
          %dma_start3A_154 = tpu.memref_squeeze %dma_start3A_153 : memref<1x64xi32, #tpu.memory_space<vmem>> -> memref<64xi32, #tpu.memory_space<vmem>>
          %dma_start3A_155 = arith.constant 0 : i32
          %dma_start3A_156 = arith.constant 0 : i32
          %dma_start3A_157 = tpu.memref_slice %arg4[%dma_start3A_155, %dma_start3A_156] : memref<10240x128xf32, #tpu.memory_space<hbm>> -> memref<10240x128xf32, #tpu.memory_space<hbm>>
          %dma_start3A_158 = tpu.memref_slice %arg10[%dma_start3A_147] : memref<2x!tpu.dma_semaphore, #tpu.memory_space<semaphore_mem>> -> memref<1x!tpu.dma_semaphore, #tpu.memory_space<semaphore_mem>>
          %dma_start3A_159 = tpu.memref_squeeze %dma_start3A_158 : memref<1x!tpu.dma_semaphore, #tpu.memory_space<semaphore_mem>> -> memref<!tpu.dma_semaphore, #tpu.memory_space<semaphore_mem>>
          tpu.enqueue_indirect_dma source(%dma_start3A_157 : memref<10240x128xf32, #tpu.memory_space<hbm>>) target(%dma_start3A_151 : memref<64x128xf32, #tpu.memory_space<vmem>>) offsets(%dma_start3A_154 : memref<64xi32, #tpu.memory_space<vmem>>) semaphore(%dma_start3A_159 : memref<!tpu.dma_semaphore, #tpu.memory_space<semaphore_mem>>)
        } else {
        }
        %dma_wait3A_109 = arith.constant 1 : i32
        %dma_wait3A_110 = arith.constant 1 : i32
        %dma_wait3A_111 = arith.constant 0 : i32
        %dma_wait3A_112 = arith.constant 0 : i32
        %dma_wait3A_113 = tpu.memref_slice %arg8[%dma_wait3A_109, %dma_wait3A_111, %dma_wait3A_112] : memref<2x128x128xf32, #tpu.memory_space<vmem>> -> memref<1x128x128xf32, #tpu.memory_space<vmem>>
        %dma_wait3A_114 = tpu.memref_squeeze %dma_wait3A_113 : memref<1x128x128xf32, #tpu.memory_space<vmem>> -> memref<128x128xf32, #tpu.memory_space<vmem>>
        %dma_wait3A_115 = arith.constant 0 : i32
        %dma_wait3A_116 = arith.constant 0 : i32
        %dma_wait3A_117 = tpu.memref_slice %arg4[%dma_wait3A_115, %dma_wait3A_116] : memref<10240x128xf32, #tpu.memory_space<hbm>> -> memref<128x128xf32, #tpu.memory_space<hbm>>
        %dma_wait3A_118 = tpu.memref_slice %arg10[%dma_wait3A_110] : memref<2x!tpu.dma_semaphore, #tpu.memory_space<semaphore_mem>> -> memref<1x!tpu.dma_semaphore, #tpu.memory_space<semaphore_mem>>
        %dma_wait3A_119 = tpu.memref_squeeze %dma_wait3A_118 : memref<1x!tpu.dma_semaphore, #tpu.memory_space<semaphore_mem>> -> memref<!tpu.dma_semaphore, #tpu.memory_space<semaphore_mem>>
        %dma_wait3A_120 = arith.constant 0 : i32
        %dma_wait3A_121 = arith.constant 0 : i32
        %dma_wait3A_122 = tpu.memref_slice %arg8[%dma_wait3A_109, %dma_wait3A_120, %dma_wait3A_121] : memref<2x128x128xf32, #tpu.memory_space<vmem>> -> memref<1x128x128xf32, #tpu.memory_space<vmem>>
        %dma_wait3A_123 = tpu.memref_squeeze %dma_wait3A_122 : memref<1x128x128xf32, #tpu.memory_space<vmem>> -> memref<128x128xf32, #tpu.memory_space<vmem>>
        %dma_wait3A_124 = arith.constant 0 : i32
        %dma_wait3A_125 = arith.constant 0 : i32
        %dma_wait3A_126 = tpu.memref_slice %arg4[%dma_wait3A_124, %dma_wait3A_125] : memref<10240x128xf32, #tpu.memory_space<hbm>> -> memref<128x128xf32, #tpu.memory_space<hbm>>
        tpu.wait_dma2 semaphore(%dma_wait3A_119 : memref<!tpu.dma_semaphore, #tpu.memory_space<semaphore_mem>>) src(%dma_wait3A_126 : memref<128x128xf32, #tpu.memory_space<hbm>>) dst(%dma_wait3A_123 : memref<128x128xf32, #tpu.memory_space<vmem>>)
        %add3A_127 = arith.constant 1 : i32
        %add3A_128 = arith.addi %mul3A_57, %add3A_127 : i32
        %run_scoped3A_129 = arith.constant 1 : i32
        "tpu.region"() ({
          %run_scoped3A_130 = tpu.sem_alloc : memref<!tpu.dma_semaphore, #tpu.memory_space<semaphore_mem>>
          %dma_start3A_131 = arith.constant 0 : i32
          %dma_start3A_132 = arith.constant 0 : i32
          %dma_start3A_133 = tpu.memref_slice %arg8[%run_scoped3A_129, %dma_start3A_131, %dma_start3A_132] : memref<2x128x128xf32, #tpu.memory_space<vmem>> -> memref<1x128x128xf32, #tpu.memory_space<vmem>>
          %dma_start3A_134 = tpu.memref_squeeze %dma_start3A_133 : memref<1x128x128xf32, #tpu.memory_space<vmem>> -> memref<128x128xf32, #tpu.memory_space<vmem>>
          %dma_start3A_135 = arith.constant 0 : i32
          %dma_start3A_136 = tpu.memref_slice %arg7[%add3A_128, %dma_start3A_135] : memref<40x128xi32, #tpu.memory_space<vmem>> -> memref<1x128xi32, #tpu.memory_space<vmem>>
          %dma_start3A_137 = tpu.memref_squeeze %dma_start3A_136 : memref<1x128xi32, #tpu.memory_space<vmem>> -> memref<128xi32, #tpu.memory_space<vmem>>
          %dma_start3A_138 = arith.constant 0 : i32
          %dma_start3A_139 = arith.constant 0 : i32
          %dma_start3A_140 = tpu.memref_slice %arg9[%dma_start3A_138, %dma_start3A_139] : memref<10240x128xf32, #tpu.memory_space<vmem_shared>> -> memref<10240x128xf32, #tpu.memory_space<vmem_shared>>
          tpu.enqueue_indirect_dma source(%dma_start3A_134 : memref<128x128xf32, #tpu.memory_space<vmem>>) target(%dma_start3A_140 : memref<10240x128xf32, #tpu.memory_space<vmem_shared>>) offsets(%dma_start3A_137 : memref<128xi32, #tpu.memory_space<vmem>>) semaphore(%run_scoped3A_130 : memref<!tpu.dma_semaphore, #tpu.memory_space<semaphore_mem>>) {add = true}
          %dma_wait3A_141 = arith.constant 0 : i32
          %dma_wait3A_142 = arith.constant 0 : i32
          %dma_wait3A_143 = tpu.memref_slice %arg8[%run_scoped3A_129, %dma_wait3A_141, %dma_wait3A_142] : memref<2x128x128xf32, #tpu.memory_space<vmem>> -> memref<1x128x128xf32, #tpu.memory_space<vmem>>
          %dma_wait3A_144 = tpu.memref_squeeze %dma_wait3A_143 : memref<1x128x128xf32, #tpu.memory_space<vmem>> -> memref<128x128xf32, #tpu.memory_space<vmem>>
          %dma_wait3A_145 = arith.constant 0 : i32
          %dma_wait3A_146 = tpu.memref_slice %arg7[%add3A_128, %dma_wait3A_145] : memref<40x128xi32, #tpu.memory_space<vmem>> -> memref<1x128xi32, #tpu.memory_space<vmem>>
          %dma_wait3A_147 = tpu.memref_squeeze %dma_wait3A_146 : memref<1x128xi32, #tpu.memory_space<vmem>> -> memref<128xi32, #tpu.memory_space<vmem>>
          %dma_wait3A_148 = arith.constant 0 : i32
          %dma_wait3A_149 = arith.constant 0 : i32
          %dma_wait3A_150 = tpu.memref_slice %arg9[%dma_wait3A_148, %dma_wait3A_149] : memref<10240x128xf32, #tpu.memory_space<vmem_shared>> -> memref<10240x128xf32, #tpu.memory_space<vmem_shared>>
          tpu.wait_indirect_dma semaphore(%run_scoped3A_130 : memref<!tpu.dma_semaphore, #tpu.memory_space<semaphore_mem>>) src(%dma_wait3A_144 : memref<128x128xf32, #tpu.memory_space<vmem>>) dst(%dma_wait3A_150 : memref<10240x128xf32, #tpu.memory_space<vmem_shared>>)
          tpu.yield
        }) : () -> ()
      }
      %scan3A_54 = arith.constant 20 : i32
    }
    %scan3A_11 = arith.constant 2 : i32
    %barrier3A_12 = arith.constant 0 : index
    tpu.barrier barrier_id(%barrier3A_12)
    %mul3A_13 = arith.constant 640 : i32
    %mul3A_14 = arith.muli %arg1, %mul3A_13 : i32
    %mul3A_15 = arith.constant 640 : i32
    %mul3A_16 = arith.muli %arg1, %mul3A_15 : i32
    "tpu.region"() ({
      %run_scoped3A = tpu.sem_alloc : memref<!tpu.dma_semaphore, #tpu.memory_space<semaphore_mem>>
      %dma_start3A = arith.constant 0 : i32
      %dma_start3A_17 = tpu.memref_slice %arg5[%arg0, %mul3A_16, %dma_start3A] : memref<2x10240x128xf32, #tpu.memory_space<hbm>> -> memref<1x640x128xf32, #tpu.memory_space<hbm>>
      %dma_start3A_18 = tpu.memref_squeeze %dma_start3A_17 : memref<1x640x128xf32, #tpu.memory_space<hbm>> -> memref<640x128xf32, #tpu.memory_space<hbm>>
      %dma_start3A_19 = arith.constant 0 : i32
      %dma_start3A_20 = tpu.memref_slice %arg9[%mul3A_14, %dma_start3A_19] : memref<10240x128xf32, #tpu.memory_space<vmem_shared>> -> memref<640x128xf32, #tpu.memory_space<vmem_shared>>
      tpu.enqueue_dma source(%dma_start3A_20 : memref<640x128xf32, #tpu.memory_space<vmem_shared>>) target(%dma_start3A_18 : memref<640x128xf32, #tpu.memory_space<hbm>>) target_semaphore(%run_scoped3A : memref<!tpu.dma_semaphore, #tpu.memory_space<semaphore_mem>>)
      %dma_wait3A = arith.constant 0 : i32
      %dma_wait3A_21 = tpu.memref_slice %arg5[%arg0, %mul3A_16, %dma_wait3A] : memref<2x10240x128xf32, #tpu.memory_space<hbm>> -> memref<1x640x128xf32, #tpu.memory_space<hbm>>
      %dma_wait3A_22 = tpu.memref_squeeze %dma_wait3A_21 : memref<1x640x128xf32, #tpu.memory_space<hbm>> -> memref<640x128xf32, #tpu.memory_space<hbm>>
      %dma_wait3A_23 = arith.constant 0 : i32
      %dma_wait3A_24 = tpu.memref_slice %arg9[%mul3A_14, %dma_wait3A_23] : memref<10240x128xf32, #tpu.memory_space<vmem_shared>> -> memref<640x128xf32, #tpu.memory_space<vmem_shared>>
      tpu.wait_dma2 semaphore(%run_scoped3A : memref<!tpu.dma_semaphore, #tpu.memory_space<semaphore_mem>>) src(%dma_wait3A_24 : memref<640x128xf32, #tpu.memory_space<vmem_shared>>) dst(%dma_wait3A_22 : memref<640x128xf32, #tpu.memory_space<hbm>>)
      tpu.yield
    }) : () -> ()
    return
  }
}

#map = affine_map<(d0, d1) -> (0, 0, 0)>
#map1 = affine_map<(d0, d1) -> (0, 0)>
module attributes {stable_mosaic.version = 14 : i64} {
  func.func @_sc_scatter_body(%arg0: i32, %arg1: i32, %arg2: memref<32x80x128xi32, #tpu.memory_space<hbm>>, %arg3: memref<32x80x128xi32, #tpu.memory_space<hbm>>, %arg4: memref<10240x128xf32, #tpu.memory_space<hbm>>, %arg5: memref<2x10240x128xf32, #tpu.memory_space<hbm>>, %arg6: memref<40x128xi32, #tpu.memory_space<vmem>>, %arg7: memref<40x128xi32, #tpu.memory_space<vmem>>, %arg8: memref<2x128x128xf32, #tpu.memory_space<vmem>>, %arg9: memref<10240x128xf32, #tpu.memory_space<vmem_shared>>, %arg10: memref<2x!tpu.dma_semaphore, #tpu.memory_space<semaphore_mem>>) attributes {dimension_semantics = [#tpu.dimension_semantics<core_parallel>, #tpu.dimension_semantics<subcore_parallel>], iteration_bounds = array<i64: 2, 16>, scalar_prefetch = 0 : i64, scratch_operands = 5 : i64, tpu.core_type = #tpu.core_type<sc_vector_subcore>, window_params = [{transform_indices = #map}, {transform_indices = #map}, {transform_indices = #map1}, {transform_indices = #map}]} {
    %mul3A = arith.constant 16 : i32
    %mul3A_0 = arith.muli %arg0, %mul3A : i32
    %add3A = arith.addi %mul3A_0, %arg1 : i32
    %eq3A = arith.constant 0 : i32
    %eq3A_1 = arith.cmpi eq, %arg0, %eq3A : i32
    %convert_element_type3A = arith.extui %eq3A_1 : i1 to i32
    %cond3A = arith.constant 0 : i32
    %cond3A_2 = arith.cmpi ne, %convert_element_type3A, %cond3A : i32
    scf.if %cond3A_2 {
      %mul3A_17 = arith.constant 640 : i32
      %mul3A_18 = arith.muli %arg1, %mul3A_17 : i32
      %multiple_of3A = tpu.assume_multiple %mul3A_18, 8 : i32
      "tpu.region"() ({
        %run_scoped3A = tpu.sem_alloc : memref<!tpu.dma_semaphore, #tpu.memory_space<semaphore_mem>>
        %dma_start3A = arith.constant 0 : i32
        %dma_start3A_19 = tpu.memref_slice %arg9[%multiple_of3A, %dma_start3A] : memref<10240x128xf32, #tpu.memory_space<vmem_shared>> -> memref<640x128xf32, #tpu.memory_space<vmem_shared>>
        %dma_start3A_20 = arith.constant 0 : i32
        %dma_start3A_21 = tpu.memref_slice %arg4[%multiple_of3A, %dma_start3A_20] : memref<10240x128xf32, #tpu.memory_space<hbm>> -> memref<640x128xf32, #tpu.memory_space<hbm>>
        tpu.enqueue_dma source(%dma_start3A_21 : memref<640x128xf32, #tpu.memory_space<hbm>>) target(%dma_start3A_19 : memref<640x128xf32, #tpu.memory_space<vmem_shared>>) target_semaphore(%run_scoped3A : memref<!tpu.dma_semaphore, #tpu.memory_space<semaphore_mem>>)
        %dma_wait3A = arith.constant 0 : i32
        %dma_wait3A_22 = tpu.memref_slice %arg9[%multiple_of3A, %dma_wait3A] : memref<10240x128xf32, #tpu.memory_space<vmem_shared>> -> memref<640x128xf32, #tpu.memory_space<vmem_shared>>
        %dma_wait3A_23 = arith.constant 0 : i32
        %dma_wait3A_24 = tpu.memref_slice %arg4[%multiple_of3A, %dma_wait3A_23] : memref<10240x128xf32, #tpu.memory_space<hbm>> -> memref<640x128xf32, #tpu.memory_space<hbm>>
        tpu.wait_dma2 semaphore(%run_scoped3A : memref<!tpu.dma_semaphore, #tpu.memory_space<semaphore_mem>>) src(%dma_wait3A_24 : memref<640x128xf32, #tpu.memory_space<hbm>>) dst(%dma_wait3A_22 : memref<640x128xf32, #tpu.memory_space<vmem_shared>>)
        tpu.yield
      }) : () -> ()
    } else {
    }
    %ne3A = arith.constant 0 : i32
    %ne3A_3 = arith.cmpi ne, %arg0, %ne3A : i32
    %convert_element_type3A_4 = arith.extui %ne3A_3 : i1 to i32
    %cond3A_5 = arith.constant 0 : i32
    %cond3A_6 = arith.cmpi ne, %convert_element_type3A_4, %cond3A_5 : i32
    scf.if %cond3A_6 {
      %broadcast_in_dim3A = arith.constant 0.000000e+00 : f32
      %broadcast_in_dim3A_17 = vector.broadcast %broadcast_in_dim3A : f32 to vector<16xf32>
      %scan3A_18 = arith.constant 0 : i32
      %scan3A_19 = arith.constant 0 : i32
      %scan3A_20 = arith.constant 128 : i32
      %scan3A_21 = arith.addi %scan3A_19, %scan3A_20 : i32
      %scan3A_22 = arith.constant 1 : i32
      scf.for %scan3A_52 = %scan3A_19 to %scan3A_21 step %scan3A_22  : i32 {
        %swap3A = arith.constant 0 : i32
        %swap3A_53 = arith.index_cast %swap3A : i32 to index
        %swap3A_54 = arith.index_cast %scan3A_52 : i32 to index
        %swap3A_55 = arith.constant 0 : index
        %swap3A_56 = tpu.vector_load %arg8[%swap3A_53, %swap3A_54, %swap3A_55] {strides = array<i32>} : memref<2x128x128xf32, #tpu.memory_space<vmem>>, vector<1x1x16xf32>,
        %swap3A_57 = vector.shape_cast %swap3A_56 : vector<1x1x16xf32> to vector<16xf32>
        %swap3A_58 = vector.shape_cast %broadcast_in_dim3A_17 : vector<16xf32> to vector<1x1x16xf32>
        tpu.vector_store %arg8[%swap3A_53, %swap3A_54, %swap3A_55], %swap3A_58 {strides = array<i32>} : memref<2x128x128xf32, #tpu.memory_space<vmem>>, vector<1x1x16xf32>,
        %swap3A_59 = arith.constant 0 : i32
        %swap3A_60 = arith.index_cast %swap3A_59 : i32 to index
        %swap3A_61 = arith.index_cast %scan3A_52 : i32 to index
        %swap3A_62 = arith.constant 16 : index
        %swap3A_63 = tpu.vector_load %arg8[%swap3A_60, %swap3A_61, %swap3A_62] {strides = array<i32>} : memref<2x128x128xf32, #tpu.memory_space<vmem>>, vector<1x1x16xf32>,
        %swap3A_64 = vector.shape_cast %swap3A_63 : vector<1x1x16xf32> to vector<16xf32>
        %swap3A_65 = vector.shape_cast %broadcast_in_dim3A_17 : vector<16xf32> to vector<1x1x16xf32>
        tpu.vector_store %arg8[%swap3A_60, %swap3A_61, %swap3A_62], %swap3A_65 {strides = array<i32>} : memref<2x128x128xf32, #tpu.memory_space<vmem>>, vector<1x1x16xf32>,
        %swap3A_66 = arith.constant 0 : i32
        %swap3A_67 = arith.index_cast %swap3A_66 : i32 to index
        %swap3A_68 = arith.index_cast %scan3A_52 : i32 to index
        %swap3A_69 = arith.constant 32 : index
        %swap3A_70 = tpu.vector_load %arg8[%swap3A_67, %swap3A_68, %swap3A_69] {strides = array<i32>} : memref<2x128x128xf32, #tpu.memory_space<vmem>>, vector<1x1x16xf32>,
        %swap3A_71 = vector.shape_cast %swap3A_70 : vector<1x1x16xf32> to vector<16xf32>
        %swap3A_72 = vector.shape_cast %broadcast_in_dim3A_17 : vector<16xf32> to vector<1x1x16xf32>
        tpu.vector_store %arg8[%swap3A_67, %swap3A_68, %swap3A_69], %swap3A_72 {strides = array<i32>} : memref<2x128x128xf32, #tpu.memory_space<vmem>>, vector<1x1x16xf32>,
        %swap3A_73 = arith.constant 0 : i32
        %swap3A_74 = arith.index_cast %swap3A_73 : i32 to index
        %swap3A_75 = arith.index_cast %scan3A_52 : i32 to index
        %swap3A_76 = arith.constant 48 : index
        %swap3A_77 = tpu.vector_load %arg8[%swap3A_74, %swap3A_75, %swap3A_76] {strides = array<i32>} : memref<2x128x128xf32, #tpu.memory_space<vmem>>, vector<1x1x16xf32>,
        %swap3A_78 = vector.shape_cast %swap3A_77 : vector<1x1x16xf32> to vector<16xf32>
        %swap3A_79 = vector.shape_cast %broadcast_in_dim3A_17 : vector<16xf32> to vector<1x1x16xf32>
        tpu.vector_store %arg8[%swap3A_74, %swap3A_75, %swap3A_76], %swap3A_79 {strides = array<i32>} : memref<2x128x128xf32, #tpu.memory_space<vmem>>, vector<1x1x16xf32>,
        %swap3A_80 = arith.constant 0 : i32
        %swap3A_81 = arith.index_cast %swap3A_80 : i32 to index
        %swap3A_82 = arith.index_cast %scan3A_52 : i32 to index
        %swap3A_83 = arith.constant 64 : index
        %swap3A_84 = tpu.vector_load %arg8[%swap3A_81, %swap3A_82, %swap3A_83] {strides = array<i32>} : memref<2x128x128xf32, #tpu.memory_space<vmem>>, vector<1x1x16xf32>,
        %swap3A_85 = vector.shape_cast %swap3A_84 : vector<1x1x16xf32> to vector<16xf32>
        %swap3A_86 = vector.shape_cast %broadcast_in_dim3A_17 : vector<16xf32> to vector<1x1x16xf32>
        tpu.vector_store %arg8[%swap3A_81, %swap3A_82, %swap3A_83], %swap3A_86 {strides = array<i32>} : memref<2x128x128xf32, #tpu.memory_space<vmem>>, vector<1x1x16xf32>,
        %swap3A_87 = arith.constant 0 : i32
        %swap3A_88 = arith.index_cast %swap3A_87 : i32 to index
        %swap3A_89 = arith.index_cast %scan3A_52 : i32 to index
        %swap3A_90 = arith.constant 80 : index
        %swap3A_91 = tpu.vector_load %arg8[%swap3A_88, %swap3A_89, %swap3A_90] {strides = array<i32>} : memref<2x128x128xf32, #tpu.memory_space<vmem>>, vector<1x1x16xf32>,
        %swap3A_92 = vector.shape_cast %swap3A_91 : vector<1x1x16xf32> to vector<16xf32>
        %swap3A_93 = vector.shape_cast %broadcast_in_dim3A_17 : vector<16xf32> to vector<1x1x16xf32>
        tpu.vector_store %arg8[%swap3A_88, %swap3A_89, %swap3A_90], %swap3A_93 {strides = array<i32>} : memref<2x128x128xf32, #tpu.memory_space<vmem>>, vector<1x1x16xf32>,
        %swap3A_94 = arith.constant 0 : i32
        %swap3A_95 = arith.index_cast %swap3A_94 : i32 to index
        %swap3A_96 = arith.index_cast %scan3A_52 : i32 to index
        %swap3A_97 = arith.constant 96 : index
        %swap3A_98 = tpu.vector_load %arg8[%swap3A_95, %swap3A_96, %swap3A_97] {strides = array<i32>} : memref<2x128x128xf32, #tpu.memory_space<vmem>>, vector<1x1x16xf32>,
        %swap3A_99 = vector.shape_cast %swap3A_98 : vector<1x1x16xf32> to vector<16xf32>
        %swap3A_100 = vector.shape_cast %broadcast_in_dim3A_17 : vector<16xf32> to vector<1x1x16xf32>
        tpu.vector_store %arg8[%swap3A_95, %swap3A_96, %swap3A_97], %swap3A_100 {strides = array<i32>} : memref<2x128x128xf32, #tpu.memory_space<vmem>>, vector<1x1x16xf32>,
        %swap3A_101 = arith.constant 0 : i32
        %swap3A_102 = arith.index_cast %swap3A_101 : i32 to index
        %swap3A_103 = arith.index_cast %scan3A_52 : i32 to index
        %swap3A_104 = arith.constant 112 : index
        %swap3A_105 = tpu.vector_load %arg8[%swap3A_102, %swap3A_103, %swap3A_104] {strides = array<i32>} : memref<2x128x128xf32, #tpu.memory_space<vmem>>, vector<1x1x16xf32>,
        %swap3A_106 = vector.shape_cast %swap3A_105 : vector<1x1x16xf32> to vector<16xf32>
        %swap3A_107 = vector.shape_cast %broadcast_in_dim3A_17 : vector<16xf32> to vector<1x1x16xf32>
        tpu.vector_store %arg8[%swap3A_102, %swap3A_103, %swap3A_104], %swap3A_107 {strides = array<i32>} : memref<2x128x128xf32, #tpu.memory_space<vmem>>, vector<1x1x16xf32>,
      }
      %scan3A_23 = arith.constant 128 : i32
      %mul3A_24 = arith.constant 640 : i32
      %mul3A_25 = arith.muli %arg1, %mul3A_24 : i32
      %add3A_26 = arith.constant 0 : i32
      %add3A_27 = arith.addi %mul3A_25, %add3A_26 : i32
      %multiple_of3A = tpu.assume_multiple %add3A_27, 8 : i32
      %run_scoped3A = arith.constant 0 : i32
      "tpu.region"() ({
        %run_scoped3A_52 = tpu.sem_alloc : memref<!tpu.dma_semaphore, #tpu.memory_space<semaphore_mem>>
        %dma_start3A = arith.constant 0 : i32
        %dma_start3A_53 = arith.constant 0 : i32
        %dma_start3A_54 = tpu.memref_slice %arg8[%run_scoped3A, %dma_start3A, %dma_start3A_53] : memref<2x128x128xf32, #tpu.memory_space<vmem>> -> memref<1x128x128xf32, #tpu.memory_space<vmem>>
        %dma_start3A_55 = tpu.memref_squeeze %dma_start3A_54 : memref<1x128x128xf32, #tpu.memory_space<vmem>> -> memref<128x128xf32, #tpu.memory_space<vmem>>
        %dma_start3A_56 = arith.constant 0 : i32
        %dma_start3A_57 = tpu.memref_slice %arg9[%multiple_of3A, %dma_start3A_56] : memref<10240x128xf32, #tpu.memory_space<vmem_shared>> -> memref<128x128xf32, #tpu.memory_space<vmem_shared>>
        %dma_start3A_58 = arith.constant 0 : i32
        %dma_start3A_59 = tpu.memref_slice %arg9[%multiple_of3A, %dma_start3A_58] : memref<10240x128xf32, #tpu.memory_space<vmem_shared>> -> memref<128x128xf32, #tpu.memory_space<vmem_shared>>
        %dma_start3A_60 = arith.constant 0 : i32
        %dma_start3A_61 = arith.constant 0 : i32
        %dma_start3A_62 = tpu.memref_slice %arg8[%run_scoped3A, %dma_start3A_60, %dma_start3A_61] : memref<2x128x128xf32, #tpu.memory_space<vmem>> -> memref<1x128x128xf32, #tpu.memory_space<vmem>>
        %dma_start3A_63 = tpu.memref_squeeze %dma_start3A_62 : memref<1x128x128xf32, #tpu.memory_space<vmem>> -> memref<128x128xf32, #tpu.memory_space<vmem>>
        tpu.enqueue_dma source(%dma_start3A_63 : memref<128x128xf32, #tpu.memory_space<vmem>>) target(%dma_start3A_59 : memref<128x128xf32, #tpu.memory_space<vmem_shared>>) target_semaphore(%run_scoped3A_52 : memref<!tpu.dma_semaphore, #tpu.memory_space<semaphore_mem>>)
        %dma_wait3A = arith.constant 0 : i32
        %dma_wait3A_64 = arith.constant 0 : i32
        %dma_wait3A_65 = tpu.memref_slice %arg8[%run_scoped3A, %dma_wait3A, %dma_wait3A_64] : memref<2x128x128xf32, #tpu.memory_space<vmem>> -> memref<1x128x128xf32, #tpu.memory_space<vmem>>
        %dma_wait3A_66 = tpu.memref_squeeze %dma_wait3A_65 : memref<1x128x128xf32, #tpu.memory_space<vmem>> -> memref<128x128xf32, #tpu.memory_space<vmem>>
        %dma_wait3A_67 = arith.constant 0 : i32
        %dma_wait3A_68 = tpu.memref_slice %arg9[%multiple_of3A, %dma_wait3A_67] : memref<10240x128xf32, #tpu.memory_space<vmem_shared>> -> memref<128x128xf32, #tpu.memory_space<vmem_shared>>
        %dma_wait3A_69 = arith.constant 0 : i32
        %dma_wait3A_70 = tpu.memref_slice %arg9[%multiple_of3A, %dma_wait3A_69] : memref<10240x128xf32, #tpu.memory_space<vmem_shared>> -> memref<128x128xf32, #tpu.memory_space<vmem_shared>>
        %dma_wait3A_71 = arith.constant 0 : i32
        %dma_wait3A_72 = arith.constant 0 : i32
        %dma_wait3A_73 = tpu.memref_slice %arg8[%run_scoped3A, %dma_wait3A_71, %dma_wait3A_72] : memref<2x128x128xf32, #tpu.memory_space<vmem>> -> memref<1x128x128xf32, #tpu.memory_space<vmem>>
        %dma_wait3A_74 = tpu.memref_squeeze %dma_wait3A_73 : memref<1x128x128xf32, #tpu.memory_space<vmem>> -> memref<128x128xf32, #tpu.memory_space<vmem>>
        tpu.wait_dma2 semaphore(%run_scoped3A_52 : memref<!tpu.dma_semaphore, #tpu.memory_space<semaphore_mem>>) src(%dma_wait3A_74 : memref<128x128xf32, #tpu.memory_space<vmem>>) dst(%dma_wait3A_70 : memref<128x128xf32, #tpu.memory_space<vmem_shared>>)
        tpu.yield
      }) : () -> ()
      %mul3A_28 = arith.constant 640 : i32
      %mul3A_29 = arith.muli %arg1, %mul3A_28 : i32
      %add3A_30 = arith.constant 128 : i32
      %add3A_31 = arith.addi %mul3A_29, %add3A_30 : i32
      %multiple_of3A_32 = tpu.assume_multiple %add3A_31, 8 : i32
      %run_scoped3A_33 = arith.constant 0 : i32
      "tpu.region"() ({
        %run_scoped3A_52 = tpu.sem_alloc : memref<!tpu.dma_semaphore, #tpu.memory_space<semaphore_mem>>
        %dma_start3A = arith.constant 0 : i32
        %dma_start3A_53 = arith.constant 0 : i32
        %dma_start3A_54 = tpu.memref_slice %arg8[%run_scoped3A_33, %dma_start3A, %dma_start3A_53] : memref<2x128x128xf32, #tpu.memory_space<vmem>> -> memref<1x128x128xf32, #tpu.memory_space<vmem>>
        %dma_start3A_55 = tpu.memref_squeeze %dma_start3A_54 : memref<1x128x128xf32, #tpu.memory_space<vmem>> -> memref<128x128xf32, #tpu.memory_space<vmem>>
        %dma_start3A_56 = arith.constant 0 : i32
        %dma_start3A_57 = tpu.memref_slice %arg9[%multiple_of3A_32, %dma_start3A_56] : memref<10240x128xf32, #tpu.memory_space<vmem_shared>> -> memref<128x128xf32, #tpu.memory_space<vmem_shared>>
        %dma_start3A_58 = arith.constant 0 : i32
        %dma_start3A_59 = tpu.memref_slice %arg9[%multiple_of3A_32, %dma_start3A_58] : memref<10240x128xf32, #tpu.memory_space<vmem_shared>> -> memref<128x128xf32, #tpu.memory_space<vmem_shared>>
        %dma_start3A_60 = arith.constant 0 : i32
        %dma_start3A_61 = arith.constant 0 : i32
        %dma_start3A_62 = tpu.memref_slice %arg8[%run_scoped3A_33, %dma_start3A_60, %dma_start3A_61] : memref<2x128x128xf32, #tpu.memory_space<vmem>> -> memref<1x128x128xf32, #tpu.memory_space<vmem>>
        %dma_start3A_63 = tpu.memref_squeeze %dma_start3A_62 : memref<1x128x128xf32, #tpu.memory_space<vmem>> -> memref<128x128xf32, #tpu.memory_space<vmem>>
        tpu.enqueue_dma source(%dma_start3A_63 : memref<128x128xf32, #tpu.memory_space<vmem>>) target(%dma_start3A_59 : memref<128x128xf32, #tpu.memory_space<vmem_shared>>) target_semaphore(%run_scoped3A_52 : memref<!tpu.dma_semaphore, #tpu.memory_space<semaphore_mem>>)
        %dma_wait3A = arith.constant 0 : i32
        %dma_wait3A_64 = arith.constant 0 : i32
        %dma_wait3A_65 = tpu.memref_slice %arg8[%run_scoped3A_33, %dma_wait3A, %dma_wait3A_64] : memref<2x128x128xf32, #tpu.memory_space<vmem>> -> memref<1x128x128xf32, #tpu.memory_space<vmem>>
        %dma_wait3A_66 = tpu.memref_squeeze %dma_wait3A_65 : memref<1x128x128xf32, #tpu.memory_space<vmem>> -> memref<128x128xf32, #tpu.memory_space<vmem>>
        %dma_wait3A_67 = arith.constant 0 : i32
        %dma_wait3A_68 = tpu.memref_slice %arg9[%multiple_of3A_32, %dma_wait3A_67] : memref<10240x128xf32, #tpu.memory_space<vmem_shared>> -> memref<128x128xf32, #tpu.memory_space<vmem_shared>>
        %dma_wait3A_69 = arith.constant 0 : i32
        %dma_wait3A_70 = tpu.memref_slice %arg9[%multiple_of3A_32, %dma_wait3A_69] : memref<10240x128xf32, #tpu.memory_space<vmem_shared>> -> memref<128x128xf32, #tpu.memory_space<vmem_shared>>
        %dma_wait3A_71 = arith.constant 0 : i32
        %dma_wait3A_72 = arith.constant 0 : i32
        %dma_wait3A_73 = tpu.memref_slice %arg8[%run_scoped3A_33, %dma_wait3A_71, %dma_wait3A_72] : memref<2x128x128xf32, #tpu.memory_space<vmem>> -> memref<1x128x128xf32, #tpu.memory_space<vmem>>
        %dma_wait3A_74 = tpu.memref_squeeze %dma_wait3A_73 : memref<1x128x128xf32, #tpu.memory_space<vmem>> -> memref<128x128xf32, #tpu.memory_space<vmem>>
        tpu.wait_dma2 semaphore(%run_scoped3A_52 : memref<!tpu.dma_semaphore, #tpu.memory_space<semaphore_mem>>) src(%dma_wait3A_74 : memref<128x128xf32, #tpu.memory_space<vmem>>) dst(%dma_wait3A_70 : memref<128x128xf32, #tpu.memory_space<vmem_shared>>)
        tpu.yield
      }) : () -> ()
      %mul3A_34 = arith.constant 640 : i32
      %mul3A_35 = arith.muli %arg1, %mul3A_34 : i32
      %add3A_36 = arith.constant 256 : i32
      %add3A_37 = arith.addi %mul3A_35, %add3A_36 : i32
      %multiple_of3A_38 = tpu.assume_multiple %add3A_37, 8 : i32
      %run_scoped3A_39 = arith.constant 0 : i32
      "tpu.region"() ({
        %run_scoped3A_52 = tpu.sem_alloc : memref<!tpu.dma_semaphore, #tpu.memory_space<semaphore_mem>>
        %dma_start3A = arith.constant 0 : i32
        %dma_start3A_53 = arith.constant 0 : i32
        %dma_start3A_54 = tpu.memref_slice %arg8[%run_scoped3A_39, %dma_start3A, %dma_start3A_53] : memref<2x128x128xf32, #tpu.memory_space<vmem>> -> memref<1x128x128xf32, #tpu.memory_space<vmem>>
        %dma_start3A_55 = tpu.memref_squeeze %dma_start3A_54 : memref<1x128x128xf32, #tpu.memory_space<vmem>> -> memref<128x128xf32, #tpu.memory_space<vmem>>
        %dma_start3A_56 = arith.constant 0 : i32
        %dma_start3A_57 = tpu.memref_slice %arg9[%multiple_of3A_38, %dma_start3A_56] : memref<10240x128xf32, #tpu.memory_space<vmem_shared>> -> memref<128x128xf32, #tpu.memory_space<vmem_shared>>
        %dma_start3A_58 = arith.constant 0 : i32
        %dma_start3A_59 = tpu.memref_slice %arg9[%multiple_of3A_38, %dma_start3A_58] : memref<10240x128xf32, #tpu.memory_space<vmem_shared>> -> memref<128x128xf32, #tpu.memory_space<vmem_shared>>
        %dma_start3A_60 = arith.constant 0 : i32
        %dma_start3A_61 = arith.constant 0 : i32
        %dma_start3A_62 = tpu.memref_slice %arg8[%run_scoped3A_39, %dma_start3A_60, %dma_start3A_61] : memref<2x128x128xf32, #tpu.memory_space<vmem>> -> memref<1x128x128xf32, #tpu.memory_space<vmem>>
        %dma_start3A_63 = tpu.memref_squeeze %dma_start3A_62 : memref<1x128x128xf32, #tpu.memory_space<vmem>> -> memref<128x128xf32, #tpu.memory_space<vmem>>
        tpu.enqueue_dma source(%dma_start3A_63 : memref<128x128xf32, #tpu.memory_space<vmem>>) target(%dma_start3A_59 : memref<128x128xf32, #tpu.memory_space<vmem_shared>>) target_semaphore(%run_scoped3A_52 : memref<!tpu.dma_semaphore, #tpu.memory_space<semaphore_mem>>)
        %dma_wait3A = arith.constant 0 : i32
        %dma_wait3A_64 = arith.constant 0 : i32
        %dma_wait3A_65 = tpu.memref_slice %arg8[%run_scoped3A_39, %dma_wait3A, %dma_wait3A_64] : memref<2x128x128xf32, #tpu.memory_space<vmem>> -> memref<1x128x128xf32, #tpu.memory_space<vmem>>
        %dma_wait3A_66 = tpu.memref_squeeze %dma_wait3A_65 : memref<1x128x128xf32, #tpu.memory_space<vmem>> -> memref<128x128xf32, #tpu.memory_space<vmem>>
        %dma_wait3A_67 = arith.constant 0 : i32
        %dma_wait3A_68 = tpu.memref_slice %arg9[%multiple_of3A_38, %dma_wait3A_67] : memref<10240x128xf32, #tpu.memory_space<vmem_shared>> -> memref<128x128xf32, #tpu.memory_space<vmem_shared>>
        %dma_wait3A_69 = arith.constant 0 : i32
        %dma_wait3A_70 = tpu.memref_slice %arg9[%multiple_of3A_38, %dma_wait3A_69] : memref<10240x128xf32, #tpu.memory_space<vmem_shared>> -> memref<128x128xf32, #tpu.memory_space<vmem_shared>>
        %dma_wait3A_71 = arith.constant 0 : i32
        %dma_wait3A_72 = arith.constant 0 : i32
        %dma_wait3A_73 = tpu.memref_slice %arg8[%run_scoped3A_39, %dma_wait3A_71, %dma_wait3A_72] : memref<2x128x128xf32, #tpu.memory_space<vmem>> -> memref<1x128x128xf32, #tpu.memory_space<vmem>>
        %dma_wait3A_74 = tpu.memref_squeeze %dma_wait3A_73 : memref<1x128x128xf32, #tpu.memory_space<vmem>> -> memref<128x128xf32, #tpu.memory_space<vmem>>
        tpu.wait_dma2 semaphore(%run_scoped3A_52 : memref<!tpu.dma_semaphore, #tpu.memory_space<semaphore_mem>>) src(%dma_wait3A_74 : memref<128x128xf32, #tpu.memory_space<vmem>>) dst(%dma_wait3A_70 : memref<128x128xf32, #tpu.memory_space<vmem_shared>>)
        tpu.yield
      }) : () -> ()
      %mul3A_40 = arith.constant 640 : i32
      %mul3A_41 = arith.muli %arg1, %mul3A_40 : i32
      %add3A_42 = arith.constant 384 : i32
      %add3A_43 = arith.addi %mul3A_41, %add3A_42 : i32
      %multiple_of3A_44 = tpu.assume_multiple %add3A_43, 8 : i32
      %run_scoped3A_45 = arith.constant 0 : i32
      "tpu.region"() ({
        %run_scoped3A_52 = tpu.sem_alloc : memref<!tpu.dma_semaphore, #tpu.memory_space<semaphore_mem>>
        %dma_start3A = arith.constant 0 : i32
        %dma_start3A_53 = arith.constant 0 : i32
        %dma_start3A_54 = tpu.memref_slice %arg8[%run_scoped3A_45, %dma_start3A, %dma_start3A_53] : memref<2x128x128xf32, #tpu.memory_space<vmem>> -> memref<1x128x128xf32, #tpu.memory_space<vmem>>
        %dma_start3A_55 = tpu.memref_squeeze %dma_start3A_54 : memref<1x128x128xf32, #tpu.memory_space<vmem>> -> memref<128x128xf32, #tpu.memory_space<vmem>>
        %dma_start3A_56 = arith.constant 0 : i32
        %dma_start3A_57 = tpu.memref_slice %arg9[%multiple_of3A_44, %dma_start3A_56] : memref<10240x128xf32, #tpu.memory_space<vmem_shared>> -> memref<128x128xf32, #tpu.memory_space<vmem_shared>>
        %dma_start3A_58 = arith.constant 0 : i32
        %dma_start3A_59 = tpu.memref_slice %arg9[%multiple_of3A_44, %dma_start3A_58] : memref<10240x128xf32, #tpu.memory_space<vmem_shared>> -> memref<128x128xf32, #tpu.memory_space<vmem_shared>>
        %dma_start3A_60 = arith.constant 0 : i32
        %dma_start3A_61 = arith.constant 0 : i32
        %dma_start3A_62 = tpu.memref_slice %arg8[%run_scoped3A_45, %dma_start3A_60, %dma_start3A_61] : memref<2x128x128xf32, #tpu.memory_space<vmem>> -> memref<1x128x128xf32, #tpu.memory_space<vmem>>
        %dma_start3A_63 = tpu.memref_squeeze %dma_start3A_62 : memref<1x128x128xf32, #tpu.memory_space<vmem>> -> memref<128x128xf32, #tpu.memory_space<vmem>>
        tpu.enqueue_dma source(%dma_start3A_63 : memref<128x128xf32, #tpu.memory_space<vmem>>) target(%dma_start3A_59 : memref<128x128xf32, #tpu.memory_space<vmem_shared>>) target_semaphore(%run_scoped3A_52 : memref<!tpu.dma_semaphore, #tpu.memory_space<semaphore_mem>>)
        %dma_wait3A = arith.constant 0 : i32
        %dma_wait3A_64 = arith.constant 0 : i32
        %dma_wait3A_65 = tpu.memref_slice %arg8[%run_scoped3A_45, %dma_wait3A, %dma_wait3A_64] : memref<2x128x128xf32, #tpu.memory_space<vmem>> -> memref<1x128x128xf32, #tpu.memory_space<vmem>>
        %dma_wait3A_66 = tpu.memref_squeeze %dma_wait3A_65 : memref<1x128x128xf32, #tpu.memory_space<vmem>> -> memref<128x128xf32, #tpu.memory_space<vmem>>
        %dma_wait3A_67 = arith.constant 0 : i32
        %dma_wait3A_68 = tpu.memref_slice %arg9[%multiple_of3A_44, %dma_wait3A_67] : memref<10240x128xf32, #tpu.memory_space<vmem_shared>> -> memref<128x128xf32, #tpu.memory_space<vmem_shared>>
        %dma_wait3A_69 = arith.constant 0 : i32
        %dma_wait3A_70 = tpu.memref_slice %arg9[%multiple_of3A_44, %dma_wait3A_69] : memref<10240x128xf32, #tpu.memory_space<vmem_shared>> -> memref<128x128xf32, #tpu.memory_space<vmem_shared>>
        %dma_wait3A_71 = arith.constant 0 : i32
        %dma_wait3A_72 = arith.constant 0 : i32
        %dma_wait3A_73 = tpu.memref_slice %arg8[%run_scoped3A_45, %dma_wait3A_71, %dma_wait3A_72] : memref<2x128x128xf32, #tpu.memory_space<vmem>> -> memref<1x128x128xf32, #tpu.memory_space<vmem>>
        %dma_wait3A_74 = tpu.memref_squeeze %dma_wait3A_73 : memref<1x128x128xf32, #tpu.memory_space<vmem>> -> memref<128x128xf32, #tpu.memory_space<vmem>>
        tpu.wait_dma2 semaphore(%run_scoped3A_52 : memref<!tpu.dma_semaphore, #tpu.memory_space<semaphore_mem>>) src(%dma_wait3A_74 : memref<128x128xf32, #tpu.memory_space<vmem>>) dst(%dma_wait3A_70 : memref<128x128xf32, #tpu.memory_space<vmem_shared>>)
        tpu.yield
      }) : () -> ()
      %mul3A_46 = arith.constant 640 : i32
      %mul3A_47 = arith.muli %arg1, %mul3A_46 : i32
      %add3A_48 = arith.constant 512 : i32
      %add3A_49 = arith.addi %mul3A_47, %add3A_48 : i32
      %multiple_of3A_50 = tpu.assume_multiple %add3A_49, 8 : i32
      %run_scoped3A_51 = arith.constant 0 : i32
      "tpu.region"() ({
        %run_scoped3A_52 = tpu.sem_alloc : memref<!tpu.dma_semaphore, #tpu.memory_space<semaphore_mem>>
        %dma_start3A = arith.constant 0 : i32
        %dma_start3A_53 = arith.constant 0 : i32
        %dma_start3A_54 = tpu.memref_slice %arg8[%run_scoped3A_51, %dma_start3A, %dma_start3A_53] : memref<2x128x128xf32, #tpu.memory_space<vmem>> -> memref<1x128x128xf32, #tpu.memory_space<vmem>>
        %dma_start3A_55 = tpu.memref_squeeze %dma_start3A_54 : memref<1x128x128xf32, #tpu.memory_space<vmem>> -> memref<128x128xf32, #tpu.memory_space<vmem>>
        %dma_start3A_56 = arith.constant 0 : i32
        %dma_start3A_57 = tpu.memref_slice %arg9[%multiple_of3A_50, %dma_start3A_56] : memref<10240x128xf32, #tpu.memory_space<vmem_shared>> -> memref<128x128xf32, #tpu.memory_space<vmem_shared>>
        %dma_start3A_58 = arith.constant 0 : i32
        %dma_start3A_59 = tpu.memref_slice %arg9[%multiple_of3A_50, %dma_start3A_58] : memref<10240x128xf32, #tpu.memory_space<vmem_shared>> -> memref<128x128xf32, #tpu.memory_space<vmem_shared>>
        %dma_start3A_60 = arith.constant 0 : i32
        %dma_start3A_61 = arith.constant 0 : i32
        %dma_start3A_62 = tpu.memref_slice %arg8[%run_scoped3A_51, %dma_start3A_60, %dma_start3A_61] : memref<2x128x128xf32, #tpu.memory_space<vmem>> -> memref<1x128x128xf32, #tpu.memory_space<vmem>>
        %dma_start3A_63 = tpu.memref_squeeze %dma_start3A_62 : memref<1x128x128xf32, #tpu.memory_space<vmem>> -> memref<128x128xf32, #tpu.memory_space<vmem>>
        tpu.enqueue_dma source(%dma_start3A_63 : memref<128x128xf32, #tpu.memory_space<vmem>>) target(%dma_start3A_59 : memref<128x128xf32, #tpu.memory_space<vmem_shared>>) target_semaphore(%run_scoped3A_52 : memref<!tpu.dma_semaphore, #tpu.memory_space<semaphore_mem>>)
        %dma_wait3A = arith.constant 0 : i32
        %dma_wait3A_64 = arith.constant 0 : i32
        %dma_wait3A_65 = tpu.memref_slice %arg8[%run_scoped3A_51, %dma_wait3A, %dma_wait3A_64] : memref<2x128x128xf32, #tpu.memory_space<vmem>> -> memref<1x128x128xf32, #tpu.memory_space<vmem>>
        %dma_wait3A_66 = tpu.memref_squeeze %dma_wait3A_65 : memref<1x128x128xf32, #tpu.memory_space<vmem>> -> memref<128x128xf32, #tpu.memory_space<vmem>>
        %dma_wait3A_67 = arith.constant 0 : i32
        %dma_wait3A_68 = tpu.memref_slice %arg9[%multiple_of3A_50, %dma_wait3A_67] : memref<10240x128xf32, #tpu.memory_space<vmem_shared>> -> memref<128x128xf32, #tpu.memory_space<vmem_shared>>
        %dma_wait3A_69 = arith.constant 0 : i32
        %dma_wait3A_70 = tpu.memref_slice %arg9[%multiple_of3A_50, %dma_wait3A_69] : memref<10240x128xf32, #tpu.memory_space<vmem_shared>> -> memref<128x128xf32, #tpu.memory_space<vmem_shared>>
        %dma_wait3A_71 = arith.constant 0 : i32
        %dma_wait3A_72 = arith.constant 0 : i32
        %dma_wait3A_73 = tpu.memref_slice %arg8[%run_scoped3A_51, %dma_wait3A_71, %dma_wait3A_72] : memref<2x128x128xf32, #tpu.memory_space<vmem>> -> memref<1x128x128xf32, #tpu.memory_space<vmem>>
        %dma_wait3A_74 = tpu.memref_squeeze %dma_wait3A_73 : memref<1x128x128xf32, #tpu.memory_space<vmem>> -> memref<128x128xf32, #tpu.memory_space<vmem>>
        tpu.wait_dma2 semaphore(%run_scoped3A_52 : memref<!tpu.dma_semaphore, #tpu.memory_space<semaphore_mem>>) src(%dma_wait3A_74 : memref<128x128xf32, #tpu.memory_space<vmem>>) dst(%dma_wait3A_70 : memref<128x128xf32, #tpu.memory_space<vmem_shared>>)
        tpu.yield
      }) : () -> ()
    } else {
    }
    %barrier3A = arith.constant 0 : index
    tpu.barrier barrier_id(%barrier3A)
    %scan3A = arith.constant 0 : i32
    %scan3A_7 = arith.constant 0 : i32
    %scan3A_8 = arith.constant 2 : i32
    %scan3A_9 = arith.addi %scan3A_7, %scan3A_8 : i32
    %scan3A_10 = arith.constant 1 : i32
    scf.for %scan3A_17 = %scan3A_7 to %scan3A_9 step %scan3A_10  : i32 {
      %mul3A_18 = arith.constant 40 : i32
      %mul3A_19 = arith.muli %scan3A_17, %mul3A_18 : i32
      %multiple_of3A = tpu.assume_multiple %mul3A_19, 8 : i32
      "tpu.region"() ({
        %run_scoped3A = tpu.sem_alloc : memref<!tpu.dma_semaphore, #tpu.memory_space<semaphore_mem>>
        %dma_start3A_55 = arith.constant 0 : i32
        %dma_start3A_56 = tpu.memref_slice %arg2[%add3A, %multiple_of3A, %dma_start3A_55] : memref<32x80x128xi32, #tpu.memory_space<hbm>> -> memref<1x40x128xi32, #tpu.memory_space<hbm>>
        %dma_start3A_57 = tpu.memref_squeeze %dma_start3A_56 : memref<1x40x128xi32, #tpu.memory_space<hbm>> -> memref<40x128xi32, #tpu.memory_space<hbm>>
        %dma_start3A_58 = arith.constant 0 : i32
        %dma_start3A_59 = tpu.memref_slice %arg2[%add3A, %multiple_of3A, %dma_start3A_58] : memref<32x80x128xi32, #tpu.memory_space<hbm>> -> memref<1x40x128xi32, #tpu.memory_space<hbm>>
        %dma_start3A_60 = tpu.memref_squeeze %dma_start3A_59 : memref<1x40x128xi32, #tpu.memory_space<hbm>> -> memref<40x128xi32, #tpu.memory_space<hbm>>
        tpu.enqueue_dma source(%dma_start3A_60 : memref<40x128xi32, #tpu.memory_space<hbm>>) target(%arg6 : memref<40x128xi32, #tpu.memory_space<vmem>>) target_semaphore(%run_scoped3A : memref<!tpu.dma_semaphore, #tpu.memory_space<semaphore_mem>>)
        %dma_wait3A = arith.constant 0 : i32
        %dma_wait3A_61 = tpu.memref_slice %arg2[%add3A, %multiple_of3A, %dma_wait3A] : memref<32x80x128xi32, #tpu.memory_space<hbm>> -> memref<1x40x128xi32, #tpu.memory_space<hbm>>
        %dma_wait3A_62 = tpu.memref_squeeze %dma_wait3A_61 : memref<1x40x128xi32, #tpu.memory_space<hbm>> -> memref<40x128xi32, #tpu.memory_space<hbm>>
        %dma_wait3A_63 = arith.constant 0 : i32
        %dma_wait3A_64 = tpu.memref_slice %arg2[%add3A, %multiple_of3A, %dma_wait3A_63] : memref<32x80x128xi32, #tpu.memory_space<hbm>> -> memref<1x40x128xi32, #tpu.memory_space<hbm>>
        %dma_wait3A_65 = tpu.memref_squeeze %dma_wait3A_64 : memref<1x40x128xi32, #tpu.memory_space<hbm>> -> memref<40x128xi32, #tpu.memory_space<hbm>>
        tpu.wait_dma2 semaphore(%run_scoped3A : memref<!tpu.dma_semaphore, #tpu.memory_space<semaphore_mem>>) src(%dma_wait3A_65 : memref<40x128xi32, #tpu.memory_space<hbm>>) dst(%arg6 : memref<40x128xi32, #tpu.memory_space<vmem>>)
        tpu.yield
      }) : () -> ()
      "tpu.region"() ({
        %run_scoped3A = tpu.sem_alloc : memref<!tpu.dma_semaphore, #tpu.memory_space<semaphore_mem>>
        %dma_start3A_55 = arith.constant 0 : i32
        %dma_start3A_56 = tpu.memref_slice %arg3[%add3A, %multiple_of3A, %dma_start3A_55] : memref<32x80x128xi32, #tpu.memory_space<hbm>> -> memref<1x40x128xi32, #tpu.memory_space<hbm>>
        %dma_start3A_57 = tpu.memref_squeeze %dma_start3A_56 : memref<1x40x128xi32, #tpu.memory_space<hbm>> -> memref<40x128xi32, #tpu.memory_space<hbm>>
        %dma_start3A_58 = arith.constant 0 : i32
        %dma_start3A_59 = tpu.memref_slice %arg3[%add3A, %multiple_of3A, %dma_start3A_58] : memref<32x80x128xi32, #tpu.memory_space<hbm>> -> memref<1x40x128xi32, #tpu.memory_space<hbm>>
        %dma_start3A_60 = tpu.memref_squeeze %dma_start3A_59 : memref<1x40x128xi32, #tpu.memory_space<hbm>> -> memref<40x128xi32, #tpu.memory_space<hbm>>
        tpu.enqueue_dma source(%dma_start3A_60 : memref<40x128xi32, #tpu.memory_space<hbm>>) target(%arg7 : memref<40x128xi32, #tpu.memory_space<vmem>>) target_semaphore(%run_scoped3A : memref<!tpu.dma_semaphore, #tpu.memory_space<semaphore_mem>>)
        %dma_wait3A = arith.constant 0 : i32
        %dma_wait3A_61 = tpu.memref_slice %arg3[%add3A, %multiple_of3A, %dma_wait3A] : memref<32x80x128xi32, #tpu.memory_space<hbm>> -> memref<1x40x128xi32, #tpu.memory_space<hbm>>
        %dma_wait3A_62 = tpu.memref_squeeze %dma_wait3A_61 : memref<1x40x128xi32, #tpu.memory_space<hbm>> -> memref<40x128xi32, #tpu.memory_space<hbm>>
        %dma_wait3A_63 = arith.constant 0 : i32
        %dma_wait3A_64 = tpu.memref_slice %arg3[%add3A, %multiple_of3A, %dma_wait3A_63] : memref<32x80x128xi32, #tpu.memory_space<hbm>> -> memref<1x40x128xi32, #tpu.memory_space<hbm>>
        %dma_wait3A_65 = tpu.memref_squeeze %dma_wait3A_64 : memref<1x40x128xi32, #tpu.memory_space<hbm>> -> memref<40x128xi32, #tpu.memory_space<hbm>>
        tpu.wait_dma2 semaphore(%run_scoped3A : memref<!tpu.dma_semaphore, #tpu.memory_space<semaphore_mem>>) src(%dma_wait3A_65 : memref<40x128xi32, #tpu.memory_space<hbm>>) dst(%arg7 : memref<40x128xi32, #tpu.memory_space<vmem>>)
        tpu.yield
      }) : () -> ()
      %dma_start3A = arith.constant 0 : i32
      %dma_start3A_20 = arith.constant 0 : i32
      %dma_start3A_21 = arith.constant 0 : i32
      %dma_start3A_22 = arith.constant 0 : i32
      %dma_start3A_23 = arith.constant 0 : i32
      %dma_start3A_24 = tpu.memref_slice %arg8[%dma_start3A_20, %dma_start3A_22, %dma_start3A_23] : memref<2x128x128xf32, #tpu.memory_space<vmem>> -> memref<1x64x128xf32, #tpu.memory_space<vmem>>
      %dma_start3A_25 = tpu.memref_squeeze %dma_start3A_24 : memref<1x64x128xf32, #tpu.memory_space<vmem>> -> memref<64x128xf32, #tpu.memory_space<vmem>>
      %dma_start3A_26 = arith.constant 0 : i32
      %dma_start3A_27 = tpu.memref_slice %arg6[%dma_start3A, %dma_start3A_26] : memref<40x128xi32, #tpu.memory_space<vmem>> -> memref<1x64xi32, #tpu.memory_space<vmem>>
      %dma_start3A_28 = tpu.memref_squeeze %dma_start3A_27 : memref<1x64xi32, #tpu.memory_space<vmem>> -> memref<64xi32, #tpu.memory_space<vmem>>
      %dma_start3A_29 = arith.constant 0 : i32
      %dma_start3A_30 = arith.constant 0 : i32
      %dma_start3A_31 = tpu.memref_slice %arg4[%dma_start3A_29, %dma_start3A_30] : memref<10240x128xf32, #tpu.memory_space<hbm>> -> memref<10240x128xf32, #tpu.memory_space<hbm>>
      %dma_start3A_32 = tpu.memref_slice %arg10[%dma_start3A_21] : memref<2x!tpu.dma_semaphore, #tpu.memory_space<semaphore_mem>> -> memref<1x!tpu.dma_semaphore, #tpu.memory_space<semaphore_mem>>
      %dma_start3A_33 = tpu.memref_squeeze %dma_start3A_32 : memref<1x!tpu.dma_semaphore, #tpu.memory_space<semaphore_mem>> -> memref<!tpu.dma_semaphore, #tpu.memory_space<semaphore_mem>>
      tpu.enqueue_indirect_dma source(%dma_start3A_31 : memref<10240x128xf32, #tpu.memory_space<hbm>>) target(%dma_start3A_25 : memref<64x128xf32, #tpu.memory_space<vmem>>) offsets(%dma_start3A_28 : memref<64xi32, #tpu.memory_space<vmem>>) semaphore(%dma_start3A_33 : memref<!tpu.dma_semaphore, #tpu.memory_space<semaphore_mem>>)
      %dma_start3A_34 = arith.constant 0 : i32
      %dma_start3A_35 = arith.constant 0 : i32
      %dma_start3A_36 = arith.constant 0 : i32
      %dma_start3A_37 = arith.constant 64 : i32
      %dma_start3A_38 = arith.constant 0 : i32
      %dma_start3A_39 = tpu.memref_slice %arg8[%dma_start3A_35, %dma_start3A_37, %dma_start3A_38] : memref<2x128x128xf32, #tpu.memory_space<vmem>> -> memref<1x64x128xf32, #tpu.memory_space<vmem>>
      %dma_start3A_40 = tpu.memref_squeeze %dma_start3A_39 : memref<1x64x128xf32, #tpu.memory_space<vmem>> -> memref<64x128xf32, #tpu.memory_space<vmem>>
      %dma_start3A_41 = arith.constant 64 : i32
      %dma_start3A_42 = tpu.memref_slice %arg6[%dma_start3A_34, %dma_start3A_41] : memref<40x128xi32, #tpu.memory_space<vmem>> -> memref<1x64xi32, #tpu.memory_space<vmem>>
      %dma_start3A_43 = tpu.memref_squeeze %dma_start3A_42 : memref<1x64xi32, #tpu.memory_space<vmem>> -> memref<64xi32, #tpu.memory_space<vmem>>
      %dma_start3A_44 = arith.constant 0 : i32
      %dma_start3A_45 = arith.constant 0 : i32
      %dma_start3A_46 = tpu.memref_slice %arg4[%dma_start3A_44, %dma_start3A_45] : memref<10240x128xf32, #tpu.memory_space<hbm>> -> memref<10240x128xf32, #tpu.memory_space<hbm>>
      %dma_start3A_47 = tpu.memref_slice %arg10[%dma_start3A_36] : memref<2x!tpu.dma_semaphore, #tpu.memory_space<semaphore_mem>> -> memref<1x!tpu.dma_semaphore, #tpu.memory_space<semaphore_mem>>
      %dma_start3A_48 = tpu.memref_squeeze %dma_start3A_47 : memref<1x!tpu.dma_semaphore, #tpu.memory_space<semaphore_mem>> -> memref<!tpu.dma_semaphore, #tpu.memory_space<semaphore_mem>>
      tpu.enqueue_indirect_dma source(%dma_start3A_46 : memref<10240x128xf32, #tpu.memory_space<hbm>>) target(%dma_start3A_40 : memref<64x128xf32, #tpu.memory_space<vmem>>) offsets(%dma_start3A_43 : memref<64xi32, #tpu.memory_space<vmem>>) semaphore(%dma_start3A_48 : memref<!tpu.dma_semaphore, #tpu.memory_space<semaphore_mem>>)
      %scan3A_49 = arith.constant 0 : i32
      %scan3A_50 = arith.constant 0 : i32
      %scan3A_51 = arith.constant 20 : i32
      %scan3A_52 = arith.addi %scan3A_50, %scan3A_51 : i32
      %scan3A_53 = arith.constant 1 : i32
      scf.for %scan3A_55 = %scan3A_50 to %scan3A_52 step %scan3A_53  : i32 {
        %mul3A_56 = arith.constant 2 : i32
        %mul3A_57 = arith.muli %mul3A_56, %scan3A_55 : i32
        %add3A_58 = arith.constant 1 : i32
        %add3A_59 = arith.addi %mul3A_57, %add3A_58 : i32
        %dma_start3A_60 = arith.constant 1 : i32
        %dma_start3A_61 = arith.constant 1 : i32
        %dma_start3A_62 = arith.constant 0 : i32
        %dma_start3A_63 = arith.constant 0 : i32
        %dma_start3A_64 = tpu.memref_slice %arg8[%dma_start3A_60, %dma_start3A_62, %dma_start3A_63] : memref<2x128x128xf32, #tpu.memory_space<vmem>> -> memref<1x64x128xf32, #tpu.memory_space<vmem>>
        %dma_start3A_65 = tpu.memref_squeeze %dma_start3A_64 : memref<1x64x128xf32, #tpu.memory_space<vmem>> -> memref<64x128xf32, #tpu.memory_space<vmem>>
        %dma_start3A_66 = arith.constant 0 : i32
        %dma_start3A_67 = tpu.memref_slice %arg6[%add3A_59, %dma_start3A_66] : memref<40x128xi32, #tpu.memory_space<vmem>> -> memref<1x64xi32, #tpu.memory_space<vmem>>
        %dma_start3A_68 = tpu.memref_squeeze %dma_start3A_67 : memref<1x64xi32, #tpu.memory_space<vmem>> -> memref<64xi32, #tpu.memory_space<vmem>>
        %dma_start3A_69 = arith.constant 0 : i32
        %dma_start3A_70 = arith.constant 0 : i32
        %dma_start3A_71 = tpu.memref_slice %arg4[%dma_start3A_69, %dma_start3A_70] : memref<10240x128xf32, #tpu.memory_space<hbm>> -> memref<10240x128xf32, #tpu.memory_space<hbm>>
        %dma_start3A_72 = tpu.memref_slice %arg10[%dma_start3A_61] : memref<2x!tpu.dma_semaphore, #tpu.memory_space<semaphore_mem>> -> memref<1x!tpu.dma_semaphore, #tpu.memory_space<semaphore_mem>>
        %dma_start3A_73 = tpu.memref_squeeze %dma_start3A_72 : memref<1x!tpu.dma_semaphore, #tpu.memory_space<semaphore_mem>> -> memref<!tpu.dma_semaphore, #tpu.memory_space<semaphore_mem>>
        tpu.enqueue_indirect_dma source(%dma_start3A_71 : memref<10240x128xf32, #tpu.memory_space<hbm>>) target(%dma_start3A_65 : memref<64x128xf32, #tpu.memory_space<vmem>>) offsets(%dma_start3A_68 : memref<64xi32, #tpu.memory_space<vmem>>) semaphore(%dma_start3A_73 : memref<!tpu.dma_semaphore, #tpu.memory_space<semaphore_mem>>)
        %dma_start3A_74 = arith.constant 1 : i32
        %dma_start3A_75 = arith.constant 1 : i32
        %dma_start3A_76 = arith.constant 64 : i32
        %dma_start3A_77 = arith.constant 0 : i32
        %dma_start3A_78 = tpu.memref_slice %arg8[%dma_start3A_74, %dma_start3A_76, %dma_start3A_77] : memref<2x128x128xf32, #tpu.memory_space<vmem>> -> memref<1x64x128xf32, #tpu.memory_space<vmem>>
        %dma_start3A_79 = tpu.memref_squeeze %dma_start3A_78 : memref<1x64x128xf32, #tpu.memory_space<vmem>> -> memref<64x128xf32, #tpu.memory_space<vmem>>
        %dma_start3A_80 = arith.constant 64 : i32
        %dma_start3A_81 = tpu.memref_slice %arg6[%add3A_59, %dma_start3A_80] : memref<40x128xi32, #tpu.memory_space<vmem>> -> memref<1x64xi32, #tpu.memory_space<vmem>>
        %dma_start3A_82 = tpu.memref_squeeze %dma_start3A_81 : memref<1x64xi32, #tpu.memory_space<vmem>> -> memref<64xi32, #tpu.memory_space<vmem>>
        %dma_start3A_83 = arith.constant 0 : i32
        %dma_start3A_84 = arith.constant 0 : i32
        %dma_start3A_85 = tpu.memref_slice %arg4[%dma_start3A_83, %dma_start3A_84] : memref<10240x128xf32, #tpu.memory_space<hbm>> -> memref<10240x128xf32, #tpu.memory_space<hbm>>
        %dma_start3A_86 = tpu.memref_slice %arg10[%dma_start3A_75] : memref<2x!tpu.dma_semaphore, #tpu.memory_space<semaphore_mem>> -> memref<1x!tpu.dma_semaphore, #tpu.memory_space<semaphore_mem>>
        %dma_start3A_87 = tpu.memref_squeeze %dma_start3A_86 : memref<1x!tpu.dma_semaphore, #tpu.memory_space<semaphore_mem>> -> memref<!tpu.dma_semaphore, #tpu.memory_space<semaphore_mem>>
        tpu.enqueue_indirect_dma source(%dma_start3A_85 : memref<10240x128xf32, #tpu.memory_space<hbm>>) target(%dma_start3A_79 : memref<64x128xf32, #tpu.memory_space<vmem>>) offsets(%dma_start3A_82 : memref<64xi32, #tpu.memory_space<vmem>>) semaphore(%dma_start3A_87 : memref<!tpu.dma_semaphore, #tpu.memory_space<semaphore_mem>>)
        %dma_wait3A = arith.constant 0 : i32
        %dma_wait3A_88 = arith.constant 0 : i32
        %dma_wait3A_89 = arith.constant 0 : i32
        %dma_wait3A_90 = arith.constant 0 : i32
        %dma_wait3A_91 = tpu.memref_slice %arg8[%dma_wait3A, %dma_wait3A_89, %dma_wait3A_90] : memref<2x128x128xf32, #tpu.memory_space<vmem>> -> memref<1x128x128xf32, #tpu.memory_space<vmem>>
        %dma_wait3A_92 = tpu.memref_squeeze %dma_wait3A_91 : memref<1x128x128xf32, #tpu.memory_space<vmem>> -> memref<128x128xf32, #tpu.memory_space<vmem>>
        %dma_wait3A_93 = arith.constant 0 : i32
        %dma_wait3A_94 = arith.constant 0 : i32
        %dma_wait3A_95 = tpu.memref_slice %arg4[%dma_wait3A_93, %dma_wait3A_94] : memref<10240x128xf32, #tpu.memory_space<hbm>> -> memref<128x128xf32, #tpu.memory_space<hbm>>
        %dma_wait3A_96 = tpu.memref_slice %arg10[%dma_wait3A_88] : memref<2x!tpu.dma_semaphore, #tpu.memory_space<semaphore_mem>> -> memref<1x!tpu.dma_semaphore, #tpu.memory_space<semaphore_mem>>
        %dma_wait3A_97 = tpu.memref_squeeze %dma_wait3A_96 : memref<1x!tpu.dma_semaphore, #tpu.memory_space<semaphore_mem>> -> memref<!tpu.dma_semaphore, #tpu.memory_space<semaphore_mem>>
        %dma_wait3A_98 = arith.constant 0 : i32
        %dma_wait3A_99 = arith.constant 0 : i32
        %dma_wait3A_100 = tpu.memref_slice %arg8[%dma_wait3A, %dma_wait3A_98, %dma_wait3A_99] : memref<2x128x128xf32, #tpu.memory_space<vmem>> -> memref<1x128x128xf32, #tpu.memory_space<vmem>>
        %dma_wait3A_101 = tpu.memref_squeeze %dma_wait3A_100 : memref<1x128x128xf32, #tpu.memory_space<vmem>> -> memref<128x128xf32, #tpu.memory_space<vmem>>
        %dma_wait3A_102 = arith.constant 0 : i32
        %dma_wait3A_103 = arith.constant 0 : i32
        %dma_wait3A_104 = tpu.memref_slice %arg4[%dma_wait3A_102, %dma_wait3A_103] : memref<10240x128xf32, #tpu.memory_space<hbm>> -> memref<128x128xf32, #tpu.memory_space<hbm>>
        tpu.wait_dma2 semaphore(%dma_wait3A_97 : memref<!tpu.dma_semaphore, #tpu.memory_space<semaphore_mem>>) src(%dma_wait3A_104 : memref<128x128xf32, #tpu.memory_space<hbm>>) dst(%dma_wait3A_101 : memref<128x128xf32, #tpu.memory_space<vmem>>)
        %run_scoped3A = arith.constant 0 : i32
        "tpu.region"() ({
          %run_scoped3A_130 = tpu.sem_alloc : memref<!tpu.dma_semaphore, #tpu.memory_space<semaphore_mem>>
          %dma_start3A_131 = arith.constant 0 : i32
          %dma_start3A_132 = arith.constant 0 : i32
          %dma_start3A_133 = tpu.memref_slice %arg8[%run_scoped3A, %dma_start3A_131, %dma_start3A_132] : memref<2x128x128xf32, #tpu.memory_space<vmem>> -> memref<1x128x128xf32, #tpu.memory_space<vmem>>
          %dma_start3A_134 = tpu.memref_squeeze %dma_start3A_133 : memref<1x128x128xf32, #tpu.memory_space<vmem>> -> memref<128x128xf32, #tpu.memory_space<vmem>>
          %dma_start3A_135 = arith.constant 0 : i32
          %dma_start3A_136 = tpu.memref_slice %arg7[%mul3A_57, %dma_start3A_135] : memref<40x128xi32, #tpu.memory_space<vmem>> -> memref<1x128xi32, #tpu.memory_space<vmem>>
          %dma_start3A_137 = tpu.memref_squeeze %dma_start3A_136 : memref<1x128xi32, #tpu.memory_space<vmem>> -> memref<128xi32, #tpu.memory_space<vmem>>
          %dma_start3A_138 = arith.constant 0 : i32
          %dma_start3A_139 = arith.constant 0 : i32
          %dma_start3A_140 = tpu.memref_slice %arg9[%dma_start3A_138, %dma_start3A_139] : memref<10240x128xf32, #tpu.memory_space<vmem_shared>> -> memref<10240x128xf32, #tpu.memory_space<vmem_shared>>
          tpu.enqueue_indirect_dma source(%dma_start3A_134 : memref<128x128xf32, #tpu.memory_space<vmem>>) target(%dma_start3A_140 : memref<10240x128xf32, #tpu.memory_space<vmem_shared>>) offsets(%dma_start3A_137 : memref<128xi32, #tpu.memory_space<vmem>>) semaphore(%run_scoped3A_130 : memref<!tpu.dma_semaphore, #tpu.memory_space<semaphore_mem>>) {add = true}
          %dma_wait3A_141 = arith.constant 0 : i32
          %dma_wait3A_142 = arith.constant 0 : i32
          %dma_wait3A_143 = tpu.memref_slice %arg8[%run_scoped3A, %dma_wait3A_141, %dma_wait3A_142] : memref<2x128x128xf32, #tpu.memory_space<vmem>> -> memref<1x128x128xf32, #tpu.memory_space<vmem>>
          %dma_wait3A_144 = tpu.memref_squeeze %dma_wait3A_143 : memref<1x128x128xf32, #tpu.memory_space<vmem>> -> memref<128x128xf32, #tpu.memory_space<vmem>>
          %dma_wait3A_145 = arith.constant 0 : i32
          %dma_wait3A_146 = tpu.memref_slice %arg7[%mul3A_57, %dma_wait3A_145] : memref<40x128xi32, #tpu.memory_space<vmem>> -> memref<1x128xi32, #tpu.memory_space<vmem>>
          %dma_wait3A_147 = tpu.memref_squeeze %dma_wait3A_146 : memref<1x128xi32, #tpu.memory_space<vmem>> -> memref<128xi32, #tpu.memory_space<vmem>>
          %dma_wait3A_148 = arith.constant 0 : i32
          %dma_wait3A_149 = arith.constant 0 : i32
          %dma_wait3A_150 = tpu.memref_slice %arg9[%dma_wait3A_148, %dma_wait3A_149] : memref<10240x128xf32, #tpu.memory_space<vmem_shared>> -> memref<10240x128xf32, #tpu.memory_space<vmem_shared>>
          tpu.wait_indirect_dma semaphore(%run_scoped3A_130 : memref<!tpu.dma_semaphore, #tpu.memory_space<semaphore_mem>>) src(%dma_wait3A_144 : memref<128x128xf32, #tpu.memory_space<vmem>>) dst(%dma_wait3A_150 : memref<10240x128xf32, #tpu.memory_space<vmem_shared>>)
          tpu.yield
        }) : () -> ()
        %lt3A = arith.constant 19 : i32
        %lt3A_105 = arith.cmpi slt, %scan3A_55, %lt3A : i32
        %convert_element_type3A_106 = arith.extui %lt3A_105 : i1 to i32
        %cond3A_107 = arith.constant 0 : i32
        %cond3A_108 = arith.cmpi ne, %convert_element_type3A_106, %cond3A_107 : i32
        scf.if %cond3A_108 {
          %add3A_130 = arith.constant 2 : i32
          %add3A_131 = arith.addi %mul3A_57, %add3A_130 : i32
          %dma_start3A_132 = arith.constant 0 : i32
          %dma_start3A_133 = arith.constant 0 : i32
          %dma_start3A_134 = arith.constant 0 : i32
          %dma_start3A_135 = arith.constant 0 : i32
          %dma_start3A_136 = tpu.memref_slice %arg8[%dma_start3A_132, %dma_start3A_134, %dma_start3A_135] : memref<2x128x128xf32, #tpu.memory_space<vmem>> -> memref<1x64x128xf32, #tpu.memory_space<vmem>>
          %dma_start3A_137 = tpu.memref_squeeze %dma_start3A_136 : memref<1x64x128xf32, #tpu.memory_space<vmem>> -> memref<64x128xf32, #tpu.memory_space<vmem>>
          %dma_start3A_138 = arith.constant 0 : i32
          %dma_start3A_139 = tpu.memref_slice %arg6[%add3A_131, %dma_start3A_138] : memref<40x128xi32, #tpu.memory_space<vmem>> -> memref<1x64xi32, #tpu.memory_space<vmem>>
          %dma_start3A_140 = tpu.memref_squeeze %dma_start3A_139 : memref<1x64xi32, #tpu.memory_space<vmem>> -> memref<64xi32, #tpu.memory_space<vmem>>
          %dma_start3A_141 = arith.constant 0 : i32
          %dma_start3A_142 = arith.constant 0 : i32
          %dma_start3A_143 = tpu.memref_slice %arg4[%dma_start3A_141, %dma_start3A_142] : memref<10240x128xf32, #tpu.memory_space<hbm>> -> memref<10240x128xf32, #tpu.memory_space<hbm>>
          %dma_start3A_144 = tpu.memref_slice %arg10[%dma_start3A_133] : memref<2x!tpu.dma_semaphore, #tpu.memory_space<semaphore_mem>> -> memref<1x!tpu.dma_semaphore, #tpu.memory_space<semaphore_mem>>
          %dma_start3A_145 = tpu.memref_squeeze %dma_start3A_144 : memref<1x!tpu.dma_semaphore, #tpu.memory_space<semaphore_mem>> -> memref<!tpu.dma_semaphore, #tpu.memory_space<semaphore_mem>>
          tpu.enqueue_indirect_dma source(%dma_start3A_143 : memref<10240x128xf32, #tpu.memory_space<hbm>>) target(%dma_start3A_137 : memref<64x128xf32, #tpu.memory_space<vmem>>) offsets(%dma_start3A_140 : memref<64xi32, #tpu.memory_space<vmem>>) semaphore(%dma_start3A_145 : memref<!tpu.dma_semaphore, #tpu.memory_space<semaphore_mem>>)
          %dma_start3A_146 = arith.constant 0 : i32
          %dma_start3A_147 = arith.constant 0 : i32
          %dma_start3A_148 = arith.constant 64 : i32
          %dma_start3A_149 = arith.constant 0 : i32
          %dma_start3A_150 = tpu.memref_slice %arg8[%dma_start3A_146, %dma_start3A_148, %dma_start3A_149] : memref<2x128x128xf32, #tpu.memory_space<vmem>> -> memref<1x64x128xf32, #tpu.memory_space<vmem>>
          %dma_start3A_151 = tpu.memref_squeeze %dma_start3A_150 : memref<1x64x128xf32, #tpu.memory_space<vmem>> -> memref<64x128xf32, #tpu.memory_space<vmem>>
          %dma_start3A_152 = arith.constant 64 : i32
          %dma_start3A_153 = tpu.memref_slice %arg6[%add3A_131, %dma_start3A_152] : memref<40x128xi32, #tpu.memory_space<vmem>> -> memref<1x64xi32, #tpu.memory_space<vmem>>
          %dma_start3A_154 = tpu.memref_squeeze %dma_start3A_153 : memref<1x64xi32, #tpu.memory_space<vmem>> -> memref<64xi32, #tpu.memory_space<vmem>>
          %dma_start3A_155 = arith.constant 0 : i32
          %dma_start3A_156 = arith.constant 0 : i32
          %dma_start3A_157 = tpu.memref_slice %arg4[%dma_start3A_155, %dma_start3A_156] : memref<10240x128xf32, #tpu.memory_space<hbm>> -> memref<10240x128xf32, #tpu.memory_space<hbm>>
          %dma_start3A_158 = tpu.memref_slice %arg10[%dma_start3A_147] : memref<2x!tpu.dma_semaphore, #tpu.memory_space<semaphore_mem>> -> memref<1x!tpu.dma_semaphore, #tpu.memory_space<semaphore_mem>>
          %dma_start3A_159 = tpu.memref_squeeze %dma_start3A_158 : memref<1x!tpu.dma_semaphore, #tpu.memory_space<semaphore_mem>> -> memref<!tpu.dma_semaphore, #tpu.memory_space<semaphore_mem>>
          tpu.enqueue_indirect_dma source(%dma_start3A_157 : memref<10240x128xf32, #tpu.memory_space<hbm>>) target(%dma_start3A_151 : memref<64x128xf32, #tpu.memory_space<vmem>>) offsets(%dma_start3A_154 : memref<64xi32, #tpu.memory_space<vmem>>) semaphore(%dma_start3A_159 : memref<!tpu.dma_semaphore, #tpu.memory_space<semaphore_mem>>)
        } else {
        }
        %dma_wait3A_109 = arith.constant 1 : i32
        %dma_wait3A_110 = arith.constant 1 : i32
        %dma_wait3A_111 = arith.constant 0 : i32
        %dma_wait3A_112 = arith.constant 0 : i32
        %dma_wait3A_113 = tpu.memref_slice %arg8[%dma_wait3A_109, %dma_wait3A_111, %dma_wait3A_112] : memref<2x128x128xf32, #tpu.memory_space<vmem>> -> memref<1x128x128xf32, #tpu.memory_space<vmem>>
        %dma_wait3A_114 = tpu.memref_squeeze %dma_wait3A_113 : memref<1x128x128xf32, #tpu.memory_space<vmem>> -> memref<128x128xf32, #tpu.memory_space<vmem>>
        %dma_wait3A_115 = arith.constant 0 : i32
        %dma_wait3A_116 = arith.constant 0 : i32
        %dma_wait3A_117 = tpu.memref_slice %arg4[%dma_wait3A_115, %dma_wait3A_116] : memref<10240x128xf32, #tpu.memory_space<hbm>> -> memref<128x128xf32, #tpu.memory_space<hbm>>
        %dma_wait3A_118 = tpu.memref_slice %arg10[%dma_wait3A_110] : memref<2x!tpu.dma_semaphore, #tpu.memory_space<semaphore_mem>> -> memref<1x!tpu.dma_semaphore, #tpu.memory_space<semaphore_mem>>
        %dma_wait3A_119 = tpu.memref_squeeze %dma_wait3A_118 : memref<1x!tpu.dma_semaphore, #tpu.memory_space<semaphore_mem>> -> memref<!tpu.dma_semaphore, #tpu.memory_space<semaphore_mem>>
        %dma_wait3A_120 = arith.constant 0 : i32
        %dma_wait3A_121 = arith.constant 0 : i32
        %dma_wait3A_122 = tpu.memref_slice %arg8[%dma_wait3A_109, %dma_wait3A_120, %dma_wait3A_121] : memref<2x128x128xf32, #tpu.memory_space<vmem>> -> memref<1x128x128xf32, #tpu.memory_space<vmem>>
        %dma_wait3A_123 = tpu.memref_squeeze %dma_wait3A_122 : memref<1x128x128xf32, #tpu.memory_space<vmem>> -> memref<128x128xf32, #tpu.memory_space<vmem>>
        %dma_wait3A_124 = arith.constant 0 : i32
        %dma_wait3A_125 = arith.constant 0 : i32
        %dma_wait3A_126 = tpu.memref_slice %arg4[%dma_wait3A_124, %dma_wait3A_125] : memref<10240x128xf32, #tpu.memory_space<hbm>> -> memref<128x128xf32, #tpu.memory_space<hbm>>
        tpu.wait_dma2 semaphore(%dma_wait3A_119 : memref<!tpu.dma_semaphore, #tpu.memory_space<semaphore_mem>>) src(%dma_wait3A_126 : memref<128x128xf32, #tpu.memory_space<hbm>>) dst(%dma_wait3A_123 : memref<128x128xf32, #tpu.memory_space<vmem>>)
        %add3A_127 = arith.constant 1 : i32
        %add3A_128 = arith.addi %mul3A_57, %add3A_127 : i32
        %run_scoped3A_129 = arith.constant 1 : i32
        "tpu.region"() ({
          %run_scoped3A_130 = tpu.sem_alloc : memref<!tpu.dma_semaphore, #tpu.memory_space<semaphore_mem>>
          %dma_start3A_131 = arith.constant 0 : i32
          %dma_start3A_132 = arith.constant 0 : i32
          %dma_start3A_133 = tpu.memref_slice %arg8[%run_scoped3A_129, %dma_start3A_131, %dma_start3A_132] : memref<2x128x128xf32, #tpu.memory_space<vmem>> -> memref<1x128x128xf32, #tpu.memory_space<vmem>>
          %dma_start3A_134 = tpu.memref_squeeze %dma_start3A_133 : memref<1x128x128xf32, #tpu.memory_space<vmem>> -> memref<128x128xf32, #tpu.memory_space<vmem>>
          %dma_start3A_135 = arith.constant 0 : i32
          %dma_start3A_136 = tpu.memref_slice %arg7[%add3A_128, %dma_start3A_135] : memref<40x128xi32, #tpu.memory_space<vmem>> -> memref<1x128xi32, #tpu.memory_space<vmem>>
          %dma_start3A_137 = tpu.memref_squeeze %dma_start3A_136 : memref<1x128xi32, #tpu.memory_space<vmem>> -> memref<128xi32, #tpu.memory_space<vmem>>
          %dma_start3A_138 = arith.constant 0 : i32
          %dma_start3A_139 = arith.constant 0 : i32
          %dma_start3A_140 = tpu.memref_slice %arg9[%dma_start3A_138, %dma_start3A_139] : memref<10240x128xf32, #tpu.memory_space<vmem_shared>> -> memref<10240x128xf32, #tpu.memory_space<vmem_shared>>
          tpu.enqueue_indirect_dma source(%dma_start3A_134 : memref<128x128xf32, #tpu.memory_space<vmem>>) target(%dma_start3A_140 : memref<10240x128xf32, #tpu.memory_space<vmem_shared>>) offsets(%dma_start3A_137 : memref<128xi32, #tpu.memory_space<vmem>>) semaphore(%run_scoped3A_130 : memref<!tpu.dma_semaphore, #tpu.memory_space<semaphore_mem>>) {add = true}
          %dma_wait3A_141 = arith.constant 0 : i32
          %dma_wait3A_142 = arith.constant 0 : i32
          %dma_wait3A_143 = tpu.memref_slice %arg8[%run_scoped3A_129, %dma_wait3A_141, %dma_wait3A_142] : memref<2x128x128xf32, #tpu.memory_space<vmem>> -> memref<1x128x128xf32, #tpu.memory_space<vmem>>
          %dma_wait3A_144 = tpu.memref_squeeze %dma_wait3A_143 : memref<1x128x128xf32, #tpu.memory_space<vmem>> -> memref<128x128xf32, #tpu.memory_space<vmem>>
          %dma_wait3A_145 = arith.constant 0 : i32
          %dma_wait3A_146 = tpu.memref_slice %arg7[%add3A_128, %dma_wait3A_145] : memref<40x128xi32, #tpu.memory_space<vmem>> -> memref<1x128xi32, #tpu.memory_space<vmem>>
          %dma_wait3A_147 = tpu.memref_squeeze %dma_wait3A_146 : memref<1x128xi32, #tpu.memory_space<vmem>> -> memref<128xi32, #tpu.memory_space<vmem>>
          %dma_wait3A_148 = arith.constant 0 : i32
          %dma_wait3A_149 = arith.constant 0 : i32
          %dma_wait3A_150 = tpu.memref_slice %arg9[%dma_wait3A_148, %dma_wait3A_149] : memref<10240x128xf32, #tpu.memory_space<vmem_shared>> -> memref<10240x128xf32, #tpu.memory_space<vmem_shared>>
          tpu.wait_indirect_dma semaphore(%run_scoped3A_130 : memref<!tpu.dma_semaphore, #tpu.memory_space<semaphore_mem>>) src(%dma_wait3A_144 : memref<128x128xf32, #tpu.memory_space<vmem>>) dst(%dma_wait3A_150 : memref<10240x128xf32, #tpu.memory_space<vmem_shared>>)
          tpu.yield
        }) : () -> ()
      }
      %scan3A_54 = arith.constant 20 : i32
    }
    %scan3A_11 = arith.constant 2 : i32
    %barrier3A_12 = arith.constant 0 : index
    tpu.barrier barrier_id(%barrier3A_12)
    %mul3A_13 = arith.constant 640 : i32
    %mul3A_14 = arith.muli %arg1, %mul3A_13 : i32
    %mul3A_15 = arith.constant 640 : i32
    %mul3A_16 = arith.muli %arg1, %mul3A_15 : i32
    "tpu.region"() ({
      %run_scoped3A = tpu.sem_alloc : memref<!tpu.dma_semaphore, #tpu.memory_space<semaphore_mem>>
      %dma_start3A = arith.constant 0 : i32
      %dma_start3A_17 = tpu.memref_slice %arg5[%arg0, %mul3A_16, %dma_start3A] : memref<2x10240x128xf32, #tpu.memory_space<hbm>> -> memref<1x640x128xf32, #tpu.memory_space<hbm>>
      %dma_start3A_18 = tpu.memref_squeeze %dma_start3A_17 : memref<1x640x128xf32, #tpu.memory_space<hbm>> -> memref<640x128xf32, #tpu.memory_space<hbm>>
      %dma_start3A_19 = arith.constant 0 : i32
      %dma_start3A_20 = tpu.memref_slice %arg9[%mul3A_14, %dma_start3A_19] : memref<10240x128xf32, #tpu.memory_space<vmem_shared>> -> memref<640x128xf32, #tpu.memory_space<vmem_shared>>
      tpu.enqueue_dma source(%dma_start3A_20 : memref<640x128xf32, #tpu.memory_space<vmem_shared>>) target(%dma_start3A_18 : memref<640x128xf32, #tpu.memory_space<hbm>>) target_semaphore(%run_scoped3A : memref<!tpu.dma_semaphore, #tpu.memory_space<semaphore_mem>>)
      %dma_wait3A = arith.constant 0 : i32
      %dma_wait3A_21 = tpu.memref_slice %arg5[%arg0, %mul3A_16, %dma_wait3A] : memref<2x10240x128xf32, #tpu.memory_space<hbm>> -> memref<1x640x128xf32, #tpu.memory_space<hbm>>
      %dma_wait3A_22 = tpu.memref_squeeze %dma_wait3A_21 : memref<1x640x128xf32, #tpu.memory_space<hbm>> -> memref<640x128xf32, #tpu.memory_space<hbm>>
      %dma_wait3A_23 = arith.constant 0 : i32
      %dma_wait3A_24 = tpu.memref_slice %arg9[%mul3A_14, %dma_wait3A_23] : memref<10240x128xf32, #tpu.memory_space<vmem_shared>> -> memref<640x128xf32, #tpu.memory_space<vmem_shared>>
      tpu.wait_dma2 semaphore(%run_scoped3A : memref<!tpu.dma_semaphore, #tpu.memory_space<semaphore_mem>>) src(%dma_wait3A_24 : memref<640x128xf32, #tpu.memory_space<vmem_shared>>) dst(%dma_wait3A_22 : memref<640x128xf32, #tpu.memory_space<hbm>>)
      tpu.yield
    }) : () -> ()
    return
  }
}

#map = affine_map<(d0, d1) -> (0, 0, 0)>
#map1 = affine_map<(d0, d1) -> (0, 0)>
module attributes {stable_mosaic.version = 14 : i64} {
  func.func @_sc_scatter_body(%arg0: i32, %arg1: i32, %arg2: memref<32x80x128xi32, #tpu.memory_space<hbm>>, %arg3: memref<32x80x128xi32, #tpu.memory_space<hbm>>, %arg4: memref<10240x128xf32, #tpu.memory_space<hbm>>, %arg5: memref<2x10240x128xf32, #tpu.memory_space<hbm>>, %arg6: memref<40x128xi32, #tpu.memory_space<vmem>>, %arg7: memref<40x128xi32, #tpu.memory_space<vmem>>, %arg8: memref<2x128x128xf32, #tpu.memory_space<vmem>>, %arg9: memref<10240x128xf32, #tpu.memory_space<vmem_shared>>, %arg10: memref<2x!tpu.dma_semaphore, #tpu.memory_space<semaphore_mem>>) attributes {dimension_semantics = [#tpu.dimension_semantics<core_parallel>, #tpu.dimension_semantics<subcore_parallel>], iteration_bounds = array<i64: 2, 16>, scalar_prefetch = 0 : i64, scratch_operands = 5 : i64, tpu.core_type = #tpu.core_type<sc_vector_subcore>, window_params = [{transform_indices = #map}, {transform_indices = #map}, {transform_indices = #map1}, {transform_indices = #map}]} {
    %mul3A = arith.constant 16 : i32
    %mul3A_0 = arith.muli %arg0, %mul3A : i32
    %add3A = arith.addi %mul3A_0, %arg1 : i32
    %eq3A = arith.constant 0 : i32
    %eq3A_1 = arith.cmpi eq, %arg0, %eq3A : i32
    %convert_element_type3A = arith.extui %eq3A_1 : i1 to i32
    %cond3A = arith.constant 0 : i32
    %cond3A_2 = arith.cmpi ne, %convert_element_type3A, %cond3A : i32
    scf.if %cond3A_2 {
      %mul3A_17 = arith.constant 640 : i32
      %mul3A_18 = arith.muli %arg1, %mul3A_17 : i32
      %multiple_of3A = tpu.assume_multiple %mul3A_18, 8 : i32
      "tpu.region"() ({
        %run_scoped3A = tpu.sem_alloc : memref<!tpu.dma_semaphore, #tpu.memory_space<semaphore_mem>>
        %dma_start3A = arith.constant 0 : i32
        %dma_start3A_19 = tpu.memref_slice %arg9[%multiple_of3A, %dma_start3A] : memref<10240x128xf32, #tpu.memory_space<vmem_shared>> -> memref<640x128xf32, #tpu.memory_space<vmem_shared>>
        %dma_start3A_20 = arith.constant 0 : i32
        %dma_start3A_21 = tpu.memref_slice %arg4[%multiple_of3A, %dma_start3A_20] : memref<10240x128xf32, #tpu.memory_space<hbm>> -> memref<640x128xf32, #tpu.memory_space<hbm>>
        tpu.enqueue_dma source(%dma_start3A_21 : memref<640x128xf32, #tpu.memory_space<hbm>>) target(%dma_start3A_19 : memref<640x128xf32, #tpu.memory_space<vmem_shared>>) target_semaphore(%run_scoped3A : memref<!tpu.dma_semaphore, #tpu.memory_space<semaphore_mem>>)
        %dma_wait3A = arith.constant 0 : i32
        %dma_wait3A_22 = tpu.memref_slice %arg9[%multiple_of3A, %dma_wait3A] : memref<10240x128xf32, #tpu.memory_space<vmem_shared>> -> memref<640x128xf32, #tpu.memory_space<vmem_shared>>
        %dma_wait3A_23 = arith.constant 0 : i32
        %dma_wait3A_24 = tpu.memref_slice %arg4[%multiple_of3A, %dma_wait3A_23] : memref<10240x128xf32, #tpu.memory_space<hbm>> -> memref<640x128xf32, #tpu.memory_space<hbm>>
        tpu.wait_dma2 semaphore(%run_scoped3A : memref<!tpu.dma_semaphore, #tpu.memory_space<semaphore_mem>>) src(%dma_wait3A_24 : memref<640x128xf32, #tpu.memory_space<hbm>>) dst(%dma_wait3A_22 : memref<640x128xf32, #tpu.memory_space<vmem_shared>>)
        tpu.yield
      }) : () -> ()
    } else {
    }
    %ne3A = arith.constant 0 : i32
    %ne3A_3 = arith.cmpi ne, %arg0, %ne3A : i32
    %convert_element_type3A_4 = arith.extui %ne3A_3 : i1 to i32
    %cond3A_5 = arith.constant 0 : i32
    %cond3A_6 = arith.cmpi ne, %convert_element_type3A_4, %cond3A_5 : i32
    scf.if %cond3A_6 {
      %broadcast_in_dim3A = arith.constant 0.000000e+00 : f32
      %broadcast_in_dim3A_17 = vector.broadcast %broadcast_in_dim3A : f32 to vector<16xf32>
      %scan3A_18 = arith.constant 0 : i32
      %scan3A_19 = arith.constant 0 : i32
      %scan3A_20 = arith.constant 128 : i32
      %scan3A_21 = arith.addi %scan3A_19, %scan3A_20 : i32
      %scan3A_22 = arith.constant 1 : i32
      scf.for %scan3A_52 = %scan3A_19 to %scan3A_21 step %scan3A_22  : i32 {
        %swap3A = arith.constant 0 : i32
        %swap3A_53 = arith.index_cast %swap3A : i32 to index
        %swap3A_54 = arith.index_cast %scan3A_52 : i32 to index
        %swap3A_55 = arith.constant 0 : index
        %swap3A_56 = tpu.vector_load %arg8[%swap3A_53, %swap3A_54, %swap3A_55] {strides = array<i32>} : memref<2x128x128xf32, #tpu.memory_space<vmem>>, vector<1x1x16xf32>,
        %swap3A_57 = vector.shape_cast %swap3A_56 : vector<1x1x16xf32> to vector<16xf32>
        %swap3A_58 = vector.shape_cast %broadcast_in_dim3A_17 : vector<16xf32> to vector<1x1x16xf32>
        tpu.vector_store %arg8[%swap3A_53, %swap3A_54, %swap3A_55], %swap3A_58 {strides = array<i32>} : memref<2x128x128xf32, #tpu.memory_space<vmem>>, vector<1x1x16xf32>,
        %swap3A_59 = arith.constant 0 : i32
        %swap3A_60 = arith.index_cast %swap3A_59 : i32 to index
        %swap3A_61 = arith.index_cast %scan3A_52 : i32 to index
        %swap3A_62 = arith.constant 16 : index
        %swap3A_63 = tpu.vector_load %arg8[%swap3A_60, %swap3A_61, %swap3A_62] {strides = array<i32>} : memref<2x128x128xf32, #tpu.memory_space<vmem>>, vector<1x1x16xf32>,
        %swap3A_64 = vector.shape_cast %swap3A_63 : vector<1x1x16xf32> to vector<16xf32>
        %swap3A_65 = vector.shape_cast %broadcast_in_dim3A_17 : vector<16xf32> to vector<1x1x16xf32>
        tpu.vector_store %arg8[%swap3A_60, %swap3A_61, %swap3A_62], %swap3A_65 {strides = array<i32>} : memref<2x128x128xf32, #tpu.memory_space<vmem>>, vector<1x1x16xf32>,
        %swap3A_66 = arith.constant 0 : i32
        %swap3A_67 = arith.index_cast %swap3A_66 : i32 to index
        %swap3A_68 = arith.index_cast %scan3A_52 : i32 to index
        %swap3A_69 = arith.constant 32 : index
        %swap3A_70 = tpu.vector_load %arg8[%swap3A_67, %swap3A_68, %swap3A_69] {strides = array<i32>} : memref<2x128x128xf32, #tpu.memory_space<vmem>>, vector<1x1x16xf32>,
        %swap3A_71 = vector.shape_cast %swap3A_70 : vector<1x1x16xf32> to vector<16xf32>
        %swap3A_72 = vector.shape_cast %broadcast_in_dim3A_17 : vector<16xf32> to vector<1x1x16xf32>
        tpu.vector_store %arg8[%swap3A_67, %swap3A_68, %swap3A_69], %swap3A_72 {strides = array<i32>} : memref<2x128x128xf32, #tpu.memory_space<vmem>>, vector<1x1x16xf32>,
        %swap3A_73 = arith.constant 0 : i32
        %swap3A_74 = arith.index_cast %swap3A_73 : i32 to index
        %swap3A_75 = arith.index_cast %scan3A_52 : i32 to index
        %swap3A_76 = arith.constant 48 : index
        %swap3A_77 = tpu.vector_load %arg8[%swap3A_74, %swap3A_75, %swap3A_76] {strides = array<i32>} : memref<2x128x128xf32, #tpu.memory_space<vmem>>, vector<1x1x16xf32>,
        %swap3A_78 = vector.shape_cast %swap3A_77 : vector<1x1x16xf32> to vector<16xf32>
        %swap3A_79 = vector.shape_cast %broadcast_in_dim3A_17 : vector<16xf32> to vector<1x1x16xf32>
        tpu.vector_store %arg8[%swap3A_74, %swap3A_75, %swap3A_76], %swap3A_79 {strides = array<i32>} : memref<2x128x128xf32, #tpu.memory_space<vmem>>, vector<1x1x16xf32>,
        %swap3A_80 = arith.constant 0 : i32
        %swap3A_81 = arith.index_cast %swap3A_80 : i32 to index
        %swap3A_82 = arith.index_cast %scan3A_52 : i32 to index
        %swap3A_83 = arith.constant 64 : index
        %swap3A_84 = tpu.vector_load %arg8[%swap3A_81, %swap3A_82, %swap3A_83] {strides = array<i32>} : memref<2x128x128xf32, #tpu.memory_space<vmem>>, vector<1x1x16xf32>,
        %swap3A_85 = vector.shape_cast %swap3A_84 : vector<1x1x16xf32> to vector<16xf32>
        %swap3A_86 = vector.shape_cast %broadcast_in_dim3A_17 : vector<16xf32> to vector<1x1x16xf32>
        tpu.vector_store %arg8[%swap3A_81, %swap3A_82, %swap3A_83], %swap3A_86 {strides = array<i32>} : memref<2x128x128xf32, #tpu.memory_space<vmem>>, vector<1x1x16xf32>,
        %swap3A_87 = arith.constant 0 : i32
        %swap3A_88 = arith.index_cast %swap3A_87 : i32 to index
        %swap3A_89 = arith.index_cast %scan3A_52 : i32 to index
        %swap3A_90 = arith.constant 80 : index
        %swap3A_91 = tpu.vector_load %arg8[%swap3A_88, %swap3A_89, %swap3A_90] {strides = array<i32>} : memref<2x128x128xf32, #tpu.memory_space<vmem>>, vector<1x1x16xf32>,
        %swap3A_92 = vector.shape_cast %swap3A_91 : vector<1x1x16xf32> to vector<16xf32>
        %swap3A_93 = vector.shape_cast %broadcast_in_dim3A_17 : vector<16xf32> to vector<1x1x16xf32>
        tpu.vector_store %arg8[%swap3A_88, %swap3A_89, %swap3A_90], %swap3A_93 {strides = array<i32>} : memref<2x128x128xf32, #tpu.memory_space<vmem>>, vector<1x1x16xf32>,
        %swap3A_94 = arith.constant 0 : i32
        %swap3A_95 = arith.index_cast %swap3A_94 : i32 to index
        %swap3A_96 = arith.index_cast %scan3A_52 : i32 to index
        %swap3A_97 = arith.constant 96 : index
        %swap3A_98 = tpu.vector_load %arg8[%swap3A_95, %swap3A_96, %swap3A_97] {strides = array<i32>} : memref<2x128x128xf32, #tpu.memory_space<vmem>>, vector<1x1x16xf32>,
        %swap3A_99 = vector.shape_cast %swap3A_98 : vector<1x1x16xf32> to vector<16xf32>
        %swap3A_100 = vector.shape_cast %broadcast_in_dim3A_17 : vector<16xf32> to vector<1x1x16xf32>
        tpu.vector_store %arg8[%swap3A_95, %swap3A_96, %swap3A_97], %swap3A_100 {strides = array<i32>} : memref<2x128x128xf32, #tpu.memory_space<vmem>>, vector<1x1x16xf32>,
        %swap3A_101 = arith.constant 0 : i32
        %swap3A_102 = arith.index_cast %swap3A_101 : i32 to index
        %swap3A_103 = arith.index_cast %scan3A_52 : i32 to index
        %swap3A_104 = arith.constant 112 : index
        %swap3A_105 = tpu.vector_load %arg8[%swap3A_102, %swap3A_103, %swap3A_104] {strides = array<i32>} : memref<2x128x128xf32, #tpu.memory_space<vmem>>, vector<1x1x16xf32>,
        %swap3A_106 = vector.shape_cast %swap3A_105 : vector<1x1x16xf32> to vector<16xf32>
        %swap3A_107 = vector.shape_cast %broadcast_in_dim3A_17 : vector<16xf32> to vector<1x1x16xf32>
        tpu.vector_store %arg8[%swap3A_102, %swap3A_103, %swap3A_104], %swap3A_107 {strides = array<i32>} : memref<2x128x128xf32, #tpu.memory_space<vmem>>, vector<1x1x16xf32>,
      }
      %scan3A_23 = arith.constant 128 : i32
      %mul3A_24 = arith.constant 640 : i32
      %mul3A_25 = arith.muli %arg1, %mul3A_24 : i32
      %add3A_26 = arith.constant 0 : i32
      %add3A_27 = arith.addi %mul3A_25, %add3A_26 : i32
      %multiple_of3A = tpu.assume_multiple %add3A_27, 8 : i32
      %run_scoped3A = arith.constant 0 : i32
      "tpu.region"() ({
        %run_scoped3A_52 = tpu.sem_alloc : memref<!tpu.dma_semaphore, #tpu.memory_space<semaphore_mem>>
        %dma_start3A = arith.constant 0 : i32
        %dma_start3A_53 = arith.constant 0 : i32
        %dma_start3A_54 = tpu.memref_slice %arg8[%run_scoped3A, %dma_start3A, %dma_start3A_53] : memref<2x128x128xf32, #tpu.memory_space<vmem>> -> memref<1x128x128xf32, #tpu.memory_space<vmem>>
        %dma_start3A_55 = tpu.memref_squeeze %dma_start3A_54 : memref<1x128x128xf32, #tpu.memory_space<vmem>> -> memref<128x128xf32, #tpu.memory_space<vmem>>
        %dma_start3A_56 = arith.constant 0 : i32
        %dma_start3A_57 = tpu.memref_slice %arg9[%multiple_of3A, %dma_start3A_56] : memref<10240x128xf32, #tpu.memory_space<vmem_shared>> -> memref<128x128xf32, #tpu.memory_space<vmem_shared>>
        %dma_start3A_58 = arith.constant 0 : i32
        %dma_start3A_59 = tpu.memref_slice %arg9[%multiple_of3A, %dma_start3A_58] : memref<10240x128xf32, #tpu.memory_space<vmem_shared>> -> memref<128x128xf32, #tpu.memory_space<vmem_shared>>
        %dma_start3A_60 = arith.constant 0 : i32
        %dma_start3A_61 = arith.constant 0 : i32
        %dma_start3A_62 = tpu.memref_slice %arg8[%run_scoped3A, %dma_start3A_60, %dma_start3A_61] : memref<2x128x128xf32, #tpu.memory_space<vmem>> -> memref<1x128x128xf32, #tpu.memory_space<vmem>>
        %dma_start3A_63 = tpu.memref_squeeze %dma_start3A_62 : memref<1x128x128xf32, #tpu.memory_space<vmem>> -> memref<128x128xf32, #tpu.memory_space<vmem>>
        tpu.enqueue_dma source(%dma_start3A_63 : memref<128x128xf32, #tpu.memory_space<vmem>>) target(%dma_start3A_59 : memref<128x128xf32, #tpu.memory_space<vmem_shared>>) target_semaphore(%run_scoped3A_52 : memref<!tpu.dma_semaphore, #tpu.memory_space<semaphore_mem>>)
        %dma_wait3A = arith.constant 0 : i32
        %dma_wait3A_64 = arith.constant 0 : i32
        %dma_wait3A_65 = tpu.memref_slice %arg8[%run_scoped3A, %dma_wait3A, %dma_wait3A_64] : memref<2x128x128xf32, #tpu.memory_space<vmem>> -> memref<1x128x128xf32, #tpu.memory_space<vmem>>
        %dma_wait3A_66 = tpu.memref_squeeze %dma_wait3A_65 : memref<1x128x128xf32, #tpu.memory_space<vmem>> -> memref<128x128xf32, #tpu.memory_space<vmem>>
        %dma_wait3A_67 = arith.constant 0 : i32
        %dma_wait3A_68 = tpu.memref_slice %arg9[%multiple_of3A, %dma_wait3A_67] : memref<10240x128xf32, #tpu.memory_space<vmem_shared>> -> memref<128x128xf32, #tpu.memory_space<vmem_shared>>
        %dma_wait3A_69 = arith.constant 0 : i32
        %dma_wait3A_70 = tpu.memref_slice %arg9[%multiple_of3A, %dma_wait3A_69] : memref<10240x128xf32, #tpu.memory_space<vmem_shared>> -> memref<128x128xf32, #tpu.memory_space<vmem_shared>>
        %dma_wait3A_71 = arith.constant 0 : i32
        %dma_wait3A_72 = arith.constant 0 : i32
        %dma_wait3A_73 = tpu.memref_slice %arg8[%run_scoped3A, %dma_wait3A_71, %dma_wait3A_72] : memref<2x128x128xf32, #tpu.memory_space<vmem>> -> memref<1x128x128xf32, #tpu.memory_space<vmem>>
        %dma_wait3A_74 = tpu.memref_squeeze %dma_wait3A_73 : memref<1x128x128xf32, #tpu.memory_space<vmem>> -> memref<128x128xf32, #tpu.memory_space<vmem>>
        tpu.wait_dma2 semaphore(%run_scoped3A_52 : memref<!tpu.dma_semaphore, #tpu.memory_space<semaphore_mem>>) src(%dma_wait3A_74 : memref<128x128xf32, #tpu.memory_space<vmem>>) dst(%dma_wait3A_70 : memref<128x128xf32, #tpu.memory_space<vmem_shared>>)
        tpu.yield
      }) : () -> ()
      %mul3A_28 = arith.constant 640 : i32
      %mul3A_29 = arith.muli %arg1, %mul3A_28 : i32
      %add3A_30 = arith.constant 128 : i32
      %add3A_31 = arith.addi %mul3A_29, %add3A_30 : i32
      %multiple_of3A_32 = tpu.assume_multiple %add3A_31, 8 : i32
      %run_scoped3A_33 = arith.constant 0 : i32
      "tpu.region"() ({
        %run_scoped3A_52 = tpu.sem_alloc : memref<!tpu.dma_semaphore, #tpu.memory_space<semaphore_mem>>
        %dma_start3A = arith.constant 0 : i32
        %dma_start3A_53 = arith.constant 0 : i32
        %dma_start3A_54 = tpu.memref_slice %arg8[%run_scoped3A_33, %dma_start3A, %dma_start3A_53] : memref<2x128x128xf32, #tpu.memory_space<vmem>> -> memref<1x128x128xf32, #tpu.memory_space<vmem>>
        %dma_start3A_55 = tpu.memref_squeeze %dma_start3A_54 : memref<1x128x128xf32, #tpu.memory_space<vmem>> -> memref<128x128xf32, #tpu.memory_space<vmem>>
        %dma_start3A_56 = arith.constant 0 : i32
        %dma_start3A_57 = tpu.memref_slice %arg9[%multiple_of3A_32, %dma_start3A_56] : memref<10240x128xf32, #tpu.memory_space<vmem_shared>> -> memref<128x128xf32, #tpu.memory_space<vmem_shared>>
        %dma_start3A_58 = arith.constant 0 : i32
        %dma_start3A_59 = tpu.memref_slice %arg9[%multiple_of3A_32, %dma_start3A_58] : memref<10240x128xf32, #tpu.memory_space<vmem_shared>> -> memref<128x128xf32, #tpu.memory_space<vmem_shared>>
        %dma_start3A_60 = arith.constant 0 : i32
        %dma_start3A_61 = arith.constant 0 : i32
        %dma_start3A_62 = tpu.memref_slice %arg8[%run_scoped3A_33, %dma_start3A_60, %dma_start3A_61] : memref<2x128x128xf32, #tpu.memory_space<vmem>> -> memref<1x128x128xf32, #tpu.memory_space<vmem>>
        %dma_start3A_63 = tpu.memref_squeeze %dma_start3A_62 : memref<1x128x128xf32, #tpu.memory_space<vmem>> -> memref<128x128xf32, #tpu.memory_space<vmem>>
        tpu.enqueue_dma source(%dma_start3A_63 : memref<128x128xf32, #tpu.memory_space<vmem>>) target(%dma_start3A_59 : memref<128x128xf32, #tpu.memory_space<vmem_shared>>) target_semaphore(%run_scoped3A_52 : memref<!tpu.dma_semaphore, #tpu.memory_space<semaphore_mem>>)
        %dma_wait3A = arith.constant 0 : i32
        %dma_wait3A_64 = arith.constant 0 : i32
        %dma_wait3A_65 = tpu.memref_slice %arg8[%run_scoped3A_33, %dma_wait3A, %dma_wait3A_64] : memref<2x128x128xf32, #tpu.memory_space<vmem>> -> memref<1x128x128xf32, #tpu.memory_space<vmem>>
        %dma_wait3A_66 = tpu.memref_squeeze %dma_wait3A_65 : memref<1x128x128xf32, #tpu.memory_space<vmem>> -> memref<128x128xf32, #tpu.memory_space<vmem>>
        %dma_wait3A_67 = arith.constant 0 : i32
        %dma_wait3A_68 = tpu.memref_slice %arg9[%multiple_of3A_32, %dma_wait3A_67] : memref<10240x128xf32, #tpu.memory_space<vmem_shared>> -> memref<128x128xf32, #tpu.memory_space<vmem_shared>>
        %dma_wait3A_69 = arith.constant 0 : i32
        %dma_wait3A_70 = tpu.memref_slice %arg9[%multiple_of3A_32, %dma_wait3A_69] : memref<10240x128xf32, #tpu.memory_space<vmem_shared>> -> memref<128x128xf32, #tpu.memory_space<vmem_shared>>
        %dma_wait3A_71 = arith.constant 0 : i32
        %dma_wait3A_72 = arith.constant 0 : i32
        %dma_wait3A_73 = tpu.memref_slice %arg8[%run_scoped3A_33, %dma_wait3A_71, %dma_wait3A_72] : memref<2x128x128xf32, #tpu.memory_space<vmem>> -> memref<1x128x128xf32, #tpu.memory_space<vmem>>
        %dma_wait3A_74 = tpu.memref_squeeze %dma_wait3A_73 : memref<1x128x128xf32, #tpu.memory_space<vmem>> -> memref<128x128xf32, #tpu.memory_space<vmem>>
        tpu.wait_dma2 semaphore(%run_scoped3A_52 : memref<!tpu.dma_semaphore, #tpu.memory_space<semaphore_mem>>) src(%dma_wait3A_74 : memref<128x128xf32, #tpu.memory_space<vmem>>) dst(%dma_wait3A_70 : memref<128x128xf32, #tpu.memory_space<vmem_shared>>)
        tpu.yield
      }) : () -> ()
      %mul3A_34 = arith.constant 640 : i32
      %mul3A_35 = arith.muli %arg1, %mul3A_34 : i32
      %add3A_36 = arith.constant 256 : i32
      %add3A_37 = arith.addi %mul3A_35, %add3A_36 : i32
      %multiple_of3A_38 = tpu.assume_multiple %add3A_37, 8 : i32
      %run_scoped3A_39 = arith.constant 0 : i32
      "tpu.region"() ({
        %run_scoped3A_52 = tpu.sem_alloc : memref<!tpu.dma_semaphore, #tpu.memory_space<semaphore_mem>>
        %dma_start3A = arith.constant 0 : i32
        %dma_start3A_53 = arith.constant 0 : i32
        %dma_start3A_54 = tpu.memref_slice %arg8[%run_scoped3A_39, %dma_start3A, %dma_start3A_53] : memref<2x128x128xf32, #tpu.memory_space<vmem>> -> memref<1x128x128xf32, #tpu.memory_space<vmem>>
        %dma_start3A_55 = tpu.memref_squeeze %dma_start3A_54 : memref<1x128x128xf32, #tpu.memory_space<vmem>> -> memref<128x128xf32, #tpu.memory_space<vmem>>
        %dma_start3A_56 = arith.constant 0 : i32
        %dma_start3A_57 = tpu.memref_slice %arg9[%multiple_of3A_38, %dma_start3A_56] : memref<10240x128xf32, #tpu.memory_space<vmem_shared>> -> memref<128x128xf32, #tpu.memory_space<vmem_shared>>
        %dma_start3A_58 = arith.constant 0 : i32
        %dma_start3A_59 = tpu.memref_slice %arg9[%multiple_of3A_38, %dma_start3A_58] : memref<10240x128xf32, #tpu.memory_space<vmem_shared>> -> memref<128x128xf32, #tpu.memory_space<vmem_shared>>
        %dma_start3A_60 = arith.constant 0 : i32
        %dma_start3A_61 = arith.constant 0 : i32
        %dma_start3A_62 = tpu.memref_slice %arg8[%run_scoped3A_39, %dma_start3A_60, %dma_start3A_61] : memref<2x128x128xf32, #tpu.memory_space<vmem>> -> memref<1x128x128xf32, #tpu.memory_space<vmem>>
        %dma_start3A_63 = tpu.memref_squeeze %dma_start3A_62 : memref<1x128x128xf32, #tpu.memory_space<vmem>> -> memref<128x128xf32, #tpu.memory_space<vmem>>
        tpu.enqueue_dma source(%dma_start3A_63 : memref<128x128xf32, #tpu.memory_space<vmem>>) target(%dma_start3A_59 : memref<128x128xf32, #tpu.memory_space<vmem_shared>>) target_semaphore(%run_scoped3A_52 : memref<!tpu.dma_semaphore, #tpu.memory_space<semaphore_mem>>)
        %dma_wait3A = arith.constant 0 : i32
        %dma_wait3A_64 = arith.constant 0 : i32
        %dma_wait3A_65 = tpu.memref_slice %arg8[%run_scoped3A_39, %dma_wait3A, %dma_wait3A_64] : memref<2x128x128xf32, #tpu.memory_space<vmem>> -> memref<1x128x128xf32, #tpu.memory_space<vmem>>
        %dma_wait3A_66 = tpu.memref_squeeze %dma_wait3A_65 : memref<1x128x128xf32, #tpu.memory_space<vmem>> -> memref<128x128xf32, #tpu.memory_space<vmem>>
        %dma_wait3A_67 = arith.constant 0 : i32
        %dma_wait3A_68 = tpu.memref_slice %arg9[%multiple_of3A_38, %dma_wait3A_67] : memref<10240x128xf32, #tpu.memory_space<vmem_shared>> -> memref<128x128xf32, #tpu.memory_space<vmem_shared>>
        %dma_wait3A_69 = arith.constant 0 : i32
        %dma_wait3A_70 = tpu.memref_slice %arg9[%multiple_of3A_38, %dma_wait3A_69] : memref<10240x128xf32, #tpu.memory_space<vmem_shared>> -> memref<128x128xf32, #tpu.memory_space<vmem_shared>>
        %dma_wait3A_71 = arith.constant 0 : i32
        %dma_wait3A_72 = arith.constant 0 : i32
        %dma_wait3A_73 = tpu.memref_slice %arg8[%run_scoped3A_39, %dma_wait3A_71, %dma_wait3A_72] : memref<2x128x128xf32, #tpu.memory_space<vmem>> -> memref<1x128x128xf32, #tpu.memory_space<vmem>>
        %dma_wait3A_74 = tpu.memref_squeeze %dma_wait3A_73 : memref<1x128x128xf32, #tpu.memory_space<vmem>> -> memref<128x128xf32, #tpu.memory_space<vmem>>
        tpu.wait_dma2 semaphore(%run_scoped3A_52 : memref<!tpu.dma_semaphore, #tpu.memory_space<semaphore_mem>>) src(%dma_wait3A_74 : memref<128x128xf32, #tpu.memory_space<vmem>>) dst(%dma_wait3A_70 : memref<128x128xf32, #tpu.memory_space<vmem_shared>>)
        tpu.yield
      }) : () -> ()
      %mul3A_40 = arith.constant 640 : i32
      %mul3A_41 = arith.muli %arg1, %mul3A_40 : i32
      %add3A_42 = arith.constant 384 : i32
      %add3A_43 = arith.addi %mul3A_41, %add3A_42 : i32
      %multiple_of3A_44 = tpu.assume_multiple %add3A_43, 8 : i32
      %run_scoped3A_45 = arith.constant 0 : i32
      "tpu.region"() ({
        %run_scoped3A_52 = tpu.sem_alloc : memref<!tpu.dma_semaphore, #tpu.memory_space<semaphore_mem>>
        %dma_start3A = arith.constant 0 : i32
        %dma_start3A_53 = arith.constant 0 : i32
        %dma_start3A_54 = tpu.memref_slice %arg8[%run_scoped3A_45, %dma_start3A, %dma_start3A_53] : memref<2x128x128xf32, #tpu.memory_space<vmem>> -> memref<1x128x128xf32, #tpu.memory_space<vmem>>
        %dma_start3A_55 = tpu.memref_squeeze %dma_start3A_54 : memref<1x128x128xf32, #tpu.memory_space<vmem>> -> memref<128x128xf32, #tpu.memory_space<vmem>>
        %dma_start3A_56 = arith.constant 0 : i32
        %dma_start3A_57 = tpu.memref_slice %arg9[%multiple_of3A_44, %dma_start3A_56] : memref<10240x128xf32, #tpu.memory_space<vmem_shared>> -> memref<128x128xf32, #tpu.memory_space<vmem_shared>>
        %dma_start3A_58 = arith.constant 0 : i32
        %dma_start3A_59 = tpu.memref_slice %arg9[%multiple_of3A_44, %dma_start3A_58] : memref<10240x128xf32, #tpu.memory_space<vmem_shared>> -> memref<128x128xf32, #tpu.memory_space<vmem_shared>>
        %dma_start3A_60 = arith.constant 0 : i32
        %dma_start3A_61 = arith.constant 0 : i32
        %dma_start3A_62 = tpu.memref_slice %arg8[%run_scoped3A_45, %dma_start3A_60, %dma_start3A_61] : memref<2x128x128xf32, #tpu.memory_space<vmem>> -> memref<1x128x128xf32, #tpu.memory_space<vmem>>
        %dma_start3A_63 = tpu.memref_squeeze %dma_start3A_62 : memref<1x128x128xf32, #tpu.memory_space<vmem>> -> memref<128x128xf32, #tpu.memory_space<vmem>>
        tpu.enqueue_dma source(%dma_start3A_63 : memref<128x128xf32, #tpu.memory_space<vmem>>) target(%dma_start3A_59 : memref<128x128xf32, #tpu.memory_space<vmem_shared>>) target_semaphore(%run_scoped3A_52 : memref<!tpu.dma_semaphore, #tpu.memory_space<semaphore_mem>>)
        %dma_wait3A = arith.constant 0 : i32
        %dma_wait3A_64 = arith.constant 0 : i32
        %dma_wait3A_65 = tpu.memref_slice %arg8[%run_scoped3A_45, %dma_wait3A, %dma_wait3A_64] : memref<2x128x128xf32, #tpu.memory_space<vmem>> -> memref<1x128x128xf32, #tpu.memory_space<vmem>>
        %dma_wait3A_66 = tpu.memref_squeeze %dma_wait3A_65 : memref<1x128x128xf32, #tpu.memory_space<vmem>> -> memref<128x128xf32, #tpu.memory_space<vmem>>
        %dma_wait3A_67 = arith.constant 0 : i32
        %dma_wait3A_68 = tpu.memref_slice %arg9[%multiple_of3A_44, %dma_wait3A_67] : memref<10240x128xf32, #tpu.memory_space<vmem_shared>> -> memref<128x128xf32, #tpu.memory_space<vmem_shared>>
        %dma_wait3A_69 = arith.constant 0 : i32
        %dma_wait3A_70 = tpu.memref_slice %arg9[%multiple_of3A_44, %dma_wait3A_69] : memref<10240x128xf32, #tpu.memory_space<vmem_shared>> -> memref<128x128xf32, #tpu.memory_space<vmem_shared>>
        %dma_wait3A_71 = arith.constant 0 : i32
        %dma_wait3A_72 = arith.constant 0 : i32
        %dma_wait3A_73 = tpu.memref_slice %arg8[%run_scoped3A_45, %dma_wait3A_71, %dma_wait3A_72] : memref<2x128x128xf32, #tpu.memory_space<vmem>> -> memref<1x128x128xf32, #tpu.memory_space<vmem>>
        %dma_wait3A_74 = tpu.memref_squeeze %dma_wait3A_73 : memref<1x128x128xf32, #tpu.memory_space<vmem>> -> memref<128x128xf32, #tpu.memory_space<vmem>>
        tpu.wait_dma2 semaphore(%run_scoped3A_52 : memref<!tpu.dma_semaphore, #tpu.memory_space<semaphore_mem>>) src(%dma_wait3A_74 : memref<128x128xf32, #tpu.memory_space<vmem>>) dst(%dma_wait3A_70 : memref<128x128xf32, #tpu.memory_space<vmem_shared>>)
        tpu.yield
      }) : () -> ()
      %mul3A_46 = arith.constant 640 : i32
      %mul3A_47 = arith.muli %arg1, %mul3A_46 : i32
      %add3A_48 = arith.constant 512 : i32
      %add3A_49 = arith.addi %mul3A_47, %add3A_48 : i32
      %multiple_of3A_50 = tpu.assume_multiple %add3A_49, 8 : i32
      %run_scoped3A_51 = arith.constant 0 : i32
      "tpu.region"() ({
        %run_scoped3A_52 = tpu.sem_alloc : memref<!tpu.dma_semaphore, #tpu.memory_space<semaphore_mem>>
        %dma_start3A = arith.constant 0 : i32
        %dma_start3A_53 = arith.constant 0 : i32
        %dma_start3A_54 = tpu.memref_slice %arg8[%run_scoped3A_51, %dma_start3A, %dma_start3A_53] : memref<2x128x128xf32, #tpu.memory_space<vmem>> -> memref<1x128x128xf32, #tpu.memory_space<vmem>>
        %dma_start3A_55 = tpu.memref_squeeze %dma_start3A_54 : memref<1x128x128xf32, #tpu.memory_space<vmem>> -> memref<128x128xf32, #tpu.memory_space<vmem>>
        %dma_start3A_56 = arith.constant 0 : i32
        %dma_start3A_57 = tpu.memref_slice %arg9[%multiple_of3A_50, %dma_start3A_56] : memref<10240x128xf32, #tpu.memory_space<vmem_shared>> -> memref<128x128xf32, #tpu.memory_space<vmem_shared>>
        %dma_start3A_58 = arith.constant 0 : i32
        %dma_start3A_59 = tpu.memref_slice %arg9[%multiple_of3A_50, %dma_start3A_58] : memref<10240x128xf32, #tpu.memory_space<vmem_shared>> -> memref<128x128xf32, #tpu.memory_space<vmem_shared>>
        %dma_start3A_60 = arith.constant 0 : i32
        %dma_start3A_61 = arith.constant 0 : i32
        %dma_start3A_62 = tpu.memref_slice %arg8[%run_scoped3A_51, %dma_start3A_60, %dma_start3A_61] : memref<2x128x128xf32, #tpu.memory_space<vmem>> -> memref<1x128x128xf32, #tpu.memory_space<vmem>>
        %dma_start3A_63 = tpu.memref_squeeze %dma_start3A_62 : memref<1x128x128xf32, #tpu.memory_space<vmem>> -> memref<128x128xf32, #tpu.memory_space<vmem>>
        tpu.enqueue_dma source(%dma_start3A_63 : memref<128x128xf32, #tpu.memory_space<vmem>>) target(%dma_start3A_59 : memref<128x128xf32, #tpu.memory_space<vmem_shared>>) target_semaphore(%run_scoped3A_52 : memref<!tpu.dma_semaphore, #tpu.memory_space<semaphore_mem>>)
        %dma_wait3A = arith.constant 0 : i32
        %dma_wait3A_64 = arith.constant 0 : i32
        %dma_wait3A_65 = tpu.memref_slice %arg8[%run_scoped3A_51, %dma_wait3A, %dma_wait3A_64] : memref<2x128x128xf32, #tpu.memory_space<vmem>> -> memref<1x128x128xf32, #tpu.memory_space<vmem>>
        %dma_wait3A_66 = tpu.memref_squeeze %dma_wait3A_65 : memref<1x128x128xf32, #tpu.memory_space<vmem>> -> memref<128x128xf32, #tpu.memory_space<vmem>>
        %dma_wait3A_67 = arith.constant 0 : i32
        %dma_wait3A_68 = tpu.memref_slice %arg9[%multiple_of3A_50, %dma_wait3A_67] : memref<10240x128xf32, #tpu.memory_space<vmem_shared>> -> memref<128x128xf32, #tpu.memory_space<vmem_shared>>
        %dma_wait3A_69 = arith.constant 0 : i32
        %dma_wait3A_70 = tpu.memref_slice %arg9[%multiple_of3A_50, %dma_wait3A_69] : memref<10240x128xf32, #tpu.memory_space<vmem_shared>> -> memref<128x128xf32, #tpu.memory_space<vmem_shared>>
        %dma_wait3A_71 = arith.constant 0 : i32
        %dma_wait3A_72 = arith.constant 0 : i32
        %dma_wait3A_73 = tpu.memref_slice %arg8[%run_scoped3A_51, %dma_wait3A_71, %dma_wait3A_72] : memref<2x128x128xf32, #tpu.memory_space<vmem>> -> memref<1x128x128xf32, #tpu.memory_space<vmem>>
        %dma_wait3A_74 = tpu.memref_squeeze %dma_wait3A_73 : memref<1x128x128xf32, #tpu.memory_space<vmem>> -> memref<128x128xf32, #tpu.memory_space<vmem>>
        tpu.wait_dma2 semaphore(%run_scoped3A_52 : memref<!tpu.dma_semaphore, #tpu.memory_space<semaphore_mem>>) src(%dma_wait3A_74 : memref<128x128xf32, #tpu.memory_space<vmem>>) dst(%dma_wait3A_70 : memref<128x128xf32, #tpu.memory_space<vmem_shared>>)
        tpu.yield
      }) : () -> ()
    } else {
    }
    %barrier3A = arith.constant 0 : index
    tpu.barrier barrier_id(%barrier3A)
    %scan3A = arith.constant 0 : i32
    %scan3A_7 = arith.constant 0 : i32
    %scan3A_8 = arith.constant 2 : i32
    %scan3A_9 = arith.addi %scan3A_7, %scan3A_8 : i32
    %scan3A_10 = arith.constant 1 : i32
    scf.for %scan3A_17 = %scan3A_7 to %scan3A_9 step %scan3A_10  : i32 {
      %mul3A_18 = arith.constant 40 : i32
      %mul3A_19 = arith.muli %scan3A_17, %mul3A_18 : i32
      %multiple_of3A = tpu.assume_multiple %mul3A_19, 8 : i32
      "tpu.region"() ({
        %run_scoped3A = tpu.sem_alloc : memref<!tpu.dma_semaphore, #tpu.memory_space<semaphore_mem>>
        %dma_start3A_55 = arith.constant 0 : i32
        %dma_start3A_56 = tpu.memref_slice %arg2[%add3A, %multiple_of3A, %dma_start3A_55] : memref<32x80x128xi32, #tpu.memory_space<hbm>> -> memref<1x40x128xi32, #tpu.memory_space<hbm>>
        %dma_start3A_57 = tpu.memref_squeeze %dma_start3A_56 : memref<1x40x128xi32, #tpu.memory_space<hbm>> -> memref<40x128xi32, #tpu.memory_space<hbm>>
        %dma_start3A_58 = arith.constant 0 : i32
        %dma_start3A_59 = tpu.memref_slice %arg2[%add3A, %multiple_of3A, %dma_start3A_58] : memref<32x80x128xi32, #tpu.memory_space<hbm>> -> memref<1x40x128xi32, #tpu.memory_space<hbm>>
        %dma_start3A_60 = tpu.memref_squeeze %dma_start3A_59 : memref<1x40x128xi32, #tpu.memory_space<hbm>> -> memref<40x128xi32, #tpu.memory_space<hbm>>
        tpu.enqueue_dma source(%dma_start3A_60 : memref<40x128xi32, #tpu.memory_space<hbm>>) target(%arg6 : memref<40x128xi32, #tpu.memory_space<vmem>>) target_semaphore(%run_scoped3A : memref<!tpu.dma_semaphore, #tpu.memory_space<semaphore_mem>>)
        %dma_wait3A = arith.constant 0 : i32
        %dma_wait3A_61 = tpu.memref_slice %arg2[%add3A, %multiple_of3A, %dma_wait3A] : memref<32x80x128xi32, #tpu.memory_space<hbm>> -> memref<1x40x128xi32, #tpu.memory_space<hbm>>
        %dma_wait3A_62 = tpu.memref_squeeze %dma_wait3A_61 : memref<1x40x128xi32, #tpu.memory_space<hbm>> -> memref<40x128xi32, #tpu.memory_space<hbm>>
        %dma_wait3A_63 = arith.constant 0 : i32
        %dma_wait3A_64 = tpu.memref_slice %arg2[%add3A, %multiple_of3A, %dma_wait3A_63] : memref<32x80x128xi32, #tpu.memory_space<hbm>> -> memref<1x40x128xi32, #tpu.memory_space<hbm>>
        %dma_wait3A_65 = tpu.memref_squeeze %dma_wait3A_64 : memref<1x40x128xi32, #tpu.memory_space<hbm>> -> memref<40x128xi32, #tpu.memory_space<hbm>>
        tpu.wait_dma2 semaphore(%run_scoped3A : memref<!tpu.dma_semaphore, #tpu.memory_space<semaphore_mem>>) src(%dma_wait3A_65 : memref<40x128xi32, #tpu.memory_space<hbm>>) dst(%arg6 : memref<40x128xi32, #tpu.memory_space<vmem>>)
        tpu.yield
      }) : () -> ()
      "tpu.region"() ({
        %run_scoped3A = tpu.sem_alloc : memref<!tpu.dma_semaphore, #tpu.memory_space<semaphore_mem>>
        %dma_start3A_55 = arith.constant 0 : i32
        %dma_start3A_56 = tpu.memref_slice %arg3[%add3A, %multiple_of3A, %dma_start3A_55] : memref<32x80x128xi32, #tpu.memory_space<hbm>> -> memref<1x40x128xi32, #tpu.memory_space<hbm>>
        %dma_start3A_57 = tpu.memref_squeeze %dma_start3A_56 : memref<1x40x128xi32, #tpu.memory_space<hbm>> -> memref<40x128xi32, #tpu.memory_space<hbm>>
        %dma_start3A_58 = arith.constant 0 : i32
        %dma_start3A_59 = tpu.memref_slice %arg3[%add3A, %multiple_of3A, %dma_start3A_58] : memref<32x80x128xi32, #tpu.memory_space<hbm>> -> memref<1x40x128xi32, #tpu.memory_space<hbm>>
        %dma_start3A_60 = tpu.memref_squeeze %dma_start3A_59 : memref<1x40x128xi32, #tpu.memory_space<hbm>> -> memref<40x128xi32, #tpu.memory_space<hbm>>
        tpu.enqueue_dma source(%dma_start3A_60 : memref<40x128xi32, #tpu.memory_space<hbm>>) target(%arg7 : memref<40x128xi32, #tpu.memory_space<vmem>>) target_semaphore(%run_scoped3A : memref<!tpu.dma_semaphore, #tpu.memory_space<semaphore_mem>>)
        %dma_wait3A = arith.constant 0 : i32
        %dma_wait3A_61 = tpu.memref_slice %arg3[%add3A, %multiple_of3A, %dma_wait3A] : memref<32x80x128xi32, #tpu.memory_space<hbm>> -> memref<1x40x128xi32, #tpu.memory_space<hbm>>
        %dma_wait3A_62 = tpu.memref_squeeze %dma_wait3A_61 : memref<1x40x128xi32, #tpu.memory_space<hbm>> -> memref<40x128xi32, #tpu.memory_space<hbm>>
        %dma_wait3A_63 = arith.constant 0 : i32
        %dma_wait3A_64 = tpu.memref_slice %arg3[%add3A, %multiple_of3A, %dma_wait3A_63] : memref<32x80x128xi32, #tpu.memory_space<hbm>> -> memref<1x40x128xi32, #tpu.memory_space<hbm>>
        %dma_wait3A_65 = tpu.memref_squeeze %dma_wait3A_64 : memref<1x40x128xi32, #tpu.memory_space<hbm>> -> memref<40x128xi32, #tpu.memory_space<hbm>>
        tpu.wait_dma2 semaphore(%run_scoped3A : memref<!tpu.dma_semaphore, #tpu.memory_space<semaphore_mem>>) src(%dma_wait3A_65 : memref<40x128xi32, #tpu.memory_space<hbm>>) dst(%arg7 : memref<40x128xi32, #tpu.memory_space<vmem>>)
        tpu.yield
      }) : () -> ()
      %dma_start3A = arith.constant 0 : i32
      %dma_start3A_20 = arith.constant 0 : i32
      %dma_start3A_21 = arith.constant 0 : i32
      %dma_start3A_22 = arith.constant 0 : i32
      %dma_start3A_23 = arith.constant 0 : i32
      %dma_start3A_24 = tpu.memref_slice %arg8[%dma_start3A_20, %dma_start3A_22, %dma_start3A_23] : memref<2x128x128xf32, #tpu.memory_space<vmem>> -> memref<1x64x128xf32, #tpu.memory_space<vmem>>
      %dma_start3A_25 = tpu.memref_squeeze %dma_start3A_24 : memref<1x64x128xf32, #tpu.memory_space<vmem>> -> memref<64x128xf32, #tpu.memory_space<vmem>>
      %dma_start3A_26 = arith.constant 0 : i32
      %dma_start3A_27 = tpu.memref_slice %arg6[%dma_start3A, %dma_start3A_26] : memref<40x128xi32, #tpu.memory_space<vmem>> -> memref<1x64xi32, #tpu.memory_space<vmem>>
      %dma_start3A_28 = tpu.memref_squeeze %dma_start3A_27 : memref<1x64xi32, #tpu.memory_space<vmem>> -> memref<64xi32, #tpu.memory_space<vmem>>
      %dma_start3A_29 = arith.constant 0 : i32
      %dma_start3A_30 = arith.constant 0 : i32
      %dma_start3A_31 = tpu.memref_slice %arg4[%dma_start3A_29, %dma_start3A_30] : memref<10240x128xf32, #tpu.memory_space<hbm>> -> memref<10240x128xf32, #tpu.memory_space<hbm>>
      %dma_start3A_32 = tpu.memref_slice %arg10[%dma_start3A_21] : memref<2x!tpu.dma_semaphore, #tpu.memory_space<semaphore_mem>> -> memref<1x!tpu.dma_semaphore, #tpu.memory_space<semaphore_mem>>
      %dma_start3A_33 = tpu.memref_squeeze %dma_start3A_32 : memref<1x!tpu.dma_semaphore, #tpu.memory_space<semaphore_mem>> -> memref<!tpu.dma_semaphore, #tpu.memory_space<semaphore_mem>>
      tpu.enqueue_indirect_dma source(%dma_start3A_31 : memref<10240x128xf32, #tpu.memory_space<hbm>>) target(%dma_start3A_25 : memref<64x128xf32, #tpu.memory_space<vmem>>) offsets(%dma_start3A_28 : memref<64xi32, #tpu.memory_space<vmem>>) semaphore(%dma_start3A_33 : memref<!tpu.dma_semaphore, #tpu.memory_space<semaphore_mem>>)
      %dma_start3A_34 = arith.constant 0 : i32
      %dma_start3A_35 = arith.constant 0 : i32
      %dma_start3A_36 = arith.constant 0 : i32
      %dma_start3A_37 = arith.constant 64 : i32
      %dma_start3A_38 = arith.constant 0 : i32
      %dma_start3A_39 = tpu.memref_slice %arg8[%dma_start3A_35, %dma_start3A_37, %dma_start3A_38] : memref<2x128x128xf32, #tpu.memory_space<vmem>> -> memref<1x64x128xf32, #tpu.memory_space<vmem>>
      %dma_start3A_40 = tpu.memref_squeeze %dma_start3A_39 : memref<1x64x128xf32, #tpu.memory_space<vmem>> -> memref<64x128xf32, #tpu.memory_space<vmem>>
      %dma_start3A_41 = arith.constant 64 : i32
      %dma_start3A_42 = tpu.memref_slice %arg6[%dma_start3A_34, %dma_start3A_41] : memref<40x128xi32, #tpu.memory_space<vmem>> -> memref<1x64xi32, #tpu.memory_space<vmem>>
      %dma_start3A_43 = tpu.memref_squeeze %dma_start3A_42 : memref<1x64xi32, #tpu.memory_space<vmem>> -> memref<64xi32, #tpu.memory_space<vmem>>
      %dma_start3A_44 = arith.constant 0 : i32
      %dma_start3A_45 = arith.constant 0 : i32
      %dma_start3A_46 = tpu.memref_slice %arg4[%dma_start3A_44, %dma_start3A_45] : memref<10240x128xf32, #tpu.memory_space<hbm>> -> memref<10240x128xf32, #tpu.memory_space<hbm>>
      %dma_start3A_47 = tpu.memref_slice %arg10[%dma_start3A_36] : memref<2x!tpu.dma_semaphore, #tpu.memory_space<semaphore_mem>> -> memref<1x!tpu.dma_semaphore, #tpu.memory_space<semaphore_mem>>
      %dma_start3A_48 = tpu.memref_squeeze %dma_start3A_47 : memref<1x!tpu.dma_semaphore, #tpu.memory_space<semaphore_mem>> -> memref<!tpu.dma_semaphore, #tpu.memory_space<semaphore_mem>>
      tpu.enqueue_indirect_dma source(%dma_start3A_46 : memref<10240x128xf32, #tpu.memory_space<hbm>>) target(%dma_start3A_40 : memref<64x128xf32, #tpu.memory_space<vmem>>) offsets(%dma_start3A_43 : memref<64xi32, #tpu.memory_space<vmem>>) semaphore(%dma_start3A_48 : memref<!tpu.dma_semaphore, #tpu.memory_space<semaphore_mem>>)
      %scan3A_49 = arith.constant 0 : i32
      %scan3A_50 = arith.constant 0 : i32
      %scan3A_51 = arith.constant 20 : i32
      %scan3A_52 = arith.addi %scan3A_50, %scan3A_51 : i32
      %scan3A_53 = arith.constant 1 : i32
      scf.for %scan3A_55 = %scan3A_50 to %scan3A_52 step %scan3A_53  : i32 {
        %mul3A_56 = arith.constant 2 : i32
        %mul3A_57 = arith.muli %mul3A_56, %scan3A_55 : i32
        %add3A_58 = arith.constant 1 : i32
        %add3A_59 = arith.addi %mul3A_57, %add3A_58 : i32
        %dma_start3A_60 = arith.constant 1 : i32
        %dma_start3A_61 = arith.constant 1 : i32
        %dma_start3A_62 = arith.constant 0 : i32
        %dma_start3A_63 = arith.constant 0 : i32
        %dma_start3A_64 = tpu.memref_slice %arg8[%dma_start3A_60, %dma_start3A_62, %dma_start3A_63] : memref<2x128x128xf32, #tpu.memory_space<vmem>> -> memref<1x64x128xf32, #tpu.memory_space<vmem>>
        %dma_start3A_65 = tpu.memref_squeeze %dma_start3A_64 : memref<1x64x128xf32, #tpu.memory_space<vmem>> -> memref<64x128xf32, #tpu.memory_space<vmem>>
        %dma_start3A_66 = arith.constant 0 : i32
        %dma_start3A_67 = tpu.memref_slice %arg6[%add3A_59, %dma_start3A_66] : memref<40x128xi32, #tpu.memory_space<vmem>> -> memref<1x64xi32, #tpu.memory_space<vmem>>
        %dma_start3A_68 = tpu.memref_squeeze %dma_start3A_67 : memref<1x64xi32, #tpu.memory_space<vmem>> -> memref<64xi32, #tpu.memory_space<vmem>>
        %dma_start3A_69 = arith.constant 0 : i32
        %dma_start3A_70 = arith.constant 0 : i32
        %dma_start3A_71 = tpu.memref_slice %arg4[%dma_start3A_69, %dma_start3A_70] : memref<10240x128xf32, #tpu.memory_space<hbm>> -> memref<10240x128xf32, #tpu.memory_space<hbm>>
        %dma_start3A_72 = tpu.memref_slice %arg10[%dma_start3A_61] : memref<2x!tpu.dma_semaphore, #tpu.memory_space<semaphore_mem>> -> memref<1x!tpu.dma_semaphore, #tpu.memory_space<semaphore_mem>>
        %dma_start3A_73 = tpu.memref_squeeze %dma_start3A_72 : memref<1x!tpu.dma_semaphore, #tpu.memory_space<semaphore_mem>> -> memref<!tpu.dma_semaphore, #tpu.memory_space<semaphore_mem>>
        tpu.enqueue_indirect_dma source(%dma_start3A_71 : memref<10240x128xf32, #tpu.memory_space<hbm>>) target(%dma_start3A_65 : memref<64x128xf32, #tpu.memory_space<vmem>>) offsets(%dma_start3A_68 : memref<64xi32, #tpu.memory_space<vmem>>) semaphore(%dma_start3A_73 : memref<!tpu.dma_semaphore, #tpu.memory_space<semaphore_mem>>)
        %dma_start3A_74 = arith.constant 1 : i32
        %dma_start3A_75 = arith.constant 1 : i32
        %dma_start3A_76 = arith.constant 64 : i32
        %dma_start3A_77 = arith.constant 0 : i32
        %dma_start3A_78 = tpu.memref_slice %arg8[%dma_start3A_74, %dma_start3A_76, %dma_start3A_77] : memref<2x128x128xf32, #tpu.memory_space<vmem>> -> memref<1x64x128xf32, #tpu.memory_space<vmem>>
        %dma_start3A_79 = tpu.memref_squeeze %dma_start3A_78 : memref<1x64x128xf32, #tpu.memory_space<vmem>> -> memref<64x128xf32, #tpu.memory_space<vmem>>
        %dma_start3A_80 = arith.constant 64 : i32
        %dma_start3A_81 = tpu.memref_slice %arg6[%add3A_59, %dma_start3A_80] : memref<40x128xi32, #tpu.memory_space<vmem>> -> memref<1x64xi32, #tpu.memory_space<vmem>>
        %dma_start3A_82 = tpu.memref_squeeze %dma_start3A_81 : memref<1x64xi32, #tpu.memory_space<vmem>> -> memref<64xi32, #tpu.memory_space<vmem>>
        %dma_start3A_83 = arith.constant 0 : i32
        %dma_start3A_84 = arith.constant 0 : i32
        %dma_start3A_85 = tpu.memref_slice %arg4[%dma_start3A_83, %dma_start3A_84] : memref<10240x128xf32, #tpu.memory_space<hbm>> -> memref<10240x128xf32, #tpu.memory_space<hbm>>
        %dma_start3A_86 = tpu.memref_slice %arg10[%dma_start3A_75] : memref<2x!tpu.dma_semaphore, #tpu.memory_space<semaphore_mem>> -> memref<1x!tpu.dma_semaphore, #tpu.memory_space<semaphore_mem>>
        %dma_start3A_87 = tpu.memref_squeeze %dma_start3A_86 : memref<1x!tpu.dma_semaphore, #tpu.memory_space<semaphore_mem>> -> memref<!tpu.dma_semaphore, #tpu.memory_space<semaphore_mem>>
        tpu.enqueue_indirect_dma source(%dma_start3A_85 : memref<10240x128xf32, #tpu.memory_space<hbm>>) target(%dma_start3A_79 : memref<64x128xf32, #tpu.memory_space<vmem>>) offsets(%dma_start3A_82 : memref<64xi32, #tpu.memory_space<vmem>>) semaphore(%dma_start3A_87 : memref<!tpu.dma_semaphore, #tpu.memory_space<semaphore_mem>>)
        %dma_wait3A = arith.constant 0 : i32
        %dma_wait3A_88 = arith.constant 0 : i32
        %dma_wait3A_89 = arith.constant 0 : i32
        %dma_wait3A_90 = arith.constant 0 : i32
        %dma_wait3A_91 = tpu.memref_slice %arg8[%dma_wait3A, %dma_wait3A_89, %dma_wait3A_90] : memref<2x128x128xf32, #tpu.memory_space<vmem>> -> memref<1x128x128xf32, #tpu.memory_space<vmem>>
        %dma_wait3A_92 = tpu.memref_squeeze %dma_wait3A_91 : memref<1x128x128xf32, #tpu.memory_space<vmem>> -> memref<128x128xf32, #tpu.memory_space<vmem>>
        %dma_wait3A_93 = arith.constant 0 : i32
        %dma_wait3A_94 = arith.constant 0 : i32
        %dma_wait3A_95 = tpu.memref_slice %arg4[%dma_wait3A_93, %dma_wait3A_94] : memref<10240x128xf32, #tpu.memory_space<hbm>> -> memref<128x128xf32, #tpu.memory_space<hbm>>
        %dma_wait3A_96 = tpu.memref_slice %arg10[%dma_wait3A_88] : memref<2x!tpu.dma_semaphore, #tpu.memory_space<semaphore_mem>> -> memref<1x!tpu.dma_semaphore, #tpu.memory_space<semaphore_mem>>
        %dma_wait3A_97 = tpu.memref_squeeze %dma_wait3A_96 : memref<1x!tpu.dma_semaphore, #tpu.memory_space<semaphore_mem>> -> memref<!tpu.dma_semaphore, #tpu.memory_space<semaphore_mem>>
        %dma_wait3A_98 = arith.constant 0 : i32
        %dma_wait3A_99 = arith.constant 0 : i32
        %dma_wait3A_100 = tpu.memref_slice %arg8[%dma_wait3A, %dma_wait3A_98, %dma_wait3A_99] : memref<2x128x128xf32, #tpu.memory_space<vmem>> -> memref<1x128x128xf32, #tpu.memory_space<vmem>>
        %dma_wait3A_101 = tpu.memref_squeeze %dma_wait3A_100 : memref<1x128x128xf32, #tpu.memory_space<vmem>> -> memref<128x128xf32, #tpu.memory_space<vmem>>
        %dma_wait3A_102 = arith.constant 0 : i32
        %dma_wait3A_103 = arith.constant 0 : i32
        %dma_wait3A_104 = tpu.memref_slice %arg4[%dma_wait3A_102, %dma_wait3A_103] : memref<10240x128xf32, #tpu.memory_space<hbm>> -> memref<128x128xf32, #tpu.memory_space<hbm>>
        tpu.wait_dma2 semaphore(%dma_wait3A_97 : memref<!tpu.dma_semaphore, #tpu.memory_space<semaphore_mem>>) src(%dma_wait3A_104 : memref<128x128xf32, #tpu.memory_space<hbm>>) dst(%dma_wait3A_101 : memref<128x128xf32, #tpu.memory_space<vmem>>)
        %run_scoped3A = arith.constant 0 : i32
        "tpu.region"() ({
          %run_scoped3A_130 = tpu.sem_alloc : memref<!tpu.dma_semaphore, #tpu.memory_space<semaphore_mem>>
          %dma_start3A_131 = arith.constant 0 : i32
          %dma_start3A_132 = arith.constant 0 : i32
          %dma_start3A_133 = tpu.memref_slice %arg8[%run_scoped3A, %dma_start3A_131, %dma_start3A_132] : memref<2x128x128xf32, #tpu.memory_space<vmem>> -> memref<1x128x128xf32, #tpu.memory_space<vmem>>
          %dma_start3A_134 = tpu.memref_squeeze %dma_start3A_133 : memref<1x128x128xf32, #tpu.memory_space<vmem>> -> memref<128x128xf32, #tpu.memory_space<vmem>>
          %dma_start3A_135 = arith.constant 0 : i32
          %dma_start3A_136 = tpu.memref_slice %arg7[%mul3A_57, %dma_start3A_135] : memref<40x128xi32, #tpu.memory_space<vmem>> -> memref<1x128xi32, #tpu.memory_space<vmem>>
          %dma_start3A_137 = tpu.memref_squeeze %dma_start3A_136 : memref<1x128xi32, #tpu.memory_space<vmem>> -> memref<128xi32, #tpu.memory_space<vmem>>
          %dma_start3A_138 = arith.constant 0 : i32
          %dma_start3A_139 = arith.constant 0 : i32
          %dma_start3A_140 = tpu.memref_slice %arg9[%dma_start3A_138, %dma_start3A_139] : memref<10240x128xf32, #tpu.memory_space<vmem_shared>> -> memref<10240x128xf32, #tpu.memory_space<vmem_shared>>
          tpu.enqueue_indirect_dma source(%dma_start3A_134 : memref<128x128xf32, #tpu.memory_space<vmem>>) target(%dma_start3A_140 : memref<10240x128xf32, #tpu.memory_space<vmem_shared>>) offsets(%dma_start3A_137 : memref<128xi32, #tpu.memory_space<vmem>>) semaphore(%run_scoped3A_130 : memref<!tpu.dma_semaphore, #tpu.memory_space<semaphore_mem>>) {add = true}
          %dma_wait3A_141 = arith.constant 0 : i32
          %dma_wait3A_142 = arith.constant 0 : i32
          %dma_wait3A_143 = tpu.memref_slice %arg8[%run_scoped3A, %dma_wait3A_141, %dma_wait3A_142] : memref<2x128x128xf32, #tpu.memory_space<vmem>> -> memref<1x128x128xf32, #tpu.memory_space<vmem>>
          %dma_wait3A_144 = tpu.memref_squeeze %dma_wait3A_143 : memref<1x128x128xf32, #tpu.memory_space<vmem>> -> memref<128x128xf32, #tpu.memory_space<vmem>>
          %dma_wait3A_145 = arith.constant 0 : i32
          %dma_wait3A_146 = tpu.memref_slice %arg7[%mul3A_57, %dma_wait3A_145] : memref<40x128xi32, #tpu.memory_space<vmem>> -> memref<1x128xi32, #tpu.memory_space<vmem>>
          %dma_wait3A_147 = tpu.memref_squeeze %dma_wait3A_146 : memref<1x128xi32, #tpu.memory_space<vmem>> -> memref<128xi32, #tpu.memory_space<vmem>>
          %dma_wait3A_148 = arith.constant 0 : i32
          %dma_wait3A_149 = arith.constant 0 : i32
          %dma_wait3A_150 = tpu.memref_slice %arg9[%dma_wait3A_148, %dma_wait3A_149] : memref<10240x128xf32, #tpu.memory_space<vmem_shared>> -> memref<10240x128xf32, #tpu.memory_space<vmem_shared>>
          tpu.wait_indirect_dma semaphore(%run_scoped3A_130 : memref<!tpu.dma_semaphore, #tpu.memory_space<semaphore_mem>>) src(%dma_wait3A_144 : memref<128x128xf32, #tpu.memory_space<vmem>>) dst(%dma_wait3A_150 : memref<10240x128xf32, #tpu.memory_space<vmem_shared>>)
          tpu.yield
        }) : () -> ()
        %lt3A = arith.constant 19 : i32
        %lt3A_105 = arith.cmpi slt, %scan3A_55, %lt3A : i32
        %convert_element_type3A_106 = arith.extui %lt3A_105 : i1 to i32
        %cond3A_107 = arith.constant 0 : i32
        %cond3A_108 = arith.cmpi ne, %convert_element_type3A_106, %cond3A_107 : i32
        scf.if %cond3A_108 {
          %add3A_130 = arith.constant 2 : i32
          %add3A_131 = arith.addi %mul3A_57, %add3A_130 : i32
          %dma_start3A_132 = arith.constant 0 : i32
          %dma_start3A_133 = arith.constant 0 : i32
          %dma_start3A_134 = arith.constant 0 : i32
          %dma_start3A_135 = arith.constant 0 : i32
          %dma_start3A_136 = tpu.memref_slice %arg8[%dma_start3A_132, %dma_start3A_134, %dma_start3A_135] : memref<2x128x128xf32, #tpu.memory_space<vmem>> -> memref<1x64x128xf32, #tpu.memory_space<vmem>>
          %dma_start3A_137 = tpu.memref_squeeze %dma_start3A_136 : memref<1x64x128xf32, #tpu.memory_space<vmem>> -> memref<64x128xf32, #tpu.memory_space<vmem>>
          %dma_start3A_138 = arith.constant 0 : i32
          %dma_start3A_139 = tpu.memref_slice %arg6[%add3A_131, %dma_start3A_138] : memref<40x128xi32, #tpu.memory_space<vmem>> -> memref<1x64xi32, #tpu.memory_space<vmem>>
          %dma_start3A_140 = tpu.memref_squeeze %dma_start3A_139 : memref<1x64xi32, #tpu.memory_space<vmem>> -> memref<64xi32, #tpu.memory_space<vmem>>
          %dma_start3A_141 = arith.constant 0 : i32
          %dma_start3A_142 = arith.constant 0 : i32
          %dma_start3A_143 = tpu.memref_slice %arg4[%dma_start3A_141, %dma_start3A_142] : memref<10240x128xf32, #tpu.memory_space<hbm>> -> memref<10240x128xf32, #tpu.memory_space<hbm>>
          %dma_start3A_144 = tpu.memref_slice %arg10[%dma_start3A_133] : memref<2x!tpu.dma_semaphore, #tpu.memory_space<semaphore_mem>> -> memref<1x!tpu.dma_semaphore, #tpu.memory_space<semaphore_mem>>
          %dma_start3A_145 = tpu.memref_squeeze %dma_start3A_144 : memref<1x!tpu.dma_semaphore, #tpu.memory_space<semaphore_mem>> -> memref<!tpu.dma_semaphore, #tpu.memory_space<semaphore_mem>>
          tpu.enqueue_indirect_dma source(%dma_start3A_143 : memref<10240x128xf32, #tpu.memory_space<hbm>>) target(%dma_start3A_137 : memref<64x128xf32, #tpu.memory_space<vmem>>) offsets(%dma_start3A_140 : memref<64xi32, #tpu.memory_space<vmem>>) semaphore(%dma_start3A_145 : memref<!tpu.dma_semaphore, #tpu.memory_space<semaphore_mem>>)
          %dma_start3A_146 = arith.constant 0 : i32
          %dma_start3A_147 = arith.constant 0 : i32
          %dma_start3A_148 = arith.constant 64 : i32
          %dma_start3A_149 = arith.constant 0 : i32
          %dma_start3A_150 = tpu.memref_slice %arg8[%dma_start3A_146, %dma_start3A_148, %dma_start3A_149] : memref<2x128x128xf32, #tpu.memory_space<vmem>> -> memref<1x64x128xf32, #tpu.memory_space<vmem>>
          %dma_start3A_151 = tpu.memref_squeeze %dma_start3A_150 : memref<1x64x128xf32, #tpu.memory_space<vmem>> -> memref<64x128xf32, #tpu.memory_space<vmem>>
          %dma_start3A_152 = arith.constant 64 : i32
          %dma_start3A_153 = tpu.memref_slice %arg6[%add3A_131, %dma_start3A_152] : memref<40x128xi32, #tpu.memory_space<vmem>> -> memref<1x64xi32, #tpu.memory_space<vmem>>
          %dma_start3A_154 = tpu.memref_squeeze %dma_start3A_153 : memref<1x64xi32, #tpu.memory_space<vmem>> -> memref<64xi32, #tpu.memory_space<vmem>>
          %dma_start3A_155 = arith.constant 0 : i32
          %dma_start3A_156 = arith.constant 0 : i32
          %dma_start3A_157 = tpu.memref_slice %arg4[%dma_start3A_155, %dma_start3A_156] : memref<10240x128xf32, #tpu.memory_space<hbm>> -> memref<10240x128xf32, #tpu.memory_space<hbm>>
          %dma_start3A_158 = tpu.memref_slice %arg10[%dma_start3A_147] : memref<2x!tpu.dma_semaphore, #tpu.memory_space<semaphore_mem>> -> memref<1x!tpu.dma_semaphore, #tpu.memory_space<semaphore_mem>>
          %dma_start3A_159 = tpu.memref_squeeze %dma_start3A_158 : memref<1x!tpu.dma_semaphore, #tpu.memory_space<semaphore_mem>> -> memref<!tpu.dma_semaphore, #tpu.memory_space<semaphore_mem>>
          tpu.enqueue_indirect_dma source(%dma_start3A_157 : memref<10240x128xf32, #tpu.memory_space<hbm>>) target(%dma_start3A_151 : memref<64x128xf32, #tpu.memory_space<vmem>>) offsets(%dma_start3A_154 : memref<64xi32, #tpu.memory_space<vmem>>) semaphore(%dma_start3A_159 : memref<!tpu.dma_semaphore, #tpu.memory_space<semaphore_mem>>)
        } else {
        }
        %dma_wait3A_109 = arith.constant 1 : i32
        %dma_wait3A_110 = arith.constant 1 : i32
        %dma_wait3A_111 = arith.constant 0 : i32
        %dma_wait3A_112 = arith.constant 0 : i32
        %dma_wait3A_113 = tpu.memref_slice %arg8[%dma_wait3A_109, %dma_wait3A_111, %dma_wait3A_112] : memref<2x128x128xf32, #tpu.memory_space<vmem>> -> memref<1x128x128xf32, #tpu.memory_space<vmem>>
        %dma_wait3A_114 = tpu.memref_squeeze %dma_wait3A_113 : memref<1x128x128xf32, #tpu.memory_space<vmem>> -> memref<128x128xf32, #tpu.memory_space<vmem>>
        %dma_wait3A_115 = arith.constant 0 : i32
        %dma_wait3A_116 = arith.constant 0 : i32
        %dma_wait3A_117 = tpu.memref_slice %arg4[%dma_wait3A_115, %dma_wait3A_116] : memref<10240x128xf32, #tpu.memory_space<hbm>> -> memref<128x128xf32, #tpu.memory_space<hbm>>
        %dma_wait3A_118 = tpu.memref_slice %arg10[%dma_wait3A_110] : memref<2x!tpu.dma_semaphore, #tpu.memory_space<semaphore_mem>> -> memref<1x!tpu.dma_semaphore, #tpu.memory_space<semaphore_mem>>
        %dma_wait3A_119 = tpu.memref_squeeze %dma_wait3A_118 : memref<1x!tpu.dma_semaphore, #tpu.memory_space<semaphore_mem>> -> memref<!tpu.dma_semaphore, #tpu.memory_space<semaphore_mem>>
        %dma_wait3A_120 = arith.constant 0 : i32
        %dma_wait3A_121 = arith.constant 0 : i32
        %dma_wait3A_122 = tpu.memref_slice %arg8[%dma_wait3A_109, %dma_wait3A_120, %dma_wait3A_121] : memref<2x128x128xf32, #tpu.memory_space<vmem>> -> memref<1x128x128xf32, #tpu.memory_space<vmem>>
        %dma_wait3A_123 = tpu.memref_squeeze %dma_wait3A_122 : memref<1x128x128xf32, #tpu.memory_space<vmem>> -> memref<128x128xf32, #tpu.memory_space<vmem>>
        %dma_wait3A_124 = arith.constant 0 : i32
        %dma_wait3A_125 = arith.constant 0 : i32
        %dma_wait3A_126 = tpu.memref_slice %arg4[%dma_wait3A_124, %dma_wait3A_125] : memref<10240x128xf32, #tpu.memory_space<hbm>> -> memref<128x128xf32, #tpu.memory_space<hbm>>
        tpu.wait_dma2 semaphore(%dma_wait3A_119 : memref<!tpu.dma_semaphore, #tpu.memory_space<semaphore_mem>>) src(%dma_wait3A_126 : memref<128x128xf32, #tpu.memory_space<hbm>>) dst(%dma_wait3A_123 : memref<128x128xf32, #tpu.memory_space<vmem>>)
        %add3A_127 = arith.constant 1 : i32
        %add3A_128 = arith.addi %mul3A_57, %add3A_127 : i32
        %run_scoped3A_129 = arith.constant 1 : i32
        "tpu.region"() ({
          %run_scoped3A_130 = tpu.sem_alloc : memref<!tpu.dma_semaphore, #tpu.memory_space<semaphore_mem>>
          %dma_start3A_131 = arith.constant 0 : i32
          %dma_start3A_132 = arith.constant 0 : i32
          %dma_start3A_133 = tpu.memref_slice %arg8[%run_scoped3A_129, %dma_start3A_131, %dma_start3A_132] : memref<2x128x128xf32, #tpu.memory_space<vmem>> -> memref<1x128x128xf32, #tpu.memory_space<vmem>>
          %dma_start3A_134 = tpu.memref_squeeze %dma_start3A_133 : memref<1x128x128xf32, #tpu.memory_space<vmem>> -> memref<128x128xf32, #tpu.memory_space<vmem>>
          %dma_start3A_135 = arith.constant 0 : i32
          %dma_start3A_136 = tpu.memref_slice %arg7[%add3A_128, %dma_start3A_135] : memref<40x128xi32, #tpu.memory_space<vmem>> -> memref<1x128xi32, #tpu.memory_space<vmem>>
          %dma_start3A_137 = tpu.memref_squeeze %dma_start3A_136 : memref<1x128xi32, #tpu.memory_space<vmem>> -> memref<128xi32, #tpu.memory_space<vmem>>
          %dma_start3A_138 = arith.constant 0 : i32
          %dma_start3A_139 = arith.constant 0 : i32
          %dma_start3A_140 = tpu.memref_slice %arg9[%dma_start3A_138, %dma_start3A_139] : memref<10240x128xf32, #tpu.memory_space<vmem_shared>> -> memref<10240x128xf32, #tpu.memory_space<vmem_shared>>
          tpu.enqueue_indirect_dma source(%dma_start3A_134 : memref<128x128xf32, #tpu.memory_space<vmem>>) target(%dma_start3A_140 : memref<10240x128xf32, #tpu.memory_space<vmem_shared>>) offsets(%dma_start3A_137 : memref<128xi32, #tpu.memory_space<vmem>>) semaphore(%run_scoped3A_130 : memref<!tpu.dma_semaphore, #tpu.memory_space<semaphore_mem>>) {add = true}
          %dma_wait3A_141 = arith.constant 0 : i32
          %dma_wait3A_142 = arith.constant 0 : i32
          %dma_wait3A_143 = tpu.memref_slice %arg8[%run_scoped3A_129, %dma_wait3A_141, %dma_wait3A_142] : memref<2x128x128xf32, #tpu.memory_space<vmem>> -> memref<1x128x128xf32, #tpu.memory_space<vmem>>
          %dma_wait3A_144 = tpu.memref_squeeze %dma_wait3A_143 : memref<1x128x128xf32, #tpu.memory_space<vmem>> -> memref<128x128xf32, #tpu.memory_space<vmem>>
          %dma_wait3A_145 = arith.constant 0 : i32
          %dma_wait3A_146 = tpu.memref_slice %arg7[%add3A_128, %dma_wait3A_145] : memref<40x128xi32, #tpu.memory_space<vmem>> -> memref<1x128xi32, #tpu.memory_space<vmem>>
          %dma_wait3A_147 = tpu.memref_squeeze %dma_wait3A_146 : memref<1x128xi32, #tpu.memory_space<vmem>> -> memref<128xi32, #tpu.memory_space<vmem>>
          %dma_wait3A_148 = arith.constant 0 : i32
          %dma_wait3A_149 = arith.constant 0 : i32
          %dma_wait3A_150 = tpu.memref_slice %arg9[%dma_wait3A_148, %dma_wait3A_149] : memref<10240x128xf32, #tpu.memory_space<vmem_shared>> -> memref<10240x128xf32, #tpu.memory_space<vmem_shared>>
          tpu.wait_indirect_dma semaphore(%run_scoped3A_130 : memref<!tpu.dma_semaphore, #tpu.memory_space<semaphore_mem>>) src(%dma_wait3A_144 : memref<128x128xf32, #tpu.memory_space<vmem>>) dst(%dma_wait3A_150 : memref<10240x128xf32, #tpu.memory_space<vmem_shared>>)
          tpu.yield
        }) : () -> ()
      }
      %scan3A_54 = arith.constant 20 : i32
    }
    %scan3A_11 = arith.constant 2 : i32
    %barrier3A_12 = arith.constant 0 : index
    tpu.barrier barrier_id(%barrier3A_12)
    %mul3A_13 = arith.constant 640 : i32
    %mul3A_14 = arith.muli %arg1, %mul3A_13 : i32
    %mul3A_15 = arith.constant 640 : i32
    %mul3A_16 = arith.muli %arg1, %mul3A_15 : i32
    "tpu.region"() ({
      %run_scoped3A = tpu.sem_alloc : memref<!tpu.dma_semaphore, #tpu.memory_space<semaphore_mem>>
      %dma_start3A = arith.constant 0 : i32
      %dma_start3A_17 = tpu.memref_slice %arg5[%arg0, %mul3A_16, %dma_start3A] : memref<2x10240x128xf32, #tpu.memory_space<hbm>> -> memref<1x640x128xf32, #tpu.memory_space<hbm>>
      %dma_start3A_18 = tpu.memref_squeeze %dma_start3A_17 : memref<1x640x128xf32, #tpu.memory_space<hbm>> -> memref<640x128xf32, #tpu.memory_space<hbm>>
      %dma_start3A_19 = arith.constant 0 : i32
      %dma_start3A_20 = tpu.memref_slice %arg9[%mul3A_14, %dma_start3A_19] : memref<10240x128xf32, #tpu.memory_space<vmem_shared>> -> memref<640x128xf32, #tpu.memory_space<vmem_shared>>
      tpu.enqueue_dma source(%dma_start3A_20 : memref<640x128xf32, #tpu.memory_space<vmem_shared>>) target(%dma_start3A_18 : memref<640x128xf32, #tpu.memory_space<hbm>>) target_semaphore(%run_scoped3A : memref<!tpu.dma_semaphore, #tpu.memory_space<semaphore_mem>>)
      %dma_wait3A = arith.constant 0 : i32
      %dma_wait3A_21 = tpu.memref_slice %arg5[%arg0, %mul3A_16, %dma_wait3A] : memref<2x10240x128xf32, #tpu.memory_space<hbm>> -> memref<1x640x128xf32, #tpu.memory_space<hbm>>
      %dma_wait3A_22 = tpu.memref_squeeze %dma_wait3A_21 : memref<1x640x128xf32, #tpu.memory_space<hbm>> -> memref<640x128xf32, #tpu.memory_space<hbm>>
      %dma_wait3A_23 = arith.constant 0 : i32
      %dma_wait3A_24 = tpu.memref_slice %arg9[%mul3A_14, %dma_wait3A_23] : memref<10240x128xf32, #tpu.memory_space<vmem_shared>> -> memref<640x128xf32, #tpu.memory_space<vmem_shared>>
      tpu.wait_dma2 semaphore(%run_scoped3A : memref<!tpu.dma_semaphore, #tpu.memory_space<semaphore_mem>>) src(%dma_wait3A_24 : memref<640x128xf32, #tpu.memory_space<vmem_shared>>) dst(%dma_wait3A_22 : memref<640x128xf32, #tpu.memory_space<hbm>>)
      tpu.yield
    }) : () -> ()
    return
  }
}

module attributes {stable_mosaic.version = 14 : i64} {
  func.func @_mm1_body(%arg0: i32, %arg1: memref<5120x128xf32, #tpu.memory_space<vmem>>, %arg2: memref<128x128xf32, #tpu.memory_space<vmem>>, %arg3: memref<2x5120x1xf32, #tpu.memory_space<vmem>>, %arg4: memref<5120x128xf32, #tpu.memory_space<vmem>>) attributes {dimension_semantics = [#tpu.dimension_semantics<arbitrary>], iteration_bounds = array<i64: 2>, scalar_prefetch = 0 : i64, scratch_operands = 0 : i64, tpu.core_type = #tpu.core_type<tc>, window_params = [{transform_indices = @transform_0, window_bounds = array<i64: 5120, 128>}, {pipeline_mode = #tpu.pipeline_mode<synchronous>, transform_indices = @transform_1, window_bounds = array<i64: 128, 128>}, {transform_indices = @transform_2, window_bounds = array<i64: 2, 5120, 1>}, {transform_indices = @transform_3, window_bounds = array<i64: 5120, 128>}]} {
    %get3A = arith.constant 0 : index
    %get3A_0 = arith.constant 0 : index
    %get3A_1 = vector.load %arg1[%get3A, %get3A_0] : memref<5120x128xf32, #tpu.memory_space<vmem>>, vector<5120x128xf32>
    %get3A_2 = arith.constant 0 : index
    %get3A_3 = arith.constant 0 : index
    %get3A_4 = vector.load %arg2[%get3A_2, %get3A_3] : memref<128x128xf32, #tpu.memory_space<vmem>>, vector<128x128xf32>
    %dot_general3A = arith.constant dense<0.000000e+00> : vector<5120x128xf32>
    %dot_general3A_5 = tpu.matmul %get3A_1, %get3A_4, %dot_general3A {dimension_numbers = #tpu.dot_dimension_numbers<[1], [0], [0], [1], [0, 0, 1, 1], [], []>, transpose_lhs_hint = false} : vector<5120x128xf32>, vector<128x128xf32>, vector<5120x128xf32> -> vector<5120x128xf32>
    %mul3A = arith.constant 5120 : i32
    %mul3A_6 = arith.muli %arg0, %mul3A : i32
    %iota3A = tpu.iota {dimensions = array<i32: 0>} : vector<5120x1xi32>
    %add3A = vector.broadcast %mul3A_6 : i32 to vector<5120x1xi32>
    %add3A_7 = arith.addi %add3A, %iota3A : vector<5120x1xi32>
    %lt3A = arith.constant 10000 : i32
    %lt3A_8 = vector.broadcast %lt3A : i32 to vector<5120x1xi32>
    %lt3A_9 = arith.cmpi slt, %add3A_7, %lt3A_8 : vector<5120x1xi32>
    %get3A_10 = arith.constant 0 : index
    %get3A_11 = arith.constant 0 : index
    %get3A_12 = arith.constant 0 : index
    %get3A_13 = vector.load %arg3[%get3A_10, %get3A_11, %get3A_12] : memref<2x5120x1xf32, #tpu.memory_space<vmem>>, vector<1x5120x1xf32>
    %get3A_14 = vector.shape_cast %get3A_13 : vector<1x5120x1xf32> to vector<5120x1xf32>
    %get3A_15 = arith.constant 1 : index
    %get3A_16 = arith.constant 0 : index
    %get3A_17 = arith.constant 0 : index
    %get3A_18 = vector.load %arg3[%get3A_15, %get3A_16, %get3A_17] : memref<2x5120x1xf32, #tpu.memory_space<vmem>>, vector<1x5120x1xf32>
    %get3A_19 = vector.shape_cast %get3A_18 : vector<1x5120x1xf32> to vector<5120x1xf32>
    %add3A_20 = arith.addf %get3A_14, %get3A_19 : vector<5120x1xf32>
    %add3A_21 = arith.constant 1.000000e+00 : f32
    %add3A_22 = vector.broadcast %add3A_21 : f32 to vector<5120x1xf32>
    %add3A_23 = arith.addf %add3A_20, %add3A_22 : vector<5120x1xf32>
    %rsqrt3A = math.rsqrt %add3A_23 : vector<5120x1xf32>
    %mul3A_24 = vector.broadcast %rsqrt3A : vector<5120x1xf32> to vector<5120x128xf32>
    %mul3A_25 = arith.mulf %dot_general3A_5, %mul3A_24 : vector<5120x128xf32>
    %jit3A = arith.constant 0.000000e+00 : f32
    %broadcast_in_dim3A = vector.shape_cast %lt3A_9 : vector<5120x1xi1> to vector<5120x1xi1>
    %broadcast_in_dim3A_26 = vector.broadcast %broadcast_in_dim3A : vector<5120x1xi1> to vector<5120x128xi1>
    %broadcast_in_dim3A_27 = vector.broadcast %jit3A : f32 to vector<5120x128xf32>
    %select_n3A = arith.select %broadcast_in_dim3A_26, %mul3A_25, %broadcast_in_dim3A_27 : vector<5120x128xi1>, vector<5120x128xf32>
    %swap3A = arith.constant 0 : index
    %swap3A_28 = arith.constant 0 : index
    %swap3A_29 = vector.load %arg4[%swap3A, %swap3A_28] : memref<5120x128xf32, #tpu.memory_space<vmem>>, vector<5120x128xf32>
    tpu.vector_store %arg4[%swap3A, %swap3A_28], %select_n3A {strides = array<i32>} : memref<5120x128xf32, #tpu.memory_space<vmem>>, vector<5120x128xf32>,
    return
  }
  func.func @transform_0(%arg0: i32) -> (i32, i32) {
    %c0_i32 = arith.constant 0 : i32
    %c0_i32_0 = arith.constant 0 : i32
    return %arg0, %c0_i32 : i32, i32
  }
  func.func @transform_1(%arg0: i32) -> (i32, i32) {
    %c0_i32 = arith.constant 0 : i32
    %c0_i32_0 = arith.constant 0 : i32
    %c0_i32_1 = arith.constant 0 : i32
    return %c0_i32, %c0_i32_0 : i32, i32
  }
  func.func @transform_2(%arg0: i32) -> (i32, i32, i32) {
    %c0_i32 = arith.constant 0 : i32
    %c0_i32_0 = arith.constant 0 : i32
    %c0_i32_1 = arith.constant 0 : i32
    return %c0_i32, %arg0, %c0_i32_0 : i32, i32, i32
  }
  func.func @transform_3(%arg0: i32) -> (i32, i32) {
    %c0_i32 = arith.constant 0 : i32
    %c0_i32_0 = arith.constant 0 : i32
    return %arg0, %c0_i32 : i32, i32
  }
}

module attributes {stable_mosaic.version = 14 : i64} {
  func.func @_final_body(%arg0: i32, %arg1: memref<2x5120x128xf32, #tpu.memory_space<vmem>>, %arg2: memref<2x5120x1xf32, #tpu.memory_space<vmem>>, %arg3: memref<1x128xf32, #tpu.memory_space<vmem>>, %arg4: memref<1x1x5120xi32, #tpu.memory_space<vmem>>, %arg5: memref<64x128xf32, #tpu.memory_space<vmem>>) attributes {dimension_semantics = [#tpu.dimension_semantics<arbitrary>], iteration_bounds = array<i64: 2>, scalar_prefetch = 0 : i64, scratch_operands = 0 : i64, tpu.core_type = #tpu.core_type<tc>, window_params = [{transform_indices = @transform_0, window_bounds = array<i64: 2, 5120, 128>}, {transform_indices = @transform_1, window_bounds = array<i64: 2, 5120, 1>}, {pipeline_mode = #tpu.pipeline_mode<synchronous>, transform_indices = @transform_2, window_bounds = array<i64: 1, 128>}, {transform_indices = @transform_3, window_bounds = array<i64: 1, 1, 5120>}, {pipeline_mode = #tpu.pipeline_mode<synchronous>, transform_indices = @transform_4, window_bounds = array<i64: 64, 128>}]} {
    %get3A = arith.constant 0 : index
    %get3A_0 = arith.constant 0 : index
    %get3A_1 = arith.constant 0 : index
    %get3A_2 = vector.load %arg2[%get3A, %get3A_0, %get3A_1] : memref<2x5120x1xf32, #tpu.memory_space<vmem>>, vector<1x5120x1xf32>
    %get3A_3 = vector.shape_cast %get3A_2 : vector<1x5120x1xf32> to vector<5120x1xf32>
    %get3A_4 = arith.constant 1 : index
    %get3A_5 = arith.constant 0 : index
    %get3A_6 = arith.constant 0 : index
    %get3A_7 = vector.load %arg2[%get3A_4, %get3A_5, %get3A_6] : memref<2x5120x1xf32, #tpu.memory_space<vmem>>, vector<1x5120x1xf32>
    %get3A_8 = vector.shape_cast %get3A_7 : vector<1x5120x1xf32> to vector<5120x1xf32>
    %add3A = arith.addf %get3A_3, %get3A_8 : vector<5120x1xf32>
    %add3A_9 = arith.constant 1.000000e+00 : f32
    %add3A_10 = vector.broadcast %add3A_9 : f32 to vector<5120x1xf32>
    %add3A_11 = arith.addf %add3A, %add3A_10 : vector<5120x1xf32>
    %rsqrt3A = math.rsqrt %add3A_11 : vector<5120x1xf32>
    %get3A_12 = arith.constant 0 : index
    %get3A_13 = arith.constant 0 : index
    %get3A_14 = arith.constant 0 : index
    %get3A_15 = vector.load %arg1[%get3A_12, %get3A_13, %get3A_14] : memref<2x5120x128xf32, #tpu.memory_space<vmem>>, vector<1x5120x128xf32>
    %get3A_16 = vector.shape_cast %get3A_15 : vector<1x5120x128xf32> to vector<5120x128xf32>
    %get3A_17 = arith.constant 1 : index
    %get3A_18 = arith.constant 0 : index
    %get3A_19 = arith.constant 0 : index
    %get3A_20 = vector.load %arg1[%get3A_17, %get3A_18, %get3A_19] : memref<2x5120x128xf32, #tpu.memory_space<vmem>>, vector<1x5120x128xf32>
    %get3A_21 = vector.shape_cast %get3A_20 : vector<1x5120x128xf32> to vector<5120x128xf32>
    %add3A_22 = arith.addf %get3A_16, %get3A_21 : vector<5120x128xf32>
    %mul3A = vector.broadcast %rsqrt3A : vector<5120x1xf32> to vector<5120x128xf32>
    %mul3A_23 = arith.mulf %add3A_22, %mul3A : vector<5120x128xf32>
    %get3A_24 = arith.constant 0 : index
    %get3A_25 = arith.constant 0 : index
    %get3A_26 = vector.load %arg3[%get3A_24, %get3A_25] : memref<1x128xf32, #tpu.memory_space<vmem>>, vector<1x128xf32>
    %add3A_27 = vector.broadcast %get3A_26 : vector<1x128xf32> to vector<5120x128xf32>
    %add3A_28 = arith.addf %mul3A_23, %add3A_27 : vector<5120x128xf32>
    %max3A = arith.constant 0.000000e+00 : f32
    %max3A_29 = vector.broadcast %max3A : f32 to vector<5120x128xf32>
    %max3A_30 = arith.maximumf %add3A_28, %max3A_29 : vector<5120x128xf32>
    %eq3A = arith.constant 0 : i32
    %eq3A_31 = arith.cmpi eq, %arg0, %eq3A : i32
    %convert_element_type3A = arith.extui %eq3A_31 : i1 to i32
    %cond3A = arith.constant 0 : i32
    %cond3A_32 = arith.cmpi ne, %convert_element_type3A, %cond3A : i32
    scf.if %cond3A_32 {
      %broadcast_in_dim3A = arith.constant 0.000000e+00 : f32
      %broadcast_in_dim3A_49 = vector.broadcast %broadcast_in_dim3A : f32 to vector<64x128xf32>
      %swap3A_50 = arith.constant 0 : index
      %swap3A_51 = arith.constant 0 : index
      %swap3A_52 = vector.load %arg5[%swap3A_50, %swap3A_51] : memref<64x128xf32, #tpu.memory_space<vmem>>, vector<64x128xf32>
      tpu.vector_store %arg5[%swap3A_50, %swap3A_51], %broadcast_in_dim3A_49 {strides = array<i32>} : memref<64x128xf32, #tpu.memory_space<vmem>>, vector<64x128xf32>,
    } else {
    }
    %get3A_33 = arith.constant 0 : index
    %get3A_34 = arith.constant 0 : index
    %get3A_35 = vector.load %arg5[%get3A_33, %get3A_34] : memref<64x128xf32, #tpu.memory_space<vmem>>, vector<64x128xf32>
    %get3A_36 = arith.constant 0 : index
    %get3A_37 = arith.constant 0 : index
    %get3A_38 = arith.constant 0 : index
    %get3A_39 = vector.load %arg4[%get3A_36, %get3A_37, %get3A_38] : memref<1x1x5120xi32, #tpu.memory_space<vmem>>, vector<1x1x5120xi32>
    %get3A_40 = vector.shape_cast %get3A_39 : vector<1x1x5120xi32> to vector<1x5120xi32>
    %iota3A = tpu.iota {dimensions = array<i32: 0>} : vector<64x5120xi32>
    %eq3A_41 = vector.broadcast %get3A_40 : vector<1x5120xi32> to vector<64x5120xi32>
    %eq3A_42 = arith.cmpi eq, %iota3A, %eq3A_41 : vector<64x5120xi32>
    %convert_element_type3A_43 = arith.extui %eq3A_42 : vector<64x5120xi1> to vector<64x5120xi32>
    %convert_element_type3A_44 = arith.sitofp %convert_element_type3A_43 : vector<64x5120xi32> to vector<64x5120xf32>
    %dot_general3A = arith.constant dense<0.000000e+00> : vector<64x128xf32>
    %dot_general3A_45 = tpu.matmul %convert_element_type3A_44, %max3A_30, %dot_general3A {dimension_numbers = #tpu.dot_dimension_numbers<[1], [0], [0], [1], [0, 0, 1, 1], [], []>, transpose_lhs_hint = false} : vector<64x5120xf32>, vector<5120x128xf32>, vector<64x128xf32> -> vector<64x128xf32>
    %add3A_46 = arith.addf %get3A_35, %dot_general3A_45 : vector<64x128xf32>
    %swap3A = arith.constant 0 : index
    %swap3A_47 = arith.constant 0 : index
    %swap3A_48 = vector.load %arg5[%swap3A, %swap3A_47] : memref<64x128xf32, #tpu.memory_space<vmem>>, vector<64x128xf32>
    tpu.vector_store %arg5[%swap3A, %swap3A_47], %add3A_46 {strides = array<i32>} : memref<64x128xf32, #tpu.memory_space<vmem>>, vector<64x128xf32>,
    return
  }
  func.func @transform_0(%arg0: i32) -> (i32, i32, i32) {
    %c0_i32 = arith.constant 0 : i32
    %c0_i32_0 = arith.constant 0 : i32
    %c0_i32_1 = arith.constant 0 : i32
    return %c0_i32, %arg0, %c0_i32_0 : i32, i32, i32
  }
  func.func @transform_1(%arg0: i32) -> (i32, i32, i32) {
    %c0_i32 = arith.constant 0 : i32
    %c0_i32_0 = arith.constant 0 : i32
    %c0_i32_1 = arith.constant 0 : i32
    return %c0_i32, %arg0, %c0_i32_0 : i32, i32, i32
  }
  func.func @transform_2(%arg0: i32) -> (i32, i32) {
    %c0_i32 = arith.constant 0 : i32
    %c0_i32_0 = arith.constant 0 : i32
    %c0_i32_1 = arith.constant 0 : i32
    return %c0_i32, %c0_i32_0 : i32, i32
  }
  func.func @transform_3(%arg0: i32) -> (i32, i32, i32) {
    %c0_i32 = arith.constant 0 : i32
    %c0_i32_0 = arith.constant 0 : i32
    %c0_i32_1 = arith.constant 0 : i32
    return %arg0, %c0_i32, %c0_i32_0 : i32, i32, i32
  }
  func.func @transform_4(%arg0: i32) -> (i32, i32) {
    %c0_i32 = arith.constant 0 : i32
    %c0_i32_0 = arith.constant 0 : i32
    %c0_i32_1 = arith.constant 0 : i32
    return %c0_i32, %c0_i32_0 : i32, i32
  }
}

module attributes {stable_mosaic.version = 14 : i64} {
  func.func @_layer_body(%arg0: i32, %arg1: memref<2x5120x128xf32, #tpu.memory_space<vmem>>, %arg2: memref<2x5120x1xf32, #tpu.memory_space<vmem>>, %arg3: memref<1x128xf32, #tpu.memory_space<vmem>>, %arg4: memref<128x128xf32, #tpu.memory_space<vmem>>, %arg5: memref<1x1x5120xi32, #tpu.memory_space<vmem>>, %arg6: memref<5120x128xf32, #tpu.memory_space<vmem>>, %arg7: memref<64x128xf32, #tpu.memory_space<vmem>>) attributes {dimension_semantics = [#tpu.dimension_semantics<arbitrary>], iteration_bounds = array<i64: 2>, scalar_prefetch = 0 : i64, scratch_operands = 0 : i64, tpu.core_type = #tpu.core_type<tc>, window_params = [{transform_indices = @transform_0, window_bounds = array<i64: 2, 5120, 128>}, {transform_indices = @transform_1, window_bounds = array<i64: 2, 5120, 1>}, {pipeline_mode = #tpu.pipeline_mode<synchronous>, transform_indices = @transform_2, window_bounds = array<i64: 1, 128>}, {pipeline_mode = #tpu.pipeline_mode<synchronous>, transform_indices = @transform_3, window_bounds = array<i64: 128, 128>}, {transform_indices = @transform_4, window_bounds = array<i64: 1, 1, 5120>}, {transform_indices = @transform_5, window_bounds = array<i64: 5120, 128>}, {pipeline_mode = #tpu.pipeline_mode<synchronous>, transform_indices = @transform_6, window_bounds = array<i64: 64, 128>}]} {
    %get3A = arith.constant 0 : index
    %get3A_0 = arith.constant 0 : index
    %get3A_1 = arith.constant 0 : index
    %get3A_2 = vector.load %arg2[%get3A, %get3A_0, %get3A_1] : memref<2x5120x1xf32, #tpu.memory_space<vmem>>, vector<1x5120x1xf32>
    %get3A_3 = vector.shape_cast %get3A_2 : vector<1x5120x1xf32> to vector<5120x1xf32>
    %get3A_4 = arith.constant 1 : index
    %get3A_5 = arith.constant 0 : index
    %get3A_6 = arith.constant 0 : index
    %get3A_7 = vector.load %arg2[%get3A_4, %get3A_5, %get3A_6] : memref<2x5120x1xf32, #tpu.memory_space<vmem>>, vector<1x5120x1xf32>
    %get3A_8 = vector.shape_cast %get3A_7 : vector<1x5120x1xf32> to vector<5120x1xf32>
    %add3A = arith.addf %get3A_3, %get3A_8 : vector<5120x1xf32>
    %add3A_9 = arith.constant 1.000000e+00 : f32
    %add3A_10 = vector.broadcast %add3A_9 : f32 to vector<5120x1xf32>
    %add3A_11 = arith.addf %add3A, %add3A_10 : vector<5120x1xf32>
    %rsqrt3A = math.rsqrt %add3A_11 : vector<5120x1xf32>
    %get3A_12 = arith.constant 0 : index
    %get3A_13 = arith.constant 0 : index
    %get3A_14 = arith.constant 0 : index
    %get3A_15 = vector.load %arg1[%get3A_12, %get3A_13, %get3A_14] : memref<2x5120x128xf32, #tpu.memory_space<vmem>>, vector<1x5120x128xf32>
    %get3A_16 = vector.shape_cast %get3A_15 : vector<1x5120x128xf32> to vector<5120x128xf32>
    %get3A_17 = arith.constant 1 : index
    %get3A_18 = arith.constant 0 : index
    %get3A_19 = arith.constant 0 : index
    %get3A_20 = vector.load %arg1[%get3A_17, %get3A_18, %get3A_19] : memref<2x5120x128xf32, #tpu.memory_space<vmem>>, vector<1x5120x128xf32>
    %get3A_21 = vector.shape_cast %get3A_20 : vector<1x5120x128xf32> to vector<5120x128xf32>
    %add3A_22 = arith.addf %get3A_16, %get3A_21 : vector<5120x128xf32>
    %mul3A = vector.broadcast %rsqrt3A : vector<5120x1xf32> to vector<5120x128xf32>
    %mul3A_23 = arith.mulf %add3A_22, %mul3A : vector<5120x128xf32>
    %get3A_24 = arith.constant 0 : index
    %get3A_25 = arith.constant 0 : index
    %get3A_26 = vector.load %arg3[%get3A_24, %get3A_25] : memref<1x128xf32, #tpu.memory_space<vmem>>, vector<1x128xf32>
    %add3A_27 = vector.broadcast %get3A_26 : vector<1x128xf32> to vector<5120x128xf32>
    %add3A_28 = arith.addf %mul3A_23, %add3A_27 : vector<5120x128xf32>
    %max3A = arith.constant 0.000000e+00 : f32
    %max3A_29 = vector.broadcast %max3A : f32 to vector<5120x128xf32>
    %max3A_30 = arith.maximumf %add3A_28, %max3A_29 : vector<5120x128xf32>
    %mul3A_31 = arith.constant 5120 : i32
    %mul3A_32 = arith.muli %arg0, %mul3A_31 : i32
    %iota3A = tpu.iota {dimensions = array<i32: 0>} : vector<5120x1xi32>
    %add3A_33 = vector.broadcast %mul3A_32 : i32 to vector<5120x1xi32>
    %add3A_34 = arith.addi %add3A_33, %iota3A : vector<5120x1xi32>
    %lt3A = arith.constant 10000 : i32
    %lt3A_35 = vector.broadcast %lt3A : i32 to vector<5120x1xi32>
    %lt3A_36 = arith.cmpi slt, %add3A_34, %lt3A_35 : vector<5120x1xi32>
    %get3A_37 = arith.constant 0 : index
    %get3A_38 = arith.constant 0 : index
    %get3A_39 = vector.load %arg4[%get3A_37, %get3A_38] : memref<128x128xf32, #tpu.memory_space<vmem>>, vector<128x128xf32>
    %dot_general3A = arith.constant dense<0.000000e+00> : vector<5120x128xf32>
    %dot_general3A_40 = tpu.matmul %max3A_30, %get3A_39, %dot_general3A {dimension_numbers = #tpu.dot_dimension_numbers<[1], [0], [0], [1], [0, 0, 1, 1], [], []>, transpose_lhs_hint = false} : vector<5120x128xf32>, vector<128x128xf32>, vector<5120x128xf32> -> vector<5120x128xf32>
    %mul3A_41 = vector.broadcast %rsqrt3A : vector<5120x1xf32> to vector<5120x128xf32>
    %mul3A_42 = arith.mulf %dot_general3A_40, %mul3A_41 : vector<5120x128xf32>
    %jit3A = arith.constant 0.000000e+00 : f32
    %broadcast_in_dim3A = vector.shape_cast %lt3A_36 : vector<5120x1xi1> to vector<5120x1xi1>
    %broadcast_in_dim3A_43 = vector.broadcast %broadcast_in_dim3A : vector<5120x1xi1> to vector<5120x128xi1>
    %broadcast_in_dim3A_44 = vector.broadcast %jit3A : f32 to vector<5120x128xf32>
    %select_n3A = arith.select %broadcast_in_dim3A_43, %mul3A_42, %broadcast_in_dim3A_44 : vector<5120x128xi1>, vector<5120x128xf32>
    %swap3A = arith.constant 0 : index
    %swap3A_45 = arith.constant 0 : index
    %swap3A_46 = vector.load %arg6[%swap3A, %swap3A_45] : memref<5120x128xf32, #tpu.memory_space<vmem>>, vector<5120x128xf32>
    tpu.vector_store %arg6[%swap3A, %swap3A_45], %select_n3A {strides = array<i32>} : memref<5120x128xf32, #tpu.memory_space<vmem>>, vector<5120x128xf32>,
    %eq3A = arith.constant 0 : i32
    %eq3A_47 = arith.cmpi eq, %arg0, %eq3A : i32
    %convert_element_type3A = arith.extui %eq3A_47 : i1 to i32
    %cond3A = arith.constant 0 : i32
    %cond3A_48 = arith.cmpi ne, %convert_element_type3A, %cond3A : i32
    scf.if %cond3A_48 {
      %broadcast_in_dim3A_68 = arith.constant 0.000000e+00 : f32
      %broadcast_in_dim3A_69 = vector.broadcast %broadcast_in_dim3A_68 : f32 to vector<64x128xf32>
      %swap3A_70 = arith.constant 0 : index
      %swap3A_71 = arith.constant 0 : index
      %swap3A_72 = vector.load %arg7[%swap3A_70, %swap3A_71] : memref<64x128xf32, #tpu.memory_space<vmem>>, vector<64x128xf32>
      tpu.vector_store %arg7[%swap3A_70, %swap3A_71], %broadcast_in_dim3A_69 {strides = array<i32>} : memref<64x128xf32, #tpu.memory_space<vmem>>, vector<64x128xf32>,
    } else {
    }
    %get3A_49 = arith.constant 0 : index
    %get3A_50 = arith.constant 0 : index
    %get3A_51 = vector.load %arg7[%get3A_49, %get3A_50] : memref<64x128xf32, #tpu.memory_space<vmem>>, vector<64x128xf32>
    %get3A_52 = arith.constant 0 : index
    %get3A_53 = arith.constant 0 : index
    %get3A_54 = arith.constant 0 : index
    %get3A_55 = vector.load %arg5[%get3A_52, %get3A_53, %get3A_54] : memref<1x1x5120xi32, #tpu.memory_space<vmem>>, vector<1x1x5120xi32>
    %get3A_56 = vector.shape_cast %get3A_55 : vector<1x1x5120xi32> to vector<1x5120xi32>
    %iota3A_57 = tpu.iota {dimensions = array<i32: 0>} : vector<64x5120xi32>
    %eq3A_58 = vector.broadcast %get3A_56 : vector<1x5120xi32> to vector<64x5120xi32>
    %eq3A_59 = arith.cmpi eq, %iota3A_57, %eq3A_58 : vector<64x5120xi32>
    %convert_element_type3A_60 = arith.extui %eq3A_59 : vector<64x5120xi1> to vector<64x5120xi32>
    %convert_element_type3A_61 = arith.sitofp %convert_element_type3A_60 : vector<64x5120xi32> to vector<64x5120xf32>
    %dot_general3A_62 = arith.constant dense<0.000000e+00> : vector<64x128xf32>
    %dot_general3A_63 = tpu.matmul %convert_element_type3A_61, %max3A_30, %dot_general3A_62 {dimension_numbers = #tpu.dot_dimension_numbers<[1], [0], [0], [1], [0, 0, 1, 1], [], []>, transpose_lhs_hint = false} : vector<64x5120xf32>, vector<5120x128xf32>, vector<64x128xf32> -> vector<64x128xf32>
    %add3A_64 = arith.addf %get3A_51, %dot_general3A_63 : vector<64x128xf32>
    %swap3A_65 = arith.constant 0 : index
    %swap3A_66 = arith.constant 0 : index
    %swap3A_67 = vector.load %arg7[%swap3A_65, %swap3A_66] : memref<64x128xf32, #tpu.memory_space<vmem>>, vector<64x128xf32>
    tpu.vector_store %arg7[%swap3A_65, %swap3A_66], %add3A_64 {strides = array<i32>} : memref<64x128xf32, #tpu.memory_space<vmem>>, vector<64x128xf32>,
    return
  }
  func.func @transform_0(%arg0: i32) -> (i32, i32, i32) {
    %c0_i32 = arith.constant 0 : i32
    %c0_i32_0 = arith.constant 0 : i32
    %c0_i32_1 = arith.constant 0 : i32
    return %c0_i32, %arg0, %c0_i32_0 : i32, i32, i32
  }
  func.func @transform_1(%arg0: i32) -> (i32, i32, i32) {
    %c0_i32 = arith.constant 0 : i32
    %c0_i32_0 = arith.constant 0 : i32
    %c0_i32_1 = arith.constant 0 : i32
    return %c0_i32, %arg0, %c0_i32_0 : i32, i32, i32
  }
  func.func @transform_2(%arg0: i32) -> (i32, i32) {
    %c0_i32 = arith.constant 0 : i32
    %c0_i32_0 = arith.constant 0 : i32
    %c0_i32_1 = arith.constant 0 : i32
    return %c0_i32, %c0_i32_0 : i32, i32
  }
  func.func @transform_3(%arg0: i32) -> (i32, i32) {
    %c0_i32 = arith.constant 0 : i32
    %c0_i32_0 = arith.constant 0 : i32
    %c0_i32_1 = arith.constant 0 : i32
    return %c0_i32, %c0_i32_0 : i32, i32
  }
  func.func @transform_4(%arg0: i32) -> (i32, i32, i32) {
    %c0_i32 = arith.constant 0 : i32
    %c0_i32_0 = arith.constant 0 : i32
    %c0_i32_1 = arith.constant 0 : i32
    return %arg0, %c0_i32, %c0_i32_0 : i32, i32, i32
  }
  func.func @transform_5(%arg0: i32) -> (i32, i32) {
    %c0_i32 = arith.constant 0 : i32
    %c0_i32_0 = arith.constant 0 : i32
    return %arg0, %c0_i32 : i32, i32
  }
  func.func @transform_6(%arg0: i32) -> (i32, i32) {
    %c0_i32 = arith.constant 0 : i32
    %c0_i32_0 = arith.constant 0 : i32
    %c0_i32_1 = arith.constant 0 : i32
    return %c0_i32, %c0_i32_0 : i32, i32
  }
}

</mosaic_0001>

<sc_bundles>
// kernel: kernel.10.cloned.1.call-start
scs
__scs_entry_jumppad:
0x0: {  	(pc) =	sbr.rel $0x88, $3  }
0x1: {  	(tag) =	ssettag $0x0;
	lr =	simm.s32 $0x1  }
0x2: {  	[smem:$0x3F98] =	sst lr;
	_ =	strace $0xD0000000  }
0x3: {  	_ = 	snop  }
0x4: {  	_ = 	snop  }
0x5: {  	_ = 	snop  }
0x6: {  	_ = 	snop  }
0x7: {  	_ = 	snop  }
__scs_overlays_trampoline_lowered:
0x8: {  	[smem:$0x3FA7] =	sst s0  }
0x9: {  	[smem:$0x3FA8] =	sst s1  }
0xa: {  	[smem:$0x3FA9] =	sst s2  }
0xb: {  	[smem:$0x3FAA] =	sst s3  }
0xc: {  	[smem:$0x3FAB] =	sst s4  }
0xd: {  	[smem:$0x3FAC] =	sst s5  }
0xe: {  	[smem:$0x3FAD] =	sst s6  }
0xf: {  	[smem:$0x3FAE] =	sst s7  }
0x10: {  	[smem:$0x3FAF] =	sst s8  }
0x11: {  	[smem:$0x3FB0] =	sst s9;
	s0 =	simm.s32 @!p0 $0x0  }
0x12: {  	s1 =	sld [smem:$0x3F96];
	s0 =	simm.s32 @p0 $0x1  }
0x13: {  	[smem:$0x3FB1] =	sst s0;
	s0 =	simm.s32 @!p1 $0x0  }
0x14: {  	s2 =	sld [smem:$0x3F95];
	s0 =	simm.s32 @p1 $0x1  }
0x15: {  	[smem:$0x3FB2] =	sst s0;
	s0 =	simm.s32 @!p2 $0x0  }
0x16: {  	s3 =	sld [smem:$0x3FDB];
	s0 =	simm.s32 @p2 $0x1  }
0x17: {  	s4 =	simm.s32 $0x1BF5;
	[smem:$0x3FB4] =	sst s0  }
0x18: {  	s0 =	sld [smem:$0x3F97];
	_ =	swait.ge [sflag:s4], $0x0  }
0x19: {  	s7 =	sld [smem:$0x3F98]  }
0x1a: {  	s8 =	sadd.s32 $0xFFFFE003, lr  }
0x1b: {  	s9 =	sadd.s32 $0xFFFFFEF7, lr;
	s5 =	simm.s32 $0xFFFFFFFF;
	p2 =	slt.u32 s8, $0xFFFFF086  }
0x1c: {  	p1 =	slt.u32 s9, $0xF7A;
	s5 =	simm.s32 @!p2 $0x0  }
0x1d: {  	s5 =	simm.s32 @p1 $0x1;
	p0 =	seq.s32 s7, s2  }
0x1e: {  	s7 =	smul.u32 @!p0 $0xF7A, s2;
	p2 =	seq.s32 @!p0 s5, $0x0  }
0x1f: {  	s9 =	smul.u32 $0xF7A, s1;
	s8 =	simm.s32 @!p0 $0x1BF5;
	p2 =	por !p2, p0  }
0x20: {  	[sflag:s8] =	ssyncset.s32 @!p0 $0xFFFFF086;
	s6 =	sadd.s32 @!p0 s3, s7;
	s7 =	simm.s32 @!p0 $0x108  }
0x21: {  	s3 =	sadd.s32 s3, s9;
	s6 =	sadd.s32 @!p0 $0x88, s6;
	s7 =	simm.s32 @p2 $0x1082  }
0x22: {  	[simem:s7], [sflag:s8] =	dma.local @!p0 [hbm:s6], $0xF7A  }
0x23: {  	s9 =	sor.u32 $0xD0000000, s2;
	s6 =	simm.s32 $0x108;
	_ =	swait.ge @!p0 [sflag:s8], $0x0  }
0x24: {  	s3 =	sadd.s32 $0x88, s3;
	s6 =	simm.s32 @!p1 $0x1082;
	[sflag:s4] =	ssyncset.s32 $0xFFFFF086  }
0x25: {  	[simem:s6], [sflag:s4] =	dma.local [hbm:s3], $0xF7A  }
0x26: {  	[smem:$0x3F98] =	sst s1;
	(tag) =	ssettag s2;
	_ =	strace s9  }
0x27: {  	s1 =	sld [smem:$0x3FA8]  }
0x28: {  	s2 =	sld [smem:$0x3FA9]  }
0x29: {  	s4 =	sld [smem:$0x3FAB]  }
0x2a: {  	p0 =	seq.s32 s5, $0x0;
	s5 =	sld [smem:$0x3FAC]  }
0x2b: {  	s6 =	sld [smem:$0x3FAD]  }
0x2c: {  	s7 =	sld [smem:$0x3FAE]  }
0x2d: {  	s3 =	simm.s32 $0x108;
	s8 =	sld [smem:$0x3FAF]  }
0x2e: {  	s3 =	simm.s32 @!p0 $0x1082;
	s9 =	sld [smem:$0x3FB0]  }
0x2f: {  	lr =	sadd.s32 s0, s3;
	s0 =	sld [smem:$0x3FA7]  }
0x30: {  	s3 =	sld [smem:$0x3FAA]  }
0x31: {  	[smem:$0x3FB3] =	sst s10  }
0x32: {  	s10 =	sld [smem:$0x3FB1];
	_ =	sdelay $0x3  }
0x33: {  	p0 =	seq.s32 s10, $0x1;
	s10 =	sld [smem:$0x3FB3];
	_ =	sdelay $0x3  }
0x34: {  	[smem:$0x3FB3] =	sst s10  }
0x35: {  	s10 =	sld [smem:$0x3FB2];
	_ =	sdelay $0x3  }
0x36: {  	p1 =	seq.s32 s10, $0x1;
	s10 =	sld [smem:$0x3FB3];
	_ =	sdelay $0x3  }
0x37: {  	[smem:$0x3FB3] =	sst s10  }
0x38: {  	s10 =	sld [smem:$0x3FB4]  }
0x39: {  	_ = 	snop;
	(pc) =	sbr.ind lr, $3  }
0x3a: {  	_ = 	snop  }
0x3b: {  	_ = 	snop  }
0x3c: {  	p2 =	seq.s32 s10, $0x1;
	s10 =	sld [smem:$0x3FB3]  }
0x3d: {  	_ =	shalt  }
0x3e: {  	_ =	shalt  }
0x3f: {  	_ =	shalt  }
0x40: {  	_ =	shalt  }
0x41: {  	_ =	shalt  }
0x42: {  	_ =	shalt  }
0x43: {  	_ =	shalt  }
0x44: {  	_ =	shalt  }
0x45: {  	_ =	shalt  }
0x46: {  	_ =	shalt  }
0x47: {  	_ =	shalt  }
0x48: {  	_ =	shalt  }
0x49: {  	_ =	shalt  }
0x4a: {  	_ =	shalt  }
0x4b: {  	_ =	shalt  }
0x4c: {  	_ =	shalt  }
0x4d: {  	_ =	shalt  }
0x4e: {  	_ =	shalt  }
0x4f: {  	_ =	shalt  }
0x50: {  	_ =	shalt  }
0x51: {  	_ =	shalt  }
0x52: {  	_ =	shalt  }
0x53: {  	_ =	shalt  }
0x54: {  	_ =	shalt  }
0x55: {  	_ =	shalt  }
0x56: {  	_ =	shalt  }
0x57: {  	_ =	shalt  }
0x58: {  	_ =	shalt  }
0x59: {  	_ =	shalt  }
0x5a: {  	_ =	shalt  }
0x5b: {  	_ =	shalt  }
0x5c: {  	_ =	shalt  }
0x5d: {  	_ =	shalt  }
0x5e: {  	_ =	shalt  }
0x5f: {  	_ =	shalt  }
0x60: {  	_ =	shalt  }
0x61: {  	_ =	shalt  }
0x62: {  	_ =	shalt  }
0x63: {  	_ =	shalt  }
0x64: {  	_ =	shalt  }
0x65: {  	_ =	shalt  }
0x66: {  	_ =	shalt  }
0x67: {  	_ =	shalt  }
0x68: {  	_ =	shalt  }
0x69: {  	_ =	shalt  }
0x6a: {  	_ =	shalt  }
0x6b: {  	_ =	shalt  }
0x6c: {  	_ =	shalt  }
0x6d: {  	_ =	shalt  }
0x6e: {  	_ =	shalt  }
0x6f: {  	_ =	shalt  }
0x70: {  	_ =	shalt  }
0x71: {  	_ =	shalt  }
0x72: {  	_ =	shalt  }
0x73: {  	_ =	shalt  }
0x74: {  	_ =	shalt  }
0x75: {  	_ =	shalt  }
0x76: {  	_ =	shalt  }
0x77: {  	_ =	shalt  }
0x78: {  	_ =	shalt  }
0x79: {  	_ =	shalt  }
0x7a: {  	_ =	shalt  }
0x7b: {  	_ =	shalt  }
0x7c: {  	_ =	shalt  }
0x7d: {  	_ =	shalt  }
0x7e: {  	_ =	shalt  }
0x7f: {  	_ =	shalt  }
0x80: {  	_ =	shalt  }
0x81: {  	_ =	shalt  }
0x82: {  	_ =	shalt  }
0x83: {  	_ =	shalt  }
0x84: {  	_ =	shalt  }
0x85: {  	_ =	shalt  }
0x86: {  	_ =	shalt  }
0x87: {  	_ =	shalt  }
.Lfunc_end0:
.L_simem_size_0:
called_computation_lowered:
.L_overlay_start_0:
0x88: {  	s2 =	sld [smem:$0x3FD9]  }
0x89: {  	s3 =	sld [smem:$0x3FFE];
	_ =	sdelay $0x1  }
0x8a: {  	s1 =	srdreg.scid  }
0x8b: {  	s0 =	sand.u32 $0x1, s1  }
0x8c: {  	s17 =	sshll.u32 s0, $0xA;
	s2 =	sadd.s32 s3, s2  }
0x8d: {  	s2 =	sadd.s32 s2, s17  }
0x8e: {  	[smem:$0x3FBF] =	sst s2  }
0x8f: {  	_ = 	snop  }
0x90: {  	s2 =	sld [smem:$0x3FD0];
	(tm) =	ssettm $0x1  }
0x91: {  	s18 =	sld [smem:$0x3FFB];
	_ =	sdelay $0x3  }
0x92: {  	_ =	strace s18  }
0x93: {  	s3 =	sld [smem:$0x3FFC];
	_ =	sdelay $0x3  }
0x94: {  	_ =	strace s3  }
0x95: {  	s3 =	sld [smem:$0x3FFD];
	_ =	sdelay $0x3  }
0x96: {  	_ =	strace s3  }
0x97: {  	_ =	strace $0x8FFFFFFF  }
0x98: {  	s19 =	sld [smem:$0x3FDB];
	_ =	sdelay $0x1  }
0x99: {  	s4 =	simm.s32 $_scs_section_size  }
0x9a: {  	s5 =	simm.s32 $_size__tile_overlayer_lowered;
	s6 =	simm.s32 $_tile_overlayer_lowered  }
0x9b: {  	s22 =	simm.s32 $0x1BFF;
	s21 =	sshll.u32 s6, $0x1;
	s3 =	sadd.s32 s4, s19  }
0x9c: {  	s7 =	simm.s32 $0x0;
	s20 =	sshll.u32 s5, $0x1;
	s5 =	sadd.s32 s21, s3  }
0x9d: {  	[timem:s7], [sflag:s22] =	dma.local [hbm:s5], s20  }
0x9e: {  	_ =	swait.ge [sflag:s22], s20  }
0x9f: {  	s4 =	ssub.s32 $0x0, s20;
	[sflag:s22] =	ssyncset.done $0x0  }
0xa0: {  	[sflag:s22] =	ssyncadd.s32 s4;
	_ =	sdelay $0x1  }
0xa1: {  	s23 =	simm.s32 $0x1B8B  }
0xa2: {  	_ =	swait.ge [sflag:s23], $0x1  }
0xa3: {  	[sflag:s23] =	ssyncset.done $0x0  }
0xa4: {  	s25 =	simm.s32 $0x1B8E;
	s24 =	sld [smem:$0x3FFE];
	[sflag:s23] =	ssyncadd.s32 $0xFFFFFFFF  }
0xa5: {  	s26 =	simm.s32 $execute0_lowered;
	[smem:$0x3FD2] =	sst s25  }
0xa6: {  	s5 =	sshll.u32 s26, $0x1;
	_ =	strace $0x80000046;
	[dreg:$0x1] =	wrdreg $0xFFFFFFFF  }
0xa7: {  	s28 =	simm.s32 $_size_execute0_lowered;
	s3 =	sadd.s32 s3, s5;
	[dreg:$0x0] =	wrdreg $0x0  }
0xa8: {  	s5 =	sshll.u32 s28, $0x1;
	[dreg:$0x2] =	wrdreg s3  }
0xa9: {  	[dreg:$0x3] =	wrdreg s5  }
0xaa: {  	[dreg:$0x4] =	wrdreg $0xC0  }
0xab: {  	_ =	task [dreg:s7], $0x5FFFF  }
0xac: {  	[dreg:$0x1] =	wrdreg $0xFFFFFFFF  }
0xad: {  	[dreg:$0x0] =	wrdreg $0x60  }
0xae: {  	[dreg:$0x2] =	wrdreg s24  }
0xaf: {  	[dreg:$0x3] =	wrdreg s2  }
0xb0: {  	[dreg:$0x4] =	wrdreg $0x2B000  }
0xb1: {  	[dreg:$0x5] =	wrdreg $0x9  }
0xb2: {  	_ =	task.clear_ibuf [dreg:s7], $0x6FFFF;
	_ =	strace $0x90000046  }
0xb3: {  	s29 =	simm.s32 $0x9;
	_ =	strace $0x80000048  }
0xb4: {  	_ =	swait.ge [sflag:s29], $0x1  }
0xb5: {  	[sflag:s29] =	ssyncadd.s32 $0xFFFFFFFF  }
0xb6: {  	_ =	strace $0x90000048  }
0xb7: {  	_ =	sfence  }
0xb8: {  	s30 =	sld [smem:$0x0];
	_ =	sdelay $0x2  }
0xb9: {  	s31 =	sshll.u32 s1, $0xD;
	s1 =	sshrl.u32 s1, $0x2  }
0xba: {  	s3 =	sand.u32 $0x4000, s31;
	s1 =	sadd.s32 s1, s30  }
0xbb: {  	s0 =	sor.u32 s3, s0;
	s1 =	sshll.u32 s1, $0x11  }
0xbc: {  	s0 =	sor.u32 s1, s0  }
0xbd: {  	s0 =	sadd.s32 $0x8F2B, s0  }
0xbe: {  	[sflag:s0] =	ssyncadd.remote.s32 $0x1  }
0xbf: {  	_ =	sfence.sel $0xFFFF  }
0xc0: {  	[dreg:$0x0] =	wrdreg $0xFFFFFFFF;
	(pc) =	sbr.abs _section_cstart, $3  }
0xc1: {  	[dreg:$0x1] =	wrdreg $0xFFFFFFFF  }
0xc2: {  	_ =	task.clear_ibuf [dreg:s7], $0x2FFFF;
	_ =	strace $0x9FFFFFFF  }
0xc3: {  	(tm) =	ssettm $0x7FFFFFFF  }
tec
execute0_lowered:
.L_overlay_start_1:
0x0: {  	(tag) =	ssettag $0x1  }
0x1: {  	s4 =	rddreg [dreg:$0x0]  }
0x2: {  	s6 =	rddreg [dreg:$0x1]  }
0x3: {  	s0 =	srdreg.scid;
	s2 =	rddreg [dreg:$0x2]  }
0x4: {  	s3 =	simm.s32 $0x0;
	s11 =	simm.s32 $0x2800;
	s14 =	simm.s32 $0x20  }
0x5: {  	s15 =	simm.s32 $0x10;
	s5 =	sand.u32 $0x1, s0;
	s0 =	stileid.u32  }
0x6: {  	s16 =	simm.s32 $0x0;
	[smem:$0x7FF] =	sst s3;
	s8 =	smul.u32 $0xA00, s0  }
0x7: {  	s1 =	sshll.u32 s5, $0x4;
	s9 =	ssub.s32 $0x2, s5;
	s10 =	smul.u32 $0x500, s0  }
0x8: {  	s5 =	sshll.u32 s5, $0x7;
	s12 =	sshll.u32 s0, $0x6;
	s7 =	sor.u32 s0, s1  }
0x9: {  	s1 =	rddreg [dreg:$0x3];
	_ =	strace $0x80000047;
	s28 =	sshrl.u32 s9, $0x1  }
0xa: {  	s12 =	sor.u32 $0x1C01, s12;
	s7 =	smul.u32 $0x500, s7;
	s9 =	ssub.s32 s9, s28  }
0xb: {  	s29 =	sshrl.u32 s8, $0x2;
	s30 =	sor.u32 s5, s10;
	s8 =	simm.s32 $0x2880  }
0xc: {  	s10 =	simm.s32 $0x80;
	s31 =	sshrl.u32 s30, $0x3;
	s7 =	sadd.s32 s7, s4  }
0xd: {  	s4 =	sadd.s32 s29, s2;
	s6 =	sadd.s32 s6, s31;
	s5 =	sadd.s32 $0x3E00, s7  }
0xe: {  	v0 =	vimm.f32 $1.000000000e+00;
	v1 =	vimm.f32 $0.0e+00;
	s7 =	smax.u32 s9, $0x1;
	s9 =	simm.s32 $0x1;
	s13 =	sshrl.u32 s4, $0x3  }
.LBB2_1:
0xf: {  	[tilespmem:$0x2800] =	vst v0  }
0x10: {  	[tilespmem:$0x2810] =	vst v0  }
0x11: {  	[tilespmem:$0x2820] =	vst v0  }
0x12: {  	[tilespmem:$0x2830] =	vst v0  }
0x13: {  	[tilespmem:$0x2840] =	vst v0  }
0x14: {  	[tilespmem:$0x2850] =	vst v0  }
0x15: {  	[tilespmem:$0x2860] =	vst v0  }
0x16: {  	[tilespmem:$0x2870] =	vst v0  }
0x17: {  	[tilespmem:$0x2880] =	vst v1  }
0x18: {  	[tilespmem:$0x2890] =	vst v1  }
0x19: {  	[tilespmem:$0x28A0] =	vst v1  }
0x1a: {  	[tilespmem:$0x28B0] =	vst v1  }
0x1b: {  	[tilespmem:$0x28C0] =	vst v1  }
0x1c: {  	[tilespmem:$0x28D0] =	vst v1  }
0x1d: {  	[tilespmem:$0x28E0] =	vst v1  }
0x1e: {  	[tilespmem:$0x28F0] =	vst v1  }
0x1f: {  	[tilespmem:$0x2900] =	vst v1  }
0x20: {  	[tilespmem:$0x2910] =	vst v1  }
0x21: {  	[tilespmem:$0x2920] =	vst v1  }
0x22: {  	[tilespmem:$0x2930] =	vst v1  }
0x23: {  	[tilespmem:$0x2940] =	vst v1  }
0x24: {  	[tilespmem:$0x2950] =	vst v1  }
0x25: {  	[tilespmem:$0x2960] =	vst v1  }
0x26: {  	[tilespmem:$0x2970] =	vst v1  }
0x27: {  	[tilespmem:$0x2980] =	vst v1  }
0x28: {  	[tilespmem:$0x2990] =	vst v1  }
0x29: {  	[tilespmem:$0x29A0] =	vst v1  }
0x2a: {  	[tilespmem:$0x29B0] =	vst v1  }
0x2b: {  	[tilespmem:$0x29C0] =	vst v1  }
0x2c: {  	[tilespmem:$0x29D0] =	vst v1  }
0x2d: {  	[tilespmem:$0x29E0] =	vst v1  }
0x2e: {  	[tilespmem:$0x29F0] =	vst v1  }
0x2f: {  	[tilespmem:$0x2A00] =	vst v1  }
0x30: {  	[tilespmem:$0x2A10] =	vst v1  }
0x31: {  	[tilespmem:$0x2A20] =	vst v1  }
0x32: {  	[tilespmem:$0x2A30] =	vst v1  }
0x33: {  	[tilespmem:$0x2A40] =	vst v1  }
0x34: {  	[tilespmem:$0x2A50] =	vst v1  }
0x35: {  	[tilespmem:$0x2A60] =	vst v1  }
0x36: {  	[tilespmem:$0x2A70] =	vst v1  }
0x37: {  	[tilespmem:$0x2A80] =	vst v1  }
0x38: {  	[tilespmem:$0x2A90] =	vst v1  }
0x39: {  	[tilespmem:$0x2AA0] =	vst v1  }
0x3a: {  	[tilespmem:$0x2AB0] =	vst v1  }
0x3b: {  	[tilespmem:$0x2AC0] =	vst v1  }
0x3c: {  	[tilespmem:$0x2AD0] =	vst v1  }
0x3d: {  	[tilespmem:$0x2AE0] =	vst v1  }
0x3e: {  	[tilespmem:$0x2AF0] =	vst v1  }
0x3f: {  	[spmem:s4] =	stream.linear.scatter [tilespmem:s8], [sflag:$0x1], $0x280, $0x38;
	[tilespmem:$0x2D80] =	vst v63  }
0x40: {  	_ =	swait.ge [sflag:s9], $0x280  }
0x41: {  	[sflag:s9] =	ssyncset.done $0x0  }
0x42: {  	[sflag:s9] =	ssyncadd.s32 $0xFFFFFD80  }
0x43: {  	[tilespmem:s3], [sflag:$0x1] =	stream.linear.gather [hbm4b:s5+s3], $0x2800, $0x38;
	[tilespmem:$0x2D80] =	vst v63  }
0x44: {  	_ =	swait.ge [sflag:s9], $0x2800  }
0x45: {  	[sflag:s9] =	ssyncset.done $0x0  }
0x46: {  	[sflag:s9] =	ssyncadd.s32 $0xFFFFD800  }
0x47: {  	s17 =	simm.s32 $0x0;
	[bflag:$0x0] =	sbarrier.arrive $0xFFFF  }
0x48: {  	[spmem:s2] =	stream.indirect.scatter.add.f32 [tilespmem:s11], [sflag:$0x1], $0x1, s17, s10, $0xb8;
	[tilespmem:$0x2D80] =	vst v63  }
0x49: {  	_ =	swait.ge [sflag:s9], $0x80  }
0x4a: {  	s17 =	simm.s32 $0x200;
	[sflag:s9] =	ssyncset.done $0x0  }
.LBB2_2:
0x4b: {  	s18 =	sshra.s32 s17, $0x2;
	[sflag:s9] =	ssyncadd.s32 $0xFFFFFF80;
	p0 =	sne.s32 s17, $0x9E00  }
0x4c: {  	[spmem:s2] =	stream.indirect.scatter.add.f32 [tilespmem:s11], [sflag:$0x1], $0x1, s18, s10, $0xb8;
	[tilespmem:$0x2D80] =	vst v63  }
.Ltmp0:
0x4d: {  	_ = 	snop;
	(pc) =	sbr.rel @p0 .LBB2_2-.Ltmp0, $4  }
0x4e: {  	_ = 	snop  }
0x4f: {  	s17 =	sadd.s32 $0x200, s17  }
0x50: {  	_ =	swait.ge [sflag:s9], $0x80  }
0x51: {  	[sflag:s9] =	ssyncset.done $0x0  }
0x52: {  	s16 =	sadd.s32 $0x1, s16  }
0x53: {  	[sflag:s9] =	ssyncadd.s32 $0xFFFFFF80;
	p0 =	sne.s32 s16, s7  }
.Ltmp1:
0x54: {  	[bflag:$0x0] =	sbarrier.arrive $0xFFFF;
	(pc) =	sbr.rel @p0 .LBB2_1-.Ltmp1, $4  }
0x55: {  	[hbm:s6@s14], [sflag:s12] =	dma.strided [spmem:s13@s15], $0x50, s9, $0x10   }
0x56: {  	_ =	swait.ge [sflag:s9], $0x50  }
0x57: {  	[sflag:s9] =	ssyncset.done $0x0  }
0x58: {  	[sflag:s9] =	ssyncadd.s32 $0xFFFFFFB0  }
0x59: {  	_ =	sfence.sel $0x180000  }
0x5a: {  	[bflag:$0x0] =	sbarrier.arrive $0xFFFF  }
0x5b: {  	p0 =	sne.s32 s0, $0x0;
	_ =	strace $0x90000047  }
0x5c: {  	s0 =	sadd.s32 @!p0 $0x100000, s1;
	[bflag:$0x2] =	sbarrier.arrive $0xFFFF  }
0x5d: {  	[sflag:s0] =	ssyncadd.tile.s32 @!p0 $0x1;
	_ =	shalt  }
.Lfunc_end2:
_tile_overlayer_lowered:
.L_overlay_start_2:
0x5e: {  	(tag) =	ssettag $0x2  }
0x5f: {  	s0 =	rddreg [dreg:$0x0];
	s2 =	stileid.u32  }
0x60: {  	s1 =	rddreg [dreg:$0x1];
	p0 =	sne.s32 s2, $0x0  }
0x61: {  	s3 =	rddreg [dreg:$0x2];
	[bflag:$0x3] =	sbarrier.arrive $0xFFFF;
	s2 =	simm.s32 @!p0 $0x1C01  }
0x62: {  	[timem:s3], [sflag:s2] =	dma.local @!p0 [hbm:s0], s1  }
0x63: {  	s0 =	simm.s32 @!p0 $0x1  }
0x64: {  	_ =	swait.ge @!p0 [sflag:s0], s1  }
0x65: {  	s1 =	ssub.s32 @!p0 $0x0, s1;
	[sflag:s0] =	ssyncset.done @!p0 $0x0  }
0x66: {  	[sflag:s0] =	ssyncadd.s32 @!p0 s1  }
0x67: {  	[bflag:$0x3] =	sbarrier.arrive $0xFFFF  }
0x68: {  	_ =	shalt  }

// kernel: kernel.13.cloned.1.call-start
scs
__scs_entry_jumppad:
0x0: {  	(pc) =	sbr.rel $0x88, $3  }
0x1: {  	(tag) =	ssettag $0x0;
	lr =	simm.s32 $0x1  }
0x2: {  	[smem:$0x3F98] =	sst lr;
	_ =	strace $0xD0000000  }
0x3: {  	_ = 	snop  }
0x4: {  	_ = 	snop  }
0x5: {  	_ = 	snop  }
0x6: {  	_ = 	snop  }
0x7: {  	_ = 	snop  }
__scs_overlays_trampoline_lowered:
0x8: {  	[smem:$0x3FA7] =	sst s0  }
0x9: {  	[smem:$0x3FA8] =	sst s1  }
0xa: {  	[smem:$0x3FA9] =	sst s2  }
0xb: {  	[smem:$0x3FAA] =	sst s3  }
0xc: {  	[smem:$0x3FAB] =	sst s4  }
0xd: {  	[smem:$0x3FAC] =	sst s5  }
0xe: {  	[smem:$0x3FAD] =	sst s6  }
0xf: {  	[smem:$0x3FAE] =	sst s7  }
0x10: {  	[smem:$0x3FAF] =	sst s8  }
0x11: {  	[smem:$0x3FB0] =	sst s9;
	s0 =	simm.s32 @!p0 $0x0  }
0x12: {  	s1 =	sld [smem:$0x3F96];
	s0 =	simm.s32 @p0 $0x1  }
0x13: {  	[smem:$0x3FB1] =	sst s0;
	s0 =	simm.s32 @!p1 $0x0  }
0x14: {  	s2 =	sld [smem:$0x3F95];
	s0 =	simm.s32 @p1 $0x1  }
0x15: {  	[smem:$0x3FB2] =	sst s0;
	s0 =	simm.s32 @!p2 $0x0  }
0x16: {  	s3 =	sld [smem:$0x3FDB];
	s0 =	simm.s32 @p2 $0x1  }
0x17: {  	s4 =	simm.s32 $0x1BF5;
	[smem:$0x3FB4] =	sst s0  }
0x18: {  	s0 =	sld [smem:$0x3F97];
	_ =	swait.ge [sflag:s4], $0x0  }
0x19: {  	s7 =	sld [smem:$0x3F98]  }
0x1a: {  	s8 =	sadd.s32 $0xFFFFE003, lr  }
0x1b: {  	s9 =	sadd.s32 $0xFFFFFEF7, lr;
	s5 =	simm.s32 $0xFFFFFFFF;
	p2 =	slt.u32 s8, $0xFFFFF086  }
0x1c: {  	p1 =	slt.u32 s9, $0xF7A;
	s5 =	simm.s32 @!p2 $0x0  }
0x1d: {  	s5 =	simm.s32 @p1 $0x1;
	p0 =	seq.s32 s7, s2  }
0x1e: {  	s7 =	smul.u32 @!p0 $0xF7A, s2;
	p2 =	seq.s32 @!p0 s5, $0x0  }
0x1f: {  	s9 =	smul.u32 $0xF7A, s1;
	s8 =	simm.s32 @!p0 $0x1BF5;
	p2 =	por !p2, p0  }
0x20: {  	[sflag:s8] =	ssyncset.s32 @!p0 $0xFFFFF086;
	s6 =	sadd.s32 @!p0 s3, s7;
	s7 =	simm.s32 @!p0 $0x108  }
0x21: {  	s3 =	sadd.s32 s3, s9;
	s6 =	sadd.s32 @!p0 $0x88, s6;
	s7 =	simm.s32 @p2 $0x1082  }
0x22: {  	[simem:s7], [sflag:s8] =	dma.local @!p0 [hbm:s6], $0xF7A  }
0x23: {  	s9 =	sor.u32 $0xD0000000, s2;
	s6 =	simm.s32 $0x108;
	_ =	swait.ge @!p0 [sflag:s8], $0x0  }
0x24: {  	s3 =	sadd.s32 $0x88, s3;
	s6 =	simm.s32 @!p1 $0x1082;
	[sflag:s4] =	ssyncset.s32 $0xFFFFF086  }
0x25: {  	[simem:s6], [sflag:s4] =	dma.local [hbm:s3], $0xF7A  }
0x26: {  	[smem:$0x3F98] =	sst s1;
	(tag) =	ssettag s2;
	_ =	strace s9  }
0x27: {  	s1 =	sld [smem:$0x3FA8]  }
0x28: {  	s2 =	sld [smem:$0x3FA9]  }
0x29: {  	s4 =	sld [smem:$0x3FAB]  }
0x2a: {  	p0 =	seq.s32 s5, $0x0;
	s5 =	sld [smem:$0x3FAC]  }
0x2b: {  	s6 =	sld [smem:$0x3FAD]  }
0x2c: {  	s7 =	sld [smem:$0x3FAE]  }
0x2d: {  	s3 =	simm.s32 $0x108;
	s8 =	sld [smem:$0x3FAF]  }
0x2e: {  	s3 =	simm.s32 @!p0 $0x1082;
	s9 =	sld [smem:$0x3FB0]  }
0x2f: {  	lr =	sadd.s32 s0, s3;
	s0 =	sld [smem:$0x3FA7]  }
0x30: {  	s3 =	sld [smem:$0x3FAA]  }
0x31: {  	[smem:$0x3FB3] =	sst s10  }
0x32: {  	s10 =	sld [smem:$0x3FB1];
	_ =	sdelay $0x3  }
0x33: {  	p0 =	seq.s32 s10, $0x1;
	s10 =	sld [smem:$0x3FB3];
	_ =	sdelay $0x3  }
0x34: {  	[smem:$0x3FB3] =	sst s10  }
0x35: {  	s10 =	sld [smem:$0x3FB2];
	_ =	sdelay $0x3  }
0x36: {  	p1 =	seq.s32 s10, $0x1;
	s10 =	sld [smem:$0x3FB3];
	_ =	sdelay $0x3  }
0x37: {  	[smem:$0x3FB3] =	sst s10  }
0x38: {  	s10 =	sld [smem:$0x3FB4]  }
0x39: {  	_ = 	snop;
	(pc) =	sbr.ind lr, $3  }
0x3a: {  	_ = 	snop  }
0x3b: {  	_ = 	snop  }
0x3c: {  	p2 =	seq.s32 s10, $0x1;
	s10 =	sld [smem:$0x3FB3]  }
0x3d: {  	_ =	shalt  }
0x3e: {  	_ =	shalt  }
0x3f: {  	_ =	shalt  }
0x40: {  	_ =	shalt  }
0x41: {  	_ =	shalt  }
0x42: {  	_ =	shalt  }
0x43: {  	_ =	shalt  }
0x44: {  	_ =	shalt  }
0x45: {  	_ =	shalt  }
0x46: {  	_ =	shalt  }
0x47: {  	_ =	shalt  }
0x48: {  	_ =	shalt  }
0x49: {  	_ =	shalt  }
0x4a: {  	_ =	shalt  }
0x4b: {  	_ =	shalt  }
0x4c: {  	_ =	shalt  }
0x4d: {  	_ =	shalt  }
0x4e: {  	_ =	shalt  }
0x4f: {  	_ =	shalt  }
0x50: {  	_ =	shalt  }
0x51: {  	_ =	shalt  }
0x52: {  	_ =	shalt  }
0x53: {  	_ =	shalt  }
0x54: {  	_ =	shalt  }
0x55: {  	_ =	shalt  }
0x56: {  	_ =	shalt  }
0x57: {  	_ =	shalt  }
0x58: {  	_ =	shalt  }
0x59: {  	_ =	shalt  }
0x5a: {  	_ =	shalt  }
0x5b: {  	_ =	shalt  }
0x5c: {  	_ =	shalt  }
0x5d: {  	_ =	shalt  }
0x5e: {  	_ =	shalt  }
0x5f: {  	_ =	shalt  }
0x60: {  	_ =	shalt  }
0x61: {  	_ =	shalt  }
0x62: {  	_ =	shalt  }
0x63: {  	_ =	shalt  }
0x64: {  	_ =	shalt  }
0x65: {  	_ =	shalt  }
0x66: {  	_ =	shalt  }
0x67: {  	_ =	shalt  }
0x68: {  	_ =	shalt  }
0x69: {  	_ =	shalt  }
0x6a: {  	_ =	shalt  }
0x6b: {  	_ =	shalt  }
0x6c: {  	_ =	shalt  }
0x6d: {  	_ =	shalt  }
0x6e: {  	_ =	shalt  }
0x6f: {  	_ =	shalt  }
0x70: {  	_ =	shalt  }
0x71: {  	_ =	shalt  }
0x72: {  	_ =	shalt  }
0x73: {  	_ =	shalt  }
0x74: {  	_ =	shalt  }
0x75: {  	_ =	shalt  }
0x76: {  	_ =	shalt  }
0x77: {  	_ =	shalt  }
0x78: {  	_ =	shalt  }
0x79: {  	_ =	shalt  }
0x7a: {  	_ =	shalt  }
0x7b: {  	_ =	shalt  }
0x7c: {  	_ =	shalt  }
0x7d: {  	_ =	shalt  }
0x7e: {  	_ =	shalt  }
0x7f: {  	_ =	shalt  }
0x80: {  	_ =	shalt  }
0x81: {  	_ =	shalt  }
0x82: {  	_ =	shalt  }
0x83: {  	_ =	shalt  }
0x84: {  	_ =	shalt  }
0x85: {  	_ =	shalt  }
0x86: {  	_ =	shalt  }
0x87: {  	_ =	shalt  }
.Lfunc_end0:
.L_simem_size_0:
called_computation.1_lowered:
.L_overlay_start_0:
0x88: {  	s2 =	sld [smem:$0x3FD9]  }
0x89: {  	s3 =	sld [smem:$0x3FFE];
	_ =	sdelay $0x1  }
0x8a: {  	s1 =	srdreg.scid  }
0x8b: {  	s0 =	sand.u32 $0x1, s1  }
0x8c: {  	s16 =	sshll.u32 s0, $0xA;
	s2 =	sadd.s32 s3, s2  }
0x8d: {  	s2 =	sadd.s32 s2, s16  }
0x8e: {  	[smem:$0x3FBF] =	sst s2  }
0x8f: {  	_ = 	snop  }
0x90: {  	(tm) =	ssettm $0x1  }
0x91: {  	s17 =	sld [smem:$0x3FFB];
	_ =	sdelay $0x3  }
0x92: {  	_ =	strace s17  }
0x93: {  	s2 =	sld [smem:$0x3FFC];
	_ =	sdelay $0x3  }
0x94: {  	_ =	strace s2  }
0x95: {  	s2 =	sld [smem:$0x3FFD];
	_ =	sdelay $0x3  }
0x96: {  	_ =	strace s2  }
0x97: {  	_ =	strace $0x8FFFFFFF  }
0x98: {  	s18 =	sld [smem:$0x3FDB];
	_ =	sdelay $0x1  }
0x99: {  	s19 =	simm.s32 $_scs_section_size  }
0x9a: {  	s4 =	simm.s32 $_size__tile_overlayer_lowered;
	s5 =	simm.s32 $_tile_overlayer_lowered  }
0x9b: {  	s22 =	simm.s32 $0x1BFF;
	s21 =	sshll.u32 s5, $0x1;
	s2 =	sadd.s32 s19, s18  }
0x9c: {  	s6 =	simm.s32 $0x0;
	s20 =	sshll.u32 s4, $0x1;
	s4 =	sadd.s32 s21, s2  }
0x9d: {  	[timem:s6], [sflag:s22] =	dma.local [hbm:s4], s20  }
0x9e: {  	_ =	swait.ge [sflag:s22], s20  }
0x9f: {  	s3 =	ssub.s32 $0x0, s20;
	[sflag:s22] =	ssyncset.done $0x0  }
0xa0: {  	[sflag:s22] =	ssyncadd.s32 s3;
	_ =	sdelay $0x1  }
0xa1: {  	s23 =	simm.s32 $0x1B8B  }
0xa2: {  	_ =	swait.ge [sflag:s23], $0x1  }
0xa3: {  	[sflag:s23] =	ssyncset.done $0x0  }
0xa4: {  	s25 =	simm.s32 $0x1B8E;
	s24 =	sld [smem:$0x3FFE];
	[sflag:s23] =	ssyncadd.s32 $0xFFFFFFFF  }
0xa5: {  	s26 =	simm.s32 $execute0_lowered;
	[smem:$0x3FD2] =	sst s25  }
0xa6: {  	s4 =	sshll.u32 s26, $0x1;
	_ =	strace $0x80000049;
	[dreg:$0x1] =	wrdreg $0xFFFFFFFF  }
0xa7: {  	s28 =	simm.s32 $_size_execute0_lowered;
	s2 =	sadd.s32 s2, s4;
	[dreg:$0x0] =	wrdreg $0x0  }
0xa8: {  	s4 =	sshll.u32 s28, $0x1;
	[dreg:$0x2] =	wrdreg s2  }
0xa9: {  	[dreg:$0x3] =	wrdreg s4  }
0xaa: {  	[dreg:$0x4] =	wrdreg $0xC0  }
0xab: {  	_ =	task [dreg:s6], $0x5FFFF  }
0xac: {  	[dreg:$0x1] =	wrdreg $0xFFFFFFFF  }
0xad: {  	[dreg:$0x0] =	wrdreg $0x60  }
0xae: {  	[dreg:$0x2] =	wrdreg s24  }
0xaf: {  	[dreg:$0x3] =	wrdreg $0xA8000  }
0xb0: {  	[dreg:$0x4] =	wrdreg $0x9  }
0xb1: {  	_ =	task.clear_ibuf [dreg:s6], $0x5FFFF;
	_ =	strace $0x90000049  }
0xb2: {  	s29 =	simm.s32 $0x9;
	_ =	strace $0x8000004B  }
0xb3: {  	_ =	swait.ge [sflag:s29], $0x1  }
0xb4: {  	[sflag:s29] =	ssyncadd.s32 $0xFFFFFFFF  }
0xb5: {  	_ =	strace $0x9000004B  }
0xb6: {  	_ =	sfence  }
0xb7: {  	s30 =	sld [smem:$0x0];
	_ =	sdelay $0x2  }
0xb8: {  	s31 =	sshll.u32 s1, $0xD;
	s1 =	sshrl.u32 s1, $0x2  }
0xb9: {  	s3 =	sand.u32 $0x4000, s31;
	s1 =	sadd.s32 s1, s30  }
0xba: {  	s0 =	sor.u32 s3, s0;
	s1 =	sshll.u32 s1, $0x11  }
0xbb: {  	s0 =	sor.u32 s1, s0  }
0xbc: {  	s0 =	sadd.s32 $0x8F2B, s0  }
0xbd: {  	[sflag:s0] =	ssyncadd.remote.s32 $0x1  }
0xbe: {  	_ =	sfence.sel $0xFFFF  }
0xbf: {  	[dreg:$0x0] =	wrdreg $0xFFFFFFFF;
	(pc) =	sbr.abs _section_cstart, $3  }
0xc0: {  	[dreg:$0x1] =	wrdreg $0xFFFFFFFF  }
0xc1: {  	_ =	task.clear_ibuf [dreg:s6], $0x2FFFF;
	_ =	strace $0x9FFFFFFF  }
0xc2: {  	(tm) =	ssettm $0x7FFFFFFF  }
0xc3: {  	_ =	shalt  }
tec
execute0_lowered:
.L_overlay_start_1:
0x0: {  	(tag) =	ssettag $0x1  }
0x1: {  	s0 =	rddreg [dreg:$0x0]  }
0x2: {  	s1 =	rddreg [dreg:$0x1];
	s2 =	srdreg.scid  }
0x3: {  	s4 =	simm.s32 $0x0;
	s17 =	stileid.u32;
	s28 =	simm.s32 $0x80  }
0x4: {  	s29 =	simm.s32 $0x2;
	s30 =	simm.s32 $0x1380;
	s31 =	simm.s32 $0x13C0  }
0x5: {  	s2 =	sand.u32 $0x1, s2;
	[smem:$0x7FF] =	sst s4;
	s18 =	smul.u32 $0x14000, s17  }
0x6: {  	s6 =	sadd.s32 $0xDE00, s0;
	s7 =	sadd.s32 $0x3E00, s0;
	s8 =	smul.u32 $0x50000, s17  }
0x7: {  	s4 =	sadd.s32 $0x67E00, s0;
	s10 =	smul.u32 $0x2800, s17;
	s26 =	sshll.u32 s17, $0x6  }
0x8: {  	s3 =	smul.u32 $0x140000, s2;
	_ =	strace $0x8000004A;
	s5 =	ssub.s32 $0x2, s2  }
0x9: {  	s20 =	sshll.u32 s2, $0x4;
	p0 =	sne.s32 s2, $0x0;
	s2 =	simm.s32 $0x2780  }
0xa: {  	s19 =	sshrl.u32 s5, $0x1;
	s8 =	sshrl.u32 s8, $0x2;
	s9 =	sor.u32 s17, s20  }
0xb: {  	s24 =	sadd.s32 s4, s10;
	s17 =	sor.u32 $0x1C03, s26;
	s20 =	simm.s32 $0x1400  }
0xc: {  	s26 =	simm.s32 $0x1;
	s3 =	sadd.s32 s18, s3;
	s13 =	smul.u32 $0x2800, s9  }
0xd: {  	[dreg:$0x7] =	wrdreg s24;
	s24 =	simm.s32 $0x6800;
	s3 =	sshrl.u32 s3, $0x3  }
0xe: {  	s0 =	sadd.s32 s3, s0;
	s3 =	ssub.s32 s5, s19;
	s5 =	sadd.s32 s8, s1  }
0xf: {  	s25 =	sshrl.u32 s13, $0x3;
	s19 =	simm.s32 $0x3;
	s8 =	sadd.s32 $0x4000, s5  }
0x10: {  	s21 =	sadd.s32 $0x8000, s5;
	s22 =	sadd.s32 $0xC000, s5;
	s23 =	sadd.s32 $0x10000, s5  }
0x11: {  	s11 =	sadd.s32 $0x8FE00, s0;
	s12 =	smax.u32 s3, $0x1;
	[dreg:$0x3] =	wrdreg s8  }
0x12: {  	s13 =	sadd.s32 s6, s25;
	s14 =	sadd.s32 s7, s25;
	[dreg:$0x4] =	wrdreg s21  }
0x13: {  	s0 =	sadd.s32 $0x280, s25;
	s18 =	sshrl.u32 s5, $0x3;
	[dreg:$0x5] =	wrdreg s22  }
0x14: {  	s25 =	simm.s32 $0x8800;
	s3 =	simm.s32 $0x0;
	[dreg:$0x6] =	wrdreg s23  }
0x15: {  	s15 =	sadd.s32 s6, s0;
	s16 =	sadd.s32 s7, s0;
	s21 =	simm.s32 $0x40  }
0x16: {  	v0 =	vimm.f32 $0.0e+00;
	s22 =	simm.s32 $0x2800;
	s23 =	simm.s32 $0x4800;
	s0 =	simm.s32 $0x2700  }
.LBB2_1:
.Ltmp0:
0x17: {  	(pc) =	sbr.rel @p0 .LBB2_3-.Ltmp0, $1  }
0x18: {  	_ =	sdelay $0x3  }
.Ltmp1:
0x19: {  	s6 =	rddreg [dreg:$0x7];
	(pc) =	sbr.rel .LBB2_6-.Ltmp1, $4  }
0x1a: {  	[spmem:s18], [sflag:s17] =	dma.local [hbm:s6], $0x2800  }
0x1b: {  	_ =	swait.ge [sflag:s19], $0x2800  }
0x1c: {  	[sflag:s19] =	ssyncset.done $0x0  }
0x1d: {  	[sflag:s19] =	ssyncadd.s32 $0xFFFFD800  }
.LBB2_3:
0x1e: {  	s7 =	simm.s32 $0x0  }
0x1f: {  	s6 =	sshra.s32 s7, $0x2;
	s7 =	sadd.s32 $0x200, s7  }
.LBB2_4:
0x20: {  	p1 =	sne.s32 s7, $0xFE00;
	[tilespmem:s6+$0x2870] =	vst v0  }
0x21: {  	[tilespmem:s6+$0x2800] =	vst v0  }
0x22: {  	[tilespmem:s6+$0x2810] =	vst v0  }
.Ltmp2:
0x23: {  	[tilespmem:s6+$0x2820] =	vst v0;
	(pc) =	sbr.rel @p1 .LBB2_4-.Ltmp2, $4  }
0x24: {  	[tilespmem:s6+$0x2830] =	vst v0  }
0x25: {  	[tilespmem:s6+$0x2840] =	vst v0  }
0x26: {  	[tilespmem:s6+$0x2850] =	vst v0  }
0x27: {  	[tilespmem:s6+$0x2860] =	vst v0;
	s6 =	sshra.s32 s7, $0x2;
	s7 =	sadd.s32 $0x200, s7  }
0x28: {  	[tilespmem:s6+$0x2870] =	vst v0  }
0x29: {  	[tilespmem:s6+$0x2800] =	vst v0  }
0x2a: {  	[tilespmem:s6+$0x2810] =	vst v0  }
0x2b: {  	[tilespmem:s6+$0x2820] =	vst v0  }
0x2c: {  	[tilespmem:s6+$0x2830] =	vst v0  }
0x2d: {  	[tilespmem:s6+$0x2840] =	vst v0  }
0x2e: {  	[tilespmem:s6+$0x2850] =	vst v0  }
0x2f: {  	[tilespmem:s6+$0x2860] =	vst v0  }
0x30: {  	[spmem:s5] =	stream.linear.scatter [tilespmem:s22], [sflag:$0x3], $0x4000, $0x38;
	[tilespmem:$0x1E800] =	vst v63  }
0x31: {  	_ =	swait.ge [sflag:s19], $0x4000  }
0x32: {  	[sflag:s19] =	ssyncset.done $0x0  }
0x33: {  	s7 =	rddreg [dreg:$0x3];
	[sflag:s19] =	ssyncadd.s32 $0xFFFFC000  }
0x34: {  	[spmem:s7] =	stream.linear.scatter [tilespmem:s22], [sflag:$0x3], $0x4000, $0x38;
	[tilespmem:$0x1E800] =	vst v63  }
0x35: {  	_ =	swait.ge [sflag:s19], $0x4000  }
0x36: {  	[sflag:s19] =	ssyncset.done $0x0  }
0x37: {  	s8 =	rddreg [dreg:$0x4];
	[sflag:s19] =	ssyncadd.s32 $0xFFFFC000  }
0x38: {  	[spmem:s8] =	stream.linear.scatter [tilespmem:s22], [sflag:$0x3], $0x4000, $0x38;
	[tilespmem:$0x1E800] =	vst v63  }
0x39: {  	_ =	swait.ge [sflag:s19], $0x4000  }
0x3a: {  	[sflag:s19] =	ssyncset.done $0x0  }
0x3b: {  	s9 =	rddreg [dreg:$0x5];
	[sflag:s19] =	ssyncadd.s32 $0xFFFFC000  }
0x3c: {  	[spmem:s9] =	stream.linear.scatter [tilespmem:s22], [sflag:$0x3], $0x4000, $0x38;
	[tilespmem:$0x1E800] =	vst v63  }
0x3d: {  	_ =	swait.ge [sflag:s19], $0x4000  }
0x3e: {  	[sflag:s19] =	ssyncset.done $0x0  }
0x3f: {  	s10 =	rddreg [dreg:$0x6];
	[sflag:s19] =	ssyncadd.s32 $0xFFFFC000  }
0x40: {  	[spmem:s10] =	stream.linear.scatter [tilespmem:s22], [sflag:$0x3], $0x4000, $0x38;
	[tilespmem:$0x1E800] =	vst v63  }
0x41: {  	_ =	swait.ge [sflag:s19], $0x4000  }
0x42: {  	[sflag:s19] =	ssyncset.done $0x0  }
0x43: {  	[sflag:s19] =	ssyncadd.s32 $0xFFFFC000  }
.LBB2_6:
0x44: {  	[bflag:$0x0] =	sbarrier.arrive $0xFFFF;
	s6 =	simm.s32 $0x0  }
0x45: {  	[tilespmem:s6], [sflag:$0x3] =	stream.linear.gather [hbm4b:s13+s6], $0x1400, $0x38;
	[tilespmem:$0x1E800] =	vst v63  }
0x46: {  	_ =	swait.ge [sflag:s19], $0x1400  }
0x47: {  	[sflag:s19] =	ssyncset.done $0x0  }
0x48: {  	[sflag:s19] =	ssyncadd.s32 $0xFFFFEC00  }
0x49: {  	[tilespmem:s20], [sflag:$0x3] =	stream.linear.gather [hbm4b:s14+s6], $0x1400, $0x38;
	[tilespmem:$0x1E800] =	vst v63  }
0x4a: {  	_ =	swait.ge [sflag:s19], $0x1400  }
0x4b: {  	[sflag:s19] =	ssyncset.done $0x0  }
0x4c: {  	[sflag:s19] =	ssyncadd.s32 $0xFFFFEC00  }
0x4d: {  	[tilespmem:s22], [sflag:$0x1] =	stream.indirect.gather [hbm4b:s4+s21], $0x80, s6, s21, $0xb8;
	[tilespmem:$0x1E800] =	vst v63  }
0x4e: {  	_ = 	snop  }
0x4f: {  	[tilespmem:s23], [sflag:$0x1] =	stream.indirect.gather [hbm4b:s4+s21], $0x80, s21, s21, $0xb8;
	[tilespmem:$0x1E800] =	vst v63  }
0x50: {  	s9 =	simm.s32 $0x80  }
0x51: {  	[tilespmem:s24], [sflag:$0x2] =	stream.indirect.gather [hbm4b:s4+s21], $0x80, s9, s21, $0xb8;
	[tilespmem:$0x1E800] =	vst v63  }
0x52: {  	s10 =	simm.s32 $0xC0  }
0x53: {  	[tilespmem:s25], [sflag:$0x2] =	stream.indirect.gather [hbm4b:s4+s21], $0x80, s10, s21, $0xb8;
	[tilespmem:$0x1E800] =	vst v63  }
0x54: {  	_ =	swait.ge [sflag:s26], $0x4000  }
0x55: {  	[sflag:s26] =	ssyncset.done $0x0  }
0x56: {  	s7 =	simm.s32 $0x1400;
	[sflag:s26] =	ssyncadd.s32 $0xFFFFC000  }
0x57: {  	[spmem:s1] =	stream.indirect.scatter.add.f32 [tilespmem:s22], [sflag:$0x3], $0x80, s7, s28, $0xb8;
	[tilespmem:$0x1E800] =	vst v63  }
0x58: {  	_ =	swait.ge [sflag:s19], $0x4000  }
0x59: {  	[sflag:s19] =	ssyncset.done $0x0  }
0x5a: {  	s8 =	simm.s32 $0x100;
	[sflag:s19] =	ssyncadd.s32 $0xFFFFC000  }
0x5b: {  	[tilespmem:s22], [sflag:$0x1] =	stream.indirect.gather [hbm4b:s4+s21], $0x80, s8, s21, $0xb8;
	[tilespmem:$0x1E800] =	vst v63  }
0x5c: {  	s9 =	simm.s32 $0x140  }
0x5d: {  	[tilespmem:s23], [sflag:$0x1] =	stream.indirect.gather [hbm4b:s4+s21], $0x80, s9, s21, $0xb8;
	[tilespmem:$0x1E800] =	vst v63  }
0x5e: {  	_ =	swait.ge [sflag:s29], $0x4000  }
0x5f: {  	[sflag:s29] =	ssyncset.done $0x0  }
0x60: {  	s10 =	simm.s32 $0x1480;
	[sflag:s29] =	ssyncadd.s32 $0xFFFFC000  }
0x61: {  	[spmem:s1] =	stream.indirect.scatter.add.f32 [tilespmem:s24], [sflag:$0x3], $0x80, s10, s28, $0xb8;
	[tilespmem:$0x1E800] =	vst v63  }
0x62: {  	_ =	swait.ge [sflag:s19], $0x4000  }
0x63: {  	s6 =	simm.s32 $0x100;
	s7 =	simm.s32 $0x800;
	[sflag:s19] =	ssyncset.done $0x0  }
.LBB2_7:
0x64: {  	s8 =	sadd.s32 $0x80, s6  }
0x65: {  	[sflag:s19] =	ssyncadd.s32 $0xFFFFC000;
	s9 =	smov.u32 s7;
	s10 =	sadd.s32 $0x400, s7  }
0x66: {  	[tilespmem:s24], [sflag:$0x2] =	stream.indirect.gather [hbm4b:s4+s21], $0x80, s8, s21, $0xb8;
	[tilespmem:$0x1E800] =	vst v63  }
0x67: {  	p1 =	sne.s32 s7, $0x4800;
	s7 =	sadd.s32 $0xC0, s6  }
0x68: {  	[tilespmem:s25], [sflag:$0x2] =	stream.indirect.gather [hbm4b:s4+s21], $0x80, s7, s21, $0xb8;
	[tilespmem:$0x1E800] =	vst v63  }
0x69: {  	_ =	swait.ge [sflag:s26], $0x4000  }
0x6a: {  	[sflag:s26] =	ssyncset.done $0x0  }
0x6b: {  	s7 =	sadd.s32 $0x1400, s6;
	[sflag:s26] =	ssyncadd.s32 $0xFFFFC000  }
0x6c: {  	[spmem:s1] =	stream.indirect.scatter.add.f32 [tilespmem:s22], [sflag:$0x3], $0x80, s7, s28, $0xb8;
	[tilespmem:$0x1E800] =	vst v63  }
0x6d: {  	_ =	swait.ge [sflag:s19], $0x4000  }
0x6e: {  	[sflag:s19] =	ssyncset.done $0x0  }
0x6f: {  	s7 =	sadd.s32 $0x100, s6;
	[sflag:s19] =	ssyncadd.s32 $0xFFFFC000  }
0x70: {  	[tilespmem:s22], [sflag:$0x1] =	stream.indirect.gather [hbm4b:s4+s21], $0x80, s7, s21, $0xb8;
	[tilespmem:$0x1E800] =	vst v63  }
0x71: {  	s7 =	sadd.s32 $0x140, s6  }
0x72: {  	[tilespmem:s23], [sflag:$0x1] =	stream.indirect.gather [hbm4b:s4+s21], $0x80, s7, s21, $0xb8;
	[tilespmem:$0x1E800] =	vst v63  }
0x73: {  	_ =	swait.ge [sflag:s29], $0x4000  }
.Ltmp3:
0x74: {  	[sflag:s29] =	ssyncset.done $0x0;
	(pc) =	sbr.rel @p1 .LBB2_7-.Ltmp3, $4  }
0x75: {  	s6 =	sadd.s32 $0x1480, s6;
	[sflag:s29] =	ssyncadd.s32 $0xFFFFC000  }
0x76: {  	[spmem:s1] =	stream.indirect.scatter.add.f32 [tilespmem:s24], [sflag:$0x3], $0x80, s6, s28, $0xb8;
	[tilespmem:$0x1E800] =	vst v63  }
0x77: {  	_ =	swait.ge [sflag:s19], $0x4000  }
0x78: {  	s7 =	smov.u32 s10;
	s6 =	sshra.s32 s9, $0x2;
	[sflag:s19] =	ssyncset.done $0x0  }
0x79: {  	s7 =	sadd.s32 $0x80, s6;
	[sflag:s19] =	ssyncadd.s32 $0xFFFFC000  }
0x7a: {  	[tilespmem:s24], [sflag:$0x2] =	stream.indirect.gather [hbm4b:s4+s21], $0x80, s7, s21, $0xb8;
	[tilespmem:$0x1E800] =	vst v63  }
0x7b: {  	s10 =	sadd.s32 $0xC0, s6  }
0x7c: {  	[tilespmem:s25], [sflag:$0x2] =	stream.indirect.gather [hbm4b:s4+s21], $0x80, s10, s21, $0xb8;
	[tilespmem:$0x1E800] =	vst v63  }
0x7d: {  	_ =	swait.ge [sflag:s26], $0x4000  }
0x7e: {  	[sflag:s26] =	ssyncset.done $0x0  }
0x7f: {  	s8 =	sadd.s32 $0x1400, s6;
	[sflag:s26] =	ssyncadd.s32 $0xFFFFC000  }
0x80: {  	[spmem:s1] =	stream.indirect.scatter.add.f32 [tilespmem:s22], [sflag:$0x3], $0x80, s8, s28, $0xb8;
	[tilespmem:$0x1E800] =	vst v63  }
0x81: {  	_ =	swait.ge [sflag:s19], $0x4000  }
0x82: {  	[sflag:s19] =	ssyncset.done $0x0  }
0x83: {  	s9 =	sadd.s32 $0x100, s6;
	[sflag:s19] =	ssyncadd.s32 $0xFFFFC000  }
0x84: {  	[tilespmem:s22], [sflag:$0x1] =	stream.indirect.gather [hbm4b:s4+s21], $0x80, s9, s21, $0xb8;
	[tilespmem:$0x1E800] =	vst v63  }
0x85: {  	s10 =	sadd.s32 $0x140, s6  }
0x86: {  	[tilespmem:s23], [sflag:$0x1] =	stream.indirect.gather [hbm4b:s4+s21], $0x80, s10, s21, $0xb8;
	[tilespmem:$0x1E800] =	vst v63  }
0x87: {  	_ =	swait.ge [sflag:s29], $0x4000  }
0x88: {  	[sflag:s29] =	ssyncset.done $0x0  }
0x89: {  	s7 =	sadd.s32 $0x1480, s6;
	[sflag:s29] =	ssyncadd.s32 $0xFFFFC000  }
0x8a: {  	[spmem:s1] =	stream.indirect.scatter.add.f32 [tilespmem:s24], [sflag:$0x3], $0x80, s7, s28, $0xb8;
	[tilespmem:$0x1E800] =	vst v63  }
0x8b: {  	_ =	swait.ge [sflag:s19], $0x4000  }
0x8c: {  	[sflag:s19] =	ssyncset.done $0x0  }
0x8d: {  	[sflag:s19] =	ssyncadd.s32 $0xFFFFC000  }
0x8e: {  	[tilespmem:s24], [sflag:$0x2] =	stream.indirect.gather [hbm4b:s4+s21], $0x80, s30, s21, $0xb8;
	[tilespmem:$0x1E800] =	vst v63  }
0x8f: {  	_ = 	snop  }
0x90: {  	[tilespmem:s25], [sflag:$0x2] =	stream.indirect.gather [hbm4b:s4+s21], $0x80, s31, s21, $0xb8;
	[tilespmem:$0x1E800] =	vst v63  }
0x91: {  	_ =	swait.ge [sflag:s26], $0x4000  }
0x92: {  	[sflag:s26] =	ssyncset.done $0x0  }
0x93: {  	[sflag:s26] =	ssyncadd.s32 $0xFFFFC000  }
0x94: {  	[spmem:s1] =	stream.indirect.scatter.add.f32 [tilespmem:s22], [sflag:$0x3], $0x80, s0, s28, $0xb8;
	[tilespmem:$0x1E800] =	vst v63  }
0x95: {  	_ =	swait.ge [sflag:s19], $0x4000  }
0x96: {  	[sflag:s19] =	ssyncset.done $0x0  }
0x97: {  	[sflag:s19] =	ssyncadd.s32 $0xFFFFC000  }
0x98: {  	_ =	swait.ge [sflag:s29], $0x4000  }
0x99: {  	[sflag:s29] =	ssyncset.done $0x0  }
0x9a: {  	[sflag:s29] =	ssyncadd.s32 $0xFFFFC000  }
0x9b: {  	[spmem:s1] =	stream.indirect.scatter.add.f32 [tilespmem:s24], [sflag:$0x3], $0x80, s2, s28, $0xb8;
	[tilespmem:$0x1E800] =	vst v63  }
0x9c: {  	_ =	swait.ge [sflag:s19], $0x4000  }
0x9d: {  	[sflag:s19] =	ssyncset.done $0x0  }
0x9e: {  	s8 =	simm.s32 $0x0;
	[sflag:s19] =	ssyncadd.s32 $0xFFFFC000  }
0x9f: {  	[tilespmem:s8], [sflag:$0x3] =	stream.linear.gather [hbm4b:s15+s8], $0x1400, $0x38;
	[tilespmem:$0x1E800] =	vst v63  }
0xa0: {  	_ =	swait.ge [sflag:s19], $0x1400  }
0xa1: {  	[sflag:s19] =	ssyncset.done $0x0  }
0xa2: {  	[sflag:s19] =	ssyncadd.s32 $0xFFFFEC00  }
0xa3: {  	[tilespmem:s20], [sflag:$0x3] =	stream.linear.gather [hbm4b:s16+s8], $0x1400, $0x38;
	[tilespmem:$0x1E800] =	vst v63  }
0xa4: {  	_ =	swait.ge [sflag:s19], $0x1400  }
0xa5: {  	[sflag:s19] =	ssyncset.done $0x0  }
0xa6: {  	[sflag:s19] =	ssyncadd.s32 $0xFFFFEC00  }
0xa7: {  	[tilespmem:s22], [sflag:$0x1] =	stream.indirect.gather [hbm4b:s4+s21], $0x80, s8, s21, $0xb8;
	[tilespmem:$0x1E800] =	vst v63  }
0xa8: {  	_ = 	snop  }
0xa9: {  	[tilespmem:s23], [sflag:$0x1] =	stream.indirect.gather [hbm4b:s4+s21], $0x80, s21, s21, $0xb8;
	[tilespmem:$0x1E800] =	vst v63  }
0xaa: {  	s9 =	simm.s32 $0x80  }
0xab: {  	[tilespmem:s24], [sflag:$0x2] =	stream.indirect.gather [hbm4b:s4+s21], $0x80, s9, s21, $0xb8;
	[tilespmem:$0x1E800] =	vst v63  }
0xac: {  	s10 =	simm.s32 $0xC0  }
0xad: {  	[tilespmem:s25], [sflag:$0x2] =	stream.indirect.gather [hbm4b:s4+s21], $0x80, s10, s21, $0xb8;
	[tilespmem:$0x1E800] =	vst v63  }
0xae: {  	_ =	swait.ge [sflag:s26], $0x4000  }
0xaf: {  	[sflag:s26] =	ssyncset.done $0x0  }
0xb0: {  	s7 =	simm.s32 $0x1400;
	[sflag:s26] =	ssyncadd.s32 $0xFFFFC000  }
0xb1: {  	[spmem:s1] =	stream.indirect.scatter.add.f32 [tilespmem:s22], [sflag:$0x3], $0x80, s7, s28, $0xb8;
	[tilespmem:$0x1E800] =	vst v63  }
0xb2: {  	_ =	swait.ge [sflag:s19], $0x4000  }
0xb3: {  	[sflag:s19] =	ssyncset.done $0x0  }
0xb4: {  	s8 =	simm.s32 $0x100;
	[sflag:s19] =	ssyncadd.s32 $0xFFFFC000  }
0xb5: {  	[tilespmem:s22], [sflag:$0x1] =	stream.indirect.gather [hbm4b:s4+s21], $0x80, s8, s21, $0xb8;
	[tilespmem:$0x1E800] =	vst v63  }
0xb6: {  	s9 =	simm.s32 $0x140  }
0xb7: {  	[tilespmem:s23], [sflag:$0x1] =	stream.indirect.gather [hbm4b:s4+s21], $0x80, s9, s21, $0xb8;
	[tilespmem:$0x1E800] =	vst v63  }
0xb8: {  	_ =	swait.ge [sflag:s29], $0x4000  }
0xb9: {  	[sflag:s29] =	ssyncset.done $0x0  }
0xba: {  	s10 =	simm.s32 $0x1480;
	[sflag:s29] =	ssyncadd.s32 $0xFFFFC000  }
0xbb: {  	[spmem:s1] =	stream.indirect.scatter.add.f32 [tilespmem:s24], [sflag:$0x3], $0x80, s10, s28, $0xb8;
	[tilespmem:$0x1E800] =	vst v63  }
0xbc: {  	_ =	swait.ge [sflag:s19], $0x4000  }
0xbd: {  	s6 =	simm.s32 $0x100;
	s7 =	simm.s32 $0x800;
	[sflag:s19] =	ssyncset.done $0x0  }
.LBB2_9:
0xbe: {  	s8 =	sadd.s32 $0x80, s6  }
0xbf: {  	[sflag:s19] =	ssyncadd.s32 $0xFFFFC000;
	s9 =	smov.u32 s7;
	s10 =	sadd.s32 $0x400, s7  }
0xc0: {  	[tilespmem:s24], [sflag:$0x2] =	stream.indirect.gather [hbm4b:s4+s21], $0x80, s8, s21, $0xb8;
	[tilespmem:$0x1E800] =	vst v63  }
0xc1: {  	p1 =	sne.s32 s7, $0x4800;
	s7 =	sadd.s32 $0xC0, s6  }
0xc2: {  	[tilespmem:s25], [sflag:$0x2] =	stream.indirect.gather [hbm4b:s4+s21], $0x80, s7, s21, $0xb8;
	[tilespmem:$0x1E800] =	vst v63  }
0xc3: {  	_ =	swait.ge [sflag:s26], $0x4000  }
0xc4: {  	[sflag:s26] =	ssyncset.done $0x0  }
0xc5: {  	s7 =	sadd.s32 $0x1400, s6;
	[sflag:s26] =	ssyncadd.s32 $0xFFFFC000  }
0xc6: {  	[spmem:s1] =	stream.indirect.scatter.add.f32 [tilespmem:s22], [sflag:$0x3], $0x80, s7, s28, $0xb8;
	[tilespmem:$0x1E800] =	vst v63  }
0xc7: {  	_ =	swait.ge [sflag:s19], $0x4000  }
0xc8: {  	[sflag:s19] =	ssyncset.done $0x0  }
0xc9: {  	s7 =	sadd.s32 $0x100, s6;
	[sflag:s19] =	ssyncadd.s32 $0xFFFFC000  }
0xca: {  	[tilespmem:s22], [sflag:$0x1] =	stream.indirect.gather [hbm4b:s4+s21], $0x80, s7, s21, $0xb8;
	[tilespmem:$0x1E800] =	vst v63  }
0xcb: {  	s7 =	sadd.s32 $0x140, s6  }
0xcc: {  	[tilespmem:s23], [sflag:$0x1] =	stream.indirect.gather [hbm4b:s4+s21], $0x80, s7, s21, $0xb8;
	[tilespmem:$0x1E800] =	vst v63  }
0xcd: {  	_ =	swait.ge [sflag:s29], $0x4000  }
.Ltmp4:
0xce: {  	[sflag:s29] =	ssyncset.done $0x0;
	(pc) =	sbr.rel @p1 .LBB2_9-.Ltmp4, $4  }
0xcf: {  	s6 =	sadd.s32 $0x1480, s6;
	[sflag:s29] =	ssyncadd.s32 $0xFFFFC000  }
0xd0: {  	[spmem:s1] =	stream.indirect.scatter.add.f32 [tilespmem:s24], [sflag:$0x3], $0x80, s6, s28, $0xb8;
	[tilespmem:$0x1E800] =	vst v63  }
0xd1: {  	_ =	swait.ge [sflag:s19], $0x4000  }
0xd2: {  	s7 =	smov.u32 s10;
	s6 =	sshra.s32 s9, $0x2;
	[sflag:s19] =	ssyncset.done $0x0  }
0xd3: {  	s7 =	sadd.s32 $0x80, s6;
	[sflag:s19] =	ssyncadd.s32 $0xFFFFC000  }
0xd4: {  	[tilespmem:s24], [sflag:$0x2] =	stream.indirect.gather [hbm4b:s4+s21], $0x80, s7, s21, $0xb8;
	[tilespmem:$0x1E800] =	vst v63  }
0xd5: {  	s9 =	sadd.s32 $0xC0, s6  }
0xd6: {  	[tilespmem:s25], [sflag:$0x2] =	stream.indirect.gather [hbm4b:s4+s21], $0x80, s9, s21, $0xb8;
	[tilespmem:$0x1E800] =	vst v63  }
0xd7: {  	_ =	swait.ge [sflag:s26], $0x4000  }
0xd8: {  	[sflag:s26] =	ssyncset.done $0x0  }
0xd9: {  	s10 =	sadd.s32 $0x1400, s6;
	[sflag:s26] =	ssyncadd.s32 $0xFFFFC000  }
0xda: {  	[spmem:s1] =	stream.indirect.scatter.add.f32 [tilespmem:s22], [sflag:$0x3], $0x80, s10, s28, $0xb8;
	[tilespmem:$0x1E800] =	vst v63  }
0xdb: {  	_ =	swait.ge [sflag:s19], $0x4000  }
0xdc: {  	[sflag:s19] =	ssyncset.done $0x0  }
0xdd: {  	s8 =	sadd.s32 $0x100, s6;
	[sflag:s19] =	ssyncadd.s32 $0xFFFFC000  }
0xde: {  	[tilespmem:s22], [sflag:$0x1] =	stream.indirect.gather [hbm4b:s4+s21], $0x80, s8, s21, $0xb8;
	[tilespmem:$0x1E800] =	vst v63  }
0xdf: {  	s9 =	sadd.s32 $0x140, s6  }
0xe0: {  	[tilespmem:s23], [sflag:$0x1] =	stream.indirect.gather [hbm4b:s4+s21], $0x80, s9, s21, $0xb8;
	[tilespmem:$0x1E800] =	vst v63  }
0xe1: {  	_ =	swait.ge [sflag:s29], $0x4000  }
0xe2: {  	[sflag:s29] =	ssyncset.done $0x0  }
0xe3: {  	s10 =	sadd.s32 $0x1480, s6;
	[sflag:s29] =	ssyncadd.s32 $0xFFFFC000  }
0xe4: {  	[spmem:s1] =	stream.indirect.scatter.add.f32 [tilespmem:s24], [sflag:$0x3], $0x80, s10, s28, $0xb8;
	[tilespmem:$0x1E800] =	vst v63  }
0xe5: {  	_ =	swait.ge [sflag:s19], $0x4000  }
0xe6: {  	[sflag:s19] =	ssyncset.done $0x0  }
0xe7: {  	[sflag:s19] =	ssyncadd.s32 $0xFFFFC000  }
0xe8: {  	[tilespmem:s24], [sflag:$0x2] =	stream.indirect.gather [hbm4b:s4+s21], $0x80, s30, s21, $0xb8;
	[tilespmem:$0x1E800] =	vst v63  }
0xe9: {  	_ = 	snop  }
0xea: {  	[tilespmem:s25], [sflag:$0x2] =	stream.indirect.gather [hbm4b:s4+s21], $0x80, s31, s21, $0xb8;
	[tilespmem:$0x1E800] =	vst v63  }
0xeb: {  	_ =	swait.ge [sflag:s26], $0x4000  }
0xec: {  	[sflag:s26] =	ssyncset.done $0x0  }
0xed: {  	[sflag:s26] =	ssyncadd.s32 $0xFFFFC000  }
0xee: {  	[spmem:s1] =	stream.indirect.scatter.add.f32 [tilespmem:s22], [sflag:$0x3], $0x80, s0, s28, $0xb8;
	[tilespmem:$0x1E800] =	vst v63  }
0xef: {  	_ =	swait.ge [sflag:s19], $0x4000  }
0xf0: {  	[sflag:s19] =	ssyncset.done $0x0  }
0xf1: {  	[sflag:s19] =	ssyncadd.s32 $0xFFFFC000  }
0xf2: {  	_ =	swait.ge [sflag:s29], $0x4000  }
0xf3: {  	[sflag:s29] =	ssyncset.done $0x0  }
0xf4: {  	[sflag:s29] =	ssyncadd.s32 $0xFFFFC000  }
0xf5: {  	[spmem:s1] =	stream.indirect.scatter.add.f32 [tilespmem:s24], [sflag:$0x3], $0x80, s2, s28, $0xb8;
	[tilespmem:$0x1E800] =	vst v63  }
0xf6: {  	_ =	swait.ge [sflag:s19], $0x4000  }
0xf7: {  	s3 =	sadd.s32 $0x1, s3;
	[sflag:s19] =	ssyncset.done $0x0  }
0xf8: {  	p1 =	sne.s32 s3, s12;
	[sflag:s19] =	ssyncadd.s32 $0xFFFFC000  }
.Ltmp5:
0xf9: {  	[bflag:$0x0] =	sbarrier.arrive $0xFFFF;
	(pc) =	sbr.rel @p1 .LBB2_1-.Ltmp5, $4  }
0xfa: {  	[hbm:s11], [sflag:s17] =	dma.local [spmem:s18], $0x2800  }
0xfb: {  	_ =	swait.ge [sflag:s19], $0x2800  }
0xfc: {  	[sflag:s19] =	ssyncset.done $0x0  }
0xfd: {  	[sflag:s19] =	ssyncadd.s32 $0xFFFFD800  }
0xfe: {  	_ =	sfence.sel $0x180000  }
0xff: {  	[bflag:$0x0] =	sbarrier.arrive $0xFFFF  }
0x100: {  	_ =	strace $0x9000004A  }
0x101: {  	s0 =	stileid.u32;
	[bflag:$0x2] =	sbarrier.arrive $0xFFFF  }
0x102: {  	p0 =	sne.s32 s0, $0x0;
	s0 =	rddreg [dreg:$0x2]  }
0x103: {  	s0 =	sadd.s32 @!p0 $0x100000, s0  }
0x104: {  	[sflag:s0] =	ssyncadd.tile.s32 @!p0 $0x1;
	_ =	shalt  }
.Lfunc_end2:
_tile_overlayer_lowered:
.L_overlay_start_2:
0x105: {  	(tag) =	ssettag $0x2  }
0x106: {  	s0 =	rddreg [dreg:$0x0];
	s2 =	stileid.u32  }
0x107: {  	s1 =	rddreg [dreg:$0x1];
	p0 =	sne.s32 s2, $0x0  }
0x108: {  	s3 =	rddreg [dreg:$0x2];
	[bflag:$0x3] =	sbarrier.arrive $0xFFFF;
	s2 =	simm.s32 @!p0 $0x1C03  }
0x109: {  	[timem:s3], [sflag:s2] =	dma.local @!p0 [hbm:s0], s1  }
0x10a: {  	s0 =	simm.s32 @!p0 $0x3  }
0x10b: {  	_ =	swait.ge @!p0 [sflag:s0], s1  }
0x10c: {  	s1 =	ssub.s32 @!p0 $0x0, s1;
	[sflag:s0] =	ssyncset.done @!p0 $0x0  }
0x10d: {  	[sflag:s0] =	ssyncadd.s32 @!p0 s1  }
0x10e: {  	[bflag:$0x3] =	sbarrier.arrive $0xFFFF  }
0x10f: {  	_ =	shalt  }

// kernel: kernel.16.cloned.1.call-start
scs
__scs_entry_jumppad:
0x0: {  	(pc) =	sbr.rel $0x88, $3  }
0x1: {  	(tag) =	ssettag $0x0;
	lr =	simm.s32 $0x1  }
0x2: {  	[smem:$0x3F98] =	sst lr;
	_ =	strace $0xD0000000  }
0x3: {  	_ = 	snop  }
0x4: {  	_ = 	snop  }
0x5: {  	_ = 	snop  }
0x6: {  	_ = 	snop  }
0x7: {  	_ = 	snop  }
__scs_overlays_trampoline_lowered:
0x8: {  	[smem:$0x3FA7] =	sst s0  }
0x9: {  	[smem:$0x3FA8] =	sst s1  }
0xa: {  	[smem:$0x3FA9] =	sst s2  }
0xb: {  	[smem:$0x3FAA] =	sst s3  }
0xc: {  	[smem:$0x3FAB] =	sst s4  }
0xd: {  	[smem:$0x3FAC] =	sst s5  }
0xe: {  	[smem:$0x3FAD] =	sst s6  }
0xf: {  	[smem:$0x3FAE] =	sst s7  }
0x10: {  	[smem:$0x3FAF] =	sst s8  }
0x11: {  	[smem:$0x3FB0] =	sst s9;
	s0 =	simm.s32 @!p0 $0x0  }
0x12: {  	s1 =	sld [smem:$0x3F96];
	s0 =	simm.s32 @p0 $0x1  }
0x13: {  	[smem:$0x3FB1] =	sst s0;
	s0 =	simm.s32 @!p1 $0x0  }
0x14: {  	s2 =	sld [smem:$0x3F95];
	s0 =	simm.s32 @p1 $0x1  }
0x15: {  	[smem:$0x3FB2] =	sst s0;
	s0 =	simm.s32 @!p2 $0x0  }
0x16: {  	s3 =	sld [smem:$0x3FDB];
	s0 =	simm.s32 @p2 $0x1  }
0x17: {  	s4 =	simm.s32 $0x1BF5;
	[smem:$0x3FB4] =	sst s0  }
0x18: {  	s0 =	sld [smem:$0x3F97];
	_ =	swait.ge [sflag:s4], $0x0  }
0x19: {  	s7 =	sld [smem:$0x3F98]  }
0x1a: {  	s8 =	sadd.s32 $0xFFFFE003, lr  }
0x1b: {  	s9 =	sadd.s32 $0xFFFFFEF7, lr;
	s5 =	simm.s32 $0xFFFFFFFF;
	p2 =	slt.u32 s8, $0xFFFFF086  }
0x1c: {  	p1 =	slt.u32 s9, $0xF7A;
	s5 =	simm.s32 @!p2 $0x0  }
0x1d: {  	s5 =	simm.s32 @p1 $0x1;
	p0 =	seq.s32 s7, s2  }
0x1e: {  	s7 =	smul.u32 @!p0 $0xF7A, s2;
	p2 =	seq.s32 @!p0 s5, $0x0  }
0x1f: {  	s9 =	smul.u32 $0xF7A, s1;
	s8 =	simm.s32 @!p0 $0x1BF5;
	p2 =	por !p2, p0  }
0x20: {  	[sflag:s8] =	ssyncset.s32 @!p0 $0xFFFFF086;
	s6 =	sadd.s32 @!p0 s3, s7;
	s7 =	simm.s32 @!p0 $0x108  }
0x21: {  	s3 =	sadd.s32 s3, s9;
	s6 =	sadd.s32 @!p0 $0x88, s6;
	s7 =	simm.s32 @p2 $0x1082  }
0x22: {  	[simem:s7], [sflag:s8] =	dma.local @!p0 [hbm:s6], $0xF7A  }
0x23: {  	s9 =	sor.u32 $0xD0000000, s2;
	s6 =	simm.s32 $0x108;
	_ =	swait.ge @!p0 [sflag:s8], $0x0  }
0x24: {  	s3 =	sadd.s32 $0x88, s3;
	s6 =	simm.s32 @!p1 $0x1082;
	[sflag:s4] =	ssyncset.s32 $0xFFFFF086  }
0x25: {  	[simem:s6], [sflag:s4] =	dma.local [hbm:s3], $0xF7A  }
0x26: {  	[smem:$0x3F98] =	sst s1;
	(tag) =	ssettag s2;
	_ =	strace s9  }
0x27: {  	s1 =	sld [smem:$0x3FA8]  }
0x28: {  	s2 =	sld [smem:$0x3FA9]  }
0x29: {  	s4 =	sld [smem:$0x3FAB]  }
0x2a: {  	p0 =	seq.s32 s5, $0x0;
	s5 =	sld [smem:$0x3FAC]  }
0x2b: {  	s6 =	sld [smem:$0x3FAD]  }
0x2c: {  	s7 =	sld [smem:$0x3FAE]  }
0x2d: {  	s3 =	simm.s32 $0x108;
	s8 =	sld [smem:$0x3FAF]  }
0x2e: {  	s3 =	simm.s32 @!p0 $0x1082;
	s9 =	sld [smem:$0x3FB0]  }
0x2f: {  	lr =	sadd.s32 s0, s3;
	s0 =	sld [smem:$0x3FA7]  }
0x30: {  	s3 =	sld [smem:$0x3FAA]  }
0x31: {  	[smem:$0x3FB3] =	sst s10  }
0x32: {  	s10 =	sld [smem:$0x3FB1];
	_ =	sdelay $0x3  }
0x33: {  	p0 =	seq.s32 s10, $0x1;
	s10 =	sld [smem:$0x3FB3];
	_ =	sdelay $0x3  }
0x34: {  	[smem:$0x3FB3] =	sst s10  }
0x35: {  	s10 =	sld [smem:$0x3FB2];
	_ =	sdelay $0x3  }
0x36: {  	p1 =	seq.s32 s10, $0x1;
	s10 =	sld [smem:$0x3FB3];
	_ =	sdelay $0x3  }
0x37: {  	[smem:$0x3FB3] =	sst s10  }
0x38: {  	s10 =	sld [smem:$0x3FB4]  }
0x39: {  	_ = 	snop;
	(pc) =	sbr.ind lr, $3  }
0x3a: {  	_ = 	snop  }
0x3b: {  	_ = 	snop  }
0x3c: {  	p2 =	seq.s32 s10, $0x1;
	s10 =	sld [smem:$0x3FB3]  }
0x3d: {  	_ =	shalt  }
0x3e: {  	_ =	shalt  }
0x3f: {  	_ =	shalt  }
0x40: {  	_ =	shalt  }
0x41: {  	_ =	shalt  }
0x42: {  	_ =	shalt  }
0x43: {  	_ =	shalt  }
0x44: {  	_ =	shalt  }
0x45: {  	_ =	shalt  }
0x46: {  	_ =	shalt  }
0x47: {  	_ =	shalt  }
0x48: {  	_ =	shalt  }
0x49: {  	_ =	shalt  }
0x4a: {  	_ =	shalt  }
0x4b: {  	_ =	shalt  }
0x4c: {  	_ =	shalt  }
0x4d: {  	_ =	shalt  }
0x4e: {  	_ =	shalt  }
0x4f: {  	_ =	shalt  }
0x50: {  	_ =	shalt  }
0x51: {  	_ =	shalt  }
0x52: {  	_ =	shalt  }
0x53: {  	_ =	shalt  }
0x54: {  	_ =	shalt  }
0x55: {  	_ =	shalt  }
0x56: {  	_ =	shalt  }
0x57: {  	_ =	shalt  }
0x58: {  	_ =	shalt  }
0x59: {  	_ =	shalt  }
0x5a: {  	_ =	shalt  }
0x5b: {  	_ =	shalt  }
0x5c: {  	_ =	shalt  }
0x5d: {  	_ =	shalt  }
0x5e: {  	_ =	shalt  }
0x5f: {  	_ =	shalt  }
0x60: {  	_ =	shalt  }
0x61: {  	_ =	shalt  }
0x62: {  	_ =	shalt  }
0x63: {  	_ =	shalt  }
0x64: {  	_ =	shalt  }
0x65: {  	_ =	shalt  }
0x66: {  	_ =	shalt  }
0x67: {  	_ =	shalt  }
0x68: {  	_ =	shalt  }
0x69: {  	_ =	shalt  }
0x6a: {  	_ =	shalt  }
0x6b: {  	_ =	shalt  }
0x6c: {  	_ =	shalt  }
0x6d: {  	_ =	shalt  }
0x6e: {  	_ =	shalt  }
0x6f: {  	_ =	shalt  }
0x70: {  	_ =	shalt  }
0x71: {  	_ =	shalt  }
0x72: {  	_ =	shalt  }
0x73: {  	_ =	shalt  }
0x74: {  	_ =	shalt  }
0x75: {  	_ =	shalt  }
0x76: {  	_ =	shalt  }
0x77: {  	_ =	shalt  }
0x78: {  	_ =	shalt  }
0x79: {  	_ =	shalt  }
0x7a: {  	_ =	shalt  }
0x7b: {  	_ =	shalt  }
0x7c: {  	_ =	shalt  }
0x7d: {  	_ =	shalt  }
0x7e: {  	_ =	shalt  }
0x7f: {  	_ =	shalt  }
0x80: {  	_ =	shalt  }
0x81: {  	_ =	shalt  }
0x82: {  	_ =	shalt  }
0x83: {  	_ =	shalt  }
0x84: {  	_ =	shalt  }
0x85: {  	_ =	shalt  }
0x86: {  	_ =	shalt  }
0x87: {  	_ =	shalt  }
.Lfunc_end0:
.L_simem_size_0:
called_computation.2_lowered:
.L_overlay_start_0:
0x88: {  	s2 =	sld [smem:$0x3FD9]  }
0x89: {  	s3 =	sld [smem:$0x3FFE];
	_ =	sdelay $0x1  }
0x8a: {  	s1 =	srdreg.scid  }
0x8b: {  	s0 =	sand.u32 $0x1, s1  }
0x8c: {  	s16 =	sshll.u32 s0, $0xA;
	s2 =	sadd.s32 s3, s2  }
0x8d: {  	s2 =	sadd.s32 s2, s16  }
0x8e: {  	[smem:$0x3FBF] =	sst s2  }
0x8f: {  	_ = 	snop  }
0x90: {  	(tm) =	ssettm $0x1  }
0x91: {  	s17 =	sld [smem:$0x3FFB];
	_ =	sdelay $0x3  }
0x92: {  	_ =	strace s17  }
0x93: {  	s2 =	sld [smem:$0x3FFC];
	_ =	sdelay $0x3  }
0x94: {  	_ =	strace s2  }
0x95: {  	s2 =	sld [smem:$0x3FFD];
	_ =	sdelay $0x3  }
0x96: {  	_ =	strace s2  }
0x97: {  	_ =	strace $0x8FFFFFFF  }
0x98: {  	s18 =	sld [smem:$0x3FDB];
	_ =	sdelay $0x1  }
0x99: {  	s19 =	simm.s32 $_scs_section_size  }
0x9a: {  	s4 =	simm.s32 $_size__tile_overlayer_lowered;
	s5 =	simm.s32 $_tile_overlayer_lowered  }
0x9b: {  	s22 =	simm.s32 $0x1BFF;
	s21 =	sshll.u32 s5, $0x1;
	s2 =	sadd.s32 s19, s18  }
0x9c: {  	s6 =	simm.s32 $0x0;
	s20 =	sshll.u32 s4, $0x1;
	s4 =	sadd.s32 s21, s2  }
0x9d: {  	[timem:s6], [sflag:s22] =	dma.local [hbm:s4], s20  }
0x9e: {  	_ =	swait.ge [sflag:s22], s20  }
0x9f: {  	s3 =	ssub.s32 $0x0, s20;
	[sflag:s22] =	ssyncset.done $0x0  }
0xa0: {  	[sflag:s22] =	ssyncadd.s32 s3;
	_ =	sdelay $0x1  }
0xa1: {  	s23 =	simm.s32 $0x1B8B  }
0xa2: {  	_ =	swait.ge [sflag:s23], $0x1  }
0xa3: {  	[sflag:s23] =	ssyncset.done $0x0  }
0xa4: {  	s25 =	simm.s32 $0x1B8E;
	s24 =	sld [smem:$0x3FFE];
	[sflag:s23] =	ssyncadd.s32 $0xFFFFFFFF  }
0xa5: {  	s26 =	simm.s32 $execute0_lowered;
	[smem:$0x3FD2] =	sst s25  }
0xa6: {  	s4 =	sshll.u32 s26, $0x1;
	_ =	strace $0x8000004C;
	[dreg:$0x1] =	wrdreg $0xFFFFFFFF  }
0xa7: {  	s28 =	simm.s32 $_size_execute0_lowered;
	s2 =	sadd.s32 s2, s4;
	[dreg:$0x0] =	wrdreg $0x0  }
0xa8: {  	s4 =	sshll.u32 s28, $0x1;
	[dreg:$0x2] =	wrdreg s2  }
0xa9: {  	[dreg:$0x3] =	wrdreg s4  }
0xaa: {  	[dreg:$0x4] =	wrdreg $0xC0  }
0xab: {  	_ =	task [dreg:s6], $0x5FFFF  }
0xac: {  	[dreg:$0x1] =	wrdreg $0xFFFFFFFF  }
0xad: {  	[dreg:$0x0] =	wrdreg $0x60  }
0xae: {  	[dreg:$0x2] =	wrdreg s24  }
0xaf: {  	[dreg:$0x3] =	wrdreg $0xA8000  }
0xb0: {  	[dreg:$0x4] =	wrdreg $0x9  }
0xb1: {  	_ =	task.clear_ibuf [dreg:s6], $0x5FFFF;
	_ =	strace $0x9000004C  }
0xb2: {  	s29 =	simm.s32 $0x9;
	_ =	strace $0x8000004E  }
0xb3: {  	_ =	swait.ge [sflag:s29], $0x1  }
0xb4: {  	[sflag:s29] =	ssyncadd.s32 $0xFFFFFFFF  }
0xb5: {  	_ =	strace $0x9000004E  }
0xb6: {  	_ =	sfence  }
0xb7: {  	s30 =	sld [smem:$0x0];
	_ =	sdelay $0x2  }
0xb8: {  	s31 =	sshll.u32 s1, $0xD;
	s1 =	sshrl.u32 s1, $0x2  }
0xb9: {  	s3 =	sand.u32 $0x4000, s31;
	s1 =	sadd.s32 s1, s30  }
0xba: {  	s0 =	sor.u32 s3, s0;
	s1 =	sshll.u32 s1, $0x11  }
0xbb: {  	s0 =	sor.u32 s1, s0  }
0xbc: {  	s0 =	sadd.s32 $0x8F2B, s0  }
0xbd: {  	[sflag:s0] =	ssyncadd.remote.s32 $0x1  }
0xbe: {  	_ =	sfence.sel $0xFFFF  }
0xbf: {  	[dreg:$0x0] =	wrdreg $0xFFFFFFFF;
	(pc) =	sbr.abs _section_cstart, $3  }
0xc0: {  	[dreg:$0x1] =	wrdreg $0xFFFFFFFF  }
0xc1: {  	_ =	task.clear_ibuf [dreg:s6], $0x2FFFF;
	_ =	strace $0x9FFFFFFF  }
0xc2: {  	(tm) =	ssettm $0x7FFFFFFF  }
0xc3: {  	_ =	shalt  }
tec
execute0_lowered:
.L_overlay_start_1:
0x0: {  	(tag) =	ssettag $0x1  }
0x1: {  	s0 =	rddreg [dreg:$0x0]  }
0x2: {  	s1 =	rddreg [dreg:$0x1];
	s2 =	srdreg.scid  }
0x3: {  	s4 =	simm.s32 $0x0;
	s17 =	stileid.u32;
	s28 =	simm.s32 $0x80  }
0x4: {  	s29 =	simm.s32 $0x2;
	s30 =	simm.s32 $0x1380;
	s31 =	simm.s32 $0x13C0  }
0x5: {  	s2 =	sand.u32 $0x1, s2;
	[smem:$0x7FF] =	sst s4;
	s18 =	smul.u32 $0x14000, s17  }
0x6: {  	s6 =	sadd.s32 $0xDE00, s0;
	s7 =	sadd.s32 $0x3E00, s0;
	s8 =	smul.u32 $0x50000, s17  }
0x7: {  	s4 =	sadd.s32 $0x67E00, s0;
	s10 =	smul.u32 $0x2800, s17;
	s26 =	sshll.u32 s17, $0x6  }
0x8: {  	s3 =	smul.u32 $0x140000, s2;
	_ =	strace $0x8000004D;
	s5 =	ssub.s32 $0x2, s2  }
0x9: {  	s20 =	sshll.u32 s2, $0x4;
	p0 =	sne.s32 s2, $0x0;
	s2 =	simm.s32 $0x2780  }
0xa: {  	s19 =	sshrl.u32 s5, $0x1;
	s8 =	sshrl.u32 s8, $0x2;
	s9 =	sor.u32 s17, s20  }
0xb: {  	s24 =	sadd.s32 s4, s10;
	s17 =	sor.u32 $0x1C03, s26;
	s20 =	simm.s32 $0x1400  }
0xc: {  	s26 =	simm.s32 $0x1;
	s3 =	sadd.s32 s18, s3;
	s13 =	smul.u32 $0x2800, s9  }
0xd: {  	[dreg:$0x7] =	wrdreg s24;
	s24 =	simm.s32 $0x6800;
	s3 =	sshrl.u32 s3, $0x3  }
0xe: {  	s0 =	sadd.s32 s3, s0;
	s3 =	ssub.s32 s5, s19;
	s5 =	sadd.s32 s8, s1  }
0xf: {  	s25 =	sshrl.u32 s13, $0x3;
	s19 =	simm.s32 $0x3;
	s8 =	sadd.s32 $0x4000, s5  }
0x10: {  	s21 =	sadd.s32 $0x8000, s5;
	s22 =	sadd.s32 $0xC000, s5;
	s23 =	sadd.s32 $0x10000, s5  }
0x11: {  	s11 =	sadd.s32 $0x8FE00, s0;
	s12 =	smax.u32 s3, $0x1;
	[dreg:$0x3] =	wrdreg s8  }
0x12: {  	s13 =	sadd.s32 s6, s25;
	s14 =	sadd.s32 s7, s25;
	[dreg:$0x4] =	wrdreg s21  }
0x13: {  	s0 =	sadd.s32 $0x280, s25;
	s18 =	sshrl.u32 s5, $0x3;
	[dreg:$0x5] =	wrdreg s22  }
0x14: {  	s25 =	simm.s32 $0x8800;
	s3 =	simm.s32 $0x0;
	[dreg:$0x6] =	wrdreg s23  }
0x15: {  	s15 =	sadd.s32 s6, s0;
	s16 =	sadd.s32 s7, s0;
	s21 =	simm.s32 $0x40  }
0x16: {  	v0 =	vimm.f32 $0.0e+00;
	s22 =	simm.s32 $0x2800;
	s23 =	simm.s32 $0x4800;
	s0 =	simm.s32 $0x2700  }
.LBB2_1:
.Ltmp0:
0x17: {  	(pc) =	sbr.rel @p0 .LBB2_3-.Ltmp0, $1  }
0x18: {  	_ =	sdelay $0x3  }
.Ltmp1:
0x19: {  	s6 =	rddreg [dreg:$0x7];
	(pc) =	sbr.rel .LBB2_6-.Ltmp1, $4  }
0x1a: {  	[spmem:s18], [sflag:s17] =	dma.local [hbm:s6], $0x2800  }
0x1b: {  	_ =	swait.ge [sflag:s19], $0x2800  }
0x1c: {  	[sflag:s19] =	ssyncset.done $0x0  }
0x1d: {  	[sflag:s19] =	ssyncadd.s32 $0xFFFFD800  }
.LBB2_3:
0x1e: {  	s7 =	simm.s32 $0x0  }
0x1f: {  	s6 =	sshra.s32 s7, $0x2;
	s7 =	sadd.s32 $0x200, s7  }
.LBB2_4:
0x20: {  	p1 =	sne.s32 s7, $0xFE00;
	[tilespmem:s6+$0x2870] =	vst v0  }
0x21: {  	[tilespmem:s6+$0x2800] =	vst v0  }
0x22: {  	[tilespmem:s6+$0x2810] =	vst v0  }
.Ltmp2:
0x23: {  	[tilespmem:s6+$0x2820] =	vst v0;
	(pc) =	sbr.rel @p1 .LBB2_4-.Ltmp2, $4  }
0x24: {  	[tilespmem:s6+$0x2830] =	vst v0  }
0x25: {  	[tilespmem:s6+$0x2840] =	vst v0  }
0x26: {  	[tilespmem:s6+$0x2850] =	vst v0  }
0x27: {  	[tilespmem:s6+$0x2860] =	vst v0;
	s6 =	sshra.s32 s7, $0x2;
	s7 =	sadd.s32 $0x200, s7  }
0x28: {  	[tilespmem:s6+$0x2870] =	vst v0  }
0x29: {  	[tilespmem:s6+$0x2800] =	vst v0  }
0x2a: {  	[tilespmem:s6+$0x2810] =	vst v0  }
0x2b: {  	[tilespmem:s6+$0x2820] =	vst v0  }
0x2c: {  	[tilespmem:s6+$0x2830] =	vst v0  }
0x2d: {  	[tilespmem:s6+$0x2840] =	vst v0  }
0x2e: {  	[tilespmem:s6+$0x2850] =	vst v0  }
0x2f: {  	[tilespmem:s6+$0x2860] =	vst v0  }
0x30: {  	[spmem:s5] =	stream.linear.scatter [tilespmem:s22], [sflag:$0x3], $0x4000, $0x38;
	[tilespmem:$0x1E800] =	vst v63  }
0x31: {  	_ =	swait.ge [sflag:s19], $0x4000  }
0x32: {  	[sflag:s19] =	ssyncset.done $0x0  }
0x33: {  	s7 =	rddreg [dreg:$0x3];
	[sflag:s19] =	ssyncadd.s32 $0xFFFFC000  }
0x34: {  	[spmem:s7] =	stream.linear.scatter [tilespmem:s22], [sflag:$0x3], $0x4000, $0x38;
	[tilespmem:$0x1E800] =	vst v63  }
0x35: {  	_ =	swait.ge [sflag:s19], $0x4000  }
0x36: {  	[sflag:s19] =	ssyncset.done $0x0  }
0x37: {  	s8 =	rddreg [dreg:$0x4];
	[sflag:s19] =	ssyncadd.s32 $0xFFFFC000  }
0x38: {  	[spmem:s8] =	stream.linear.scatter [tilespmem:s22], [sflag:$0x3], $0x4000, $0x38;
	[tilespmem:$0x1E800] =	vst v63  }
0x39: {  	_ =	swait.ge [sflag:s19], $0x4000  }
0x3a: {  	[sflag:s19] =	ssyncset.done $0x0  }
0x3b: {  	s9 =	rddreg [dreg:$0x5];
	[sflag:s19] =	ssyncadd.s32 $0xFFFFC000  }
0x3c: {  	[spmem:s9] =	stream.linear.scatter [tilespmem:s22], [sflag:$0x3], $0x4000, $0x38;
	[tilespmem:$0x1E800] =	vst v63  }
0x3d: {  	_ =	swait.ge [sflag:s19], $0x4000  }
0x3e: {  	[sflag:s19] =	ssyncset.done $0x0  }
0x3f: {  	s10 =	rddreg [dreg:$0x6];
	[sflag:s19] =	ssyncadd.s32 $0xFFFFC000  }
0x40: {  	[spmem:s10] =	stream.linear.scatter [tilespmem:s22], [sflag:$0x3], $0x4000, $0x38;
	[tilespmem:$0x1E800] =	vst v63  }
0x41: {  	_ =	swait.ge [sflag:s19], $0x4000  }
0x42: {  	[sflag:s19] =	ssyncset.done $0x0  }
0x43: {  	[sflag:s19] =	ssyncadd.s32 $0xFFFFC000  }
.LBB2_6:
0x44: {  	[bflag:$0x0] =	sbarrier.arrive $0xFFFF;
	s6 =	simm.s32 $0x0  }
0x45: {  	[tilespmem:s6], [sflag:$0x3] =	stream.linear.gather [hbm4b:s13+s6], $0x1400, $0x38;
	[tilespmem:$0x1E800] =	vst v63  }
0x46: {  	_ =	swait.ge [sflag:s19], $0x1400  }
0x47: {  	[sflag:s19] =	ssyncset.done $0x0  }
0x48: {  	[sflag:s19] =	ssyncadd.s32 $0xFFFFEC00  }
0x49: {  	[tilespmem:s20], [sflag:$0x3] =	stream.linear.gather [hbm4b:s14+s6], $0x1400, $0x38;
	[tilespmem:$0x1E800] =	vst v63  }
0x4a: {  	_ =	swait.ge [sflag:s19], $0x1400  }
0x4b: {  	[sflag:s19] =	ssyncset.done $0x0  }
0x4c: {  	[sflag:s19] =	ssyncadd.s32 $0xFFFFEC00  }
0x4d: {  	[tilespmem:s22], [sflag:$0x1] =	stream.indirect.gather [hbm4b:s4+s21], $0x80, s6, s21, $0xb8;
	[tilespmem:$0x1E800] =	vst v63  }
0x4e: {  	_ = 	snop  }
0x4f: {  	[tilespmem:s23], [sflag:$0x1] =	stream.indirect.gather [hbm4b:s4+s21], $0x80, s21, s21, $0xb8;
	[tilespmem:$0x1E800] =	vst v63  }
0x50: {  	s9 =	simm.s32 $0x80  }
0x51: {  	[tilespmem:s24], [sflag:$0x2] =	stream.indirect.gather [hbm4b:s4+s21], $0x80, s9, s21, $0xb8;
	[tilespmem:$0x1E800] =	vst v63  }
0x52: {  	s10 =	simm.s32 $0xC0  }
0x53: {  	[tilespmem:s25], [sflag:$0x2] =	stream.indirect.gather [hbm4b:s4+s21], $0x80, s10, s21, $0xb8;
	[tilespmem:$0x1E800] =	vst v63  }
0x54: {  	_ =	swait.ge [sflag:s26], $0x4000  }
0x55: {  	[sflag:s26] =	ssyncset.done $0x0  }
0x56: {  	s7 =	simm.s32 $0x1400;
	[sflag:s26] =	ssyncadd.s32 $0xFFFFC000  }
0x57: {  	[spmem:s1] =	stream.indirect.scatter.add.f32 [tilespmem:s22], [sflag:$0x3], $0x80, s7, s28, $0xb8;
	[tilespmem:$0x1E800] =	vst v63  }
0x58: {  	_ =	swait.ge [sflag:s19], $0x4000  }
0x59: {  	[sflag:s19] =	ssyncset.done $0x0  }
0x5a: {  	s8 =	simm.s32 $0x100;
	[sflag:s19] =	ssyncadd.s32 $0xFFFFC000  }
0x5b: {  	[tilespmem:s22], [sflag:$0x1] =	stream.indirect.gather [hbm4b:s4+s21], $0x80, s8, s21, $0xb8;
	[tilespmem:$0x1E800] =	vst v63  }
0x5c: {  	s9 =	simm.s32 $0x140  }
0x5d: {  	[tilespmem:s23], [sflag:$0x1] =	stream.indirect.gather [hbm4b:s4+s21], $0x80, s9, s21, $0xb8;
	[tilespmem:$0x1E800] =	vst v63  }
0x5e: {  	_ =	swait.ge [sflag:s29], $0x4000  }
0x5f: {  	[sflag:s29] =	ssyncset.done $0x0  }
0x60: {  	s10 =	simm.s32 $0x1480;
	[sflag:s29] =	ssyncadd.s32 $0xFFFFC000  }
0x61: {  	[spmem:s1] =	stream.indirect.scatter.add.f32 [tilespmem:s24], [sflag:$0x3], $0x80, s10, s28, $0xb8;
	[tilespmem:$0x1E800] =	vst v63  }
0x62: {  	_ =	swait.ge [sflag:s19], $0x4000  }
0x63: {  	s6 =	simm.s32 $0x100;
	s7 =	simm.s32 $0x800;
	[sflag:s19] =	ssyncset.done $0x0  }
.LBB2_7:
0x64: {  	s8 =	sadd.s32 $0x80, s6  }
0x65: {  	[sflag:s19] =	ssyncadd.s32 $0xFFFFC000;
	s9 =	smov.u32 s7;
	s10 =	sadd.s32 $0x400, s7  }
0x66: {  	[tilespmem:s24], [sflag:$0x2] =	stream.indirect.gather [hbm4b:s4+s21], $0x80, s8, s21, $0xb8;
	[tilespmem:$0x1E800] =	vst v63  }
0x67: {  	p1 =	sne.s32 s7, $0x4800;
	s7 =	sadd.s32 $0xC0, s6  }
0x68: {  	[tilespmem:s25], [sflag:$0x2] =	stream.indirect.gather [hbm4b:s4+s21], $0x80, s7, s21, $0xb8;
	[tilespmem:$0x1E800] =	vst v63  }
0x69: {  	_ =	swait.ge [sflag:s26], $0x4000  }
0x6a: {  	[sflag:s26] =	ssyncset.done $0x0  }
0x6b: {  	s7 =	sadd.s32 $0x1400, s6;
	[sflag:s26] =	ssyncadd.s32 $0xFFFFC000  }
0x6c: {  	[spmem:s1] =	stream.indirect.scatter.add.f32 [tilespmem:s22], [sflag:$0x3], $0x80, s7, s28, $0xb8;
	[tilespmem:$0x1E800] =	vst v63  }
0x6d: {  	_ =	swait.ge [sflag:s19], $0x4000  }
0x6e: {  	[sflag:s19] =	ssyncset.done $0x0  }
0x6f: {  	s7 =	sadd.s32 $0x100, s6;
	[sflag:s19] =	ssyncadd.s32 $0xFFFFC000  }
0x70: {  	[tilespmem:s22], [sflag:$0x1] =	stream.indirect.gather [hbm4b:s4+s21], $0x80, s7, s21, $0xb8;
	[tilespmem:$0x1E800] =	vst v63  }
0x71: {  	s7 =	sadd.s32 $0x140, s6  }
0x72: {  	[tilespmem:s23], [sflag:$0x1] =	stream.indirect.gather [hbm4b:s4+s21], $0x80, s7, s21, $0xb8;
	[tilespmem:$0x1E800] =	vst v63  }
0x73: {  	_ =	swait.ge [sflag:s29], $0x4000  }
.Ltmp3:
0x74: {  	[sflag:s29] =	ssyncset.done $0x0;
	(pc) =	sbr.rel @p1 .LBB2_7-.Ltmp3, $4  }
0x75: {  	s6 =	sadd.s32 $0x1480, s6;
	[sflag:s29] =	ssyncadd.s32 $0xFFFFC000  }
0x76: {  	[spmem:s1] =	stream.indirect.scatter.add.f32 [tilespmem:s24], [sflag:$0x3], $0x80, s6, s28, $0xb8;
	[tilespmem:$0x1E800] =	vst v63  }
0x77: {  	_ =	swait.ge [sflag:s19], $0x4000  }
0x78: {  	s7 =	smov.u32 s10;
	s6 =	sshra.s32 s9, $0x2;
	[sflag:s19] =	ssyncset.done $0x0  }
0x79: {  	s7 =	sadd.s32 $0x80, s6;
	[sflag:s19] =	ssyncadd.s32 $0xFFFFC000  }
0x7a: {  	[tilespmem:s24], [sflag:$0x2] =	stream.indirect.gather [hbm4b:s4+s21], $0x80, s7, s21, $0xb8;
	[tilespmem:$0x1E800] =	vst v63  }
0x7b: {  	s10 =	sadd.s32 $0xC0, s6  }
0x7c: {  	[tilespmem:s25], [sflag:$0x2] =	stream.indirect.gather [hbm4b:s4+s21], $0x80, s10, s21, $0xb8;
	[tilespmem:$0x1E800] =	vst v63  }
0x7d: {  	_ =	swait.ge [sflag:s26], $0x4000  }
0x7e: {  	[sflag:s26] =	ssyncset.done $0x0  }
0x7f: {  	s8 =	sadd.s32 $0x1400, s6;
	[sflag:s26] =	ssyncadd.s32 $0xFFFFC000  }
0x80: {  	[spmem:s1] =	stream.indirect.scatter.add.f32 [tilespmem:s22], [sflag:$0x3], $0x80, s8, s28, $0xb8;
	[tilespmem:$0x1E800] =	vst v63  }
0x81: {  	_ =	swait.ge [sflag:s19], $0x4000  }
0x82: {  	[sflag:s19] =	ssyncset.done $0x0  }
0x83: {  	s9 =	sadd.s32 $0x100, s6;
	[sflag:s19] =	ssyncadd.s32 $0xFFFFC000  }
0x84: {  	[tilespmem:s22], [sflag:$0x1] =	stream.indirect.gather [hbm4b:s4+s21], $0x80, s9, s21, $0xb8;
	[tilespmem:$0x1E800] =	vst v63  }
0x85: {  	s10 =	sadd.s32 $0x140, s6  }
0x86: {  	[tilespmem:s23], [sflag:$0x1] =	stream.indirect.gather [hbm4b:s4+s21], $0x80, s10, s21, $0xb8;
	[tilespmem:$0x1E800] =	vst v63  }
0x87: {  	_ =	swait.ge [sflag:s29], $0x4000  }
0x88: {  	[sflag:s29] =	ssyncset.done $0x0  }
0x89: {  	s7 =	sadd.s32 $0x1480, s6;
	[sflag:s29] =	ssyncadd.s32 $0xFFFFC000  }
0x8a: {  	[spmem:s1] =	stream.indirect.scatter.add.f32 [tilespmem:s24], [sflag:$0x3], $0x80, s7, s28, $0xb8;
	[tilespmem:$0x1E800] =	vst v63  }
0x8b: {  	_ =	swait.ge [sflag:s19], $0x4000  }
0x8c: {  	[sflag:s19] =	ssyncset.done $0x0  }
0x8d: {  	[sflag:s19] =	ssyncadd.s32 $0xFFFFC000  }
0x8e: {  	[tilespmem:s24], [sflag:$0x2] =	stream.indirect.gather [hbm4b:s4+s21], $0x80, s30, s21, $0xb8;
	[tilespmem:$0x1E800] =	vst v63  }
0x8f: {  	_ = 	snop  }
0x90: {  	[tilespmem:s25], [sflag:$0x2] =	stream.indirect.gather [hbm4b:s4+s21], $0x80, s31, s21, $0xb8;
	[tilespmem:$0x1E800] =	vst v63  }
0x91: {  	_ =	swait.ge [sflag:s26], $0x4000  }
0x92: {  	[sflag:s26] =	ssyncset.done $0x0  }
0x93: {  	[sflag:s26] =	ssyncadd.s32 $0xFFFFC000  }
0x94: {  	[spmem:s1] =	stream.indirect.scatter.add.f32 [tilespmem:s22], [sflag:$0x3], $0x80, s0, s28, $0xb8;
	[tilespmem:$0x1E800] =	vst v63  }
0x95: {  	_ =	swait.ge [sflag:s19], $0x4000  }
0x96: {  	[sflag:s19] =	ssyncset.done $0x0  }
0x97: {  	[sflag:s19] =	ssyncadd.s32 $0xFFFFC000  }
0x98: {  	_ =	swait.ge [sflag:s29], $0x4000  }
0x99: {  	[sflag:s29] =	ssyncset.done $0x0  }
0x9a: {  	[sflag:s29] =	ssyncadd.s32 $0xFFFFC000  }
0x9b: {  	[spmem:s1] =	stream.indirect.scatter.add.f32 [tilespmem:s24], [sflag:$0x3], $0x80, s2, s28, $0xb8;
	[tilespmem:$0x1E800] =	vst v63  }
0x9c: {  	_ =	swait.ge [sflag:s19], $0x4000  }
0x9d: {  	[sflag:s19] =	ssyncset.done $0x0  }
0x9e: {  	s8 =	simm.s32 $0x0;
	[sflag:s19] =	ssyncadd.s32 $0xFFFFC000  }
0x9f: {  	[tilespmem:s8], [sflag:$0x3] =	stream.linear.gather [hbm4b:s15+s8], $0x1400, $0x38;
	[tilespmem:$0x1E800] =	vst v63  }
0xa0: {  	_ =	swait.ge [sflag:s19], $0x1400  }
0xa1: {  	[sflag:s19] =	ssyncset.done $0x0  }
0xa2: {  	[sflag:s19] =	ssyncadd.s32 $0xFFFFEC00  }
0xa3: {  	[tilespmem:s20], [sflag:$0x3] =	stream.linear.gather [hbm4b:s16+s8], $0x1400, $0x38;
	[tilespmem:$0x1E800] =	vst v63  }
0xa4: {  	_ =	swait.ge [sflag:s19], $0x1400  }
0xa5: {  	[sflag:s19] =	ssyncset.done $0x0  }
0xa6: {  	[sflag:s19] =	ssyncadd.s32 $0xFFFFEC00  }
0xa7: {  	[tilespmem:s22], [sflag:$0x1] =	stream.indirect.gather [hbm4b:s4+s21], $0x80, s8, s21, $0xb8;
	[tilespmem:$0x1E800] =	vst v63  }
0xa8: {  	_ = 	snop  }
0xa9: {  	[tilespmem:s23], [sflag:$0x1] =	stream.indirect.gather [hbm4b:s4+s21], $0x80, s21, s21, $0xb8;
	[tilespmem:$0x1E800] =	vst v63  }
0xaa: {  	s9 =	simm.s32 $0x80  }
0xab: {  	[tilespmem:s24], [sflag:$0x2] =	stream.indirect.gather [hbm4b:s4+s21], $0x80, s9, s21, $0xb8;
	[tilespmem:$0x1E800] =	vst v63  }
0xac: {  	s10 =	simm.s32 $0xC0  }
0xad: {  	[tilespmem:s25], [sflag:$0x2] =	stream.indirect.gather [hbm4b:s4+s21], $0x80, s10, s21, $0xb8;
	[tilespmem:$0x1E800] =	vst v63  }
0xae: {  	_ =	swait.ge [sflag:s26], $0x4000  }
0xaf: {  	[sflag:s26] =	ssyncset.done $0x0  }
0xb0: {  	s7 =	simm.s32 $0x1400;
	[sflag:s26] =	ssyncadd.s32 $0xFFFFC000  }
0xb1: {  	[spmem:s1] =	stream.indirect.scatter.add.f32 [tilespmem:s22], [sflag:$0x3], $0x80, s7, s28, $0xb8;
	[tilespmem:$0x1E800] =	vst v63  }
0xb2: {  	_ =	swait.ge [sflag:s19], $0x4000  }
0xb3: {  	[sflag:s19] =	ssyncset.done $0x0  }
0xb4: {  	s8 =	simm.s32 $0x100;
	[sflag:s19] =	ssyncadd.s32 $0xFFFFC000  }
0xb5: {  	[tilespmem:s22], [sflag:$0x1] =	stream.indirect.gather [hbm4b:s4+s21], $0x80, s8, s21, $0xb8;
	[tilespmem:$0x1E800] =	vst v63  }
0xb6: {  	s9 =	simm.s32 $0x140  }
0xb7: {  	[tilespmem:s23], [sflag:$0x1] =	stream.indirect.gather [hbm4b:s4+s21], $0x80, s9, s21, $0xb8;
	[tilespmem:$0x1E800] =	vst v63  }
0xb8: {  	_ =	swait.ge [sflag:s29], $0x4000  }
0xb9: {  	[sflag:s29] =	ssyncset.done $0x0  }
0xba: {  	s10 =	simm.s32 $0x1480;
	[sflag:s29] =	ssyncadd.s32 $0xFFFFC000  }
0xbb: {  	[spmem:s1] =	stream.indirect.scatter.add.f32 [tilespmem:s24], [sflag:$0x3], $0x80, s10, s28, $0xb8;
	[tilespmem:$0x1E800] =	vst v63  }
0xbc: {  	_ =	swait.ge [sflag:s19], $0x4000  }
0xbd: {  	s6 =	simm.s32 $0x100;
	s7 =	simm.s32 $0x800;
	[sflag:s19] =	ssyncset.done $0x0  }
.LBB2_9:
0xbe: {  	s8 =	sadd.s32 $0x80, s6  }
0xbf: {  	[sflag:s19] =	ssyncadd.s32 $0xFFFFC000;
	s9 =	smov.u32 s7;
	s10 =	sadd.s32 $0x400, s7  }
0xc0: {  	[tilespmem:s24], [sflag:$0x2] =	stream.indirect.gather [hbm4b:s4+s21], $0x80, s8, s21, $0xb8;
	[tilespmem:$0x1E800] =	vst v63  }
0xc1: {  	p1 =	sne.s32 s7, $0x4800;
	s7 =	sadd.s32 $0xC0, s6  }
0xc2: {  	[tilespmem:s25], [sflag:$0x2] =	stream.indirect.gather [hbm4b:s4+s21], $0x80, s7, s21, $0xb8;
	[tilespmem:$0x1E800] =	vst v63  }
0xc3: {  	_ =	swait.ge [sflag:s26], $0x4000  }
0xc4: {  	[sflag:s26] =	ssyncset.done $0x0  }
0xc5: {  	s7 =	sadd.s32 $0x1400, s6;
	[sflag:s26] =	ssyncadd.s32 $0xFFFFC000  }
0xc6: {  	[spmem:s1] =	stream.indirect.scatter.add.f32 [tilespmem:s22], [sflag:$0x3], $0x80, s7, s28, $0xb8;
	[tilespmem:$0x1E800] =	vst v63  }
0xc7: {  	_ =	swait.ge [sflag:s19], $0x4000  }
0xc8: {  	[sflag:s19] =	ssyncset.done $0x0  }
0xc9: {  	s7 =	sadd.s32 $0x100, s6;
	[sflag:s19] =	ssyncadd.s32 $0xFFFFC000  }
0xca: {  	[tilespmem:s22], [sflag:$0x1] =	stream.indirect.gather [hbm4b:s4+s21], $0x80, s7, s21, $0xb8;
	[tilespmem:$0x1E800] =	vst v63  }
0xcb: {  	s7 =	sadd.s32 $0x140, s6  }
0xcc: {  	[tilespmem:s23], [sflag:$0x1] =	stream.indirect.gather [hbm4b:s4+s21], $0x80, s7, s21, $0xb8;
	[tilespmem:$0x1E800] =	vst v63  }
0xcd: {  	_ =	swait.ge [sflag:s29], $0x4000  }
.Ltmp4:
0xce: {  	[sflag:s29] =	ssyncset.done $0x0;
	(pc) =	sbr.rel @p1 .LBB2_9-.Ltmp4, $4  }
0xcf: {  	s6 =	sadd.s32 $0x1480, s6;
	[sflag:s29] =	ssyncadd.s32 $0xFFFFC000  }
0xd0: {  	[spmem:s1] =	stream.indirect.scatter.add.f32 [tilespmem:s24], [sflag:$0x3], $0x80, s6, s28, $0xb8;
	[tilespmem:$0x1E800] =	vst v63  }
0xd1: {  	_ =	swait.ge [sflag:s19], $0x4000  }
0xd2: {  	s7 =	smov.u32 s10;
	s6 =	sshra.s32 s9, $0x2;
	[sflag:s19] =	ssyncset.done $0x0  }
0xd3: {  	s7 =	sadd.s32 $0x80, s6;
	[sflag:s19] =	ssyncadd.s32 $0xFFFFC000  }
0xd4: {  	[tilespmem:s24], [sflag:$0x2] =	stream.indirect.gather [hbm4b:s4+s21], $0x80, s7, s21, $0xb8;
	[tilespmem:$0x1E800] =	vst v63  }
0xd5: {  	s9 =	sadd.s32 $0xC0, s6  }
0xd6: {  	[tilespmem:s25], [sflag:$0x2] =	stream.indirect.gather [hbm4b:s4+s21], $0x80, s9, s21, $0xb8;
	[tilespmem:$0x1E800] =	vst v63  }
0xd7: {  	_ =	swait.ge [sflag:s26], $0x4000  }
0xd8: {  	[sflag:s26] =	ssyncset.done $0x0  }
0xd9: {  	s10 =	sadd.s32 $0x1400, s6;
	[sflag:s26] =	ssyncadd.s32 $0xFFFFC000  }
0xda: {  	[spmem:s1] =	stream.indirect.scatter.add.f32 [tilespmem:s22], [sflag:$0x3], $0x80, s10, s28, $0xb8;
	[tilespmem:$0x1E800] =	vst v63  }
0xdb: {  	_ =	swait.ge [sflag:s19], $0x4000  }
0xdc: {  	[sflag:s19] =	ssyncset.done $0x0  }
0xdd: {  	s8 =	sadd.s32 $0x100, s6;
	[sflag:s19] =	ssyncadd.s32 $0xFFFFC000  }
0xde: {  	[tilespmem:s22], [sflag:$0x1] =	stream.indirect.gather [hbm4b:s4+s21], $0x80, s8, s21, $0xb8;
	[tilespmem:$0x1E800] =	vst v63  }
0xdf: {  	s9 =	sadd.s32 $0x140, s6  }
0xe0: {  	[tilespmem:s23], [sflag:$0x1] =	stream.indirect.gather [hbm4b:s4+s21], $0x80, s9, s21, $0xb8;
	[tilespmem:$0x1E800] =	vst v63  }
0xe1: {  	_ =	swait.ge [sflag:s29], $0x4000  }
0xe2: {  	[sflag:s29] =	ssyncset.done $0x0  }
0xe3: {  	s10 =	sadd.s32 $0x1480, s6;
	[sflag:s29] =	ssyncadd.s32 $0xFFFFC000  }
0xe4: {  	[spmem:s1] =	stream.indirect.scatter.add.f32 [tilespmem:s24], [sflag:$0x3], $0x80, s10, s28, $0xb8;
	[tilespmem:$0x1E800] =	vst v63  }
0xe5: {  	_ =	swait.ge [sflag:s19], $0x4000  }
0xe6: {  	[sflag:s19] =	ssyncset.done $0x0  }
0xe7: {  	[sflag:s19] =	ssyncadd.s32 $0xFFFFC000  }
0xe8: {  	[tilespmem:s24], [sflag:$0x2] =	stream.indirect.gather [hbm4b:s4+s21], $0x80, s30, s21, $0xb8;
	[tilespmem:$0x1E800] =	vst v63  }
0xe9: {  	_ = 	snop  }
0xea: {  	[tilespmem:s25], [sflag:$0x2] =	stream.indirect.gather [hbm4b:s4+s21], $0x80, s31, s21, $0xb8;
	[tilespmem:$0x1E800] =	vst v63  }
0xeb: {  	_ =	swait.ge [sflag:s26], $0x4000  }
0xec: {  	[sflag:s26] =	ssyncset.done $0x0  }
0xed: {  	[sflag:s26] =	ssyncadd.s32 $0xFFFFC000  }
0xee: {  	[spmem:s1] =	stream.indirect.scatter.add.f32 [tilespmem:s22], [sflag:$0x3], $0x80, s0, s28, $0xb8;
	[tilespmem:$0x1E800] =	vst v63  }
0xef: {  	_ =	swait.ge [sflag:s19], $0x4000  }
0xf0: {  	[sflag:s19] =	ssyncset.done $0x0  }
0xf1: {  	[sflag:s19] =	ssyncadd.s32 $0xFFFFC000  }
0xf2: {  	_ =	swait.ge [sflag:s29], $0x4000  }
0xf3: {  	[sflag:s29] =	ssyncset.done $0x0  }
0xf4: {  	[sflag:s29] =	ssyncadd.s32 $0xFFFFC000  }
0xf5: {  	[spmem:s1] =	stream.indirect.scatter.add.f32 [tilespmem:s24], [sflag:$0x3], $0x80, s2, s28, $0xb8;
	[tilespmem:$0x1E800] =	vst v63  }
0xf6: {  	_ =	swait.ge [sflag:s19], $0x4000  }
0xf7: {  	s3 =	sadd.s32 $0x1, s3;
	[sflag:s19] =	ssyncset.done $0x0  }
0xf8: {  	p1 =	sne.s32 s3, s12;
	[sflag:s19] =	ssyncadd.s32 $0xFFFFC000  }
.Ltmp5:
0xf9: {  	[bflag:$0x0] =	sbarrier.arrive $0xFFFF;
	(pc) =	sbr.rel @p1 .LBB2_1-.Ltmp5, $4  }
0xfa: {  	[hbm:s11], [sflag:s17] =	dma.local [spmem:s18], $0x2800  }
0xfb: {  	_ =	swait.ge [sflag:s19], $0x2800  }
0xfc: {  	[sflag:s19] =	ssyncset.done $0x0  }
0xfd: {  	[sflag:s19] =	ssyncadd.s32 $0xFFFFD800  }
0xfe: {  	_ =	sfence.sel $0x180000  }
0xff: {  	[bflag:$0x0] =	sbarrier.arrive $0xFFFF  }
0x100: {  	_ =	strace $0x9000004D  }
0x101: {  	s0 =	stileid.u32;
	[bflag:$0x2] =	sbarrier.arrive $0xFFFF  }
0x102: {  	p0 =	sne.s32 s0, $0x0;
	s0 =	rddreg [dreg:$0x2]  }
0x103: {  	s0 =	sadd.s32 @!p0 $0x100000, s0  }
0x104: {  	[sflag:s0] =	ssyncadd.tile.s32 @!p0 $0x1;
	_ =	shalt  }
.Lfunc_end2:
_tile_overlayer_lowered:
.L_overlay_start_2:
0x105: {  	(tag) =	ssettag $0x2  }
0x106: {  	s0 =	rddreg [dreg:$0x0];
	s2 =	stileid.u32  }
0x107: {  	s1 =	rddreg [dreg:$0x1];
	p0 =	sne.s32 s2, $0x0  }
0x108: {  	s3 =	rddreg [dreg:$0x2];
	[bflag:$0x3] =	sbarrier.arrive $0xFFFF;
	s2 =	simm.s32 @!p0 $0x1C03  }
0x109: {  	[timem:s3], [sflag:s2] =	dma.local @!p0 [hbm:s0], s1  }
0x10a: {  	s0 =	simm.s32 @!p0 $0x3  }
0x10b: {  	_ =	swait.ge @!p0 [sflag:s0], s1  }
0x10c: {  	s1 =	ssub.s32 @!p0 $0x0, s1;
	[sflag:s0] =	ssyncset.done @!p0 $0x0  }
0x10d: {  	[sflag:s0] =	ssyncadd.s32 @!p0 s1  }
0x10e: {  	[bflag:$0x3] =	sbarrier.arrive $0xFFFF  }
0x10f: {  	_ =	shalt  }

// kernel: kernel.19.cloned.1.call-start
scs
__scs_entry_jumppad:
0x0: {  	(pc) =	sbr.rel $0x88, $3  }
0x1: {  	(tag) =	ssettag $0x0;
	lr =	simm.s32 $0x1  }
0x2: {  	[smem:$0x3F98] =	sst lr;
	_ =	strace $0xD0000000  }
0x3: {  	_ = 	snop  }
0x4: {  	_ = 	snop  }
0x5: {  	_ = 	snop  }
0x6: {  	_ = 	snop  }
0x7: {  	_ = 	snop  }
__scs_overlays_trampoline_lowered:
0x8: {  	[smem:$0x3FA7] =	sst s0  }
0x9: {  	[smem:$0x3FA8] =	sst s1  }
0xa: {  	[smem:$0x3FA9] =	sst s2  }
0xb: {  	[smem:$0x3FAA] =	sst s3  }
0xc: {  	[smem:$0x3FAB] =	sst s4  }
0xd: {  	[smem:$0x3FAC] =	sst s5  }
0xe: {  	[smem:$0x3FAD] =	sst s6  }
0xf: {  	[smem:$0x3FAE] =	sst s7  }
0x10: {  	[smem:$0x3FAF] =	sst s8  }
0x11: {  	[smem:$0x3FB0] =	sst s9;
	s0 =	simm.s32 @!p0 $0x0  }
0x12: {  	s1 =	sld [smem:$0x3F96];
	s0 =	simm.s32 @p0 $0x1  }
0x13: {  	[smem:$0x3FB1] =	sst s0;
	s0 =	simm.s32 @!p1 $0x0  }
0x14: {  	s2 =	sld [smem:$0x3F95];
	s0 =	simm.s32 @p1 $0x1  }
0x15: {  	[smem:$0x3FB2] =	sst s0;
	s0 =	simm.s32 @!p2 $0x0  }
0x16: {  	s3 =	sld [smem:$0x3FDB];
	s0 =	simm.s32 @p2 $0x1  }
0x17: {  	s4 =	simm.s32 $0x1BF5;
	[smem:$0x3FB4] =	sst s0  }
0x18: {  	s0 =	sld [smem:$0x3F97];
	_ =	swait.ge [sflag:s4], $0x0  }
0x19: {  	s7 =	sld [smem:$0x3F98]  }
0x1a: {  	s8 =	sadd.s32 $0xFFFFE003, lr  }
0x1b: {  	s9 =	sadd.s32 $0xFFFFFEF7, lr;
	s5 =	simm.s32 $0xFFFFFFFF;
	p2 =	slt.u32 s8, $0xFFFFF086  }
0x1c: {  	p1 =	slt.u32 s9, $0xF7A;
	s5 =	simm.s32 @!p2 $0x0  }
0x1d: {  	s5 =	simm.s32 @p1 $0x1;
	p0 =	seq.s32 s7, s2  }
0x1e: {  	s7 =	smul.u32 @!p0 $0xF7A, s2;
	p2 =	seq.s32 @!p0 s5, $0x0  }
0x1f: {  	s9 =	smul.u32 $0xF7A, s1;
	s8 =	simm.s32 @!p0 $0x1BF5;
	p2 =	por !p2, p0  }
0x20: {  	[sflag:s8] =	ssyncset.s32 @!p0 $0xFFFFF086;
	s6 =	sadd.s32 @!p0 s3, s7;
	s7 =	simm.s32 @!p0 $0x108  }
0x21: {  	s3 =	sadd.s32 s3, s9;
	s6 =	sadd.s32 @!p0 $0x88, s6;
	s7 =	simm.s32 @p2 $0x1082  }
0x22: {  	[simem:s7], [sflag:s8] =	dma.local @!p0 [hbm:s6], $0xF7A  }
0x23: {  	s9 =	sor.u32 $0xD0000000, s2;
	s6 =	simm.s32 $0x108;
	_ =	swait.ge @!p0 [sflag:s8], $0x0  }
0x24: {  	s3 =	sadd.s32 $0x88, s3;
	s6 =	simm.s32 @!p1 $0x1082;
	[sflag:s4] =	ssyncset.s32 $0xFFFFF086  }
0x25: {  	[simem:s6], [sflag:s4] =	dma.local [hbm:s3], $0xF7A  }
0x26: {  	[smem:$0x3F98] =	sst s1;
	(tag) =	ssettag s2;
	_ =	strace s9  }
0x27: {  	s1 =	sld [smem:$0x3FA8]  }
0x28: {  	s2 =	sld [smem:$0x3FA9]  }
0x29: {  	s4 =	sld [smem:$0x3FAB]  }
0x2a: {  	p0 =	seq.s32 s5, $0x0;
	s5 =	sld [smem:$0x3FAC]  }
0x2b: {  	s6 =	sld [smem:$0x3FAD]  }
0x2c: {  	s7 =	sld [smem:$0x3FAE]  }
0x2d: {  	s3 =	simm.s32 $0x108;
	s8 =	sld [smem:$0x3FAF]  }
0x2e: {  	s3 =	simm.s32 @!p0 $0x1082;
	s9 =	sld [smem:$0x3FB0]  }
0x2f: {  	lr =	sadd.s32 s0, s3;
	s0 =	sld [smem:$0x3FA7]  }
0x30: {  	s3 =	sld [smem:$0x3FAA]  }
0x31: {  	[smem:$0x3FB3] =	sst s10  }
0x32: {  	s10 =	sld [smem:$0x3FB1];
	_ =	sdelay $0x3  }
0x33: {  	p0 =	seq.s32 s10, $0x1;
	s10 =	sld [smem:$0x3FB3];
	_ =	sdelay $0x3  }
0x34: {  	[smem:$0x3FB3] =	sst s10  }
0x35: {  	s10 =	sld [smem:$0x3FB2];
	_ =	sdelay $0x3  }
0x36: {  	p1 =	seq.s32 s10, $0x1;
	s10 =	sld [smem:$0x3FB3];
	_ =	sdelay $0x3  }
0x37: {  	[smem:$0x3FB3] =	sst s10  }
0x38: {  	s10 =	sld [smem:$0x3FB4]  }
0x39: {  	_ = 	snop;
	(pc) =	sbr.ind lr, $3  }
0x3a: {  	_ = 	snop  }
0x3b: {  	_ = 	snop  }
0x3c: {  	p2 =	seq.s32 s10, $0x1;
	s10 =	sld [smem:$0x3FB3]  }
0x3d: {  	_ =	shalt  }
0x3e: {  	_ =	shalt  }
0x3f: {  	_ =	shalt  }
0x40: {  	_ =	shalt  }
0x41: {  	_ =	shalt  }
0x42: {  	_ =	shalt  }
0x43: {  	_ =	shalt  }
0x44: {  	_ =	shalt  }
0x45: {  	_ =	shalt  }
0x46: {  	_ =	shalt  }
0x47: {  	_ =	shalt  }
0x48: {  	_ =	shalt  }
0x49: {  	_ =	shalt  }
0x4a: {  	_ =	shalt  }
0x4b: {  	_ =	shalt  }
0x4c: {  	_ =	shalt  }
0x4d: {  	_ =	shalt  }
0x4e: {  	_ =	shalt  }
0x4f: {  	_ =	shalt  }
0x50: {  	_ =	shalt  }
0x51: {  	_ =	shalt  }
0x52: {  	_ =	shalt  }
0x53: {  	_ =	shalt  }
0x54: {  	_ =	shalt  }
0x55: {  	_ =	shalt  }
0x56: {  	_ =	shalt  }
0x57: {  	_ =	shalt  }
0x58: {  	_ =	shalt  }
0x59: {  	_ =	shalt  }
0x5a: {  	_ =	shalt  }
0x5b: {  	_ =	shalt  }
0x5c: {  	_ =	shalt  }
0x5d: {  	_ =	shalt  }
0x5e: {  	_ =	shalt  }
0x5f: {  	_ =	shalt  }
0x60: {  	_ =	shalt  }
0x61: {  	_ =	shalt  }
0x62: {  	_ =	shalt  }
0x63: {  	_ =	shalt  }
0x64: {  	_ =	shalt  }
0x65: {  	_ =	shalt  }
0x66: {  	_ =	shalt  }
0x67: {  	_ =	shalt  }
0x68: {  	_ =	shalt  }
0x69: {  	_ =	shalt  }
0x6a: {  	_ =	shalt  }
0x6b: {  	_ =	shalt  }
0x6c: {  	_ =	shalt  }
0x6d: {  	_ =	shalt  }
0x6e: {  	_ =	shalt  }
0x6f: {  	_ =	shalt  }
0x70: {  	_ =	shalt  }
0x71: {  	_ =	shalt  }
0x72: {  	_ =	shalt  }
0x73: {  	_ =	shalt  }
0x74: {  	_ =	shalt  }
0x75: {  	_ =	shalt  }
0x76: {  	_ =	shalt  }
0x77: {  	_ =	shalt  }
0x78: {  	_ =	shalt  }
0x79: {  	_ =	shalt  }
0x7a: {  	_ =	shalt  }
0x7b: {  	_ =	shalt  }
0x7c: {  	_ =	shalt  }
0x7d: {  	_ =	shalt  }
0x7e: {  	_ =	shalt  }
0x7f: {  	_ =	shalt  }
0x80: {  	_ =	shalt  }
0x81: {  	_ =	shalt  }
0x82: {  	_ =	shalt  }
0x83: {  	_ =	shalt  }
0x84: {  	_ =	shalt  }
0x85: {  	_ =	shalt  }
0x86: {  	_ =	shalt  }
0x87: {  	_ =	shalt  }
.Lfunc_end0:
.L_simem_size_0:
called_computation.3_lowered:
.L_overlay_start_0:
0x88: {  	s2 =	sld [smem:$0x3FD9]  }
0x89: {  	s3 =	sld [smem:$0x3FFE];
	_ =	sdelay $0x1  }
0x8a: {  	s1 =	srdreg.scid  }
0x8b: {  	s0 =	sand.u32 $0x1, s1  }
0x8c: {  	s16 =	sshll.u32 s0, $0xA;
	s2 =	sadd.s32 s3, s2  }
0x8d: {  	s2 =	sadd.s32 s2, s16  }
0x8e: {  	[smem:$0x3FBF] =	sst s2  }
0x8f: {  	_ = 	snop  }
0x90: {  	(tm) =	ssettm $0x1  }
0x91: {  	s17 =	sld [smem:$0x3FFB];
	_ =	sdelay $0x3  }
0x92: {  	_ =	strace s17  }
0x93: {  	s2 =	sld [smem:$0x3FFC];
	_ =	sdelay $0x3  }
0x94: {  	_ =	strace s2  }
0x95: {  	s2 =	sld [smem:$0x3FFD];
	_ =	sdelay $0x3  }
0x96: {  	_ =	strace s2  }
0x97: {  	_ =	strace $0x8FFFFFFF  }
0x98: {  	s18 =	sld [smem:$0x3FDB];
	_ =	sdelay $0x1  }
0x99: {  	s19 =	simm.s32 $_scs_section_size  }
0x9a: {  	s4 =	simm.s32 $_size__tile_overlayer_lowered;
	s5 =	simm.s32 $_tile_overlayer_lowered  }
0x9b: {  	s22 =	simm.s32 $0x1BFF;
	s21 =	sshll.u32 s5, $0x1;
	s2 =	sadd.s32 s19, s18  }
0x9c: {  	s6 =	simm.s32 $0x0;
	s20 =	sshll.u32 s4, $0x1;
	s4 =	sadd.s32 s21, s2  }
0x9d: {  	[timem:s6], [sflag:s22] =	dma.local [hbm:s4], s20  }
0x9e: {  	_ =	swait.ge [sflag:s22], s20  }
0x9f: {  	s3 =	ssub.s32 $0x0, s20;
	[sflag:s22] =	ssyncset.done $0x0  }
0xa0: {  	[sflag:s22] =	ssyncadd.s32 s3;
	_ =	sdelay $0x1  }
0xa1: {  	s23 =	simm.s32 $0x1B8B  }
0xa2: {  	_ =	swait.ge [sflag:s23], $0x1  }
0xa3: {  	[sflag:s23] =	ssyncset.done $0x0  }
0xa4: {  	s25 =	simm.s32 $0x1B8E;
	s24 =	sld [smem:$0x3FFE];
	[sflag:s23] =	ssyncadd.s32 $0xFFFFFFFF  }
0xa5: {  	s26 =	simm.s32 $execute0_lowered;
	[smem:$0x3FD2] =	sst s25  }
0xa6: {  	s4 =	sshll.u32 s26, $0x1;
	_ =	strace $0x8000004F;
	[dreg:$0x1] =	wrdreg $0xFFFFFFFF  }
0xa7: {  	s28 =	simm.s32 $_size_execute0_lowered;
	s2 =	sadd.s32 s2, s4;
	[dreg:$0x0] =	wrdreg $0x0  }
0xa8: {  	s4 =	sshll.u32 s28, $0x1;
	[dreg:$0x2] =	wrdreg s2  }
0xa9: {  	[dreg:$0x3] =	wrdreg s4  }
0xaa: {  	[dreg:$0x4] =	wrdreg $0xC0  }
0xab: {  	_ =	task [dreg:s6], $0x5FFFF  }
0xac: {  	[dreg:$0x1] =	wrdreg $0xFFFFFFFF  }
0xad: {  	[dreg:$0x0] =	wrdreg $0x60  }
0xae: {  	[dreg:$0x2] =	wrdreg s24  }
0xaf: {  	[dreg:$0x3] =	wrdreg $0xA8000  }
0xb0: {  	[dreg:$0x4] =	wrdreg $0x9  }
0xb1: {  	_ =	task.clear_ibuf [dreg:s6], $0x5FFFF;
	_ =	strace $0x9000004F  }
0xb2: {  	s29 =	simm.s32 $0x9;
	_ =	strace $0x80000051  }
0xb3: {  	_ =	swait.ge [sflag:s29], $0x1  }
0xb4: {  	[sflag:s29] =	ssyncadd.s32 $0xFFFFFFFF  }
0xb5: {  	_ =	strace $0x90000051  }
0xb6: {  	_ =	sfence  }
0xb7: {  	s30 =	sld [smem:$0x0];
	_ =	sdelay $0x2  }
0xb8: {  	s31 =	sshll.u32 s1, $0xD;
	s1 =	sshrl.u32 s1, $0x2  }
0xb9: {  	s3 =	sand.u32 $0x4000, s31;
	s1 =	sadd.s32 s1, s30  }
0xba: {  	s0 =	sor.u32 s3, s0;
	s1 =	sshll.u32 s1, $0x11  }
0xbb: {  	s0 =	sor.u32 s1, s0  }
0xbc: {  	s0 =	sadd.s32 $0x8F2B, s0  }
0xbd: {  	[sflag:s0] =	ssyncadd.remote.s32 $0x1  }
0xbe: {  	_ =	sfence.sel $0xFFFF  }
0xbf: {  	[dreg:$0x0] =	wrdreg $0xFFFFFFFF;
	(pc) =	sbr.abs _section_cstart, $3  }
0xc0: {  	[dreg:$0x1] =	wrdreg $0xFFFFFFFF  }
0xc1: {  	_ =	task.clear_ibuf [dreg:s6], $0x2FFFF;
	_ =	strace $0x9FFFFFFF  }
0xc2: {  	(tm) =	ssettm $0x7FFFFFFF  }
0xc3: {  	_ =	shalt  }
tec
execute0_lowered:
.L_overlay_start_1:
0x0: {  	(tag) =	ssettag $0x1  }
0x1: {  	s0 =	rddreg [dreg:$0x0]  }
0x2: {  	s1 =	rddreg [dreg:$0x1];
	s2 =	srdreg.scid  }
0x3: {  	s4 =	simm.s32 $0x0;
	s17 =	stileid.u32;
	s28 =	simm.s32 $0x80  }
0x4: {  	s29 =	simm.s32 $0x2;
	s30 =	simm.s32 $0x1380;
	s31 =	simm.s32 $0x13C0  }
0x5: {  	s2 =	sand.u32 $0x1, s2;
	[smem:$0x7FF] =	sst s4;
	s18 =	smul.u32 $0x14000, s17  }
0x6: {  	s6 =	sadd.s32 $0xDE00, s0;
	s7 =	sadd.s32 $0x3E00, s0;
	s8 =	smul.u32 $0x50000, s17  }
0x7: {  	s4 =	sadd.s32 $0x67E00, s0;
	s10 =	smul.u32 $0x2800, s17;
	s26 =	sshll.u32 s17, $0x6  }
0x8: {  	s3 =	smul.u32 $0x140000, s2;
	_ =	strace $0x80000050;
	s5 =	ssub.s32 $0x2, s2  }
0x9: {  	s20 =	sshll.u32 s2, $0x4;
	p0 =	sne.s32 s2, $0x0;
	s2 =	simm.s32 $0x2780  }
0xa: {  	s19 =	sshrl.u32 s5, $0x1;
	s8 =	sshrl.u32 s8, $0x2;
	s9 =	sor.u32 s17, s20  }
0xb: {  	s24 =	sadd.s32 s4, s10;
	s17 =	sor.u32 $0x1C03, s26;
	s20 =	simm.s32 $0x1400  }
0xc: {  	s26 =	simm.s32 $0x1;
	s3 =	sadd.s32 s18, s3;
	s13 =	smul.u32 $0x2800, s9  }
0xd: {  	[dreg:$0x7] =	wrdreg s24;
	s24 =	simm.s32 $0x6800;
	s3 =	sshrl.u32 s3, $0x3  }
0xe: {  	s0 =	sadd.s32 s3, s0;
	s3 =	ssub.s32 s5, s19;
	s5 =	sadd.s32 s8, s1  }
0xf: {  	s25 =	sshrl.u32 s13, $0x3;
	s19 =	simm.s32 $0x3;
	s8 =	sadd.s32 $0x4000, s5  }
0x10: {  	s21 =	sadd.s32 $0x8000, s5;
	s22 =	sadd.s32 $0xC000, s5;
	s23 =	sadd.s32 $0x10000, s5  }
0x11: {  	s11 =	sadd.s32 $0x8FE00, s0;
	s12 =	smax.u32 s3, $0x1;
	[dreg:$0x3] =	wrdreg s8  }
0x12: {  	s13 =	sadd.s32 s6, s25;
	s14 =	sadd.s32 s7, s25;
	[dreg:$0x4] =	wrdreg s21  }
0x13: {  	s0 =	sadd.s32 $0x280, s25;
	s18 =	sshrl.u32 s5, $0x3;
	[dreg:$0x5] =	wrdreg s22  }
0x14: {  	s25 =	simm.s32 $0x8800;
	s3 =	simm.s32 $0x0;
	[dreg:$0x6] =	wrdreg s23  }
0x15: {  	s15 =	sadd.s32 s6, s0;
	s16 =	sadd.s32 s7, s0;
	s21 =	simm.s32 $0x40  }
0x16: {  	v0 =	vimm.f32 $0.0e+00;
	s22 =	simm.s32 $0x2800;
	s23 =	simm.s32 $0x4800;
	s0 =	simm.s32 $0x2700  }
.LBB2_1:
.Ltmp0:
0x17: {  	(pc) =	sbr.rel @p0 .LBB2_3-.Ltmp0, $1  }
0x18: {  	_ =	sdelay $0x3  }
.Ltmp1:
0x19: {  	s6 =	rddreg [dreg:$0x7];
	(pc) =	sbr.rel .LBB2_6-.Ltmp1, $4  }
0x1a: {  	[spmem:s18], [sflag:s17] =	dma.local [hbm:s6], $0x2800  }
0x1b: {  	_ =	swait.ge [sflag:s19], $0x2800  }
0x1c: {  	[sflag:s19] =	ssyncset.done $0x0  }
0x1d: {  	[sflag:s19] =	ssyncadd.s32 $0xFFFFD800  }
.LBB2_3:
0x1e: {  	s7 =	simm.s32 $0x0  }
0x1f: {  	s6 =	sshra.s32 s7, $0x2;
	s7 =	sadd.s32 $0x200, s7  }
.LBB2_4:
0x20: {  	p1 =	sne.s32 s7, $0xFE00;
	[tilespmem:s6+$0x2870] =	vst v0  }
0x21: {  	[tilespmem:s6+$0x2800] =	vst v0  }
0x22: {  	[tilespmem:s6+$0x2810] =	vst v0  }
.Ltmp2:
0x23: {  	[tilespmem:s6+$0x2820] =	vst v0;
	(pc) =	sbr.rel @p1 .LBB2_4-.Ltmp2, $4  }
0x24: {  	[tilespmem:s6+$0x2830] =	vst v0  }
0x25: {  	[tilespmem:s6+$0x2840] =	vst v0  }
0x26: {  	[tilespmem:s6+$0x2850] =	vst v0  }
0x27: {  	[tilespmem:s6+$0x2860] =	vst v0;
	s6 =	sshra.s32 s7, $0x2;
	s7 =	sadd.s32 $0x200, s7  }
0x28: {  	[tilespmem:s6+$0x2870] =	vst v0  }
0x29: {  	[tilespmem:s6+$0x2800] =	vst v0  }
0x2a: {  	[tilespmem:s6+$0x2810] =	vst v0  }
0x2b: {  	[tilespmem:s6+$0x2820] =	vst v0  }
0x2c: {  	[tilespmem:s6+$0x2830] =	vst v0  }
0x2d: {  	[tilespmem:s6+$0x2840] =	vst v0  }
0x2e: {  	[tilespmem:s6+$0x2850] =	vst v0  }
0x2f: {  	[tilespmem:s6+$0x2860] =	vst v0  }
0x30: {  	[spmem:s5] =	stream.linear.scatter [tilespmem:s22], [sflag:$0x3], $0x4000, $0x38;
	[tilespmem:$0x1E800] =	vst v63  }
0x31: {  	_ =	swait.ge [sflag:s19], $0x4000  }
0x32: {  	[sflag:s19] =	ssyncset.done $0x0  }
0x33: {  	s7 =	rddreg [dreg:$0x3];
	[sflag:s19] =	ssyncadd.s32 $0xFFFFC000  }
0x34: {  	[spmem:s7] =	stream.linear.scatter [tilespmem:s22], [sflag:$0x3], $0x4000, $0x38;
	[tilespmem:$0x1E800] =	vst v63  }
0x35: {  	_ =	swait.ge [sflag:s19], $0x4000  }
0x36: {  	[sflag:s19] =	ssyncset.done $0x0  }
0x37: {  	s8 =	rddreg [dreg:$0x4];
	[sflag:s19] =	ssyncadd.s32 $0xFFFFC000  }
0x38: {  	[spmem:s8] =	stream.linear.scatter [tilespmem:s22], [sflag:$0x3], $0x4000, $0x38;
	[tilespmem:$0x1E800] =	vst v63  }
0x39: {  	_ =	swait.ge [sflag:s19], $0x4000  }
0x3a: {  	[sflag:s19] =	ssyncset.done $0x0  }
0x3b: {  	s9 =	rddreg [dreg:$0x5];
	[sflag:s19] =	ssyncadd.s32 $0xFFFFC000  }
0x3c: {  	[spmem:s9] =	stream.linear.scatter [tilespmem:s22], [sflag:$0x3], $0x4000, $0x38;
	[tilespmem:$0x1E800] =	vst v63  }
0x3d: {  	_ =	swait.ge [sflag:s19], $0x4000  }
0x3e: {  	[sflag:s19] =	ssyncset.done $0x0  }
0x3f: {  	s10 =	rddreg [dreg:$0x6];
	[sflag:s19] =	ssyncadd.s32 $0xFFFFC000  }
0x40: {  	[spmem:s10] =	stream.linear.scatter [tilespmem:s22], [sflag:$0x3], $0x4000, $0x38;
	[tilespmem:$0x1E800] =	vst v63  }
0x41: {  	_ =	swait.ge [sflag:s19], $0x4000  }
0x42: {  	[sflag:s19] =	ssyncset.done $0x0  }
0x43: {  	[sflag:s19] =	ssyncadd.s32 $0xFFFFC000  }
.LBB2_6:
0x44: {  	[bflag:$0x0] =	sbarrier.arrive $0xFFFF;
	s6 =	simm.s32 $0x0  }
0x45: {  	[tilespmem:s6], [sflag:$0x3] =	stream.linear.gather [hbm4b:s13+s6], $0x1400, $0x38;
	[tilespmem:$0x1E800] =	vst v63  }
0x46: {  	_ =	swait.ge [sflag:s19], $0x1400  }
0x47: {  	[sflag:s19] =	ssyncset.done $0x0  }
0x48: {  	[sflag:s19] =	ssyncadd.s32 $0xFFFFEC00  }
0x49: {  	[tilespmem:s20], [sflag:$0x3] =	stream.linear.gather [hbm4b:s14+s6], $0x1400, $0x38;
	[tilespmem:$0x1E800] =	vst v63  }
0x4a: {  	_ =	swait.ge [sflag:s19], $0x1400  }
0x4b: {  	[sflag:s19] =	ssyncset.done $0x0  }
0x4c: {  	[sflag:s19] =	ssyncadd.s32 $0xFFFFEC00  }
0x4d: {  	[tilespmem:s22], [sflag:$0x1] =	stream.indirect.gather [hbm4b:s4+s21], $0x80, s6, s21, $0xb8;
	[tilespmem:$0x1E800] =	vst v63  }
0x4e: {  	_ = 	snop  }
0x4f: {  	[tilespmem:s23], [sflag:$0x1] =	stream.indirect.gather [hbm4b:s4+s21], $0x80, s21, s21, $0xb8;
	[tilespmem:$0x1E800] =	vst v63  }
0x50: {  	s9 =	simm.s32 $0x80  }
0x51: {  	[tilespmem:s24], [sflag:$0x2] =	stream.indirect.gather [hbm4b:s4+s21], $0x80, s9, s21, $0xb8;
	[tilespmem:$0x1E800] =	vst v63  }
0x52: {  	s10 =	simm.s32 $0xC0  }
0x53: {  	[tilespmem:s25], [sflag:$0x2] =	stream.indirect.gather [hbm4b:s4+s21], $0x80, s10, s21, $0xb8;
	[tilespmem:$0x1E800] =	vst v63  }
0x54: {  	_ =	swait.ge [sflag:s26], $0x4000  }
0x55: {  	[sflag:s26] =	ssyncset.done $0x0  }
0x56: {  	s7 =	simm.s32 $0x1400;
	[sflag:s26] =	ssyncadd.s32 $0xFFFFC000  }
0x57: {  	[spmem:s1] =	stream.indirect.scatter.add.f32 [tilespmem:s22], [sflag:$0x3], $0x80, s7, s28, $0xb8;
	[tilespmem:$0x1E800] =	vst v63  }
0x58: {  	_ =	swait.ge [sflag:s19], $0x4000  }
0x59: {  	[sflag:s19] =	ssyncset.done $0x0  }
0x5a: {  	s8 =	simm.s32 $0x100;
	[sflag:s19] =	ssyncadd.s32 $0xFFFFC000  }
0x5b: {  	[tilespmem:s22], [sflag:$0x1] =	stream.indirect.gather [hbm4b:s4+s21], $0x80, s8, s21, $0xb8;
	[tilespmem:$0x1E800] =	vst v63  }
0x5c: {  	s9 =	simm.s32 $0x140  }
0x5d: {  	[tilespmem:s23], [sflag:$0x1] =	stream.indirect.gather [hbm4b:s4+s21], $0x80, s9, s21, $0xb8;
	[tilespmem:$0x1E800] =	vst v63  }
0x5e: {  	_ =	swait.ge [sflag:s29], $0x4000  }
0x5f: {  	[sflag:s29] =	ssyncset.done $0x0  }
0x60: {  	s10 =	simm.s32 $0x1480;
	[sflag:s29] =	ssyncadd.s32 $0xFFFFC000  }
0x61: {  	[spmem:s1] =	stream.indirect.scatter.add.f32 [tilespmem:s24], [sflag:$0x3], $0x80, s10, s28, $0xb8;
	[tilespmem:$0x1E800] =	vst v63  }
0x62: {  	_ =	swait.ge [sflag:s19], $0x4000  }
0x63: {  	s6 =	simm.s32 $0x100;
	s7 =	simm.s32 $0x800;
	[sflag:s19] =	ssyncset.done $0x0  }
.LBB2_7:
0x64: {  	s8 =	sadd.s32 $0x80, s6  }
0x65: {  	[sflag:s19] =	ssyncadd.s32 $0xFFFFC000;
	s9 =	smov.u32 s7;
	s10 =	sadd.s32 $0x400, s7  }
0x66: {  	[tilespmem:s24], [sflag:$0x2] =	stream.indirect.gather [hbm4b:s4+s21], $0x80, s8, s21, $0xb8;
	[tilespmem:$0x1E800] =	vst v63  }
0x67: {  	p1 =	sne.s32 s7, $0x4800;
	s7 =	sadd.s32 $0xC0, s6  }
0x68: {  	[tilespmem:s25], [sflag:$0x2] =	stream.indirect.gather [hbm4b:s4+s21], $0x80, s7, s21, $0xb8;
	[tilespmem:$0x1E800] =	vst v63  }
0x69: {  	_ =	swait.ge [sflag:s26], $0x4000  }
0x6a: {  	[sflag:s26] =	ssyncset.done $0x0  }
0x6b: {  	s7 =	sadd.s32 $0x1400, s6;
	[sflag:s26] =	ssyncadd.s32 $0xFFFFC000  }
0x6c: {  	[spmem:s1] =	stream.indirect.scatter.add.f32 [tilespmem:s22], [sflag:$0x3], $0x80, s7, s28, $0xb8;
	[tilespmem:$0x1E800] =	vst v63  }
0x6d: {  	_ =	swait.ge [sflag:s19], $0x4000  }
0x6e: {  	[sflag:s19] =	ssyncset.done $0x0  }
0x6f: {  	s7 =	sadd.s32 $0x100, s6;
	[sflag:s19] =	ssyncadd.s32 $0xFFFFC000  }
0x70: {  	[tilespmem:s22], [sflag:$0x1] =	stream.indirect.gather [hbm4b:s4+s21], $0x80, s7, s21, $0xb8;
	[tilespmem:$0x1E800] =	vst v63  }
0x71: {  	s7 =	sadd.s32 $0x140, s6  }
0x72: {  	[tilespmem:s23], [sflag:$0x1] =	stream.indirect.gather [hbm4b:s4+s21], $0x80, s7, s21, $0xb8;
	[tilespmem:$0x1E800] =	vst v63  }
0x73: {  	_ =	swait.ge [sflag:s29], $0x4000  }
.Ltmp3:
0x74: {  	[sflag:s29] =	ssyncset.done $0x0;
	(pc) =	sbr.rel @p1 .LBB2_7-.Ltmp3, $4  }
0x75: {  	s6 =	sadd.s32 $0x1480, s6;
	[sflag:s29] =	ssyncadd.s32 $0xFFFFC000  }
0x76: {  	[spmem:s1] =	stream.indirect.scatter.add.f32 [tilespmem:s24], [sflag:$0x3], $0x80, s6, s28, $0xb8;
	[tilespmem:$0x1E800] =	vst v63  }
0x77: {  	_ =	swait.ge [sflag:s19], $0x4000  }
0x78: {  	s7 =	smov.u32 s10;
	s6 =	sshra.s32 s9, $0x2;
	[sflag:s19] =	ssyncset.done $0x0  }
0x79: {  	s7 =	sadd.s32 $0x80, s6;
	[sflag:s19] =	ssyncadd.s32 $0xFFFFC000  }
0x7a: {  	[tilespmem:s24], [sflag:$0x2] =	stream.indirect.gather [hbm4b:s4+s21], $0x80, s7, s21, $0xb8;
	[tilespmem:$0x1E800] =	vst v63  }
0x7b: {  	s10 =	sadd.s32 $0xC0, s6  }
0x7c: {  	[tilespmem:s25], [sflag:$0x2] =	stream.indirect.gather [hbm4b:s4+s21], $0x80, s10, s21, $0xb8;
	[tilespmem:$0x1E800] =	vst v63  }
0x7d: {  	_ =	swait.ge [sflag:s26], $0x4000  }
0x7e: {  	[sflag:s26] =	ssyncset.done $0x0  }
0x7f: {  	s8 =	sadd.s32 $0x1400, s6;
	[sflag:s26] =	ssyncadd.s32 $0xFFFFC000  }
0x80: {  	[spmem:s1] =	stream.indirect.scatter.add.f32 [tilespmem:s22], [sflag:$0x3], $0x80, s8, s28, $0xb8;
	[tilespmem:$0x1E800] =	vst v63  }
0x81: {  	_ =	swait.ge [sflag:s19], $0x4000  }
0x82: {  	[sflag:s19] =	ssyncset.done $0x0  }
0x83: {  	s9 =	sadd.s32 $0x100, s6;
	[sflag:s19] =	ssyncadd.s32 $0xFFFFC000  }
0x84: {  	[tilespmem:s22], [sflag:$0x1] =	stream.indirect.gather [hbm4b:s4+s21], $0x80, s9, s21, $0xb8;
	[tilespmem:$0x1E800] =	vst v63  }
0x85: {  	s10 =	sadd.s32 $0x140, s6  }
0x86: {  	[tilespmem:s23], [sflag:$0x1] =	stream.indirect.gather [hbm4b:s4+s21], $0x80, s10, s21, $0xb8;
	[tilespmem:$0x1E800] =	vst v63  }
0x87: {  	_ =	swait.ge [sflag:s29], $0x4000  }
0x88: {  	[sflag:s29] =	ssyncset.done $0x0  }
0x89: {  	s7 =	sadd.s32 $0x1480, s6;
	[sflag:s29] =	ssyncadd.s32 $0xFFFFC000  }
0x8a: {  	[spmem:s1] =	stream.indirect.scatter.add.f32 [tilespmem:s24], [sflag:$0x3], $0x80, s7, s28, $0xb8;
	[tilespmem:$0x1E800] =	vst v63  }
0x8b: {  	_ =	swait.ge [sflag:s19], $0x4000  }
0x8c: {  	[sflag:s19] =	ssyncset.done $0x0  }
0x8d: {  	[sflag:s19] =	ssyncadd.s32 $0xFFFFC000  }
0x8e: {  	[tilespmem:s24], [sflag:$0x2] =	stream.indirect.gather [hbm4b:s4+s21], $0x80, s30, s21, $0xb8;
	[tilespmem:$0x1E800] =	vst v63  }
0x8f: {  	_ = 	snop  }
0x90: {  	[tilespmem:s25], [sflag:$0x2] =	stream.indirect.gather [hbm4b:s4+s21], $0x80, s31, s21, $0xb8;
	[tilespmem:$0x1E800] =	vst v63  }
0x91: {  	_ =	swait.ge [sflag:s26], $0x4000  }
0x92: {  	[sflag:s26] =	ssyncset.done $0x0  }
0x93: {  	[sflag:s26] =	ssyncadd.s32 $0xFFFFC000  }
0x94: {  	[spmem:s1] =	stream.indirect.scatter.add.f32 [tilespmem:s22], [sflag:$0x3], $0x80, s0, s28, $0xb8;
	[tilespmem:$0x1E800] =	vst v63  }
0x95: {  	_ =	swait.ge [sflag:s19], $0x4000  }
0x96: {  	[sflag:s19] =	ssyncset.done $0x0  }
0x97: {  	[sflag:s19] =	ssyncadd.s32 $0xFFFFC000  }
0x98: {  	_ =	swait.ge [sflag:s29], $0x4000  }
0x99: {  	[sflag:s29] =	ssyncset.done $0x0  }
0x9a: {  	[sflag:s29] =	ssyncadd.s32 $0xFFFFC000  }
0x9b: {  	[spmem:s1] =	stream.indirect.scatter.add.f32 [tilespmem:s24], [sflag:$0x3], $0x80, s2, s28, $0xb8;
	[tilespmem:$0x1E800] =	vst v63  }
0x9c: {  	_ =	swait.ge [sflag:s19], $0x4000  }
0x9d: {  	[sflag:s19] =	ssyncset.done $0x0  }
0x9e: {  	s8 =	simm.s32 $0x0;
	[sflag:s19] =	ssyncadd.s32 $0xFFFFC000  }
0x9f: {  	[tilespmem:s8], [sflag:$0x3] =	stream.linear.gather [hbm4b:s15+s8], $0x1400, $0x38;
	[tilespmem:$0x1E800] =	vst v63  }
0xa0: {  	_ =	swait.ge [sflag:s19], $0x1400  }
0xa1: {  	[sflag:s19] =	ssyncset.done $0x0  }
0xa2: {  	[sflag:s19] =	ssyncadd.s32 $0xFFFFEC00  }
0xa3: {  	[tilespmem:s20], [sflag:$0x3] =	stream.linear.gather [hbm4b:s16+s8], $0x1400, $0x38;
	[tilespmem:$0x1E800] =	vst v63  }
0xa4: {  	_ =	swait.ge [sflag:s19], $0x1400  }
0xa5: {  	[sflag:s19] =	ssyncset.done $0x0  }
0xa6: {  	[sflag:s19] =	ssyncadd.s32 $0xFFFFEC00  }
0xa7: {  	[tilespmem:s22], [sflag:$0x1] =	stream.indirect.gather [hbm4b:s4+s21], $0x80, s8, s21, $0xb8;
	[tilespmem:$0x1E800] =	vst v63  }
0xa8: {  	_ = 	snop  }
0xa9: {  	[tilespmem:s23], [sflag:$0x1] =	stream.indirect.gather [hbm4b:s4+s21], $0x80, s21, s21, $0xb8;
	[tilespmem:$0x1E800] =	vst v63  }
0xaa: {  	s9 =	simm.s32 $0x80  }
0xab: {  	[tilespmem:s24], [sflag:$0x2] =	stream.indirect.gather [hbm4b:s4+s21], $0x80, s9, s21, $0xb8;
	[tilespmem:$0x1E800] =	vst v63  }
0xac: {  	s10 =	simm.s32 $0xC0  }
0xad: {  	[tilespmem:s25], [sflag:$0x2] =	stream.indirect.gather [hbm4b:s4+s21], $0x80, s10, s21, $0xb8;
	[tilespmem:$0x1E800] =	vst v63  }
0xae: {  	_ =	swait.ge [sflag:s26], $0x4000  }
0xaf: {  	[sflag:s26] =	ssyncset.done $0x0  }
0xb0: {  	s7 =	simm.s32 $0x1400;
	[sflag:s26] =	ssyncadd.s32 $0xFFFFC000  }
0xb1: {  	[spmem:s1] =	stream.indirect.scatter.add.f32 [tilespmem:s22], [sflag:$0x3], $0x80, s7, s28, $0xb8;
	[tilespmem:$0x1E800] =	vst v63  }
0xb2: {  	_ =	swait.ge [sflag:s19], $0x4000  }
0xb3: {  	[sflag:s19] =	ssyncset.done $0x0  }
0xb4: {  	s8 =	simm.s32 $0x100;
	[sflag:s19] =	ssyncadd.s32 $0xFFFFC000  }
0xb5: {  	[tilespmem:s22], [sflag:$0x1] =	stream.indirect.gather [hbm4b:s4+s21], $0x80, s8, s21, $0xb8;
	[tilespmem:$0x1E800] =	vst v63  }
0xb6: {  	s9 =	simm.s32 $0x140  }
0xb7: {  	[tilespmem:s23], [sflag:$0x1] =	stream.indirect.gather [hbm4b:s4+s21], $0x80, s9, s21, $0xb8;
	[tilespmem:$0x1E800] =	vst v63  }
0xb8: {  	_ =	swait.ge [sflag:s29], $0x4000  }
0xb9: {  	[sflag:s29] =	ssyncset.done $0x0  }
0xba: {  	s10 =	simm.s32 $0x1480;
	[sflag:s29] =	ssyncadd.s32 $0xFFFFC000  }
0xbb: {  	[spmem:s1] =	stream.indirect.scatter.add.f32 [tilespmem:s24], [sflag:$0x3], $0x80, s10, s28, $0xb8;
	[tilespmem:$0x1E800] =	vst v63  }
0xbc: {  	_ =	swait.ge [sflag:s19], $0x4000  }
0xbd: {  	s6 =	simm.s32 $0x100;
	s7 =	simm.s32 $0x800;
	[sflag:s19] =	ssyncset.done $0x0  }
.LBB2_9:
0xbe: {  	s8 =	sadd.s32 $0x80, s6  }
0xbf: {  	[sflag:s19] =	ssyncadd.s32 $0xFFFFC000;
	s9 =	smov.u32 s7;
	s10 =	sadd.s32 $0x400, s7  }
0xc0: {  	[tilespmem:s24], [sflag:$0x2] =	stream.indirect.gather [hbm4b:s4+s21], $0x80, s8, s21, $0xb8;
	[tilespmem:$0x1E800] =	vst v63  }
0xc1: {  	p1 =	sne.s32 s7, $0x4800;
	s7 =	sadd.s32 $0xC0, s6  }
0xc2: {  	[tilespmem:s25], [sflag:$0x2] =	stream.indirect.gather [hbm4b:s4+s21], $0x80, s7, s21, $0xb8;
	[tilespmem:$0x1E800] =	vst v63  }
0xc3: {  	_ =	swait.ge [sflag:s26], $0x4000  }
0xc4: {  	[sflag:s26] =	ssyncset.done $0x0  }
0xc5: {  	s7 =	sadd.s32 $0x1400, s6;
	[sflag:s26] =	ssyncadd.s32 $0xFFFFC000  }
0xc6: {  	[spmem:s1] =	stream.indirect.scatter.add.f32 [tilespmem:s22], [sflag:$0x3], $0x80, s7, s28, $0xb8;
	[tilespmem:$0x1E800] =	vst v63  }
0xc7: {  	_ =	swait.ge [sflag:s19], $0x4000  }
0xc8: {  	[sflag:s19] =	ssyncset.done $0x0  }
0xc9: {  	s7 =	sadd.s32 $0x100, s6;
	[sflag:s19] =	ssyncadd.s32 $0xFFFFC000  }
0xca: {  	[tilespmem:s22], [sflag:$0x1] =	stream.indirect.gather [hbm4b:s4+s21], $0x80, s7, s21, $0xb8;
	[tilespmem:$0x1E800] =	vst v63  }
0xcb: {  	s7 =	sadd.s32 $0x140, s6  }
0xcc: {  	[tilespmem:s23], [sflag:$0x1] =	stream.indirect.gather [hbm4b:s4+s21], $0x80, s7, s21, $0xb8;
	[tilespmem:$0x1E800] =	vst v63  }
0xcd: {  	_ =	swait.ge [sflag:s29], $0x4000  }
.Ltmp4:
0xce: {  	[sflag:s29] =	ssyncset.done $0x0;
	(pc) =	sbr.rel @p1 .LBB2_9-.Ltmp4, $4  }
0xcf: {  	s6 =	sadd.s32 $0x1480, s6;
	[sflag:s29] =	ssyncadd.s32 $0xFFFFC000  }
0xd0: {  	[spmem:s1] =	stream.indirect.scatter.add.f32 [tilespmem:s24], [sflag:$0x3], $0x80, s6, s28, $0xb8;
	[tilespmem:$0x1E800] =	vst v63  }
0xd1: {  	_ =	swait.ge [sflag:s19], $0x4000  }
0xd2: {  	s7 =	smov.u32 s10;
	s6 =	sshra.s32 s9, $0x2;
	[sflag:s19] =	ssyncset.done $0x0  }
0xd3: {  	s7 =	sadd.s32 $0x80, s6;
	[sflag:s19] =	ssyncadd.s32 $0xFFFFC000  }
0xd4: {  	[tilespmem:s24], [sflag:$0x2] =	stream.indirect.gather [hbm4b:s4+s21], $0x80, s7, s21, $0xb8;
	[tilespmem:$0x1E800] =	vst v63  }
0xd5: {  	s9 =	sadd.s32 $0xC0, s6  }
0xd6: {  	[tilespmem:s25], [sflag:$0x2] =	stream.indirect.gather [hbm4b:s4+s21], $0x80, s9, s21, $0xb8;
	[tilespmem:$0x1E800] =	vst v63  }
0xd7: {  	_ =	swait.ge [sflag:s26], $0x4000  }
0xd8: {  	[sflag:s26] =	ssyncset.done $0x0  }
0xd9: {  	s10 =	sadd.s32 $0x1400, s6;
	[sflag:s26] =	ssyncadd.s32 $0xFFFFC000  }
0xda: {  	[spmem:s1] =	stream.indirect.scatter.add.f32 [tilespmem:s22], [sflag:$0x3], $0x80, s10, s28, $0xb8;
	[tilespmem:$0x1E800] =	vst v63  }
0xdb: {  	_ =	swait.ge [sflag:s19], $0x4000  }
0xdc: {  	[sflag:s19] =	ssyncset.done $0x0  }
0xdd: {  	s8 =	sadd.s32 $0x100, s6;
	[sflag:s19] =	ssyncadd.s32 $0xFFFFC000  }
0xde: {  	[tilespmem:s22], [sflag:$0x1] =	stream.indirect.gather [hbm4b:s4+s21], $0x80, s8, s21, $0xb8;
	[tilespmem:$0x1E800] =	vst v63  }
0xdf: {  	s9 =	sadd.s32 $0x140, s6  }
0xe0: {  	[tilespmem:s23], [sflag:$0x1] =	stream.indirect.gather [hbm4b:s4+s21], $0x80, s9, s21, $0xb8;
	[tilespmem:$0x1E800] =	vst v63  }
0xe1: {  	_ =	swait.ge [sflag:s29], $0x4000  }
0xe2: {  	[sflag:s29] =	ssyncset.done $0x0  }
0xe3: {  	s10 =	sadd.s32 $0x1480, s6;
	[sflag:s29] =	ssyncadd.s32 $0xFFFFC000  }
0xe4: {  	[spmem:s1] =	stream.indirect.scatter.add.f32 [tilespmem:s24], [sflag:$0x3], $0x80, s10, s28, $0xb8;
	[tilespmem:$0x1E800] =	vst v63  }
0xe5: {  	_ =	swait.ge [sflag:s19], $0x4000  }
0xe6: {  	[sflag:s19] =	ssyncset.done $0x0  }
0xe7: {  	[sflag:s19] =	ssyncadd.s32 $0xFFFFC000  }
0xe8: {  	[tilespmem:s24], [sflag:$0x2] =	stream.indirect.gather [hbm4b:s4+s21], $0x80, s30, s21, $0xb8;
	[tilespmem:$0x1E800] =	vst v63  }
0xe9: {  	_ = 	snop  }
0xea: {  	[tilespmem:s25], [sflag:$0x2] =	stream.indirect.gather [hbm4b:s4+s21], $0x80, s31, s21, $0xb8;
	[tilespmem:$0x1E800] =	vst v63  }
0xeb: {  	_ =	swait.ge [sflag:s26], $0x4000  }
0xec: {  	[sflag:s26] =	ssyncset.done $0x0  }
0xed: {  	[sflag:s26] =	ssyncadd.s32 $0xFFFFC000  }
0xee: {  	[spmem:s1] =	stream.indirect.scatter.add.f32 [tilespmem:s22], [sflag:$0x3], $0x80, s0, s28, $0xb8;
	[tilespmem:$0x1E800] =	vst v63  }
0xef: {  	_ =	swait.ge [sflag:s19], $0x4000  }
0xf0: {  	[sflag:s19] =	ssyncset.done $0x0  }
0xf1: {  	[sflag:s19] =	ssyncadd.s32 $0xFFFFC000  }
0xf2: {  	_ =	swait.ge [sflag:s29], $0x4000  }
0xf3: {  	[sflag:s29] =	ssyncset.done $0x0  }
0xf4: {  	[sflag:s29] =	ssyncadd.s32 $0xFFFFC000  }
0xf5: {  	[spmem:s1] =	stream.indirect.scatter.add.f32 [tilespmem:s24], [sflag:$0x3], $0x80, s2, s28, $0xb8;
	[tilespmem:$0x1E800] =	vst v63  }
0xf6: {  	_ =	swait.ge [sflag:s19], $0x4000  }
0xf7: {  	s3 =	sadd.s32 $0x1, s3;
	[sflag:s19] =	ssyncset.done $0x0  }
0xf8: {  	p1 =	sne.s32 s3, s12;
	[sflag:s19] =	ssyncadd.s32 $0xFFFFC000  }
.Ltmp5:
0xf9: {  	[bflag:$0x0] =	sbarrier.arrive $0xFFFF;
	(pc) =	sbr.rel @p1 .LBB2_1-.Ltmp5, $4  }
0xfa: {  	[hbm:s11], [sflag:s17] =	dma.local [spmem:s18], $0x2800  }
0xfb: {  	_ =	swait.ge [sflag:s19], $0x2800  }
0xfc: {  	[sflag:s19] =	ssyncset.done $0x0  }
0xfd: {  	[sflag:s19] =	ssyncadd.s32 $0xFFFFD800  }
0xfe: {  	_ =	sfence.sel $0x180000  }
0xff: {  	[bflag:$0x0] =	sbarrier.arrive $0xFFFF  }
0x100: {  	_ =	strace $0x90000050  }
0x101: {  	s0 =	stileid.u32;
	[bflag:$0x2] =	sbarrier.arrive $0xFFFF  }
0x102: {  	p0 =	sne.s32 s0, $0x0;
	s0 =	rddreg [dreg:$0x2]  }
0x103: {  	s0 =	sadd.s32 @!p0 $0x100000, s0  }
0x104: {  	[sflag:s0] =	ssyncadd.tile.s32 @!p0 $0x1;
	_ =	shalt  }
.Lfunc_end2:
_tile_overlayer_lowered:
.L_overlay_start_2:
0x105: {  	(tag) =	ssettag $0x2  }
0x106: {  	s0 =	rddreg [dreg:$0x0];
	s2 =	stileid.u32  }
0x107: {  	s1 =	rddreg [dreg:$0x1];
	p0 =	sne.s32 s2, $0x0  }
0x108: {  	s3 =	rddreg [dreg:$0x2];
	[bflag:$0x3] =	sbarrier.arrive $0xFFFF;
	s2 =	simm.s32 @!p0 $0x1C03  }
0x109: {  	[timem:s3], [sflag:s2] =	dma.local @!p0 [hbm:s0], s1  }
0x10a: {  	s0 =	simm.s32 @!p0 $0x3  }
0x10b: {  	_ =	swait.ge @!p0 [sflag:s0], s1  }
0x10c: {  	s1 =	ssub.s32 @!p0 $0x0, s1;
	[sflag:s0] =	ssyncset.done @!p0 $0x0  }
0x10d: {  	[sflag:s0] =	ssyncadd.s32 @!p0 s1  }
0x10e: {  	[bflag:$0x3] =	sbarrier.arrive $0xFFFF  }
0x10f: {  	_ =	shalt  }

</sc_bundles>
